<compile_context>
chip_gen: v7x
topology: tpu7x:2x2x1
jax: 0.10.2.dev20260603
libtpu: 0.0.44.dev20260713+nightly
codegen_flags: <defaults>
</compile_context>

<pallas_src>
import functools

import jax
import jax.numpy as jnp
from jax import lax
from jax.experimental import pallas as pl
from jax.experimental.pallas import tpu as pltpu
from jax.experimental.pallas import tpu_sc as plsc

BATCH = 16384
EMB = 128
LANES = 16
GROUPS = EMB // LANES
CHUNK = 32
N_COND = 8


def kernel(embedded_x, c, masks):
    info = plsc.get_sparse_core_info()
    n_workers = info.num_cores * info.num_subcores
    b_per_w = BATCH // n_workers
    n_chunks = b_per_w // CHUNK
    grp_per_chunk = CHUNK // LANES

    mesh = plsc.VectorSubcoreMesh(core_axis_name="c", subcore_axis_name="s")

    @functools.partial(
        pl.kernel,
        mesh=mesh,
        out_type=jax.ShapeDtypeStruct((BATCH, EMB), jnp.float32),
        scratch_types=[
            pltpu.VMEM((b_per_w,), jnp.int32),
            pltpu.VMEM((N_COND, EMB), jnp.float32),
            pltpu.VMEM((b_per_w, EMB), jnp.float32),
        ]
        + [pltpu.SemaphoreType.DMA for _ in range(n_chunks + 3)],
    )
    def run(x_hbm, c_hbm, m_hbm, out_hbm, idx_v, masks_v, xbuf, *sems):
        load_sems = sems[:n_chunks]
        store_sem, idx_sem, msk_sem = sems[n_chunks:]

        wid = lax.axis_index("s") * info.num_cores + lax.axis_index("c")
        base = wid * b_per_w

        idx_cp = pltpu.async_copy(
            c_hbm.at[pl.ds(base, b_per_w)], idx_v, idx_sem)
        msk_cp = pltpu.async_copy(m_hbm, masks_v, msk_sem)
        loads = [
            pltpu.async_copy(
                x_hbm.at[pl.ds(base + j * CHUNK, CHUNK)],
                xbuf.at[pl.ds(j * CHUNK, CHUNK)],
                load_sems[j])
            for j in range(n_chunks)
        ]
        idx_cp.wait()
        msk_cp.wait()

        stores = [
            pltpu.make_async_copy(
                xbuf.at[pl.ds(j * CHUNK, CHUNK)],
                out_hbm.at[pl.ds(base + j * CHUNK, CHUNK)],
                store_sem)
            for j in range(n_chunks)
        ]

        def grp_body(t, carry):
            for j in range(n_chunks):

                @pl.when(t == j * grp_per_chunk)
                def _(j=j):
                    loads[j].wait()
                    if j > 0:
                        stores[j - 1].start()

            cvec = idx_v[pl.ds(t * LANES, LANES)]
            for l in range(LANES):
                r = t * LANES + l
                rowc = cvec[l]
                prods = []
                for g in range(GROUPS):
                    sl = pl.ds(g * LANES, LANES)
                    prods.append(xbuf[r, sl] * masks_v[rowc, sl])
                for g in range(GROUPS):
                    xbuf[r, pl.ds(g * LANES, LANES)] = prods[g]
            return carry

        lax.fori_loop(0, n_chunks * grp_per_chunk, grp_body, 0)
        stores[n_chunks - 1].start()
        for s in stores:
            s.wait()

    return run(embedded_x, c.astype(jnp.int32), masks)

# --- scband reference (transcript-rebuilt; emitter-appended) ---
"""Pipeline reference for scband-cond-net-79731772883625 (READ-ONLY COPY).

The authoritative reference and input builder live on the scoring server;
editing this copy changes nothing except your own understanding.
"""

import jax, jax.numpy as jnp
import numpy as np

N_CONDITIONS = 8
EMBEDDING_SIZE = 128
BATCH = 16384


def _build_masks():
    step = EMBEDDING_SIZE // N_CONDITIONS
    mask_array = np.zeros((N_CONDITIONS, EMBEDDING_SIZE), dtype=np.float32)
    for i in range(N_CONDITIONS):
        mask_array[i, i * step:(i + 1) * step] = 1.0
    return jnp.asarray(mask_array)


def setup_inputs(seed: int = 0) -> dict:
    key = jax.random.key(seed)
    k1, k2 = jax.random.split(key)
    embedded_x = jax.random.normal(k1, (BATCH, EMBEDDING_SIZE), dtype=jnp.float32)
    c = jax.random.randint(k2, (BATCH,), 0, N_CONDITIONS)
    masks = _build_masks()
    return {"embedded_x": embedded_x, "c": c, "masks": masks}


def reference(embedded_x, c, masks):
    # masked_embedding = embedded_x * self.masks[c]
    gathered = jnp.take(masks, c, axis=0)  # [B, embedding_size]
    masked_embedding = embedded_x * gathered
    return masked_embedding

if __name__ == "__main__":
    import jax
    _d = setup_inputs()
    print(jax.jit(kernel)(*tuple(_d.values())))

</pallas_src>

<mosaic_0001>
#map = affine_map<(d0, d1) -> (0, 0)>
#map1 = affine_map<(d0, d1) -> (0)>
module attributes {stable_mosaic.version = 14 : i64} {
  func.func @run(%arg0: i32, %arg1: i32, %arg2: memref<16384x128xf32, #tpu.memory_space<hbm>>, %arg3: memref<16384xi32, #tpu.memory_space<hbm>>, %arg4: memref<8x128xf32, #tpu.memory_space<hbm>>, %arg5: memref<16384x128xf32, #tpu.memory_space<hbm>>, %arg6: memref<512xi32, #tpu.memory_space<vmem>>, %arg7: memref<8x128xf32, #tpu.memory_space<vmem>>, %arg8: memref<512x128xf32, #tpu.memory_space<vmem>>, %arg9: memref<!tpu.dma_semaphore, #tpu.memory_space<semaphore_mem>>, %arg10: memref<!tpu.dma_semaphore, #tpu.memory_space<semaphore_mem>>, %arg11: memref<!tpu.dma_semaphore, #tpu.memory_space<semaphore_mem>>, %arg12: memref<!tpu.dma_semaphore, #tpu.memory_space<semaphore_mem>>, %arg13: memref<!tpu.dma_semaphore, #tpu.memory_space<semaphore_mem>>, %arg14: memref<!tpu.dma_semaphore, #tpu.memory_space<semaphore_mem>>, %arg15: memref<!tpu.dma_semaphore, #tpu.memory_space<semaphore_mem>>, %arg16: memref<!tpu.dma_semaphore, #tpu.memory_space<semaphore_mem>>, %arg17: memref<!tpu.dma_semaphore, #tpu.memory_space<semaphore_mem>>, %arg18: memref<!tpu.dma_semaphore, #tpu.memory_space<semaphore_mem>>, %arg19: memref<!tpu.dma_semaphore, #tpu.memory_space<semaphore_mem>>, %arg20: memref<!tpu.dma_semaphore, #tpu.memory_space<semaphore_mem>>, %arg21: memref<!tpu.dma_semaphore, #tpu.memory_space<semaphore_mem>>, %arg22: memref<!tpu.dma_semaphore, #tpu.memory_space<semaphore_mem>>, %arg23: memref<!tpu.dma_semaphore, #tpu.memory_space<semaphore_mem>>, %arg24: memref<!tpu.dma_semaphore, #tpu.memory_space<semaphore_mem>>, %arg25: memref<!tpu.dma_semaphore, #tpu.memory_space<semaphore_mem>>, %arg26: memref<!tpu.dma_semaphore, #tpu.memory_space<semaphore_mem>>, %arg27: memref<!tpu.dma_semaphore, #tpu.memory_space<semaphore_mem>>) attributes {dimension_semantics = [#tpu.dimension_semantics<core_parallel>, #tpu.dimension_semantics<subcore_parallel>], iteration_bounds = array<i64: 2, 16>, scalar_prefetch = 0 : i64, scratch_operands = 22 : i64, tpu.core_type = #tpu.core_type<sc_vector_subcore>, window_params = [{transform_indices = #map}, {transform_indices = #map1}, {transform_indices = #map}, {transform_indices = #map}]} {
    %mul3A = arith.constant 2 : i32
    %mul3A_0 = arith.muli %arg1, %mul3A : i32
    %add3A = arith.addi %mul3A_0, %arg0 : i32
    %mul3A_1 = arith.constant 512 : i32
    %mul3A_2 = arith.muli %add3A, %mul3A_1 : i32
    %dma_start3A = tpu.memref_slice %arg3[%mul3A_2] : memref<16384xi32, #tpu.memory_space<hbm>> -> memref<512xi32, #tpu.memory_space<hbm>>
    %dma_start3A_3 = tpu.memref_slice %arg3[%mul3A_2] : memref<16384xi32, #tpu.memory_space<hbm>> -> memref<512xi32, #tpu.memory_space<hbm>>
    tpu.enqueue_dma source(%dma_start3A_3 : memref<512xi32, #tpu.memory_space<hbm>>) target(%arg6 : memref<512xi32, #tpu.memory_space<vmem>>) target_semaphore(%arg26 : memref<!tpu.dma_semaphore, #tpu.memory_space<semaphore_mem>>)
    tpu.enqueue_dma source(%arg4 : memref<8x128xf32, #tpu.memory_space<hbm>>) target(%arg7 : memref<8x128xf32, #tpu.memory_space<vmem>>) target_semaphore(%arg27 : memref<!tpu.dma_semaphore, #tpu.memory_space<semaphore_mem>>)
    %add3A_4 = arith.constant 0 : i32
    %add3A_5 = arith.addi %mul3A_2, %add3A_4 : i32
    %dma_start3A_6 = arith.constant 0 : i32
    %dma_start3A_7 = arith.constant 0 : i32
    %dma_start3A_8 = tpu.memref_slice %arg8[%dma_start3A_6, %dma_start3A_7] : memref<512x128xf32, #tpu.memory_space<vmem>> -> memref<32x128xf32, #tpu.memory_space<vmem>>
    %dma_start3A_9 = arith.constant 0 : i32
    %dma_start3A_10 = tpu.memref_slice %arg2[%add3A_5, %dma_start3A_9] : memref<16384x128xf32, #tpu.memory_space<hbm>> -> memref<32x128xf32, #tpu.memory_space<hbm>>
    %dma_start3A_11 = arith.constant 0 : i32
    %dma_start3A_12 = arith.constant 0 : i32
    %dma_start3A_13 = tpu.memref_slice %arg8[%dma_start3A_11, %dma_start3A_12] : memref<512x128xf32, #tpu.memory_space<vmem>> -> memref<32x128xf32, #tpu.memory_space<vmem>>
    %dma_start3A_14 = arith.constant 0 : i32
    %dma_start3A_15 = tpu.memref_slice %arg2[%add3A_5, %dma_start3A_14] : memref<16384x128xf32, #tpu.memory_space<hbm>> -> memref<32x128xf32, #tpu.memory_space<hbm>>
    tpu.enqueue_dma source(%dma_start3A_15 : memref<32x128xf32, #tpu.memory_space<hbm>>) target(%dma_start3A_13 : memref<32x128xf32, #tpu.memory_space<vmem>>) target_semaphore(%arg9 : memref<!tpu.dma_semaphore, #tpu.memory_space<semaphore_mem>>)
    %add3A_16 = arith.constant 32 : i32
    %add3A_17 = arith.addi %mul3A_2, %add3A_16 : i32
    %dma_start3A_18 = arith.constant 32 : i32
    %dma_start3A_19 = arith.constant 0 : i32
    %dma_start3A_20 = tpu.memref_slice %arg8[%dma_start3A_18, %dma_start3A_19] : memref<512x128xf32, #tpu.memory_space<vmem>> -> memref<32x128xf32, #tpu.memory_space<vmem>>
    %dma_start3A_21 = arith.constant 0 : i32
    %dma_start3A_22 = tpu.memref_slice %arg2[%add3A_17, %dma_start3A_21] : memref<16384x128xf32, #tpu.memory_space<hbm>> -> memref<32x128xf32, #tpu.memory_space<hbm>>
    %dma_start3A_23 = arith.constant 32 : i32
    %dma_start3A_24 = arith.constant 0 : i32
    %dma_start3A_25 = tpu.memref_slice %arg8[%dma_start3A_23, %dma_start3A_24] : memref<512x128xf32, #tpu.memory_space<vmem>> -> memref<32x128xf32, #tpu.memory_space<vmem>>
    %dma_start3A_26 = arith.constant 0 : i32
    %dma_start3A_27 = tpu.memref_slice %arg2[%add3A_17, %dma_start3A_26] : memref<16384x128xf32, #tpu.memory_space<hbm>> -> memref<32x128xf32, #tpu.memory_space<hbm>>
    tpu.enqueue_dma source(%dma_start3A_27 : memref<32x128xf32, #tpu.memory_space<hbm>>) target(%dma_start3A_25 : memref<32x128xf32, #tpu.memory_space<vmem>>) target_semaphore(%arg10 : memref<!tpu.dma_semaphore, #tpu.memory_space<semaphore_mem>>)
    %add3A_28 = arith.constant 64 : i32
    %add3A_29 = arith.addi %mul3A_2, %add3A_28 : i32
    %dma_start3A_30 = arith.constant 64 : i32
    %dma_start3A_31 = arith.constant 0 : i32
    %dma_start3A_32 = tpu.memref_slice %arg8[%dma_start3A_30, %dma_start3A_31] : memref<512x128xf32, #tpu.memory_space<vmem>> -> memref<32x128xf32, #tpu.memory_space<vmem>>
    %dma_start3A_33 = arith.constant 0 : i32
    %dma_start3A_34 = tpu.memref_slice %arg2[%add3A_29, %dma_start3A_33] : memref<16384x128xf32, #tpu.memory_space<hbm>> -> memref<32x128xf32, #tpu.memory_space<hbm>>
    %dma_start3A_35 = arith.constant 64 : i32
    %dma_start3A_36 = arith.constant 0 : i32
    %dma_start3A_37 = tpu.memref_slice %arg8[%dma_start3A_35, %dma_start3A_36] : memref<512x128xf32, #tpu.memory_space<vmem>> -> memref<32x128xf32, #tpu.memory_space<vmem>>
    %dma_start3A_38 = arith.constant 0 : i32
    %dma_start3A_39 = tpu.memref_slice %arg2[%add3A_29, %dma_start3A_38] : memref<16384x128xf32, #tpu.memory_space<hbm>> -> memref<32x128xf32, #tpu.memory_space<hbm>>
    tpu.enqueue_dma source(%dma_start3A_39 : memref<32x128xf32, #tpu.memory_space<hbm>>) target(%dma_start3A_37 : memref<32x128xf32, #tpu.memory_space<vmem>>) target_semaphore(%arg11 : memref<!tpu.dma_semaphore, #tpu.memory_space<semaphore_mem>>)
    %add3A_40 = arith.constant 96 : i32
    %add3A_41 = arith.addi %mul3A_2, %add3A_40 : i32
    %dma_start3A_42 = arith.constant 96 : i32
    %dma_start3A_43 = arith.constant 0 : i32
    %dma_start3A_44 = tpu.memref_slice %arg8[%dma_start3A_42, %dma_start3A_43] : memref<512x128xf32, #tpu.memory_space<vmem>> -> memref<32x128xf32, #tpu.memory_space<vmem>>
    %dma_start3A_45 = arith.constant 0 : i32
    %dma_start3A_46 = tpu.memref_slice %arg2[%add3A_41, %dma_start3A_45] : memref<16384x128xf32, #tpu.memory_space<hbm>> -> memref<32x128xf32, #tpu.memory_space<hbm>>
    %dma_start3A_47 = arith.constant 96 : i32
    %dma_start3A_48 = arith.constant 0 : i32
    %dma_start3A_49 = tpu.memref_slice %arg8[%dma_start3A_47, %dma_start3A_48] : memref<512x128xf32, #tpu.memory_space<vmem>> -> memref<32x128xf32, #tpu.memory_space<vmem>>
    %dma_start3A_50 = arith.constant 0 : i32
    %dma_start3A_51 = tpu.memref_slice %arg2[%add3A_41, %dma_start3A_50] : memref<16384x128xf32, #tpu.memory_space<hbm>> -> memref<32x128xf32, #tpu.memory_space<hbm>>
    tpu.enqueue_dma source(%dma_start3A_51 : memref<32x128xf32, #tpu.memory_space<hbm>>) target(%dma_start3A_49 : memref<32x128xf32, #tpu.memory_space<vmem>>) target_semaphore(%arg12 : memref<!tpu.dma_semaphore, #tpu.memory_space<semaphore_mem>>)
    %add3A_52 = arith.constant 128 : i32
    %add3A_53 = arith.addi %mul3A_2, %add3A_52 : i32
    %dma_start3A_54 = arith.constant 128 : i32
    %dma_start3A_55 = arith.constant 0 : i32
    %dma_start3A_56 = tpu.memref_slice %arg8[%dma_start3A_54, %dma_start3A_55] : memref<512x128xf32, #tpu.memory_space<vmem>> -> memref<32x128xf32, #tpu.memory_space<vmem>>
    %dma_start3A_57 = arith.constant 0 : i32
    %dma_start3A_58 = tpu.memref_slice %arg2[%add3A_53, %dma_start3A_57] : memref<16384x128xf32, #tpu.memory_space<hbm>> -> memref<32x128xf32, #tpu.memory_space<hbm>>
    %dma_start3A_59 = arith.constant 128 : i32
    %dma_start3A_60 = arith.constant 0 : i32
    %dma_start3A_61 = tpu.memref_slice %arg8[%dma_start3A_59, %dma_start3A_60] : memref<512x128xf32, #tpu.memory_space<vmem>> -> memref<32x128xf32, #tpu.memory_space<vmem>>
    %dma_start3A_62 = arith.constant 0 : i32
    %dma_start3A_63 = tpu.memref_slice %arg2[%add3A_53, %dma_start3A_62] : memref<16384x128xf32, #tpu.memory_space<hbm>> -> memref<32x128xf32, #tpu.memory_space<hbm>>
    tpu.enqueue_dma source(%dma_start3A_63 : memref<32x128xf32, #tpu.memory_space<hbm>>) target(%dma_start3A_61 : memref<32x128xf32, #tpu.memory_space<vmem>>) target_semaphore(%arg13 : memref<!tpu.dma_semaphore, #tpu.memory_space<semaphore_mem>>)
    %add3A_64 = arith.constant 160 : i32
    %add3A_65 = arith.addi %mul3A_2, %add3A_64 : i32
    %dma_start3A_66 = arith.constant 160 : i32
    %dma_start3A_67 = arith.constant 0 : i32
    %dma_start3A_68 = tpu.memref_slice %arg8[%dma_start3A_66, %dma_start3A_67] : memref<512x128xf32, #tpu.memory_space<vmem>> -> memref<32x128xf32, #tpu.memory_space<vmem>>
    %dma_start3A_69 = arith.constant 0 : i32
    %dma_start3A_70 = tpu.memref_slice %arg2[%add3A_65, %dma_start3A_69] : memref<16384x128xf32, #tpu.memory_space<hbm>> -> memref<32x128xf32, #tpu.memory_space<hbm>>
    %dma_start3A_71 = arith.constant 160 : i32
    %dma_start3A_72 = arith.constant 0 : i32
    %dma_start3A_73 = tpu.memref_slice %arg8[%dma_start3A_71, %dma_start3A_72] : memref<512x128xf32, #tpu.memory_space<vmem>> -> memref<32x128xf32, #tpu.memory_space<vmem>>
    %dma_start3A_74 = arith.constant 0 : i32
    %dma_start3A_75 = tpu.memref_slice %arg2[%add3A_65, %dma_start3A_74] : memref<16384x128xf32, #tpu.memory_space<hbm>> -> memref<32x128xf32, #tpu.memory_space<hbm>>
    tpu.enqueue_dma source(%dma_start3A_75 : memref<32x128xf32, #tpu.memory_space<hbm>>) target(%dma_start3A_73 : memref<32x128xf32, #tpu.memory_space<vmem>>) target_semaphore(%arg14 : memref<!tpu.dma_semaphore, #tpu.memory_space<semaphore_mem>>)
    %add3A_76 = arith.constant 192 : i32
    %add3A_77 = arith.addi %mul3A_2, %add3A_76 : i32
    %dma_start3A_78 = arith.constant 192 : i32
    %dma_start3A_79 = arith.constant 0 : i32
    %dma_start3A_80 = tpu.memref_slice %arg8[%dma_start3A_78, %dma_start3A_79] : memref<512x128xf32, #tpu.memory_space<vmem>> -> memref<32x128xf32, #tpu.memory_space<vmem>>
    %dma_start3A_81 = arith.constant 0 : i32
    %dma_start3A_82 = tpu.memref_slice %arg2[%add3A_77, %dma_start3A_81] : memref<16384x128xf32, #tpu.memory_space<hbm>> -> memref<32x128xf32, #tpu.memory_space<hbm>>
    %dma_start3A_83 = arith.constant 192 : i32
    %dma_start3A_84 = arith.constant 0 : i32
    %dma_start3A_85 = tpu.memref_slice %arg8[%dma_start3A_83, %dma_start3A_84] : memref<512x128xf32, #tpu.memory_space<vmem>> -> memref<32x128xf32, #tpu.memory_space<vmem>>
    %dma_start3A_86 = arith.constant 0 : i32
    %dma_start3A_87 = tpu.memref_slice %arg2[%add3A_77, %dma_start3A_86] : memref<16384x128xf32, #tpu.memory_space<hbm>> -> memref<32x128xf32, #tpu.memory_space<hbm>>
    tpu.enqueue_dma source(%dma_start3A_87 : memref<32x128xf32, #tpu.memory_space<hbm>>) target(%dma_start3A_85 : memref<32x128xf32, #tpu.memory_space<vmem>>) target_semaphore(%arg15 : memref<!tpu.dma_semaphore, #tpu.memory_space<semaphore_mem>>)
    %add3A_88 = arith.constant 224 : i32
    %add3A_89 = arith.addi %mul3A_2, %add3A_88 : i32
    %dma_start3A_90 = arith.constant 224 : i32
    %dma_start3A_91 = arith.constant 0 : i32
    %dma_start3A_92 = tpu.memref_slice %arg8[%dma_start3A_90, %dma_start3A_91] : memref<512x128xf32, #tpu.memory_space<vmem>> -> memref<32x128xf32, #tpu.memory_space<vmem>>
    %dma_start3A_93 = arith.constant 0 : i32
    %dma_start3A_94 = tpu.memref_slice %arg2[%add3A_89, %dma_start3A_93] : memref<16384x128xf32, #tpu.memory_space<hbm>> -> memref<32x128xf32, #tpu.memory_space<hbm>>
    %dma_start3A_95 = arith.constant 224 : i32
    %dma_start3A_96 = arith.constant 0 : i32
    %dma_start3A_97 = tpu.memref_slice %arg8[%dma_start3A_95, %dma_start3A_96] : memref<512x128xf32, #tpu.memory_space<vmem>> -> memref<32x128xf32, #tpu.memory_space<vmem>>
    %dma_start3A_98 = arith.constant 0 : i32
    %dma_start3A_99 = tpu.memref_slice %arg2[%add3A_89, %dma_start3A_98] : memref<16384x128xf32, #tpu.memory_space<hbm>> -> memref<32x128xf32, #tpu.memory_space<hbm>>
    tpu.enqueue_dma source(%dma_start3A_99 : memref<32x128xf32, #tpu.memory_space<hbm>>) target(%dma_start3A_97 : memref<32x128xf32, #tpu.memory_space<vmem>>) target_semaphore(%arg16 : memref<!tpu.dma_semaphore, #tpu.memory_space<semaphore_mem>>)
    %add3A_100 = arith.constant 256 : i32
    %add3A_101 = arith.addi %mul3A_2, %add3A_100 : i32
    %dma_start3A_102 = arith.constant 256 : i32
    %dma_start3A_103 = arith.constant 0 : i32
    %dma_start3A_104 = tpu.memref_slice %arg8[%dma_start3A_102, %dma_start3A_103] : memref<512x128xf32, #tpu.memory_space<vmem>> -> memref<32x128xf32, #tpu.memory_space<vmem>>
    %dma_start3A_105 = arith.constant 0 : i32
    %dma_start3A_106 = tpu.memref_slice %arg2[%add3A_101, %dma_start3A_105] : memref<16384x128xf32, #tpu.memory_space<hbm>> -> memref<32x128xf32, #tpu.memory_space<hbm>>
    %dma_start3A_107 = arith.constant 256 : i32
    %dma_start3A_108 = arith.constant 0 : i32
    %dma_start3A_109 = tpu.memref_slice %arg8[%dma_start3A_107, %dma_start3A_108] : memref<512x128xf32, #tpu.memory_space<vmem>> -> memref<32x128xf32, #tpu.memory_space<vmem>>
    %dma_start3A_110 = arith.constant 0 : i32
    %dma_start3A_111 = tpu.memref_slice %arg2[%add3A_101, %dma_start3A_110] : memref<16384x128xf32, #tpu.memory_space<hbm>> -> memref<32x128xf32, #tpu.memory_space<hbm>>
    tpu.enqueue_dma source(%dma_start3A_111 : memref<32x128xf32, #tpu.memory_space<hbm>>) target(%dma_start3A_109 : memref<32x128xf32, #tpu.memory_space<vmem>>) target_semaphore(%arg17 : memref<!tpu.dma_semaphore, #tpu.memory_space<semaphore_mem>>)
    %add3A_112 = arith.constant 288 : i32
    %add3A_113 = arith.addi %mul3A_2, %add3A_112 : i32
    %dma_start3A_114 = arith.constant 288 : i32
    %dma_start3A_115 = arith.constant 0 : i32
    %dma_start3A_116 = tpu.memref_slice %arg8[%dma_start3A_114, %dma_start3A_115] : memref<512x128xf32, #tpu.memory_space<vmem>> -> memref<32x128xf32, #tpu.memory_space<vmem>>
    %dma_start3A_117 = arith.constant 0 : i32
    %dma_start3A_118 = tpu.memref_slice %arg2[%add3A_113, %dma_start3A_117] : memref<16384x128xf32, #tpu.memory_space<hbm>> -> memref<32x128xf32, #tpu.memory_space<hbm>>
    %dma_start3A_119 = arith.constant 288 : i32
    %dma_start3A_120 = arith.constant 0 : i32
    %dma_start3A_121 = tpu.memref_slice %arg8[%dma_start3A_119, %dma_start3A_120] : memref<512x128xf32, #tpu.memory_space<vmem>> -> memref<32x128xf32, #tpu.memory_space<vmem>>
    %dma_start3A_122 = arith.constant 0 : i32
    %dma_start3A_123 = tpu.memref_slice %arg2[%add3A_113, %dma_start3A_122] : memref<16384x128xf32, #tpu.memory_space<hbm>> -> memref<32x128xf32, #tpu.memory_space<hbm>>
    tpu.enqueue_dma source(%dma_start3A_123 : memref<32x128xf32, #tpu.memory_space<hbm>>) target(%dma_start3A_121 : memref<32x128xf32, #tpu.memory_space<vmem>>) target_semaphore(%arg18 : memref<!tpu.dma_semaphore, #tpu.memory_space<semaphore_mem>>)
    %add3A_124 = arith.constant 320 : i32
    %add3A_125 = arith.addi %mul3A_2, %add3A_124 : i32
    %dma_start3A_126 = arith.constant 320 : i32
    %dma_start3A_127 = arith.constant 0 : i32
    %dma_start3A_128 = tpu.memref_slice %arg8[%dma_start3A_126, %dma_start3A_127] : memref<512x128xf32, #tpu.memory_space<vmem>> -> memref<32x128xf32, #tpu.memory_space<vmem>>
    %dma_start3A_129 = arith.constant 0 : i32
    %dma_start3A_130 = tpu.memref_slice %arg2[%add3A_125, %dma_start3A_129] : memref<16384x128xf32, #tpu.memory_space<hbm>> -> memref<32x128xf32, #tpu.memory_space<hbm>>
    %dma_start3A_131 = arith.constant 320 : i32
    %dma_start3A_132 = arith.constant 0 : i32
    %dma_start3A_133 = tpu.memref_slice %arg8[%dma_start3A_131, %dma_start3A_132] : memref<512x128xf32, #tpu.memory_space<vmem>> -> memref<32x128xf32, #tpu.memory_space<vmem>>
    %dma_start3A_134 = arith.constant 0 : i32
    %dma_start3A_135 = tpu.memref_slice %arg2[%add3A_125, %dma_start3A_134] : memref<16384x128xf32, #tpu.memory_space<hbm>> -> memref<32x128xf32, #tpu.memory_space<hbm>>
    tpu.enqueue_dma source(%dma_start3A_135 : memref<32x128xf32, #tpu.memory_space<hbm>>) target(%dma_start3A_133 : memref<32x128xf32, #tpu.memory_space<vmem>>) target_semaphore(%arg19 : memref<!tpu.dma_semaphore, #tpu.memory_space<semaphore_mem>>)
    %add3A_136 = arith.constant 352 : i32
    %add3A_137 = arith.addi %mul3A_2, %add3A_136 : i32
    %dma_start3A_138 = arith.constant 352 : i32
    %dma_start3A_139 = arith.constant 0 : i32
    %dma_start3A_140 = tpu.memref_slice %arg8[%dma_start3A_138, %dma_start3A_139] : memref<512x128xf32, #tpu.memory_space<vmem>> -> memref<32x128xf32, #tpu.memory_space<vmem>>
    %dma_start3A_141 = arith.constant 0 : i32
    %dma_start3A_142 = tpu.memref_slice %arg2[%add3A_137, %dma_start3A_141] : memref<16384x128xf32, #tpu.memory_space<hbm>> -> memref<32x128xf32, #tpu.memory_space<hbm>>
    %dma_start3A_143 = arith.constant 352 : i32
    %dma_start3A_144 = arith.constant 0 : i32
    %dma_start3A_145 = tpu.memref_slice %arg8[%dma_start3A_143, %dma_start3A_144] : memref<512x128xf32, #tpu.memory_space<vmem>> -> memref<32x128xf32, #tpu.memory_space<vmem>>
    %dma_start3A_146 = arith.constant 0 : i32
    %dma_start3A_147 = tpu.memref_slice %arg2[%add3A_137, %dma_start3A_146] : memref<16384x128xf32, #tpu.memory_space<hbm>> -> memref<32x128xf32, #tpu.memory_space<hbm>>
    tpu.enqueue_dma source(%dma_start3A_147 : memref<32x128xf32, #tpu.memory_space<hbm>>) target(%dma_start3A_145 : memref<32x128xf32, #tpu.memory_space<vmem>>) target_semaphore(%arg20 : memref<!tpu.dma_semaphore, #tpu.memory_space<semaphore_mem>>)
    %add3A_148 = arith.constant 384 : i32
    %add3A_149 = arith.addi %mul3A_2, %add3A_148 : i32
    %dma_start3A_150 = arith.constant 384 : i32
    %dma_start3A_151 = arith.constant 0 : i32
    %dma_start3A_152 = tpu.memref_slice %arg8[%dma_start3A_150, %dma_start3A_151] : memref<512x128xf32, #tpu.memory_space<vmem>> -> memref<32x128xf32, #tpu.memory_space<vmem>>
    %dma_start3A_153 = arith.constant 0 : i32
    %dma_start3A_154 = tpu.memref_slice %arg2[%add3A_149, %dma_start3A_153] : memref<16384x128xf32, #tpu.memory_space<hbm>> -> memref<32x128xf32, #tpu.memory_space<hbm>>
    %dma_start3A_155 = arith.constant 384 : i32
    %dma_start3A_156 = arith.constant 0 : i32
    %dma_start3A_157 = tpu.memref_slice %arg8[%dma_start3A_155, %dma_start3A_156] : memref<512x128xf32, #tpu.memory_space<vmem>> -> memref<32x128xf32, #tpu.memory_space<vmem>>
    %dma_start3A_158 = arith.constant 0 : i32
    %dma_start3A_159 = tpu.memref_slice %arg2[%add3A_149, %dma_start3A_158] : memref<16384x128xf32, #tpu.memory_space<hbm>> -> memref<32x128xf32, #tpu.memory_space<hbm>>
    tpu.enqueue_dma source(%dma_start3A_159 : memref<32x128xf32, #tpu.memory_space<hbm>>) target(%dma_start3A_157 : memref<32x128xf32, #tpu.memory_space<vmem>>) target_semaphore(%arg21 : memref<!tpu.dma_semaphore, #tpu.memory_space<semaphore_mem>>)
    %add3A_160 = arith.constant 416 : i32
    %add3A_161 = arith.addi %mul3A_2, %add3A_160 : i32
    %dma_start3A_162 = arith.constant 416 : i32
    %dma_start3A_163 = arith.constant 0 : i32
    %dma_start3A_164 = tpu.memref_slice %arg8[%dma_start3A_162, %dma_start3A_163] : memref<512x128xf32, #tpu.memory_space<vmem>> -> memref<32x128xf32, #tpu.memory_space<vmem>>
    %dma_start3A_165 = arith.constant 0 : i32
    %dma_start3A_166 = tpu.memref_slice %arg2[%add3A_161, %dma_start3A_165] : memref<16384x128xf32, #tpu.memory_space<hbm>> -> memref<32x128xf32, #tpu.memory_space<hbm>>
    %dma_start3A_167 = arith.constant 416 : i32
    %dma_start3A_168 = arith.constant 0 : i32
    %dma_start3A_169 = tpu.memref_slice %arg8[%dma_start3A_167, %dma_start3A_168] : memref<512x128xf32, #tpu.memory_space<vmem>> -> memref<32x128xf32, #tpu.memory_space<vmem>>
    %dma_start3A_170 = arith.constant 0 : i32
    %dma_start3A_171 = tpu.memref_slice %arg2[%add3A_161, %dma_start3A_170] : memref<16384x128xf32, #tpu.memory_space<hbm>> -> memref<32x128xf32, #tpu.memory_space<hbm>>
    tpu.enqueue_dma source(%dma_start3A_171 : memref<32x128xf32, #tpu.memory_space<hbm>>) target(%dma_start3A_169 : memref<32x128xf32, #tpu.memory_space<vmem>>) target_semaphore(%arg22 : memref<!tpu.dma_semaphore, #tpu.memory_space<semaphore_mem>>)
    %add3A_172 = arith.constant 448 : i32
    %add3A_173 = arith.addi %mul3A_2, %add3A_172 : i32
    %dma_start3A_174 = arith.constant 448 : i32
    %dma_start3A_175 = arith.constant 0 : i32
    %dma_start3A_176 = tpu.memref_slice %arg8[%dma_start3A_174, %dma_start3A_175] : memref<512x128xf32, #tpu.memory_space<vmem>> -> memref<32x128xf32, #tpu.memory_space<vmem>>
    %dma_start3A_177 = arith.constant 0 : i32
    %dma_start3A_178 = tpu.memref_slice %arg2[%add3A_173, %dma_start3A_177] : memref<16384x128xf32, #tpu.memory_space<hbm>> -> memref<32x128xf32, #tpu.memory_space<hbm>>
    %dma_start3A_179 = arith.constant 448 : i32
    %dma_start3A_180 = arith.constant 0 : i32
    %dma_start3A_181 = tpu.memref_slice %arg8[%dma_start3A_179, %dma_start3A_180] : memref<512x128xf32, #tpu.memory_space<vmem>> -> memref<32x128xf32, #tpu.memory_space<vmem>>
    %dma_start3A_182 = arith.constant 0 : i32
    %dma_start3A_183 = tpu.memref_slice %arg2[%add3A_173, %dma_start3A_182] : memref<16384x128xf32, #tpu.memory_space<hbm>> -> memref<32x128xf32, #tpu.memory_space<hbm>>
    tpu.enqueue_dma source(%dma_start3A_183 : memref<32x128xf32, #tpu.memory_space<hbm>>) target(%dma_start3A_181 : memref<32x128xf32, #tpu.memory_space<vmem>>) target_semaphore(%arg23 : memref<!tpu.dma_semaphore, #tpu.memory_space<semaphore_mem>>)
    %add3A_184 = arith.constant 480 : i32
    %add3A_185 = arith.addi %mul3A_2, %add3A_184 : i32
    %dma_start3A_186 = arith.constant 480 : i32
    %dma_start3A_187 = arith.constant 0 : i32
    %dma_start3A_188 = tpu.memref_slice %arg8[%dma_start3A_186, %dma_start3A_187] : memref<512x128xf32, #tpu.memory_space<vmem>> -> memref<32x128xf32, #tpu.memory_space<vmem>>
    %dma_start3A_189 = arith.constant 0 : i32
    %dma_start3A_190 = tpu.memref_slice %arg2[%add3A_185, %dma_start3A_189] : memref<16384x128xf32, #tpu.memory_space<hbm>> -> memref<32x128xf32, #tpu.memory_space<hbm>>
    %dma_start3A_191 = arith.constant 480 : i32
    %dma_start3A_192 = arith.constant 0 : i32
    %dma_start3A_193 = tpu.memref_slice %arg8[%dma_start3A_191, %dma_start3A_192] : memref<512x128xf32, #tpu.memory_space<vmem>> -> memref<32x128xf32, #tpu.memory_space<vmem>>
    %dma_start3A_194 = arith.constant 0 : i32
    %dma_start3A_195 = tpu.memref_slice %arg2[%add3A_185, %dma_start3A_194] : memref<16384x128xf32, #tpu.memory_space<hbm>> -> memref<32x128xf32, #tpu.memory_space<hbm>>
    tpu.enqueue_dma source(%dma_start3A_195 : memref<32x128xf32, #tpu.memory_space<hbm>>) target(%dma_start3A_193 : memref<32x128xf32, #tpu.memory_space<vmem>>) target_semaphore(%arg24 : memref<!tpu.dma_semaphore, #tpu.memory_space<semaphore_mem>>)
    %dma_wait3A = tpu.memref_slice %arg3[%mul3A_2] : memref<16384xi32, #tpu.memory_space<hbm>> -> memref<512xi32, #tpu.memory_space<hbm>>
    %dma_wait3A_196 = tpu.memref_slice %arg3[%mul3A_2] : memref<16384xi32, #tpu.memory_space<hbm>> -> memref<512xi32, #tpu.memory_space<hbm>>
    tpu.wait_dma2 semaphore(%arg26 : memref<!tpu.dma_semaphore, #tpu.memory_space<semaphore_mem>>) src(%dma_wait3A_196 : memref<512xi32, #tpu.memory_space<hbm>>) dst(%arg6 : memref<512xi32, #tpu.memory_space<vmem>>)
    tpu.wait_dma2 semaphore(%arg27 : memref<!tpu.dma_semaphore, #tpu.memory_space<semaphore_mem>>) src(%arg4 : memref<8x128xf32, #tpu.memory_space<hbm>>) dst(%arg7 : memref<8x128xf32, #tpu.memory_space<vmem>>)
    %add3A_197 = arith.constant 0 : i32
    %add3A_198 = arith.addi %mul3A_2, %add3A_197 : i32
    %add3A_199 = arith.constant 32 : i32
    %add3A_200 = arith.addi %mul3A_2, %add3A_199 : i32
    %add3A_201 = arith.constant 64 : i32
    %add3A_202 = arith.addi %mul3A_2, %add3A_201 : i32
    %add3A_203 = arith.constant 96 : i32
    %add3A_204 = arith.addi %mul3A_2, %add3A_203 : i32
    %add3A_205 = arith.constant 128 : i32
    %add3A_206 = arith.addi %mul3A_2, %add3A_205 : i32
    %add3A_207 = arith.constant 160 : i32
    %add3A_208 = arith.addi %mul3A_2, %add3A_207 : i32
    %add3A_209 = arith.constant 192 : i32
    %add3A_210 = arith.addi %mul3A_2, %add3A_209 : i32
    %add3A_211 = arith.constant 224 : i32
    %add3A_212 = arith.addi %mul3A_2, %add3A_211 : i32
    %add3A_213 = arith.constant 256 : i32
    %add3A_214 = arith.addi %mul3A_2, %add3A_213 : i32
    %add3A_215 = arith.constant 288 : i32
    %add3A_216 = arith.addi %mul3A_2, %add3A_215 : i32
    %add3A_217 = arith.constant 320 : i32
    %add3A_218 = arith.addi %mul3A_2, %add3A_217 : i32
    %add3A_219 = arith.constant 352 : i32
    %add3A_220 = arith.addi %mul3A_2, %add3A_219 : i32
    %add3A_221 = arith.constant 384 : i32
    %add3A_222 = arith.addi %mul3A_2, %add3A_221 : i32
    %add3A_223 = arith.constant 416 : i32
    %add3A_224 = arith.addi %mul3A_2, %add3A_223 : i32
    %add3A_225 = arith.constant 448 : i32
    %add3A_226 = arith.addi %mul3A_2, %add3A_225 : i32
    %add3A_227 = arith.constant 480 : i32
    %add3A_228 = arith.addi %mul3A_2, %add3A_227 : i32
    %scan3A = arith.constant 0 : i32
    %scan3A_229 = arith.constant 0 : i32
    %scan3A_230 = arith.constant 32 : i32
    %scan3A_231 = arith.addi %scan3A_229, %scan3A_230 : i32
    %scan3A_232 = arith.constant 1 : i32
    scf.for %scan3A_404 = %scan3A_229 to %scan3A_231 step %scan3A_232  : i32 {
      %eq3A = arith.constant 0 : i32
      %eq3A_405 = arith.cmpi eq, %scan3A_404, %eq3A : i32
      %convert_element_type3A = arith.extui %eq3A_405 : i1 to i32
      %cond3A = arith.constant 0 : i32
      %cond3A_406 = arith.cmpi ne, %convert_element_type3A, %cond3A : i32
      scf.if %cond3A_406 {
        %dma_wait3A_2371 = arith.constant 0 : i32
        %dma_wait3A_2372 = arith.constant 0 : i32
        %dma_wait3A_2373 = tpu.memref_slice %arg8[%dma_wait3A_2371, %dma_wait3A_2372] : memref<512x128xf32, #tpu.memory_space<vmem>> -> memref<32x128xf32, #tpu.memory_space<vmem>>
        %dma_wait3A_2374 = arith.constant 0 : i32
        %dma_wait3A_2375 = tpu.memref_slice %arg2[%add3A_5, %dma_wait3A_2374] : memref<16384x128xf32, #tpu.memory_space<hbm>> -> memref<32x128xf32, #tpu.memory_space<hbm>>
        %dma_wait3A_2376 = arith.constant 0 : i32
        %dma_wait3A_2377 = arith.constant 0 : i32
        %dma_wait3A_2378 = tpu.memref_slice %arg8[%dma_wait3A_2376, %dma_wait3A_2377] : memref<512x128xf32, #tpu.memory_space<vmem>> -> memref<32x128xf32, #tpu.memory_space<vmem>>
        %dma_wait3A_2379 = arith.constant 0 : i32
        %dma_wait3A_2380 = tpu.memref_slice %arg2[%add3A_5, %dma_wait3A_2379] : memref<16384x128xf32, #tpu.memory_space<hbm>> -> memref<32x128xf32, #tpu.memory_space<hbm>>
        tpu.wait_dma2 semaphore(%arg9 : memref<!tpu.dma_semaphore, #tpu.memory_space<semaphore_mem>>) src(%dma_wait3A_2380 : memref<32x128xf32, #tpu.memory_space<hbm>>) dst(%dma_wait3A_2378 : memref<32x128xf32, #tpu.memory_space<vmem>>)
      } else {
      }
      %eq3A_407 = arith.constant 2 : i32
      %eq3A_408 = arith.cmpi eq, %scan3A_404, %eq3A_407 : i32
      %convert_element_type3A_409 = arith.extui %eq3A_408 : i1 to i32
      %cond3A_410 = arith.constant 0 : i32
      %cond3A_411 = arith.cmpi ne, %convert_element_type3A_409, %cond3A_410 : i32
      scf.if %cond3A_411 {
        %dma_wait3A_2371 = arith.constant 32 : i32
        %dma_wait3A_2372 = arith.constant 0 : i32
        %dma_wait3A_2373 = tpu.memref_slice %arg8[%dma_wait3A_2371, %dma_wait3A_2372] : memref<512x128xf32, #tpu.memory_space<vmem>> -> memref<32x128xf32, #tpu.memory_space<vmem>>
        %dma_wait3A_2374 = arith.constant 0 : i32
        %dma_wait3A_2375 = tpu.memref_slice %arg2[%add3A_17, %dma_wait3A_2374] : memref<16384x128xf32, #tpu.memory_space<hbm>> -> memref<32x128xf32, #tpu.memory_space<hbm>>
        %dma_wait3A_2376 = arith.constant 32 : i32
        %dma_wait3A_2377 = arith.constant 0 : i32
        %dma_wait3A_2378 = tpu.memref_slice %arg8[%dma_wait3A_2376, %dma_wait3A_2377] : memref<512x128xf32, #tpu.memory_space<vmem>> -> memref<32x128xf32, #tpu.memory_space<vmem>>
        %dma_wait3A_2379 = arith.constant 0 : i32
        %dma_wait3A_2380 = tpu.memref_slice %arg2[%add3A_17, %dma_wait3A_2379] : memref<16384x128xf32, #tpu.memory_space<hbm>> -> memref<32x128xf32, #tpu.memory_space<hbm>>
        tpu.wait_dma2 semaphore(%arg10 : memref<!tpu.dma_semaphore, #tpu.memory_space<semaphore_mem>>) src(%dma_wait3A_2380 : memref<32x128xf32, #tpu.memory_space<hbm>>) dst(%dma_wait3A_2378 : memref<32x128xf32, #tpu.memory_space<vmem>>)
        %dma_start3A_2381 = arith.constant 0 : i32
        %dma_start3A_2382 = arith.constant 0 : i32
        %dma_start3A_2383 = tpu.memref_slice %arg8[%dma_start3A_2381, %dma_start3A_2382] : memref<512x128xf32, #tpu.memory_space<vmem>> -> memref<32x128xf32, #tpu.memory_space<vmem>>
        %dma_start3A_2384 = arith.constant 0 : i32
        %dma_start3A_2385 = tpu.memref_slice %arg5[%add3A_198, %dma_start3A_2384] : memref<16384x128xf32, #tpu.memory_space<hbm>> -> memref<32x128xf32, #tpu.memory_space<hbm>>
        %dma_start3A_2386 = arith.constant 0 : i32
        %dma_start3A_2387 = tpu.memref_slice %arg5[%add3A_198, %dma_start3A_2386] : memref<16384x128xf32, #tpu.memory_space<hbm>> -> memref<32x128xf32, #tpu.memory_space<hbm>>
        %dma_start3A_2388 = arith.constant 0 : i32
        %dma_start3A_2389 = arith.constant 0 : i32
        %dma_start3A_2390 = tpu.memref_slice %arg8[%dma_start3A_2388, %dma_start3A_2389] : memref<512x128xf32, #tpu.memory_space<vmem>> -> memref<32x128xf32, #tpu.memory_space<vmem>>
        tpu.enqueue_dma source(%dma_start3A_2390 : memref<32x128xf32, #tpu.memory_space<vmem>>) target(%dma_start3A_2387 : memref<32x128xf32, #tpu.memory_space<hbm>>) target_semaphore(%arg25 : memref<!tpu.dma_semaphore, #tpu.memory_space<semaphore_mem>>)
      } else {
      }
      %eq3A_412 = arith.constant 4 : i32
      %eq3A_413 = arith.cmpi eq, %scan3A_404, %eq3A_412 : i32
      %convert_element_type3A_414 = arith.extui %eq3A_413 : i1 to i32
      %cond3A_415 = arith.constant 0 : i32
      %cond3A_416 = arith.cmpi ne, %convert_element_type3A_414, %cond3A_415 : i32
      scf.if %cond3A_416 {
        %dma_wait3A_2371 = arith.constant 64 : i32
        %dma_wait3A_2372 = arith.constant 0 : i32
        %dma_wait3A_2373 = tpu.memref_slice %arg8[%dma_wait3A_2371, %dma_wait3A_2372] : memref<512x128xf32, #tpu.memory_space<vmem>> -> memref<32x128xf32, #tpu.memory_space<vmem>>
        %dma_wait3A_2374 = arith.constant 0 : i32
        %dma_wait3A_2375 = tpu.memref_slice %arg2[%add3A_29, %dma_wait3A_2374] : memref<16384x128xf32, #tpu.memory_space<hbm>> -> memref<32x128xf32, #tpu.memory_space<hbm>>
        %dma_wait3A_2376 = arith.constant 64 : i32
        %dma_wait3A_2377 = arith.constant 0 : i32
        %dma_wait3A_2378 = tpu.memref_slice %arg8[%dma_wait3A_2376, %dma_wait3A_2377] : memref<512x128xf32, #tpu.memory_space<vmem>> -> memref<32x128xf32, #tpu.memory_space<vmem>>
        %dma_wait3A_2379 = arith.constant 0 : i32
        %dma_wait3A_2380 = tpu.memref_slice %arg2[%add3A_29, %dma_wait3A_2379] : memref<16384x128xf32, #tpu.memory_space<hbm>> -> memref<32x128xf32, #tpu.memory_space<hbm>>
        tpu.wait_dma2 semaphore(%arg11 : memref<!tpu.dma_semaphore, #tpu.memory_space<semaphore_mem>>) src(%dma_wait3A_2380 : memref<32x128xf32, #tpu.memory_space<hbm>>) dst(%dma_wait3A_2378 : memref<32x128xf32, #tpu.memory_space<vmem>>)
        %dma_start3A_2381 = arith.constant 32 : i32
        %dma_start3A_2382 = arith.constant 0 : i32
        %dma_start3A_2383 = tpu.memref_slice %arg8[%dma_start3A_2381, %dma_start3A_2382] : memref<512x128xf32, #tpu.memory_space<vmem>> -> memref<32x128xf32, #tpu.memory_space<vmem>>
        %dma_start3A_2384 = arith.constant 0 : i32
        %dma_start3A_2385 = tpu.memref_slice %arg5[%add3A_200, %dma_start3A_2384] : memref<16384x128xf32, #tpu.memory_space<hbm>> -> memref<32x128xf32, #tpu.memory_space<hbm>>
        %dma_start3A_2386 = arith.constant 0 : i32
        %dma_start3A_2387 = tpu.memref_slice %arg5[%add3A_200, %dma_start3A_2386] : memref<16384x128xf32, #tpu.memory_space<hbm>> -> memref<32x128xf32, #tpu.memory_space<hbm>>
        %dma_start3A_2388 = arith.constant 32 : i32
        %dma_start3A_2389 = arith.constant 0 : i32
        %dma_start3A_2390 = tpu.memref_slice %arg8[%dma_start3A_2388, %dma_start3A_2389] : memref<512x128xf32, #tpu.memory_space<vmem>> -> memref<32x128xf32, #tpu.memory_space<vmem>>
        tpu.enqueue_dma source(%dma_start3A_2390 : memref<32x128xf32, #tpu.memory_space<vmem>>) target(%dma_start3A_2387 : memref<32x128xf32, #tpu.memory_space<hbm>>) target_semaphore(%arg25 : memref<!tpu.dma_semaphore, #tpu.memory_space<semaphore_mem>>)
      } else {
      }
      %eq3A_417 = arith.constant 6 : i32
      %eq3A_418 = arith.cmpi eq, %scan3A_404, %eq3A_417 : i32
      %convert_element_type3A_419 = arith.extui %eq3A_418 : i1 to i32
      %cond3A_420 = arith.constant 0 : i32
      %cond3A_421 = arith.cmpi ne, %convert_element_type3A_419, %cond3A_420 : i32
      scf.if %cond3A_421 {
        %dma_wait3A_2371 = arith.constant 96 : i32
        %dma_wait3A_2372 = arith.constant 0 : i32
        %dma_wait3A_2373 = tpu.memref_slice %arg8[%dma_wait3A_2371, %dma_wait3A_2372] : memref<512x128xf32, #tpu.memory_space<vmem>> -> memref<32x128xf32, #tpu.memory_space<vmem>>
        %dma_wait3A_2374 = arith.constant 0 : i32
        %dma_wait3A_2375 = tpu.memref_slice %arg2[%add3A_41, %dma_wait3A_2374] : memref<16384x128xf32, #tpu.memory_space<hbm>> -> memref<32x128xf32, #tpu.memory_space<hbm>>
        %dma_wait3A_2376 = arith.constant 96 : i32
        %dma_wait3A_2377 = arith.constant 0 : i32
        %dma_wait3A_2378 = tpu.memref_slice %arg8[%dma_wait3A_2376, %dma_wait3A_2377] : memref<512x128xf32, #tpu.memory_space<vmem>> -> memref<32x128xf32, #tpu.memory_space<vmem>>
        %dma_wait3A_2379 = arith.constant 0 : i32
        %dma_wait3A_2380 = tpu.memref_slice %arg2[%add3A_41, %dma_wait3A_2379] : memref<16384x128xf32, #tpu.memory_space<hbm>> -> memref<32x128xf32, #tpu.memory_space<hbm>>
        tpu.wait_dma2 semaphore(%arg12 : memref<!tpu.dma_semaphore, #tpu.memory_space<semaphore_mem>>) src(%dma_wait3A_2380 : memref<32x128xf32, #tpu.memory_space<hbm>>) dst(%dma_wait3A_2378 : memref<32x128xf32, #tpu.memory_space<vmem>>)
        %dma_start3A_2381 = arith.constant 64 : i32
        %dma_start3A_2382 = arith.constant 0 : i32
        %dma_start3A_2383 = tpu.memref_slice %arg8[%dma_start3A_2381, %dma_start3A_2382] : memref<512x128xf32, #tpu.memory_space<vmem>> -> memref<32x128xf32, #tpu.memory_space<vmem>>
        %dma_start3A_2384 = arith.constant 0 : i32
        %dma_start3A_2385 = tpu.memref_slice %arg5[%add3A_202, %dma_start3A_2384] : memref<16384x128xf32, #tpu.memory_space<hbm>> -> memref<32x128xf32, #tpu.memory_space<hbm>>
        %dma_start3A_2386 = arith.constant 0 : i32
        %dma_start3A_2387 = tpu.memref_slice %arg5[%add3A_202, %dma_start3A_2386] : memref<16384x128xf32, #tpu.memory_space<hbm>> -> memref<32x128xf32, #tpu.memory_space<hbm>>
        %dma_start3A_2388 = arith.constant 64 : i32
        %dma_start3A_2389 = arith.constant 0 : i32
        %dma_start3A_2390 = tpu.memref_slice %arg8[%dma_start3A_2388, %dma_start3A_2389] : memref<512x128xf32, #tpu.memory_space<vmem>> -> memref<32x128xf32, #tpu.memory_space<vmem>>
        tpu.enqueue_dma source(%dma_start3A_2390 : memref<32x128xf32, #tpu.memory_space<vmem>>) target(%dma_start3A_2387 : memref<32x128xf32, #tpu.memory_space<hbm>>) target_semaphore(%arg25 : memref<!tpu.dma_semaphore, #tpu.memory_space<semaphore_mem>>)
      } else {
      }
      %eq3A_422 = arith.constant 8 : i32
      %eq3A_423 = arith.cmpi eq, %scan3A_404, %eq3A_422 : i32
      %convert_element_type3A_424 = arith.extui %eq3A_423 : i1 to i32
      %cond3A_425 = arith.constant 0 : i32
      %cond3A_426 = arith.cmpi ne, %convert_element_type3A_424, %cond3A_425 : i32
      scf.if %cond3A_426 {
        %dma_wait3A_2371 = arith.constant 128 : i32
        %dma_wait3A_2372 = arith.constant 0 : i32
        %dma_wait3A_2373 = tpu.memref_slice %arg8[%dma_wait3A_2371, %dma_wait3A_2372] : memref<512x128xf32, #tpu.memory_space<vmem>> -> memref<32x128xf32, #tpu.memory_space<vmem>>
        %dma_wait3A_2374 = arith.constant 0 : i32
        %dma_wait3A_2375 = tpu.memref_slice %arg2[%add3A_53, %dma_wait3A_2374] : memref<16384x128xf32, #tpu.memory_space<hbm>> -> memref<32x128xf32, #tpu.memory_space<hbm>>
        %dma_wait3A_2376 = arith.constant 128 : i32
        %dma_wait3A_2377 = arith.constant 0 : i32
        %dma_wait3A_2378 = tpu.memref_slice %arg8[%dma_wait3A_2376, %dma_wait3A_2377] : memref<512x128xf32, #tpu.memory_space<vmem>> -> memref<32x128xf32, #tpu.memory_space<vmem>>
        %dma_wait3A_2379 = arith.constant 0 : i32
        %dma_wait3A_2380 = tpu.memref_slice %arg2[%add3A_53, %dma_wait3A_2379] : memref<16384x128xf32, #tpu.memory_space<hbm>> -> memref<32x128xf32, #tpu.memory_space<hbm>>
        tpu.wait_dma2 semaphore(%arg13 : memref<!tpu.dma_semaphore, #tpu.memory_space<semaphore_mem>>) src(%dma_wait3A_2380 : memref<32x128xf32, #tpu.memory_space<hbm>>) dst(%dma_wait3A_2378 : memref<32x128xf32, #tpu.memory_space<vmem>>)
        %dma_start3A_2381 = arith.constant 96 : i32
        %dma_start3A_2382 = arith.constant 0 : i32
        %dma_start3A_2383 = tpu.memref_slice %arg8[%dma_start3A_2381, %dma_start3A_2382] : memref<512x128xf32, #tpu.memory_space<vmem>> -> memref<32x128xf32, #tpu.memory_space<vmem>>
        %dma_start3A_2384 = arith.constant 0 : i32
        %dma_start3A_2385 = tpu.memref_slice %arg5[%add3A_204, %dma_start3A_2384] : memref<16384x128xf32, #tpu.memory_space<hbm>> -> memref<32x128xf32, #tpu.memory_space<hbm>>
        %dma_start3A_2386 = arith.constant 0 : i32
        %dma_start3A_2387 = tpu.memref_slice %arg5[%add3A_204, %dma_start3A_2386] : memref<16384x128xf32, #tpu.memory_space<hbm>> -> memref<32x128xf32, #tpu.memory_space<hbm>>
        %dma_start3A_2388 = arith.constant 96 : i32
        %dma_start3A_2389 = arith.constant 0 : i32
        %dma_start3A_2390 = tpu.memref_slice %arg8[%dma_start3A_2388, %dma_start3A_2389] : memref<512x128xf32, #tpu.memory_space<vmem>> -> memref<32x128xf32, #tpu.memory_space<vmem>>
        tpu.enqueue_dma source(%dma_start3A_2390 : memref<32x128xf32, #tpu.memory_space<vmem>>) target(%dma_start3A_2387 : memref<32x128xf32, #tpu.memory_space<hbm>>) target_semaphore(%arg25 : memref<!tpu.dma_semaphore, #tpu.memory_space<semaphore_mem>>)
      } else {
      }
      %eq3A_427 = arith.constant 10 : i32
      %eq3A_428 = arith.cmpi eq, %scan3A_404, %eq3A_427 : i32
      %convert_element_type3A_429 = arith.extui %eq3A_428 : i1 to i32
      %cond3A_430 = arith.constant 0 : i32
      %cond3A_431 = arith.cmpi ne, %convert_element_type3A_429, %cond3A_430 : i32
      scf.if %cond3A_431 {
        %dma_wait3A_2371 = arith.constant 160 : i32
        %dma_wait3A_2372 = arith.constant 0 : i32
        %dma_wait3A_2373 = tpu.memref_slice %arg8[%dma_wait3A_2371, %dma_wait3A_2372] : memref<512x128xf32, #tpu.memory_space<vmem>> -> memref<32x128xf32, #tpu.memory_space<vmem>>
        %dma_wait3A_2374 = arith.constant 0 : i32
        %dma_wait3A_2375 = tpu.memref_slice %arg2[%add3A_65, %dma_wait3A_2374] : memref<16384x128xf32, #tpu.memory_space<hbm>> -> memref<32x128xf32, #tpu.memory_space<hbm>>
        %dma_wait3A_2376 = arith.constant 160 : i32
        %dma_wait3A_2377 = arith.constant 0 : i32
        %dma_wait3A_2378 = tpu.memref_slice %arg8[%dma_wait3A_2376, %dma_wait3A_2377] : memref<512x128xf32, #tpu.memory_space<vmem>> -> memref<32x128xf32, #tpu.memory_space<vmem>>
        %dma_wait3A_2379 = arith.constant 0 : i32
        %dma_wait3A_2380 = tpu.memref_slice %arg2[%add3A_65, %dma_wait3A_2379] : memref<16384x128xf32, #tpu.memory_space<hbm>> -> memref<32x128xf32, #tpu.memory_space<hbm>>
        tpu.wait_dma2 semaphore(%arg14 : memref<!tpu.dma_semaphore, #tpu.memory_space<semaphore_mem>>) src(%dma_wait3A_2380 : memref<32x128xf32, #tpu.memory_space<hbm>>) dst(%dma_wait3A_2378 : memref<32x128xf32, #tpu.memory_space<vmem>>)
        %dma_start3A_2381 = arith.constant 128 : i32
        %dma_start3A_2382 = arith.constant 0 : i32
        %dma_start3A_2383 = tpu.memref_slice %arg8[%dma_start3A_2381, %dma_start3A_2382] : memref<512x128xf32, #tpu.memory_space<vmem>> -> memref<32x128xf32, #tpu.memory_space<vmem>>
        %dma_start3A_2384 = arith.constant 0 : i32
        %dma_start3A_2385 = tpu.memref_slice %arg5[%add3A_206, %dma_start3A_2384] : memref<16384x128xf32, #tpu.memory_space<hbm>> -> memref<32x128xf32, #tpu.memory_space<hbm>>
        %dma_start3A_2386 = arith.constant 0 : i32
        %dma_start3A_2387 = tpu.memref_slice %arg5[%add3A_206, %dma_start3A_2386] : memref<16384x128xf32, #tpu.memory_space<hbm>> -> memref<32x128xf32, #tpu.memory_space<hbm>>
        %dma_start3A_2388 = arith.constant 128 : i32
        %dma_start3A_2389 = arith.constant 0 : i32
        %dma_start3A_2390 = tpu.memref_slice %arg8[%dma_start3A_2388, %dma_start3A_2389] : memref<512x128xf32, #tpu.memory_space<vmem>> -> memref<32x128xf32, #tpu.memory_space<vmem>>
        tpu.enqueue_dma source(%dma_start3A_2390 : memref<32x128xf32, #tpu.memory_space<vmem>>) target(%dma_start3A_2387 : memref<32x128xf32, #tpu.memory_space<hbm>>) target_semaphore(%arg25 : memref<!tpu.dma_semaphore, #tpu.memory_space<semaphore_mem>>)
      } else {
      }
      %eq3A_432 = arith.constant 12 : i32
      %eq3A_433 = arith.cmpi eq, %scan3A_404, %eq3A_432 : i32
      %convert_element_type3A_434 = arith.extui %eq3A_433 : i1 to i32
      %cond3A_435 = arith.constant 0 : i32
      %cond3A_436 = arith.cmpi ne, %convert_element_type3A_434, %cond3A_435 : i32
      scf.if %cond3A_436 {
        %dma_wait3A_2371 = arith.constant 192 : i32
        %dma_wait3A_2372 = arith.constant 0 : i32
        %dma_wait3A_2373 = tpu.memref_slice %arg8[%dma_wait3A_2371, %dma_wait3A_2372] : memref<512x128xf32, #tpu.memory_space<vmem>> -> memref<32x128xf32, #tpu.memory_space<vmem>>
        %dma_wait3A_2374 = arith.constant 0 : i32
        %dma_wait3A_2375 = tpu.memref_slice %arg2[%add3A_77, %dma_wait3A_2374] : memref<16384x128xf32, #tpu.memory_space<hbm>> -> memref<32x128xf32, #tpu.memory_space<hbm>>
        %dma_wait3A_2376 = arith.constant 192 : i32
        %dma_wait3A_2377 = arith.constant 0 : i32
        %dma_wait3A_2378 = tpu.memref_slice %arg8[%dma_wait3A_2376, %dma_wait3A_2377] : memref<512x128xf32, #tpu.memory_space<vmem>> -> memref<32x128xf32, #tpu.memory_space<vmem>>
        %dma_wait3A_2379 = arith.constant 0 : i32
        %dma_wait3A_2380 = tpu.memref_slice %arg2[%add3A_77, %dma_wait3A_2379] : memref<16384x128xf32, #tpu.memory_space<hbm>> -> memref<32x128xf32, #tpu.memory_space<hbm>>
        tpu.wait_dma2 semaphore(%arg15 : memref<!tpu.dma_semaphore, #tpu.memory_space<semaphore_mem>>) src(%dma_wait3A_2380 : memref<32x128xf32, #tpu.memory_space<hbm>>) dst(%dma_wait3A_2378 : memref<32x128xf32, #tpu.memory_space<vmem>>)
        %dma_start3A_2381 = arith.constant 160 : i32
        %dma_start3A_2382 = arith.constant 0 : i32
        %dma_start3A_2383 = tpu.memref_slice %arg8[%dma_start3A_2381, %dma_start3A_2382] : memref<512x128xf32, #tpu.memory_space<vmem>> -> memref<32x128xf32, #tpu.memory_space<vmem>>
        %dma_start3A_2384 = arith.constant 0 : i32
        %dma_start3A_2385 = tpu.memref_slice %arg5[%add3A_208, %dma_start3A_2384] : memref<16384x128xf32, #tpu.memory_space<hbm>> -> memref<32x128xf32, #tpu.memory_space<hbm>>
        %dma_start3A_2386 = arith.constant 0 : i32
        %dma_start3A_2387 = tpu.memref_slice %arg5[%add3A_208, %dma_start3A_2386] : memref<16384x128xf32, #tpu.memory_space<hbm>> -> memref<32x128xf32, #tpu.memory_space<hbm>>
        %dma_start3A_2388 = arith.constant 160 : i32
        %dma_start3A_2389 = arith.constant 0 : i32
        %dma_start3A_2390 = tpu.memref_slice %arg8[%dma_start3A_2388, %dma_start3A_2389] : memref<512x128xf32, #tpu.memory_space<vmem>> -> memref<32x128xf32, #tpu.memory_space<vmem>>
        tpu.enqueue_dma source(%dma_start3A_2390 : memref<32x128xf32, #tpu.memory_space<vmem>>) target(%dma_start3A_2387 : memref<32x128xf32, #tpu.memory_space<hbm>>) target_semaphore(%arg25 : memref<!tpu.dma_semaphore, #tpu.memory_space<semaphore_mem>>)
      } else {
      }
      %eq3A_437 = arith.constant 14 : i32
      %eq3A_438 = arith.cmpi eq, %scan3A_404, %eq3A_437 : i32
      %convert_element_type3A_439 = arith.extui %eq3A_438 : i1 to i32
      %cond3A_440 = arith.constant 0 : i32
      %cond3A_441 = arith.cmpi ne, %convert_element_type3A_439, %cond3A_440 : i32
      scf.if %cond3A_441 {
        %dma_wait3A_2371 = arith.constant 224 : i32
        %dma_wait3A_2372 = arith.constant 0 : i32
        %dma_wait3A_2373 = tpu.memref_slice %arg8[%dma_wait3A_2371, %dma_wait3A_2372] : memref<512x128xf32, #tpu.memory_space<vmem>> -> memref<32x128xf32, #tpu.memory_space<vmem>>
        %dma_wait3A_2374 = arith.constant 0 : i32
        %dma_wait3A_2375 = tpu.memref_slice %arg2[%add3A_89, %dma_wait3A_2374] : memref<16384x128xf32, #tpu.memory_space<hbm>> -> memref<32x128xf32, #tpu.memory_space<hbm>>
        %dma_wait3A_2376 = arith.constant 224 : i32
        %dma_wait3A_2377 = arith.constant 0 : i32
        %dma_wait3A_2378 = tpu.memref_slice %arg8[%dma_wait3A_2376, %dma_wait3A_2377] : memref<512x128xf32, #tpu.memory_space<vmem>> -> memref<32x128xf32, #tpu.memory_space<vmem>>
        %dma_wait3A_2379 = arith.constant 0 : i32
        %dma_wait3A_2380 = tpu.memref_slice %arg2[%add3A_89, %dma_wait3A_2379] : memref<16384x128xf32, #tpu.memory_space<hbm>> -> memref<32x128xf32, #tpu.memory_space<hbm>>
        tpu.wait_dma2 semaphore(%arg16 : memref<!tpu.dma_semaphore, #tpu.memory_space<semaphore_mem>>) src(%dma_wait3A_2380 : memref<32x128xf32, #tpu.memory_space<hbm>>) dst(%dma_wait3A_2378 : memref<32x128xf32, #tpu.memory_space<vmem>>)
        %dma_start3A_2381 = arith.constant 192 : i32
        %dma_start3A_2382 = arith.constant 0 : i32
        %dma_start3A_2383 = tpu.memref_slice %arg8[%dma_start3A_2381, %dma_start3A_2382] : memref<512x128xf32, #tpu.memory_space<vmem>> -> memref<32x128xf32, #tpu.memory_space<vmem>>
        %dma_start3A_2384 = arith.constant 0 : i32
        %dma_start3A_2385 = tpu.memref_slice %arg5[%add3A_210, %dma_start3A_2384] : memref<16384x128xf32, #tpu.memory_space<hbm>> -> memref<32x128xf32, #tpu.memory_space<hbm>>
        %dma_start3A_2386 = arith.constant 0 : i32
        %dma_start3A_2387 = tpu.memref_slice %arg5[%add3A_210, %dma_start3A_2386] : memref<16384x128xf32, #tpu.memory_space<hbm>> -> memref<32x128xf32, #tpu.memory_space<hbm>>
        %dma_start3A_2388 = arith.constant 192 : i32
        %dma_start3A_2389 = arith.constant 0 : i32
        %dma_start3A_2390 = tpu.memref_slice %arg8[%dma_start3A_2388, %dma_start3A_2389] : memref<512x128xf32, #tpu.memory_space<vmem>> -> memref<32x128xf32, #tpu.memory_space<vmem>>
        tpu.enqueue_dma source(%dma_start3A_2390 : memref<32x128xf32, #tpu.memory_space<vmem>>) target(%dma_start3A_2387 : memref<32x128xf32, #tpu.memory_space<hbm>>) target_semaphore(%arg25 : memref<!tpu.dma_semaphore, #tpu.memory_space<semaphore_mem>>)
      } else {
      }
      %eq3A_442 = arith.constant 16 : i32
      %eq3A_443 = arith.cmpi eq, %scan3A_404, %eq3A_442 : i32
      %convert_element_type3A_444 = arith.extui %eq3A_443 : i1 to i32
      %cond3A_445 = arith.constant 0 : i32
      %cond3A_446 = arith.cmpi ne, %convert_element_type3A_444, %cond3A_445 : i32
      scf.if %cond3A_446 {
        %dma_wait3A_2371 = arith.constant 256 : i32
        %dma_wait3A_2372 = arith.constant 0 : i32
        %dma_wait3A_2373 = tpu.memref_slice %arg8[%dma_wait3A_2371, %dma_wait3A_2372] : memref<512x128xf32, #tpu.memory_space<vmem>> -> memref<32x128xf32, #tpu.memory_space<vmem>>
        %dma_wait3A_2374 = arith.constant 0 : i32
        %dma_wait3A_2375 = tpu.memref_slice %arg2[%add3A_101, %dma_wait3A_2374] : memref<16384x128xf32, #tpu.memory_space<hbm>> -> memref<32x128xf32, #tpu.memory_space<hbm>>
        %dma_wait3A_2376 = arith.constant 256 : i32
        %dma_wait3A_2377 = arith.constant 0 : i32
        %dma_wait3A_2378 = tpu.memref_slice %arg8[%dma_wait3A_2376, %dma_wait3A_2377] : memref<512x128xf32, #tpu.memory_space<vmem>> -> memref<32x128xf32, #tpu.memory_space<vmem>>
        %dma_wait3A_2379 = arith.constant 0 : i32
        %dma_wait3A_2380 = tpu.memref_slice %arg2[%add3A_101, %dma_wait3A_2379] : memref<16384x128xf32, #tpu.memory_space<hbm>> -> memref<32x128xf32, #tpu.memory_space<hbm>>
        tpu.wait_dma2 semaphore(%arg17 : memref<!tpu.dma_semaphore, #tpu.memory_space<semaphore_mem>>) src(%dma_wait3A_2380 : memref<32x128xf32, #tpu.memory_space<hbm>>) dst(%dma_wait3A_2378 : memref<32x128xf32, #tpu.memory_space<vmem>>)
        %dma_start3A_2381 = arith.constant 224 : i32
        %dma_start3A_2382 = arith.constant 0 : i32
        %dma_start3A_2383 = tpu.memref_slice %arg8[%dma_start3A_2381, %dma_start3A_2382] : memref<512x128xf32, #tpu.memory_space<vmem>> -> memref<32x128xf32, #tpu.memory_space<vmem>>
        %dma_start3A_2384 = arith.constant 0 : i32
        %dma_start3A_2385 = tpu.memref_slice %arg5[%add3A_212, %dma_start3A_2384] : memref<16384x128xf32, #tpu.memory_space<hbm>> -> memref<32x128xf32, #tpu.memory_space<hbm>>
        %dma_start3A_2386 = arith.constant 0 : i32
        %dma_start3A_2387 = tpu.memref_slice %arg5[%add3A_212, %dma_start3A_2386] : memref<16384x128xf32, #tpu.memory_space<hbm>> -> memref<32x128xf32, #tpu.memory_space<hbm>>
        %dma_start3A_2388 = arith.constant 224 : i32
        %dma_start3A_2389 = arith.constant 0 : i32
        %dma_start3A_2390 = tpu.memref_slice %arg8[%dma_start3A_2388, %dma_start3A_2389] : memref<512x128xf32, #tpu.memory_space<vmem>> -> memref<32x128xf32, #tpu.memory_space<vmem>>
        tpu.enqueue_dma source(%dma_start3A_2390 : memref<32x128xf32, #tpu.memory_space<vmem>>) target(%dma_start3A_2387 : memref<32x128xf32, #tpu.memory_space<hbm>>) target_semaphore(%arg25 : memref<!tpu.dma_semaphore, #tpu.memory_space<semaphore_mem>>)
      } else {
      }
      %eq3A_447 = arith.constant 18 : i32
      %eq3A_448 = arith.cmpi eq, %scan3A_404, %eq3A_447 : i32
      %convert_element_type3A_449 = arith.extui %eq3A_448 : i1 to i32
      %cond3A_450 = arith.constant 0 : i32
      %cond3A_451 = arith.cmpi ne, %convert_element_type3A_449, %cond3A_450 : i32
      scf.if %cond3A_451 {
        %dma_wait3A_2371 = arith.constant 288 : i32
        %dma_wait3A_2372 = arith.constant 0 : i32
        %dma_wait3A_2373 = tpu.memref_slice %arg8[%dma_wait3A_2371, %dma_wait3A_2372] : memref<512x128xf32, #tpu.memory_space<vmem>> -> memref<32x128xf32, #tpu.memory_space<vmem>>
        %dma_wait3A_2374 = arith.constant 0 : i32
        %dma_wait3A_2375 = tpu.memref_slice %arg2[%add3A_113, %dma_wait3A_2374] : memref<16384x128xf32, #tpu.memory_space<hbm>> -> memref<32x128xf32, #tpu.memory_space<hbm>>
        %dma_wait3A_2376 = arith.constant 288 : i32
        %dma_wait3A_2377 = arith.constant 0 : i32
        %dma_wait3A_2378 = tpu.memref_slice %arg8[%dma_wait3A_2376, %dma_wait3A_2377] : memref<512x128xf32, #tpu.memory_space<vmem>> -> memref<32x128xf32, #tpu.memory_space<vmem>>
        %dma_wait3A_2379 = arith.constant 0 : i32
        %dma_wait3A_2380 = tpu.memref_slice %arg2[%add3A_113, %dma_wait3A_2379] : memref<16384x128xf32, #tpu.memory_space<hbm>> -> memref<32x128xf32, #tpu.memory_space<hbm>>
        tpu.wait_dma2 semaphore(%arg18 : memref<!tpu.dma_semaphore, #tpu.memory_space<semaphore_mem>>) src(%dma_wait3A_2380 : memref<32x128xf32, #tpu.memory_space<hbm>>) dst(%dma_wait3A_2378 : memref<32x128xf32, #tpu.memory_space<vmem>>)
        %dma_start3A_2381 = arith.constant 256 : i32
        %dma_start3A_2382 = arith.constant 0 : i32
        %dma_start3A_2383 = tpu.memref_slice %arg8[%dma_start3A_2381, %dma_start3A_2382] : memref<512x128xf32, #tpu.memory_space<vmem>> -> memref<32x128xf32, #tpu.memory_space<vmem>>
        %dma_start3A_2384 = arith.constant 0 : i32
        %dma_start3A_2385 = tpu.memref_slice %arg5[%add3A_214, %dma_start3A_2384] : memref<16384x128xf32, #tpu.memory_space<hbm>> -> memref<32x128xf32, #tpu.memory_space<hbm>>
        %dma_start3A_2386 = arith.constant 0 : i32
        %dma_start3A_2387 = tpu.memref_slice %arg5[%add3A_214, %dma_start3A_2386] : memref<16384x128xf32, #tpu.memory_space<hbm>> -> memref<32x128xf32, #tpu.memory_space<hbm>>
        %dma_start3A_2388 = arith.constant 256 : i32
        %dma_start3A_2389 = arith.constant 0 : i32
        %dma_start3A_2390 = tpu.memref_slice %arg8[%dma_start3A_2388, %dma_start3A_2389] : memref<512x128xf32, #tpu.memory_space<vmem>> -> memref<32x128xf32, #tpu.memory_space<vmem>>
        tpu.enqueue_dma source(%dma_start3A_2390 : memref<32x128xf32, #tpu.memory_space<vmem>>) target(%dma_start3A_2387 : memref<32x128xf32, #tpu.memory_space<hbm>>) target_semaphore(%arg25 : memref<!tpu.dma_semaphore, #tpu.memory_space<semaphore_mem>>)
      } else {
      }
      %eq3A_452 = arith.constant 20 : i32
      %eq3A_453 = arith.cmpi eq, %scan3A_404, %eq3A_452 : i32
      %convert_element_type3A_454 = arith.extui %eq3A_453 : i1 to i32
      %cond3A_455 = arith.constant 0 : i32
      %cond3A_456 = arith.cmpi ne, %convert_element_type3A_454, %cond3A_455 : i32
      scf.if %cond3A_456 {
        %dma_wait3A_2371 = arith.constant 320 : i32
        %dma_wait3A_2372 = arith.constant 0 : i32
        %dma_wait3A_2373 = tpu.memref_slice %arg8[%dma_wait3A_2371, %dma_wait3A_2372] : memref<512x128xf32, #tpu.memory_space<vmem>> -> memref<32x128xf32, #tpu.memory_space<vmem>>
        %dma_wait3A_2374 = arith.constant 0 : i32
        %dma_wait3A_2375 = tpu.memref_slice %arg2[%add3A_125, %dma_wait3A_2374] : memref<16384x128xf32, #tpu.memory_space<hbm>> -> memref<32x128xf32, #tpu.memory_space<hbm>>
        %dma_wait3A_2376 = arith.constant 320 : i32
        %dma_wait3A_2377 = arith.constant 0 : i32
        %dma_wait3A_2378 = tpu.memref_slice %arg8[%dma_wait3A_2376, %dma_wait3A_2377] : memref<512x128xf32, #tpu.memory_space<vmem>> -> memref<32x128xf32, #tpu.memory_space<vmem>>
        %dma_wait3A_2379 = arith.constant 0 : i32
        %dma_wait3A_2380 = tpu.memref_slice %arg2[%add3A_125, %dma_wait3A_2379] : memref<16384x128xf32, #tpu.memory_space<hbm>> -> memref<32x128xf32, #tpu.memory_space<hbm>>
        tpu.wait_dma2 semaphore(%arg19 : memref<!tpu.dma_semaphore, #tpu.memory_space<semaphore_mem>>) src(%dma_wait3A_2380 : memref<32x128xf32, #tpu.memory_space<hbm>>) dst(%dma_wait3A_2378 : memref<32x128xf32, #tpu.memory_space<vmem>>)
        %dma_start3A_2381 = arith.constant 288 : i32
        %dma_start3A_2382 = arith.constant 0 : i32
        %dma_start3A_2383 = tpu.memref_slice %arg8[%dma_start3A_2381, %dma_start3A_2382] : memref<512x128xf32, #tpu.memory_space<vmem>> -> memref<32x128xf32, #tpu.memory_space<vmem>>
        %dma_start3A_2384 = arith.constant 0 : i32
        %dma_start3A_2385 = tpu.memref_slice %arg5[%add3A_216, %dma_start3A_2384] : memref<16384x128xf32, #tpu.memory_space<hbm>> -> memref<32x128xf32, #tpu.memory_space<hbm>>
        %dma_start3A_2386 = arith.constant 0 : i32
        %dma_start3A_2387 = tpu.memref_slice %arg5[%add3A_216, %dma_start3A_2386] : memref<16384x128xf32, #tpu.memory_space<hbm>> -> memref<32x128xf32, #tpu.memory_space<hbm>>
        %dma_start3A_2388 = arith.constant 288 : i32
        %dma_start3A_2389 = arith.constant 0 : i32
        %dma_start3A_2390 = tpu.memref_slice %arg8[%dma_start3A_2388, %dma_start3A_2389] : memref<512x128xf32, #tpu.memory_space<vmem>> -> memref<32x128xf32, #tpu.memory_space<vmem>>
        tpu.enqueue_dma source(%dma_start3A_2390 : memref<32x128xf32, #tpu.memory_space<vmem>>) target(%dma_start3A_2387 : memref<32x128xf32, #tpu.memory_space<hbm>>) target_semaphore(%arg25 : memref<!tpu.dma_semaphore, #tpu.memory_space<semaphore_mem>>)
      } else {
      }
      %eq3A_457 = arith.constant 22 : i32
      %eq3A_458 = arith.cmpi eq, %scan3A_404, %eq3A_457 : i32
      %convert_element_type3A_459 = arith.extui %eq3A_458 : i1 to i32
      %cond3A_460 = arith.constant 0 : i32
      %cond3A_461 = arith.cmpi ne, %convert_element_type3A_459, %cond3A_460 : i32
      scf.if %cond3A_461 {
        %dma_wait3A_2371 = arith.constant 352 : i32
        %dma_wait3A_2372 = arith.constant 0 : i32
        %dma_wait3A_2373 = tpu.memref_slice %arg8[%dma_wait3A_2371, %dma_wait3A_2372] : memref<512x128xf32, #tpu.memory_space<vmem>> -> memref<32x128xf32, #tpu.memory_space<vmem>>
        %dma_wait3A_2374 = arith.constant 0 : i32
        %dma_wait3A_2375 = tpu.memref_slice %arg2[%add3A_137, %dma_wait3A_2374] : memref<16384x128xf32, #tpu.memory_space<hbm>> -> memref<32x128xf32, #tpu.memory_space<hbm>>
        %dma_wait3A_2376 = arith.constant 352 : i32
        %dma_wait3A_2377 = arith.constant 0 : i32
        %dma_wait3A_2378 = tpu.memref_slice %arg8[%dma_wait3A_2376, %dma_wait3A_2377] : memref<512x128xf32, #tpu.memory_space<vmem>> -> memref<32x128xf32, #tpu.memory_space<vmem>>
        %dma_wait3A_2379 = arith.constant 0 : i32
        %dma_wait3A_2380 = tpu.memref_slice %arg2[%add3A_137, %dma_wait3A_2379] : memref<16384x128xf32, #tpu.memory_space<hbm>> -> memref<32x128xf32, #tpu.memory_space<hbm>>
        tpu.wait_dma2 semaphore(%arg20 : memref<!tpu.dma_semaphore, #tpu.memory_space<semaphore_mem>>) src(%dma_wait3A_2380 : memref<32x128xf32, #tpu.memory_space<hbm>>) dst(%dma_wait3A_2378 : memref<32x128xf32, #tpu.memory_space<vmem>>)
        %dma_start3A_2381 = arith.constant 320 : i32
        %dma_start3A_2382 = arith.constant 0 : i32
        %dma_start3A_2383 = tpu.memref_slice %arg8[%dma_start3A_2381, %dma_start3A_2382] : memref<512x128xf32, #tpu.memory_space<vmem>> -> memref<32x128xf32, #tpu.memory_space<vmem>>
        %dma_start3A_2384 = arith.constant 0 : i32
        %dma_start3A_2385 = tpu.memref_slice %arg5[%add3A_218, %dma_start3A_2384] : memref<16384x128xf32, #tpu.memory_space<hbm>> -> memref<32x128xf32, #tpu.memory_space<hbm>>
        %dma_start3A_2386 = arith.constant 0 : i32
        %dma_start3A_2387 = tpu.memref_slice %arg5[%add3A_218, %dma_start3A_2386] : memref<16384x128xf32, #tpu.memory_space<hbm>> -> memref<32x128xf32, #tpu.memory_space<hbm>>
        %dma_start3A_2388 = arith.constant 320 : i32
        %dma_start3A_2389 = arith.constant 0 : i32
        %dma_start3A_2390 = tpu.memref_slice %arg8[%dma_start3A_2388, %dma_start3A_2389] : memref<512x128xf32, #tpu.memory_space<vmem>> -> memref<32x128xf32, #tpu.memory_space<vmem>>
        tpu.enqueue_dma source(%dma_start3A_2390 : memref<32x128xf32, #tpu.memory_space<vmem>>) target(%dma_start3A_2387 : memref<32x128xf32, #tpu.memory_space<hbm>>) target_semaphore(%arg25 : memref<!tpu.dma_semaphore, #tpu.memory_space<semaphore_mem>>)
      } else {
      }
      %eq3A_462 = arith.constant 24 : i32
      %eq3A_463 = arith.cmpi eq, %scan3A_404, %eq3A_462 : i32
      %convert_element_type3A_464 = arith.extui %eq3A_463 : i1 to i32
      %cond3A_465 = arith.constant 0 : i32
      %cond3A_466 = arith.cmpi ne, %convert_element_type3A_464, %cond3A_465 : i32
      scf.if %cond3A_466 {
        %dma_wait3A_2371 = arith.constant 384 : i32
        %dma_wait3A_2372 = arith.constant 0 : i32
        %dma_wait3A_2373 = tpu.memref_slice %arg8[%dma_wait3A_2371, %dma_wait3A_2372] : memref<512x128xf32, #tpu.memory_space<vmem>> -> memref<32x128xf32, #tpu.memory_space<vmem>>
        %dma_wait3A_2374 = arith.constant 0 : i32
        %dma_wait3A_2375 = tpu.memref_slice %arg2[%add3A_149, %dma_wait3A_2374] : memref<16384x128xf32, #tpu.memory_space<hbm>> -> memref<32x128xf32, #tpu.memory_space<hbm>>
        %dma_wait3A_2376 = arith.constant 384 : i32
        %dma_wait3A_2377 = arith.constant 0 : i32
        %dma_wait3A_2378 = tpu.memref_slice %arg8[%dma_wait3A_2376, %dma_wait3A_2377] : memref<512x128xf32, #tpu.memory_space<vmem>> -> memref<32x128xf32, #tpu.memory_space<vmem>>
        %dma_wait3A_2379 = arith.constant 0 : i32
        %dma_wait3A_2380 = tpu.memref_slice %arg2[%add3A_149, %dma_wait3A_2379] : memref<16384x128xf32, #tpu.memory_space<hbm>> -> memref<32x128xf32, #tpu.memory_space<hbm>>
        tpu.wait_dma2 semaphore(%arg21 : memref<!tpu.dma_semaphore, #tpu.memory_space<semaphore_mem>>) src(%dma_wait3A_2380 : memref<32x128xf32, #tpu.memory_space<hbm>>) dst(%dma_wait3A_2378 : memref<32x128xf32, #tpu.memory_space<vmem>>)
        %dma_start3A_2381 = arith.constant 352 : i32
        %dma_start3A_2382 = arith.constant 0 : i32
        %dma_start3A_2383 = tpu.memref_slice %arg8[%dma_start3A_2381, %dma_start3A_2382] : memref<512x128xf32, #tpu.memory_space<vmem>> -> memref<32x128xf32, #tpu.memory_space<vmem>>
        %dma_start3A_2384 = arith.constant 0 : i32
        %dma_start3A_2385 = tpu.memref_slice %arg5[%add3A_220, %dma_start3A_2384] : memref<16384x128xf32, #tpu.memory_space<hbm>> -> memref<32x128xf32, #tpu.memory_space<hbm>>
        %dma_start3A_2386 = arith.constant 0 : i32
        %dma_start3A_2387 = tpu.memref_slice %arg5[%add3A_220, %dma_start3A_2386] : memref<16384x128xf32, #tpu.memory_space<hbm>> -> memref<32x128xf32, #tpu.memory_space<hbm>>
        %dma_start3A_2388 = arith.constant 352 : i32
        %dma_start3A_2389 = arith.constant 0 : i32
        %dma_start3A_2390 = tpu.memref_slice %arg8[%dma_start3A_2388, %dma_start3A_2389] : memref<512x128xf32, #tpu.memory_space<vmem>> -> memref<32x128xf32, #tpu.memory_space<vmem>>
        tpu.enqueue_dma source(%dma_start3A_2390 : memref<32x128xf32, #tpu.memory_space<vmem>>) target(%dma_start3A_2387 : memref<32x128xf32, #tpu.memory_space<hbm>>) target_semaphore(%arg25 : memref<!tpu.dma_semaphore, #tpu.memory_space<semaphore_mem>>)
      } else {
      }
      %eq3A_467 = arith.constant 26 : i32
      %eq3A_468 = arith.cmpi eq, %scan3A_404, %eq3A_467 : i32
      %convert_element_type3A_469 = arith.extui %eq3A_468 : i1 to i32
      %cond3A_470 = arith.constant 0 : i32
      %cond3A_471 = arith.cmpi ne, %convert_element_type3A_469, %cond3A_470 : i32
      scf.if %cond3A_471 {
        %dma_wait3A_2371 = arith.constant 416 : i32
        %dma_wait3A_2372 = arith.constant 0 : i32
        %dma_wait3A_2373 = tpu.memref_slice %arg8[%dma_wait3A_2371, %dma_wait3A_2372] : memref<512x128xf32, #tpu.memory_space<vmem>> -> memref<32x128xf32, #tpu.memory_space<vmem>>
        %dma_wait3A_2374 = arith.constant 0 : i32
        %dma_wait3A_2375 = tpu.memref_slice %arg2[%add3A_161, %dma_wait3A_2374] : memref<16384x128xf32, #tpu.memory_space<hbm>> -> memref<32x128xf32, #tpu.memory_space<hbm>>
        %dma_wait3A_2376 = arith.constant 416 : i32
        %dma_wait3A_2377 = arith.constant 0 : i32
        %dma_wait3A_2378 = tpu.memref_slice %arg8[%dma_wait3A_2376, %dma_wait3A_2377] : memref<512x128xf32, #tpu.memory_space<vmem>> -> memref<32x128xf32, #tpu.memory_space<vmem>>
        %dma_wait3A_2379 = arith.constant 0 : i32
        %dma_wait3A_2380 = tpu.memref_slice %arg2[%add3A_161, %dma_wait3A_2379] : memref<16384x128xf32, #tpu.memory_space<hbm>> -> memref<32x128xf32, #tpu.memory_space<hbm>>
        tpu.wait_dma2 semaphore(%arg22 : memref<!tpu.dma_semaphore, #tpu.memory_space<semaphore_mem>>) src(%dma_wait3A_2380 : memref<32x128xf32, #tpu.memory_space<hbm>>) dst(%dma_wait3A_2378 : memref<32x128xf32, #tpu.memory_space<vmem>>)
        %dma_start3A_2381 = arith.constant 384 : i32
        %dma_start3A_2382 = arith.constant 0 : i32
        %dma_start3A_2383 = tpu.memref_slice %arg8[%dma_start3A_2381, %dma_start3A_2382] : memref<512x128xf32, #tpu.memory_space<vmem>> -> memref<32x128xf32, #tpu.memory_space<vmem>>
        %dma_start3A_2384 = arith.constant 0 : i32
        %dma_start3A_2385 = tpu.memref_slice %arg5[%add3A_222, %dma_start3A_2384] : memref<16384x128xf32, #tpu.memory_space<hbm>> -> memref<32x128xf32, #tpu.memory_space<hbm>>
        %dma_start3A_2386 = arith.constant 0 : i32
        %dma_start3A_2387 = tpu.memref_slice %arg5[%add3A_222, %dma_start3A_2386] : memref<16384x128xf32, #tpu.memory_space<hbm>> -> memref<32x128xf32, #tpu.memory_space<hbm>>
        %dma_start3A_2388 = arith.constant 384 : i32
        %dma_start3A_2389 = arith.constant 0 : i32
        %dma_start3A_2390 = tpu.memref_slice %arg8[%dma_start3A_2388, %dma_start3A_2389] : memref<512x128xf32, #tpu.memory_space<vmem>> -> memref<32x128xf32, #tpu.memory_space<vmem>>
        tpu.enqueue_dma source(%dma_start3A_2390 : memref<32x128xf32, #tpu.memory_space<vmem>>) target(%dma_start3A_2387 : memref<32x128xf32, #tpu.memory_space<hbm>>) target_semaphore(%arg25 : memref<!tpu.dma_semaphore, #tpu.memory_space<semaphore_mem>>)
      } else {
      }
      %eq3A_472 = arith.constant 28 : i32
      %eq3A_473 = arith.cmpi eq, %scan3A_404, %eq3A_472 : i32
      %convert_element_type3A_474 = arith.extui %eq3A_473 : i1 to i32
      %cond3A_475 = arith.constant 0 : i32
      %cond3A_476 = arith.cmpi ne, %convert_element_type3A_474, %cond3A_475 : i32
      scf.if %cond3A_476 {
        %dma_wait3A_2371 = arith.constant 448 : i32
        %dma_wait3A_2372 = arith.constant 0 : i32
        %dma_wait3A_2373 = tpu.memref_slice %arg8[%dma_wait3A_2371, %dma_wait3A_2372] : memref<512x128xf32, #tpu.memory_space<vmem>> -> memref<32x128xf32, #tpu.memory_space<vmem>>
        %dma_wait3A_2374 = arith.constant 0 : i32
        %dma_wait3A_2375 = tpu.memref_slice %arg2[%add3A_173, %dma_wait3A_2374] : memref<16384x128xf32, #tpu.memory_space<hbm>> -> memref<32x128xf32, #tpu.memory_space<hbm>>
        %dma_wait3A_2376 = arith.constant 448 : i32
        %dma_wait3A_2377 = arith.constant 0 : i32
        %dma_wait3A_2378 = tpu.memref_slice %arg8[%dma_wait3A_2376, %dma_wait3A_2377] : memref<512x128xf32, #tpu.memory_space<vmem>> -> memref<32x128xf32, #tpu.memory_space<vmem>>
        %dma_wait3A_2379 = arith.constant 0 : i32
        %dma_wait3A_2380 = tpu.memref_slice %arg2[%add3A_173, %dma_wait3A_2379] : memref<16384x128xf32, #tpu.memory_space<hbm>> -> memref<32x128xf32, #tpu.memory_space<hbm>>
        tpu.wait_dma2 semaphore(%arg23 : memref<!tpu.dma_semaphore, #tpu.memory_space<semaphore_mem>>) src(%dma_wait3A_2380 : memref<32x128xf32, #tpu.memory_space<hbm>>) dst(%dma_wait3A_2378 : memref<32x128xf32, #tpu.memory_space<vmem>>)
        %dma_start3A_2381 = arith.constant 416 : i32
        %dma_start3A_2382 = arith.constant 0 : i32
        %dma_start3A_2383 = tpu.memref_slice %arg8[%dma_start3A_2381, %dma_start3A_2382] : memref<512x128xf32, #tpu.memory_space<vmem>> -> memref<32x128xf32, #tpu.memory_space<vmem>>
        %dma_start3A_2384 = arith.constant 0 : i32
        %dma_start3A_2385 = tpu.memref_slice %arg5[%add3A_224, %dma_start3A_2384] : memref<16384x128xf32, #tpu.memory_space<hbm>> -> memref<32x128xf32, #tpu.memory_space<hbm>>
        %dma_start3A_2386 = arith.constant 0 : i32
        %dma_start3A_2387 = tpu.memref_slice %arg5[%add3A_224, %dma_start3A_2386] : memref<16384x128xf32, #tpu.memory_space<hbm>> -> memref<32x128xf32, #tpu.memory_space<hbm>>
        %dma_start3A_2388 = arith.constant 416 : i32
        %dma_start3A_2389 = arith.constant 0 : i32
        %dma_start3A_2390 = tpu.memref_slice %arg8[%dma_start3A_2388, %dma_start3A_2389] : memref<512x128xf32, #tpu.memory_space<vmem>> -> memref<32x128xf32, #tpu.memory_space<vmem>>
        tpu.enqueue_dma source(%dma_start3A_2390 : memref<32x128xf32, #tpu.memory_space<vmem>>) target(%dma_start3A_2387 : memref<32x128xf32, #tpu.memory_space<hbm>>) target_semaphore(%arg25 : memref<!tpu.dma_semaphore, #tpu.memory_space<semaphore_mem>>)
      } else {
      }
      %eq3A_477 = arith.constant 30 : i32
      %eq3A_478 = arith.cmpi eq, %scan3A_404, %eq3A_477 : i32
      %convert_element_type3A_479 = arith.extui %eq3A_478 : i1 to i32
      %cond3A_480 = arith.constant 0 : i32
      %cond3A_481 = arith.cmpi ne, %convert_element_type3A_479, %cond3A_480 : i32
      scf.if %cond3A_481 {
        %dma_wait3A_2371 = arith.constant 480 : i32
        %dma_wait3A_2372 = arith.constant 0 : i32
        %dma_wait3A_2373 = tpu.memref_slice %arg8[%dma_wait3A_2371, %dma_wait3A_2372] : memref<512x128xf32, #tpu.memory_space<vmem>> -> memref<32x128xf32, #tpu.memory_space<vmem>>
        %dma_wait3A_2374 = arith.constant 0 : i32
        %dma_wait3A_2375 = tpu.memref_slice %arg2[%add3A_185, %dma_wait3A_2374] : memref<16384x128xf32, #tpu.memory_space<hbm>> -> memref<32x128xf32, #tpu.memory_space<hbm>>
        %dma_wait3A_2376 = arith.constant 480 : i32
        %dma_wait3A_2377 = arith.constant 0 : i32
        %dma_wait3A_2378 = tpu.memref_slice %arg8[%dma_wait3A_2376, %dma_wait3A_2377] : memref<512x128xf32, #tpu.memory_space<vmem>> -> memref<32x128xf32, #tpu.memory_space<vmem>>
        %dma_wait3A_2379 = arith.constant 0 : i32
        %dma_wait3A_2380 = tpu.memref_slice %arg2[%add3A_185, %dma_wait3A_2379] : memref<16384x128xf32, #tpu.memory_space<hbm>> -> memref<32x128xf32, #tpu.memory_space<hbm>>
        tpu.wait_dma2 semaphore(%arg24 : memref<!tpu.dma_semaphore, #tpu.memory_space<semaphore_mem>>) src(%dma_wait3A_2380 : memref<32x128xf32, #tpu.memory_space<hbm>>) dst(%dma_wait3A_2378 : memref<32x128xf32, #tpu.memory_space<vmem>>)
        %dma_start3A_2381 = arith.constant 448 : i32
        %dma_start3A_2382 = arith.constant 0 : i32
        %dma_start3A_2383 = tpu.memref_slice %arg8[%dma_start3A_2381, %dma_start3A_2382] : memref<512x128xf32, #tpu.memory_space<vmem>> -> memref<32x128xf32, #tpu.memory_space<vmem>>
        %dma_start3A_2384 = arith.constant 0 : i32
        %dma_start3A_2385 = tpu.memref_slice %arg5[%add3A_226, %dma_start3A_2384] : memref<16384x128xf32, #tpu.memory_space<hbm>> -> memref<32x128xf32, #tpu.memory_space<hbm>>
        %dma_start3A_2386 = arith.constant 0 : i32
        %dma_start3A_2387 = tpu.memref_slice %arg5[%add3A_226, %dma_start3A_2386] : memref<16384x128xf32, #tpu.memory_space<hbm>> -> memref<32x128xf32, #tpu.memory_space<hbm>>
        %dma_start3A_2388 = arith.constant 448 : i32
        %dma_start3A_2389 = arith.constant 0 : i32
        %dma_start3A_2390 = tpu.memref_slice %arg8[%dma_start3A_2388, %dma_start3A_2389] : memref<512x128xf32, #tpu.memory_space<vmem>> -> memref<32x128xf32, #tpu.memory_space<vmem>>
        tpu.enqueue_dma source(%dma_start3A_2390 : memref<32x128xf32, #tpu.memory_space<vmem>>) target(%dma_start3A_2387 : memref<32x128xf32, #tpu.memory_space<hbm>>) target_semaphore(%arg25 : memref<!tpu.dma_semaphore, #tpu.memory_space<semaphore_mem>>)
      } else {
      }
      %mul3A_482 = arith.constant 16 : i32
      %mul3A_483 = arith.muli %scan3A_404, %mul3A_482 : i32
      %get3A = arith.index_cast %mul3A_483 : i32 to index
      %get3A_484 = tpu.vector_load %arg6[%get3A] {strides = array<i32>} : memref<512xi32, #tpu.memory_space<vmem>>, vector<16xi32>,
      %get3A_485 = vector.shape_cast %get3A_484 : vector<16xi32> to vector<16xi32>
      %mul3A_486 = arith.constant 16 : i32
      %mul3A_487 = arith.muli %scan3A_404, %mul3A_486 : i32
      %add3A_488 = arith.constant 0 : i32
      %add3A_489 = arith.addi %mul3A_487, %add3A_488 : i32
      %slice3A = vector.extract_strided_slice %get3A_485 {offsets = [0], sizes = [1], strides = [1]} : vector<16xi32> to vector<1xi32>
      %squeeze3A = vector.extract %slice3A[0] : i32 from vector<1xi32>
      %get3A_490 = arith.index_cast %add3A_489 : i32 to index
      %get3A_491 = arith.constant 0 : index
      %get3A_492 = tpu.vector_load %arg8[%get3A_490, %get3A_491] {strides = array<i32>} : memref<512x128xf32, #tpu.memory_space<vmem>>, vector<1x16xf32>,
      %get3A_493 = vector.shape_cast %get3A_492 : vector<1x16xf32> to vector<16xf32>
      %get3A_494 = arith.index_cast %squeeze3A : i32 to index
      %get3A_495 = arith.constant 0 : index
      %get3A_496 = tpu.vector_load %arg7[%get3A_494, %get3A_495] {strides = array<i32>} : memref<8x128xf32, #tpu.memory_space<vmem>>, vector<1x16xf32>,
      %get3A_497 = vector.shape_cast %get3A_496 : vector<1x16xf32> to vector<16xf32>
      %mul3A_498 = arith.mulf %get3A_493, %get3A_497 : vector<16xf32>
      %get3A_499 = arith.index_cast %add3A_489 : i32 to index
      %get3A_500 = arith.constant 16 : index
      %get3A_501 = tpu.vector_load %arg8[%get3A_499, %get3A_500] {strides = array<i32>} : memref<512x128xf32, #tpu.memory_space<vmem>>, vector<1x16xf32>,
      %get3A_502 = vector.shape_cast %get3A_501 : vector<1x16xf32> to vector<16xf32>
      %get3A_503 = arith.index_cast %squeeze3A : i32 to index
      %get3A_504 = arith.constant 16 : index
      %get3A_505 = tpu.vector_load %arg7[%get3A_503, %get3A_504] {strides = array<i32>} : memref<8x128xf32, #tpu.memory_space<vmem>>, vector<1x16xf32>,
      %get3A_506 = vector.shape_cast %get3A_505 : vector<1x16xf32> to vector<16xf32>
      %mul3A_507 = arith.mulf %get3A_502, %get3A_506 : vector<16xf32>
      %get3A_508 = arith.index_cast %add3A_489 : i32 to index
      %get3A_509 = arith.constant 32 : index
      %get3A_510 = tpu.vector_load %arg8[%get3A_508, %get3A_509] {strides = array<i32>} : memref<512x128xf32, #tpu.memory_space<vmem>>, vector<1x16xf32>,
      %get3A_511 = vector.shape_cast %get3A_510 : vector<1x16xf32> to vector<16xf32>
      %get3A_512 = arith.index_cast %squeeze3A : i32 to index
      %get3A_513 = arith.constant 32 : index
      %get3A_514 = tpu.vector_load %arg7[%get3A_512, %get3A_513] {strides = array<i32>} : memref<8x128xf32, #tpu.memory_space<vmem>>, vector<1x16xf32>,
      %get3A_515 = vector.shape_cast %get3A_514 : vector<1x16xf32> to vector<16xf32>
      %mul3A_516 = arith.mulf %get3A_511, %get3A_515 : vector<16xf32>
      %get3A_517 = arith.index_cast %add3A_489 : i32 to index
      %get3A_518 = arith.constant 48 : index
      %get3A_519 = tpu.vector_load %arg8[%get3A_517, %get3A_518] {strides = array<i32>} : memref<512x128xf32, #tpu.memory_space<vmem>>, vector<1x16xf32>,
      %get3A_520 = vector.shape_cast %get3A_519 : vector<1x16xf32> to vector<16xf32>
      %get3A_521 = arith.index_cast %squeeze3A : i32 to index
      %get3A_522 = arith.constant 48 : index
      %get3A_523 = tpu.vector_load %arg7[%get3A_521, %get3A_522] {strides = array<i32>} : memref<8x128xf32, #tpu.memory_space<vmem>>, vector<1x16xf32>,
      %get3A_524 = vector.shape_cast %get3A_523 : vector<1x16xf32> to vector<16xf32>
      %mul3A_525 = arith.mulf %get3A_520, %get3A_524 : vector<16xf32>
      %get3A_526 = arith.index_cast %add3A_489 : i32 to index
      %get3A_527 = arith.constant 64 : index
      %get3A_528 = tpu.vector_load %arg8[%get3A_526, %get3A_527] {strides = array<i32>} : memref<512x128xf32, #tpu.memory_space<vmem>>, vector<1x16xf32>,
      %get3A_529 = vector.shape_cast %get3A_528 : vector<1x16xf32> to vector<16xf32>
      %get3A_530 = arith.index_cast %squeeze3A : i32 to index
      %get3A_531 = arith.constant 64 : index
      %get3A_532 = tpu.vector_load %arg7[%get3A_530, %get3A_531] {strides = array<i32>} : memref<8x128xf32, #tpu.memory_space<vmem>>, vector<1x16xf32>,
      %get3A_533 = vector.shape_cast %get3A_532 : vector<1x16xf32> to vector<16xf32>
      %mul3A_534 = arith.mulf %get3A_529, %get3A_533 : vector<16xf32>
      %get3A_535 = arith.index_cast %add3A_489 : i32 to index
      %get3A_536 = arith.constant 80 : index
      %get3A_537 = tpu.vector_load %arg8[%get3A_535, %get3A_536] {strides = array<i32>} : memref<512x128xf32, #tpu.memory_space<vmem>>, vector<1x16xf32>,
      %get3A_538 = vector.shape_cast %get3A_537 : vector<1x16xf32> to vector<16xf32>
      %get3A_539 = arith.index_cast %squeeze3A : i32 to index
      %get3A_540 = arith.constant 80 : index
      %get3A_541 = tpu.vector_load %arg7[%get3A_539, %get3A_540] {strides = array<i32>} : memref<8x128xf32, #tpu.memory_space<vmem>>, vector<1x16xf32>,
      %get3A_542 = vector.shape_cast %get3A_541 : vector<1x16xf32> to vector<16xf32>
      %mul3A_543 = arith.mulf %get3A_538, %get3A_542 : vector<16xf32>
      %get3A_544 = arith.index_cast %add3A_489 : i32 to index
      %get3A_545 = arith.constant 96 : index
      %get3A_546 = tpu.vector_load %arg8[%get3A_544, %get3A_545] {strides = array<i32>} : memref<512x128xf32, #tpu.memory_space<vmem>>, vector<1x16xf32>,
      %get3A_547 = vector.shape_cast %get3A_546 : vector<1x16xf32> to vector<16xf32>
      %get3A_548 = arith.index_cast %squeeze3A : i32 to index
      %get3A_549 = arith.constant 96 : index
      %get3A_550 = tpu.vector_load %arg7[%get3A_548, %get3A_549] {strides = array<i32>} : memref<8x128xf32, #tpu.memory_space<vmem>>, vector<1x16xf32>,
      %get3A_551 = vector.shape_cast %get3A_550 : vector<1x16xf32> to vector<16xf32>
      %mul3A_552 = arith.mulf %get3A_547, %get3A_551 : vector<16xf32>
      %get3A_553 = arith.index_cast %add3A_489 : i32 to index
      %get3A_554 = arith.constant 112 : index
      %get3A_555 = tpu.vector_load %arg8[%get3A_553, %get3A_554] {strides = array<i32>} : memref<512x128xf32, #tpu.memory_space<vmem>>, vector<1x16xf32>,
      %get3A_556 = vector.shape_cast %get3A_555 : vector<1x16xf32> to vector<16xf32>
      %get3A_557 = arith.index_cast %squeeze3A : i32 to index
      %get3A_558 = arith.constant 112 : index
      %get3A_559 = tpu.vector_load %arg7[%get3A_557, %get3A_558] {strides = array<i32>} : memref<8x128xf32, #tpu.memory_space<vmem>>, vector<1x16xf32>,
      %get3A_560 = vector.shape_cast %get3A_559 : vector<1x16xf32> to vector<16xf32>
      %mul3A_561 = arith.mulf %get3A_556, %get3A_560 : vector<16xf32>
      %swap3A = arith.index_cast %add3A_489 : i32 to index
      %swap3A_562 = arith.constant 0 : index
      %swap3A_563 = tpu.vector_load %arg8[%swap3A, %swap3A_562] {strides = array<i32>} : memref<512x128xf32, #tpu.memory_space<vmem>>, vector<1x16xf32>,
      %swap3A_564 = vector.shape_cast %swap3A_563 : vector<1x16xf32> to vector<16xf32>
      %swap3A_565 = vector.shape_cast %mul3A_498 : vector<16xf32> to vector<1x16xf32>
      tpu.vector_store %arg8[%swap3A, %swap3A_562], %swap3A_565 {strides = array<i32>} : memref<512x128xf32, #tpu.memory_space<vmem>>, vector<1x16xf32>,
      %swap3A_566 = arith.index_cast %add3A_489 : i32 to index
      %swap3A_567 = arith.constant 16 : index
      %swap3A_568 = tpu.vector_load %arg8[%swap3A_566, %swap3A_567] {strides = array<i32>} : memref<512x128xf32, #tpu.memory_space<vmem>>, vector<1x16xf32>,
      %swap3A_569 = vector.shape_cast %swap3A_568 : vector<1x16xf32> to vector<16xf32>
      %swap3A_570 = vector.shape_cast %mul3A_507 : vector<16xf32> to vector<1x16xf32>
      tpu.vector_store %arg8[%swap3A_566, %swap3A_567], %swap3A_570 {strides = array<i32>} : memref<512x128xf32, #tpu.memory_space<vmem>>, vector<1x16xf32>,
      %swap3A_571 = arith.index_cast %add3A_489 : i32 to index
      %swap3A_572 = arith.constant 32 : index
      %swap3A_573 = tpu.vector_load %arg8[%swap3A_571, %swap3A_572] {strides = array<i32>} : memref<512x128xf32, #tpu.memory_space<vmem>>, vector<1x16xf32>,
      %swap3A_574 = vector.shape_cast %swap3A_573 : vector<1x16xf32> to vector<16xf32>
      %swap3A_575 = vector.shape_cast %mul3A_516 : vector<16xf32> to vector<1x16xf32>
      tpu.vector_store %arg8[%swap3A_571, %swap3A_572], %swap3A_575 {strides = array<i32>} : memref<512x128xf32, #tpu.memory_space<vmem>>, vector<1x16xf32>,
      %swap3A_576 = arith.index_cast %add3A_489 : i32 to index
      %swap3A_577 = arith.constant 48 : index
      %swap3A_578 = tpu.vector_load %arg8[%swap3A_576, %swap3A_577] {strides = array<i32>} : memref<512x128xf32, #tpu.memory_space<vmem>>, vector<1x16xf32>,
      %swap3A_579 = vector.shape_cast %swap3A_578 : vector<1x16xf32> to vector<16xf32>
      %swap3A_580 = vector.shape_cast %mul3A_525 : vector<16xf32> to vector<1x16xf32>
      tpu.vector_store %arg8[%swap3A_576, %swap3A_577], %swap3A_580 {strides = array<i32>} : memref<512x128xf32, #tpu.memory_space<vmem>>, vector<1x16xf32>,
      %swap3A_581 = arith.index_cast %add3A_489 : i32 to index
      %swap3A_582 = arith.constant 64 : index
      %swap3A_583 = tpu.vector_load %arg8[%swap3A_581, %swap3A_582] {strides = array<i32>} : memref<512x128xf32, #tpu.memory_space<vmem>>, vector<1x16xf32>,
      %swap3A_584 = vector.shape_cast %swap3A_583 : vector<1x16xf32> to vector<16xf32>
      %swap3A_585 = vector.shape_cast %mul3A_534 : vector<16xf32> to vector<1x16xf32>
      tpu.vector_store %arg8[%swap3A_581, %swap3A_582], %swap3A_585 {strides = array<i32>} : memref<512x128xf32, #tpu.memory_space<vmem>>, vector<1x16xf32>,
      %swap3A_586 = arith.index_cast %add3A_489 : i32 to index
      %swap3A_587 = arith.constant 80 : index
      %swap3A_588 = tpu.vector_load %arg8[%swap3A_586, %swap3A_587] {strides = array<i32>} : memref<512x128xf32, #tpu.memory_space<vmem>>, vector<1x16xf32>,
      %swap3A_589 = vector.shape_cast %swap3A_588 : vector<1x16xf32> to vector<16xf32>
      %swap3A_590 = vector.shape_cast %mul3A_543 : vector<16xf32> to vector<1x16xf32>
      tpu.vector_store %arg8[%swap3A_586, %swap3A_587], %swap3A_590 {strides = array<i32>} : memref<512x128xf32, #tpu.memory_space<vmem>>, vector<1x16xf32>,
      %swap3A_591 = arith.index_cast %add3A_489 : i32 to index
      %swap3A_592 = arith.constant 96 : index
      %swap3A_593 = tpu.vector_load %arg8[%swap3A_591, %swap3A_592] {strides = array<i32>} : memref<512x128xf32, #tpu.memory_space<vmem>>, vector<1x16xf32>,
      %swap3A_594 = vector.shape_cast %swap3A_593 : vector<1x16xf32> to vector<16xf32>
      %swap3A_595 = vector.shape_cast %mul3A_552 : vector<16xf32> to vector<1x16xf32>
      tpu.vector_store %arg8[%swap3A_591, %swap3A_592], %swap3A_595 {strides = array<i32>} : memref<512x128xf32, #tpu.memory_space<vmem>>, vector<1x16xf32>,
      %swap3A_596 = arith.index_cast %add3A_489 : i32 to index
      %swap3A_597 = arith.constant 112 : index
      %swap3A_598 = tpu.vector_load %arg8[%swap3A_596, %swap3A_597] {strides = array<i32>} : memref<512x128xf32, #tpu.memory_space<vmem>>, vector<1x16xf32>,
      %swap3A_599 = vector.shape_cast %swap3A_598 : vector<1x16xf32> to vector<16xf32>
      %swap3A_600 = vector.shape_cast %mul3A_561 : vector<16xf32> to vector<1x16xf32>
      tpu.vector_store %arg8[%swap3A_596, %swap3A_597], %swap3A_600 {strides = array<i32>} : memref<512x128xf32, #tpu.memory_space<vmem>>, vector<1x16xf32>,
      %mul3A_601 = arith.constant 16 : i32
      %mul3A_602 = arith.muli %scan3A_404, %mul3A_601 : i32
      %add3A_603 = arith.constant 1 : i32
      %add3A_604 = arith.addi %mul3A_602, %add3A_603 : i32
      %slice3A_605 = vector.extract_strided_slice %get3A_485 {offsets = [1], sizes = [1], strides = [1]} : vector<16xi32> to vector<1xi32>
      %squeeze3A_606 = vector.extract %slice3A_605[0] : i32 from vector<1xi32>
      %get3A_607 = arith.index_cast %add3A_604 : i32 to index
      %get3A_608 = arith.constant 0 : index
      %get3A_609 = tpu.vector_load %arg8[%get3A_607, %get3A_608] {strides = array<i32>} : memref<512x128xf32, #tpu.memory_space<vmem>>, vector<1x16xf32>,
      %get3A_610 = vector.shape_cast %get3A_609 : vector<1x16xf32> to vector<16xf32>
      %get3A_611 = arith.index_cast %squeeze3A_606 : i32 to index
      %get3A_612 = arith.constant 0 : index
      %get3A_613 = tpu.vector_load %arg7[%get3A_611, %get3A_612] {strides = array<i32>} : memref<8x128xf32, #tpu.memory_space<vmem>>, vector<1x16xf32>,
      %get3A_614 = vector.shape_cast %get3A_613 : vector<1x16xf32> to vector<16xf32>
      %mul3A_615 = arith.mulf %get3A_610, %get3A_614 : vector<16xf32>
      %get3A_616 = arith.index_cast %add3A_604 : i32 to index
      %get3A_617 = arith.constant 16 : index
      %get3A_618 = tpu.vector_load %arg8[%get3A_616, %get3A_617] {strides = array<i32>} : memref<512x128xf32, #tpu.memory_space<vmem>>, vector<1x16xf32>,
      %get3A_619 = vector.shape_cast %get3A_618 : vector<1x16xf32> to vector<16xf32>
      %get3A_620 = arith.index_cast %squeeze3A_606 : i32 to index
      %get3A_621 = arith.constant 16 : index
      %get3A_622 = tpu.vector_load %arg7[%get3A_620, %get3A_621] {strides = array<i32>} : memref<8x128xf32, #tpu.memory_space<vmem>>, vector<1x16xf32>,
      %get3A_623 = vector.shape_cast %get3A_622 : vector<1x16xf32> to vector<16xf32>
      %mul3A_624 = arith.mulf %get3A_619, %get3A_623 : vector<16xf32>
      %get3A_625 = arith.index_cast %add3A_604 : i32 to index
      %get3A_626 = arith.constant 32 : index
      %get3A_627 = tpu.vector_load %arg8[%get3A_625, %get3A_626] {strides = array<i32>} : memref<512x128xf32, #tpu.memory_space<vmem>>, vector<1x16xf32>,
      %get3A_628 = vector.shape_cast %get3A_627 : vector<1x16xf32> to vector<16xf32>
      %get3A_629 = arith.index_cast %squeeze3A_606 : i32 to index
      %get3A_630 = arith.constant 32 : index
      %get3A_631 = tpu.vector_load %arg7[%get3A_629, %get3A_630] {strides = array<i32>} : memref<8x128xf32, #tpu.memory_space<vmem>>, vector<1x16xf32>,
      %get3A_632 = vector.shape_cast %get3A_631 : vector<1x16xf32> to vector<16xf32>
      %mul3A_633 = arith.mulf %get3A_628, %get3A_632 : vector<16xf32>
      %get3A_634 = arith.index_cast %add3A_604 : i32 to index
      %get3A_635 = arith.constant 48 : index
      %get3A_636 = tpu.vector_load %arg8[%get3A_634, %get3A_635] {strides = array<i32>} : memref<512x128xf32, #tpu.memory_space<vmem>>, vector<1x16xf32>,
      %get3A_637 = vector.shape_cast %get3A_636 : vector<1x16xf32> to vector<16xf32>
      %get3A_638 = arith.index_cast %squeeze3A_606 : i32 to index
      %get3A_639 = arith.constant 48 : index
      %get3A_640 = tpu.vector_load %arg7[%get3A_638, %get3A_639] {strides = array<i32>} : memref<8x128xf32, #tpu.memory_space<vmem>>, vector<1x16xf32>,
      %get3A_641 = vector.shape_cast %get3A_640 : vector<1x16xf32> to vector<16xf32>
      %mul3A_642 = arith.mulf %get3A_637, %get3A_641 : vector<16xf32>
      %get3A_643 = arith.index_cast %add3A_604 : i32 to index
      %get3A_644 = arith.constant 64 : index
      %get3A_645 = tpu.vector_load %arg8[%get3A_643, %get3A_644] {strides = array<i32>} : memref<512x128xf32, #tpu.memory_space<vmem>>, vector<1x16xf32>,
      %get3A_646 = vector.shape_cast %get3A_645 : vector<1x16xf32> to vector<16xf32>
      %get3A_647 = arith.index_cast %squeeze3A_606 : i32 to index
      %get3A_648 = arith.constant 64 : index
      %get3A_649 = tpu.vector_load %arg7[%get3A_647, %get3A_648] {strides = array<i32>} : memref<8x128xf32, #tpu.memory_space<vmem>>, vector<1x16xf32>,
      %get3A_650 = vector.shape_cast %get3A_649 : vector<1x16xf32> to vector<16xf32>
      %mul3A_651 = arith.mulf %get3A_646, %get3A_650 : vector<16xf32>
      %get3A_652 = arith.index_cast %add3A_604 : i32 to index
      %get3A_653 = arith.constant 80 : index
      %get3A_654 = tpu.vector_load %arg8[%get3A_652, %get3A_653] {strides = array<i32>} : memref<512x128xf32, #tpu.memory_space<vmem>>, vector<1x16xf32>,
      %get3A_655 = vector.shape_cast %get3A_654 : vector<1x16xf32> to vector<16xf32>
      %get3A_656 = arith.index_cast %squeeze3A_606 : i32 to index
      %get3A_657 = arith.constant 80 : index
      %get3A_658 = tpu.vector_load %arg7[%get3A_656, %get3A_657] {strides = array<i32>} : memref<8x128xf32, #tpu.memory_space<vmem>>, vector<1x16xf32>,
      %get3A_659 = vector.shape_cast %get3A_658 : vector<1x16xf32> to vector<16xf32>
      %mul3A_660 = arith.mulf %get3A_655, %get3A_659 : vector<16xf32>
      %get3A_661 = arith.index_cast %add3A_604 : i32 to index
      %get3A_662 = arith.constant 96 : index
      %get3A_663 = tpu.vector_load %arg8[%get3A_661, %get3A_662] {strides = array<i32>} : memref<512x128xf32, #tpu.memory_space<vmem>>, vector<1x16xf32>,
      %get3A_664 = vector.shape_cast %get3A_663 : vector<1x16xf32> to vector<16xf32>
      %get3A_665 = arith.index_cast %squeeze3A_606 : i32 to index
      %get3A_666 = arith.constant 96 : index
      %get3A_667 = tpu.vector_load %arg7[%get3A_665, %get3A_666] {strides = array<i32>} : memref<8x128xf32, #tpu.memory_space<vmem>>, vector<1x16xf32>,
      %get3A_668 = vector.shape_cast %get3A_667 : vector<1x16xf32> to vector<16xf32>
      %mul3A_669 = arith.mulf %get3A_664, %get3A_668 : vector<16xf32>
      %get3A_670 = arith.index_cast %add3A_604 : i32 to index
      %get3A_671 = arith.constant 112 : index
      %get3A_672 = tpu.vector_load %arg8[%get3A_670, %get3A_671] {strides = array<i32>} : memref<512x128xf32, #tpu.memory_space<vmem>>, vector<1x16xf32>,
      %get3A_673 = vector.shape_cast %get3A_672 : vector<1x16xf32> to vector<16xf32>
      %get3A_674 = arith.index_cast %squeeze3A_606 : i32 to index
      %get3A_675 = arith.constant 112 : index
      %get3A_676 = tpu.vector_load %arg7[%get3A_674, %get3A_675] {strides = array<i32>} : memref<8x128xf32, #tpu.memory_space<vmem>>, vector<1x16xf32>,
      %get3A_677 = vector.shape_cast %get3A_676 : vector<1x16xf32> to vector<16xf32>
      %mul3A_678 = arith.mulf %get3A_673, %get3A_677 : vector<16xf32>
      %swap3A_679 = arith.index_cast %add3A_604 : i32 to index
      %swap3A_680 = arith.constant 0 : index
      %swap3A_681 = tpu.vector_load %arg8[%swap3A_679, %swap3A_680] {strides = array<i32>} : memref<512x128xf32, #tpu.memory_space<vmem>>, vector<1x16xf32>,
      %swap3A_682 = vector.shape_cast %swap3A_681 : vector<1x16xf32> to vector<16xf32>
      %swap3A_683 = vector.shape_cast %mul3A_615 : vector<16xf32> to vector<1x16xf32>
      tpu.vector_store %arg8[%swap3A_679, %swap3A_680], %swap3A_683 {strides = array<i32>} : memref<512x128xf32, #tpu.memory_space<vmem>>, vector<1x16xf32>,
      %swap3A_684 = arith.index_cast %add3A_604 : i32 to index
      %swap3A_685 = arith.constant 16 : index
      %swap3A_686 = tpu.vector_load %arg8[%swap3A_684, %swap3A_685] {strides = array<i32>} : memref<512x128xf32, #tpu.memory_space<vmem>>, vector<1x16xf32>,
      %swap3A_687 = vector.shape_cast %swap3A_686 : vector<1x16xf32> to vector<16xf32>
      %swap3A_688 = vector.shape_cast %mul3A_624 : vector<16xf32> to vector<1x16xf32>
      tpu.vector_store %arg8[%swap3A_684, %swap3A_685], %swap3A_688 {strides = array<i32>} : memref<512x128xf32, #tpu.memory_space<vmem>>, vector<1x16xf32>,
      %swap3A_689 = arith.index_cast %add3A_604 : i32 to index
      %swap3A_690 = arith.constant 32 : index
      %swap3A_691 = tpu.vector_load %arg8[%swap3A_689, %swap3A_690] {strides = array<i32>} : memref<512x128xf32, #tpu.memory_space<vmem>>, vector<1x16xf32>,
      %swap3A_692 = vector.shape_cast %swap3A_691 : vector<1x16xf32> to vector<16xf32>
      %swap3A_693 = vector.shape_cast %mul3A_633 : vector<16xf32> to vector<1x16xf32>
      tpu.vector_store %arg8[%swap3A_689, %swap3A_690], %swap3A_693 {strides = array<i32>} : memref<512x128xf32, #tpu.memory_space<vmem>>, vector<1x16xf32>,
      %swap3A_694 = arith.index_cast %add3A_604 : i32 to index
      %swap3A_695 = arith.constant 48 : index
      %swap3A_696 = tpu.vector_load %arg8[%swap3A_694, %swap3A_695] {strides = array<i32>} : memref<512x128xf32, #tpu.memory_space<vmem>>, vector<1x16xf32>,
      %swap3A_697 = vector.shape_cast %swap3A_696 : vector<1x16xf32> to vector<16xf32>
      %swap3A_698 = vector.shape_cast %mul3A_642 : vector<16xf32> to vector<1x16xf32>
      tpu.vector_store %arg8[%swap3A_694, %swap3A_695], %swap3A_698 {strides = array<i32>} : memref<512x128xf32, #tpu.memory_space<vmem>>, vector<1x16xf32>,
      %swap3A_699 = arith.index_cast %add3A_604 : i32 to index
      %swap3A_700 = arith.constant 64 : index
      %swap3A_701 = tpu.vector_load %arg8[%swap3A_699, %swap3A_700] {strides = array<i32>} : memref<512x128xf32, #tpu.memory_space<vmem>>, vector<1x16xf32>,
      %swap3A_702 = vector.shape_cast %swap3A_701 : vector<1x16xf32> to vector<16xf32>
      %swap3A_703 = vector.shape_cast %mul3A_651 : vector<16xf32> to vector<1x16xf32>
      tpu.vector_store %arg8[%swap3A_699, %swap3A_700], %swap3A_703 {strides = array<i32>} : memref<512x128xf32, #tpu.memory_space<vmem>>, vector<1x16xf32>,
      %swap3A_704 = arith.index_cast %add3A_604 : i32 to index
      %swap3A_705 = arith.constant 80 : index
      %swap3A_706 = tpu.vector_load %arg8[%swap3A_704, %swap3A_705] {strides = array<i32>} : memref<512x128xf32, #tpu.memory_space<vmem>>, vector<1x16xf32>,
      %swap3A_707 = vector.shape_cast %swap3A_706 : vector<1x16xf32> to vector<16xf32>
      %swap3A_708 = vector.shape_cast %mul3A_660 : vector<16xf32> to vector<1x16xf32>
      tpu.vector_store %arg8[%swap3A_704, %swap3A_705], %swap3A_708 {strides = array<i32>} : memref<512x128xf32, #tpu.memory_space<vmem>>, vector<1x16xf32>,
      %swap3A_709 = arith.index_cast %add3A_604 : i32 to index
      %swap3A_710 = arith.constant 96 : index
      %swap3A_711 = tpu.vector_load %arg8[%swap3A_709, %swap3A_710] {strides = array<i32>} : memref<512x128xf32, #tpu.memory_space<vmem>>, vector<1x16xf32>,
      %swap3A_712 = vector.shape_cast %swap3A_711 : vector<1x16xf32> to vector<16xf32>
      %swap3A_713 = vector.shape_cast %mul3A_669 : vector<16xf32> to vector<1x16xf32>
      tpu.vector_store %arg8[%swap3A_709, %swap3A_710], %swap3A_713 {strides = array<i32>} : memref<512x128xf32, #tpu.memory_space<vmem>>, vector<1x16xf32>,
      %swap3A_714 = arith.index_cast %add3A_604 : i32 to index
      %swap3A_715 = arith.constant 112 : index
      %swap3A_716 = tpu.vector_load %arg8[%swap3A_714, %swap3A_715] {strides = array<i32>} : memref<512x128xf32, #tpu.memory_space<vmem>>, vector<1x16xf32>,
      %swap3A_717 = vector.shape_cast %swap3A_716 : vector<1x16xf32> to vector<16xf32>
      %swap3A_718 = vector.shape_cast %mul3A_678 : vector<16xf32> to vector<1x16xf32>
      tpu.vector_store %arg8[%swap3A_714, %swap3A_715], %swap3A_718 {strides = array<i32>} : memref<512x128xf32, #tpu.memory_space<vmem>>, vector<1x16xf32>,
      %mul3A_719 = arith.constant 16 : i32
      %mul3A_720 = arith.muli %scan3A_404, %mul3A_719 : i32
      %add3A_721 = arith.constant 2 : i32
      %add3A_722 = arith.addi %mul3A_720, %add3A_721 : i32
      %slice3A_723 = vector.extract_strided_slice %get3A_485 {offsets = [2], sizes = [1], strides = [1]} : vector<16xi32> to vector<1xi32>
      %squeeze3A_724 = vector.extract %slice3A_723[0] : i32 from vector<1xi32>
      %get3A_725 = arith.index_cast %add3A_722 : i32 to index
      %get3A_726 = arith.constant 0 : index
      %get3A_727 = tpu.vector_load %arg8[%get3A_725, %get3A_726] {strides = array<i32>} : memref<512x128xf32, #tpu.memory_space<vmem>>, vector<1x16xf32>,
      %get3A_728 = vector.shape_cast %get3A_727 : vector<1x16xf32> to vector<16xf32>
      %get3A_729 = arith.index_cast %squeeze3A_724 : i32 to index
      %get3A_730 = arith.constant 0 : index
      %get3A_731 = tpu.vector_load %arg7[%get3A_729, %get3A_730] {strides = array<i32>} : memref<8x128xf32, #tpu.memory_space<vmem>>, vector<1x16xf32>,
      %get3A_732 = vector.shape_cast %get3A_731 : vector<1x16xf32> to vector<16xf32>
      %mul3A_733 = arith.mulf %get3A_728, %get3A_732 : vector<16xf32>
      %get3A_734 = arith.index_cast %add3A_722 : i32 to index
      %get3A_735 = arith.constant 16 : index
      %get3A_736 = tpu.vector_load %arg8[%get3A_734, %get3A_735] {strides = array<i32>} : memref<512x128xf32, #tpu.memory_space<vmem>>, vector<1x16xf32>,
      %get3A_737 = vector.shape_cast %get3A_736 : vector<1x16xf32> to vector<16xf32>
      %get3A_738 = arith.index_cast %squeeze3A_724 : i32 to index
      %get3A_739 = arith.constant 16 : index
      %get3A_740 = tpu.vector_load %arg7[%get3A_738, %get3A_739] {strides = array<i32>} : memref<8x128xf32, #tpu.memory_space<vmem>>, vector<1x16xf32>,
      %get3A_741 = vector.shape_cast %get3A_740 : vector<1x16xf32> to vector<16xf32>
      %mul3A_742 = arith.mulf %get3A_737, %get3A_741 : vector<16xf32>
      %get3A_743 = arith.index_cast %add3A_722 : i32 to index
      %get3A_744 = arith.constant 32 : index
      %get3A_745 = tpu.vector_load %arg8[%get3A_743, %get3A_744] {strides = array<i32>} : memref<512x128xf32, #tpu.memory_space<vmem>>, vector<1x16xf32>,
      %get3A_746 = vector.shape_cast %get3A_745 : vector<1x16xf32> to vector<16xf32>
      %get3A_747 = arith.index_cast %squeeze3A_724 : i32 to index
      %get3A_748 = arith.constant 32 : index
      %get3A_749 = tpu.vector_load %arg7[%get3A_747, %get3A_748] {strides = array<i32>} : memref<8x128xf32, #tpu.memory_space<vmem>>, vector<1x16xf32>,
      %get3A_750 = vector.shape_cast %get3A_749 : vector<1x16xf32> to vector<16xf32>
      %mul3A_751 = arith.mulf %get3A_746, %get3A_750 : vector<16xf32>
      %get3A_752 = arith.index_cast %add3A_722 : i32 to index
      %get3A_753 = arith.constant 48 : index
      %get3A_754 = tpu.vector_load %arg8[%get3A_752, %get3A_753] {strides = array<i32>} : memref<512x128xf32, #tpu.memory_space<vmem>>, vector<1x16xf32>,
      %get3A_755 = vector.shape_cast %get3A_754 : vector<1x16xf32> to vector<16xf32>
      %get3A_756 = arith.index_cast %squeeze3A_724 : i32 to index
      %get3A_757 = arith.constant 48 : index
      %get3A_758 = tpu.vector_load %arg7[%get3A_756, %get3A_757] {strides = array<i32>} : memref<8x128xf32, #tpu.memory_space<vmem>>, vector<1x16xf32>,
      %get3A_759 = vector.shape_cast %get3A_758 : vector<1x16xf32> to vector<16xf32>
      %mul3A_760 = arith.mulf %get3A_755, %get3A_759 : vector<16xf32>
      %get3A_761 = arith.index_cast %add3A_722 : i32 to index
      %get3A_762 = arith.constant 64 : index
      %get3A_763 = tpu.vector_load %arg8[%get3A_761, %get3A_762] {strides = array<i32>} : memref<512x128xf32, #tpu.memory_space<vmem>>, vector<1x16xf32>,
      %get3A_764 = vector.shape_cast %get3A_763 : vector<1x16xf32> to vector<16xf32>
      %get3A_765 = arith.index_cast %squeeze3A_724 : i32 to index
      %get3A_766 = arith.constant 64 : index
      %get3A_767 = tpu.vector_load %arg7[%get3A_765, %get3A_766] {strides = array<i32>} : memref<8x128xf32, #tpu.memory_space<vmem>>, vector<1x16xf32>,
      %get3A_768 = vector.shape_cast %get3A_767 : vector<1x16xf32> to vector<16xf32>
      %mul3A_769 = arith.mulf %get3A_764, %get3A_768 : vector<16xf32>
      %get3A_770 = arith.index_cast %add3A_722 : i32 to index
      %get3A_771 = arith.constant 80 : index
      %get3A_772 = tpu.vector_load %arg8[%get3A_770, %get3A_771] {strides = array<i32>} : memref<512x128xf32, #tpu.memory_space<vmem>>, vector<1x16xf32>,
      %get3A_773 = vector.shape_cast %get3A_772 : vector<1x16xf32> to vector<16xf32>
      %get3A_774 = arith.index_cast %squeeze3A_724 : i32 to index
      %get3A_775 = arith.constant 80 : index
      %get3A_776 = tpu.vector_load %arg7[%get3A_774, %get3A_775] {strides = array<i32>} : memref<8x128xf32, #tpu.memory_space<vmem>>, vector<1x16xf32>,
      %get3A_777 = vector.shape_cast %get3A_776 : vector<1x16xf32> to vector<16xf32>
      %mul3A_778 = arith.mulf %get3A_773, %get3A_777 : vector<16xf32>
      %get3A_779 = arith.index_cast %add3A_722 : i32 to index
      %get3A_780 = arith.constant 96 : index
      %get3A_781 = tpu.vector_load %arg8[%get3A_779, %get3A_780] {strides = array<i32>} : memref<512x128xf32, #tpu.memory_space<vmem>>, vector<1x16xf32>,
      %get3A_782 = vector.shape_cast %get3A_781 : vector<1x16xf32> to vector<16xf32>
      %get3A_783 = arith.index_cast %squeeze3A_724 : i32 to index
      %get3A_784 = arith.constant 96 : index
      %get3A_785 = tpu.vector_load %arg7[%get3A_783, %get3A_784] {strides = array<i32>} : memref<8x128xf32, #tpu.memory_space<vmem>>, vector<1x16xf32>,
      %get3A_786 = vector.shape_cast %get3A_785 : vector<1x16xf32> to vector<16xf32>
      %mul3A_787 = arith.mulf %get3A_782, %get3A_786 : vector<16xf32>
      %get3A_788 = arith.index_cast %add3A_722 : i32 to index
      %get3A_789 = arith.constant 112 : index
      %get3A_790 = tpu.vector_load %arg8[%get3A_788, %get3A_789] {strides = array<i32>} : memref<512x128xf32, #tpu.memory_space<vmem>>, vector<1x16xf32>,
      %get3A_791 = vector.shape_cast %get3A_790 : vector<1x16xf32> to vector<16xf32>
      %get3A_792 = arith.index_cast %squeeze3A_724 : i32 to index
      %get3A_793 = arith.constant 112 : index
      %get3A_794 = tpu.vector_load %arg7[%get3A_792, %get3A_793] {strides = array<i32>} : memref<8x128xf32, #tpu.memory_space<vmem>>, vector<1x16xf32>,
      %get3A_795 = vector.shape_cast %get3A_794 : vector<1x16xf32> to vector<16xf32>
      %mul3A_796 = arith.mulf %get3A_791, %get3A_795 : vector<16xf32>
      %swap3A_797 = arith.index_cast %add3A_722 : i32 to index
      %swap3A_798 = arith.constant 0 : index
      %swap3A_799 = tpu.vector_load %arg8[%swap3A_797, %swap3A_798] {strides = array<i32>} : memref<512x128xf32, #tpu.memory_space<vmem>>, vector<1x16xf32>,
      %swap3A_800 = vector.shape_cast %swap3A_799 : vector<1x16xf32> to vector<16xf32>
      %swap3A_801 = vector.shape_cast %mul3A_733 : vector<16xf32> to vector<1x16xf32>
      tpu.vector_store %arg8[%swap3A_797, %swap3A_798], %swap3A_801 {strides = array<i32>} : memref<512x128xf32, #tpu.memory_space<vmem>>, vector<1x16xf32>,
      %swap3A_802 = arith.index_cast %add3A_722 : i32 to index
      %swap3A_803 = arith.constant 16 : index
      %swap3A_804 = tpu.vector_load %arg8[%swap3A_802, %swap3A_803] {strides = array<i32>} : memref<512x128xf32, #tpu.memory_space<vmem>>, vector<1x16xf32>,
      %swap3A_805 = vector.shape_cast %swap3A_804 : vector<1x16xf32> to vector<16xf32>
      %swap3A_806 = vector.shape_cast %mul3A_742 : vector<16xf32> to vector<1x16xf32>
      tpu.vector_store %arg8[%swap3A_802, %swap3A_803], %swap3A_806 {strides = array<i32>} : memref<512x128xf32, #tpu.memory_space<vmem>>, vector<1x16xf32>,
      %swap3A_807 = arith.index_cast %add3A_722 : i32 to index
      %swap3A_808 = arith.constant 32 : index
      %swap3A_809 = tpu.vector_load %arg8[%swap3A_807, %swap3A_808] {strides = array<i32>} : memref<512x128xf32, #tpu.memory_space<vmem>>, vector<1x16xf32>,
      %swap3A_810 = vector.shape_cast %swap3A_809 : vector<1x16xf32> to vector<16xf32>
      %swap3A_811 = vector.shape_cast %mul3A_751 : vector<16xf32> to vector<1x16xf32>
      tpu.vector_store %arg8[%swap3A_807, %swap3A_808], %swap3A_811 {strides = array<i32>} : memref<512x128xf32, #tpu.memory_space<vmem>>, vector<1x16xf32>,
      %swap3A_812 = arith.index_cast %add3A_722 : i32 to index
      %swap3A_813 = arith.constant 48 : index
      %swap3A_814 = tpu.vector_load %arg8[%swap3A_812, %swap3A_813] {strides = array<i32>} : memref<512x128xf32, #tpu.memory_space<vmem>>, vector<1x16xf32>,
      %swap3A_815 = vector.shape_cast %swap3A_814 : vector<1x16xf32> to vector<16xf32>
      %swap3A_816 = vector.shape_cast %mul3A_760 : vector<16xf32> to vector<1x16xf32>
      tpu.vector_store %arg8[%swap3A_812, %swap3A_813], %swap3A_816 {strides = array<i32>} : memref<512x128xf32, #tpu.memory_space<vmem>>, vector<1x16xf32>,
      %swap3A_817 = arith.index_cast %add3A_722 : i32 to index
      %swap3A_818 = arith.constant 64 : index
      %swap3A_819 = tpu.vector_load %arg8[%swap3A_817, %swap3A_818] {strides = array<i32>} : memref<512x128xf32, #tpu.memory_space<vmem>>, vector<1x16xf32>,
      %swap3A_820 = vector.shape_cast %swap3A_819 : vector<1x16xf32> to vector<16xf32>
      %swap3A_821 = vector.shape_cast %mul3A_769 : vector<16xf32> to vector<1x16xf32>
      tpu.vector_store %arg8[%swap3A_817, %swap3A_818], %swap3A_821 {strides = array<i32>} : memref<512x128xf32, #tpu.memory_space<vmem>>, vector<1x16xf32>,
      %swap3A_822 = arith.index_cast %add3A_722 : i32 to index
      %swap3A_823 = arith.constant 80 : index
      %swap3A_824 = tpu.vector_load %arg8[%swap3A_822, %swap3A_823] {strides = array<i32>} : memref<512x128xf32, #tpu.memory_space<vmem>>, vector<1x16xf32>,
      %swap3A_825 = vector.shape_cast %swap3A_824 : vector<1x16xf32> to vector<16xf32>
      %swap3A_826 = vector.shape_cast %mul3A_778 : vector<16xf32> to vector<1x16xf32>
      tpu.vector_store %arg8[%swap3A_822, %swap3A_823], %swap3A_826 {strides = array<i32>} : memref<512x128xf32, #tpu.memory_space<vmem>>, vector<1x16xf32>,
      %swap3A_827 = arith.index_cast %add3A_722 : i32 to index
      %swap3A_828 = arith.constant 96 : index
      %swap3A_829 = tpu.vector_load %arg8[%swap3A_827, %swap3A_828] {strides = array<i32>} : memref<512x128xf32, #tpu.memory_space<vmem>>, vector<1x16xf32>,
      %swap3A_830 = vector.shape_cast %swap3A_829 : vector<1x16xf32> to vector<16xf32>
      %swap3A_831 = vector.shape_cast %mul3A_787 : vector<16xf32> to vector<1x16xf32>
      tpu.vector_store %arg8[%swap3A_827, %swap3A_828], %swap3A_831 {strides = array<i32>} : memref<512x128xf32, #tpu.memory_space<vmem>>, vector<1x16xf32>,
      %swap3A_832 = arith.index_cast %add3A_722 : i32 to index
      %swap3A_833 = arith.constant 112 : index
      %swap3A_834 = tpu.vector_load %arg8[%swap3A_832, %swap3A_833] {strides = array<i32>} : memref<512x128xf32, #tpu.memory_space<vmem>>, vector<1x16xf32>,
      %swap3A_835 = vector.shape_cast %swap3A_834 : vector<1x16xf32> to vector<16xf32>
      %swap3A_836 = vector.shape_cast %mul3A_796 : vector<16xf32> to vector<1x16xf32>
      tpu.vector_store %arg8[%swap3A_832, %swap3A_833], %swap3A_836 {strides = array<i32>} : memref<512x128xf32, #tpu.memory_space<vmem>>, vector<1x16xf32>,
      %mul3A_837 = arith.constant 16 : i32
      %mul3A_838 = arith.muli %scan3A_404, %mul3A_837 : i32
      %add3A_839 = arith.constant 3 : i32
      %add3A_840 = arith.addi %mul3A_838, %add3A_839 : i32
      %slice3A_841 = vector.extract_strided_slice %get3A_485 {offsets = [3], sizes = [1], strides = [1]} : vector<16xi32> to vector<1xi32>
      %squeeze3A_842 = vector.extract %slice3A_841[0] : i32 from vector<1xi32>
      %get3A_843 = arith.index_cast %add3A_840 : i32 to index
      %get3A_844 = arith.constant 0 : index
      %get3A_845 = tpu.vector_load %arg8[%get3A_843, %get3A_844] {strides = array<i32>} : memref<512x128xf32, #tpu.memory_space<vmem>>, vector<1x16xf32>,
      %get3A_846 = vector.shape_cast %get3A_845 : vector<1x16xf32> to vector<16xf32>
      %get3A_847 = arith.index_cast %squeeze3A_842 : i32 to index
      %get3A_848 = arith.constant 0 : index
      %get3A_849 = tpu.vector_load %arg7[%get3A_847, %get3A_848] {strides = array<i32>} : memref<8x128xf32, #tpu.memory_space<vmem>>, vector<1x16xf32>,
      %get3A_850 = vector.shape_cast %get3A_849 : vector<1x16xf32> to vector<16xf32>
      %mul3A_851 = arith.mulf %get3A_846, %get3A_850 : vector<16xf32>
      %get3A_852 = arith.index_cast %add3A_840 : i32 to index
      %get3A_853 = arith.constant 16 : index
      %get3A_854 = tpu.vector_load %arg8[%get3A_852, %get3A_853] {strides = array<i32>} : memref<512x128xf32, #tpu.memory_space<vmem>>, vector<1x16xf32>,
      %get3A_855 = vector.shape_cast %get3A_854 : vector<1x16xf32> to vector<16xf32>
      %get3A_856 = arith.index_cast %squeeze3A_842 : i32 to index
      %get3A_857 = arith.constant 16 : index
      %get3A_858 = tpu.vector_load %arg7[%get3A_856, %get3A_857] {strides = array<i32>} : memref<8x128xf32, #tpu.memory_space<vmem>>, vector<1x16xf32>,
      %get3A_859 = vector.shape_cast %get3A_858 : vector<1x16xf32> to vector<16xf32>
      %mul3A_860 = arith.mulf %get3A_855, %get3A_859 : vector<16xf32>
      %get3A_861 = arith.index_cast %add3A_840 : i32 to index
      %get3A_862 = arith.constant 32 : index
      %get3A_863 = tpu.vector_load %arg8[%get3A_861, %get3A_862] {strides = array<i32>} : memref<512x128xf32, #tpu.memory_space<vmem>>, vector<1x16xf32>,
      %get3A_864 = vector.shape_cast %get3A_863 : vector<1x16xf32> to vector<16xf32>
      %get3A_865 = arith.index_cast %squeeze3A_842 : i32 to index
      %get3A_866 = arith.constant 32 : index
      %get3A_867 = tpu.vector_load %arg7[%get3A_865, %get3A_866] {strides = array<i32>} : memref<8x128xf32, #tpu.memory_space<vmem>>, vector<1x16xf32>,
      %get3A_868 = vector.shape_cast %get3A_867 : vector<1x16xf32> to vector<16xf32>
      %mul3A_869 = arith.mulf %get3A_864, %get3A_868 : vector<16xf32>
      %get3A_870 = arith.index_cast %add3A_840 : i32 to index
      %get3A_871 = arith.constant 48 : index
      %get3A_872 = tpu.vector_load %arg8[%get3A_870, %get3A_871] {strides = array<i32>} : memref<512x128xf32, #tpu.memory_space<vmem>>, vector<1x16xf32>,
      %get3A_873 = vector.shape_cast %get3A_872 : vector<1x16xf32> to vector<16xf32>
      %get3A_874 = arith.index_cast %squeeze3A_842 : i32 to index
      %get3A_875 = arith.constant 48 : index
      %get3A_876 = tpu.vector_load %arg7[%get3A_874, %get3A_875] {strides = array<i32>} : memref<8x128xf32, #tpu.memory_space<vmem>>, vector<1x16xf32>,
      %get3A_877 = vector.shape_cast %get3A_876 : vector<1x16xf32> to vector<16xf32>
      %mul3A_878 = arith.mulf %get3A_873, %get3A_877 : vector<16xf32>
      %get3A_879 = arith.index_cast %add3A_840 : i32 to index
      %get3A_880 = arith.constant 64 : index
      %get3A_881 = tpu.vector_load %arg8[%get3A_879, %get3A_880] {strides = array<i32>} : memref<512x128xf32, #tpu.memory_space<vmem>>, vector<1x16xf32>,
      %get3A_882 = vector.shape_cast %get3A_881 : vector<1x16xf32> to vector<16xf32>
      %get3A_883 = arith.index_cast %squeeze3A_842 : i32 to index
      %get3A_884 = arith.constant 64 : index
      %get3A_885 = tpu.vector_load %arg7[%get3A_883, %get3A_884] {strides = array<i32>} : memref<8x128xf32, #tpu.memory_space<vmem>>, vector<1x16xf32>,
      %get3A_886 = vector.shape_cast %get3A_885 : vector<1x16xf32> to vector<16xf32>
      %mul3A_887 = arith.mulf %get3A_882, %get3A_886 : vector<16xf32>
      %get3A_888 = arith.index_cast %add3A_840 : i32 to index
      %get3A_889 = arith.constant 80 : index
      %get3A_890 = tpu.vector_load %arg8[%get3A_888, %get3A_889] {strides = array<i32>} : memref<512x128xf32, #tpu.memory_space<vmem>>, vector<1x16xf32>,
      %get3A_891 = vector.shape_cast %get3A_890 : vector<1x16xf32> to vector<16xf32>
      %get3A_892 = arith.index_cast %squeeze3A_842 : i32 to index
      %get3A_893 = arith.constant 80 : index
      %get3A_894 = tpu.vector_load %arg7[%get3A_892, %get3A_893] {strides = array<i32>} : memref<8x128xf32, #tpu.memory_space<vmem>>, vector<1x16xf32>,
      %get3A_895 = vector.shape_cast %get3A_894 : vector<1x16xf32> to vector<16xf32>
      %mul3A_896 = arith.mulf %get3A_891, %get3A_895 : vector<16xf32>
      %get3A_897 = arith.index_cast %add3A_840 : i32 to index
      %get3A_898 = arith.constant 96 : index
      %get3A_899 = tpu.vector_load %arg8[%get3A_897, %get3A_898] {strides = array<i32>} : memref<512x128xf32, #tpu.memory_space<vmem>>, vector<1x16xf32>,
      %get3A_900 = vector.shape_cast %get3A_899 : vector<1x16xf32> to vector<16xf32>
      %get3A_901 = arith.index_cast %squeeze3A_842 : i32 to index
      %get3A_902 = arith.constant 96 : index
      %get3A_903 = tpu.vector_load %arg7[%get3A_901, %get3A_902] {strides = array<i32>} : memref<8x128xf32, #tpu.memory_space<vmem>>, vector<1x16xf32>,
      %get3A_904 = vector.shape_cast %get3A_903 : vector<1x16xf32> to vector<16xf32>
      %mul3A_905 = arith.mulf %get3A_900, %get3A_904 : vector<16xf32>
      %get3A_906 = arith.index_cast %add3A_840 : i32 to index
      %get3A_907 = arith.constant 112 : index
      %get3A_908 = tpu.vector_load %arg8[%get3A_906, %get3A_907] {strides = array<i32>} : memref<512x128xf32, #tpu.memory_space<vmem>>, vector<1x16xf32>,
      %get3A_909 = vector.shape_cast %get3A_908 : vector<1x16xf32> to vector<16xf32>
      %get3A_910 = arith.index_cast %squeeze3A_842 : i32 to index
      %get3A_911 = arith.constant 112 : index
      %get3A_912 = tpu.vector_load %arg7[%get3A_910, %get3A_911] {strides = array<i32>} : memref<8x128xf32, #tpu.memory_space<vmem>>, vector<1x16xf32>,
      %get3A_913 = vector.shape_cast %get3A_912 : vector<1x16xf32> to vector<16xf32>
      %mul3A_914 = arith.mulf %get3A_909, %get3A_913 : vector<16xf32>
      %swap3A_915 = arith.index_cast %add3A_840 : i32 to index
      %swap3A_916 = arith.constant 0 : index
      %swap3A_917 = tpu.vector_load %arg8[%swap3A_915, %swap3A_916] {strides = array<i32>} : memref<512x128xf32, #tpu.memory_space<vmem>>, vector<1x16xf32>,
      %swap3A_918 = vector.shape_cast %swap3A_917 : vector<1x16xf32> to vector<16xf32>
      %swap3A_919 = vector.shape_cast %mul3A_851 : vector<16xf32> to vector<1x16xf32>
      tpu.vector_store %arg8[%swap3A_915, %swap3A_916], %swap3A_919 {strides = array<i32>} : memref<512x128xf32, #tpu.memory_space<vmem>>, vector<1x16xf32>,
      %swap3A_920 = arith.index_cast %add3A_840 : i32 to index
      %swap3A_921 = arith.constant 16 : index
      %swap3A_922 = tpu.vector_load %arg8[%swap3A_920, %swap3A_921] {strides = array<i32>} : memref<512x128xf32, #tpu.memory_space<vmem>>, vector<1x16xf32>,
      %swap3A_923 = vector.shape_cast %swap3A_922 : vector<1x16xf32> to vector<16xf32>
      %swap3A_924 = vector.shape_cast %mul3A_860 : vector<16xf32> to vector<1x16xf32>
      tpu.vector_store %arg8[%swap3A_920, %swap3A_921], %swap3A_924 {strides = array<i32>} : memref<512x128xf32, #tpu.memory_space<vmem>>, vector<1x16xf32>,
      %swap3A_925 = arith.index_cast %add3A_840 : i32 to index
      %swap3A_926 = arith.constant 32 : index
      %swap3A_927 = tpu.vector_load %arg8[%swap3A_925, %swap3A_926] {strides = array<i32>} : memref<512x128xf32, #tpu.memory_space<vmem>>, vector<1x16xf32>,
      %swap3A_928 = vector.shape_cast %swap3A_927 : vector<1x16xf32> to vector<16xf32>
      %swap3A_929 = vector.shape_cast %mul3A_869 : vector<16xf32> to vector<1x16xf32>
      tpu.vector_store %arg8[%swap3A_925, %swap3A_926], %swap3A_929 {strides = array<i32>} : memref<512x128xf32, #tpu.memory_space<vmem>>, vector<1x16xf32>,
      %swap3A_930 = arith.index_cast %add3A_840 : i32 to index
      %swap3A_931 = arith.constant 48 : index
      %swap3A_932 = tpu.vector_load %arg8[%swap3A_930, %swap3A_931] {strides = array<i32>} : memref<512x128xf32, #tpu.memory_space<vmem>>, vector<1x16xf32>,
      %swap3A_933 = vector.shape_cast %swap3A_932 : vector<1x16xf32> to vector<16xf32>
      %swap3A_934 = vector.shape_cast %mul3A_878 : vector<16xf32> to vector<1x16xf32>
      tpu.vector_store %arg8[%swap3A_930, %swap3A_931], %swap3A_934 {strides = array<i32>} : memref<512x128xf32, #tpu.memory_space<vmem>>, vector<1x16xf32>,
      %swap3A_935 = arith.index_cast %add3A_840 : i32 to index
      %swap3A_936 = arith.constant 64 : index
      %swap3A_937 = tpu.vector_load %arg8[%swap3A_935, %swap3A_936] {strides = array<i32>} : memref<512x128xf32, #tpu.memory_space<vmem>>, vector<1x16xf32>,
      %swap3A_938 = vector.shape_cast %swap3A_937 : vector<1x16xf32> to vector<16xf32>
      %swap3A_939 = vector.shape_cast %mul3A_887 : vector<16xf32> to vector<1x16xf32>
      tpu.vector_store %arg8[%swap3A_935, %swap3A_936], %swap3A_939 {strides = array<i32>} : memref<512x128xf32, #tpu.memory_space<vmem>>, vector<1x16xf32>,
      %swap3A_940 = arith.index_cast %add3A_840 : i32 to index
      %swap3A_941 = arith.constant 80 : index
      %swap3A_942 = tpu.vector_load %arg8[%swap3A_940, %swap3A_941] {strides = array<i32>} : memref<512x128xf32, #tpu.memory_space<vmem>>, vector<1x16xf32>,
      %swap3A_943 = vector.shape_cast %swap3A_942 : vector<1x16xf32> to vector<16xf32>
      %swap3A_944 = vector.shape_cast %mul3A_896 : vector<16xf32> to vector<1x16xf32>
      tpu.vector_store %arg8[%swap3A_940, %swap3A_941], %swap3A_944 {strides = array<i32>} : memref<512x128xf32, #tpu.memory_space<vmem>>, vector<1x16xf32>,
      %swap3A_945 = arith.index_cast %add3A_840 : i32 to index
      %swap3A_946 = arith.constant 96 : index
      %swap3A_947 = tpu.vector_load %arg8[%swap3A_945, %swap3A_946] {strides = array<i32>} : memref<512x128xf32, #tpu.memory_space<vmem>>, vector<1x16xf32>,
      %swap3A_948 = vector.shape_cast %swap3A_947 : vector<1x16xf32> to vector<16xf32>
      %swap3A_949 = vector.shape_cast %mul3A_905 : vector<16xf32> to vector<1x16xf32>
      tpu.vector_store %arg8[%swap3A_945, %swap3A_946], %swap3A_949 {strides = array<i32>} : memref<512x128xf32, #tpu.memory_space<vmem>>, vector<1x16xf32>,
      %swap3A_950 = arith.index_cast %add3A_840 : i32 to index
      %swap3A_951 = arith.constant 112 : index
      %swap3A_952 = tpu.vector_load %arg8[%swap3A_950, %swap3A_951] {strides = array<i32>} : memref<512x128xf32, #tpu.memory_space<vmem>>, vector<1x16xf32>,
      %swap3A_953 = vector.shape_cast %swap3A_952 : vector<1x16xf32> to vector<16xf32>
      %swap3A_954 = vector.shape_cast %mul3A_914 : vector<16xf32> to vector<1x16xf32>
      tpu.vector_store %arg8[%swap3A_950, %swap3A_951], %swap3A_954 {strides = array<i32>} : memref<512x128xf32, #tpu.memory_space<vmem>>, vector<1x16xf32>,
      %mul3A_955 = arith.constant 16 : i32
      %mul3A_956 = arith.muli %scan3A_404, %mul3A_955 : i32
      %add3A_957 = arith.constant 4 : i32
      %add3A_958 = arith.addi %mul3A_956, %add3A_957 : i32
      %slice3A_959 = vector.extract_strided_slice %get3A_485 {offsets = [4], sizes = [1], strides = [1]} : vector<16xi32> to vector<1xi32>
      %squeeze3A_960 = vector.extract %slice3A_959[0] : i32 from vector<1xi32>
      %get3A_961 = arith.index_cast %add3A_958 : i32 to index
      %get3A_962 = arith.constant 0 : index
      %get3A_963 = tpu.vector_load %arg8[%get3A_961, %get3A_962] {strides = array<i32>} : memref<512x128xf32, #tpu.memory_space<vmem>>, vector<1x16xf32>,
      %get3A_964 = vector.shape_cast %get3A_963 : vector<1x16xf32> to vector<16xf32>
      %get3A_965 = arith.index_cast %squeeze3A_960 : i32 to index
      %get3A_966 = arith.constant 0 : index
      %get3A_967 = tpu.vector_load %arg7[%get3A_965, %get3A_966] {strides = array<i32>} : memref<8x128xf32, #tpu.memory_space<vmem>>, vector<1x16xf32>,
      %get3A_968 = vector.shape_cast %get3A_967 : vector<1x16xf32> to vector<16xf32>
      %mul3A_969 = arith.mulf %get3A_964, %get3A_968 : vector<16xf32>
      %get3A_970 = arith.index_cast %add3A_958 : i32 to index
      %get3A_971 = arith.constant 16 : index
      %get3A_972 = tpu.vector_load %arg8[%get3A_970, %get3A_971] {strides = array<i32>} : memref<512x128xf32, #tpu.memory_space<vmem>>, vector<1x16xf32>,
      %get3A_973 = vector.shape_cast %get3A_972 : vector<1x16xf32> to vector<16xf32>
      %get3A_974 = arith.index_cast %squeeze3A_960 : i32 to index
      %get3A_975 = arith.constant 16 : index
      %get3A_976 = tpu.vector_load %arg7[%get3A_974, %get3A_975] {strides = array<i32>} : memref<8x128xf32, #tpu.memory_space<vmem>>, vector<1x16xf32>,
      %get3A_977 = vector.shape_cast %get3A_976 : vector<1x16xf32> to vector<16xf32>
      %mul3A_978 = arith.mulf %get3A_973, %get3A_977 : vector<16xf32>
      %get3A_979 = arith.index_cast %add3A_958 : i32 to index
      %get3A_980 = arith.constant 32 : index
      %get3A_981 = tpu.vector_load %arg8[%get3A_979, %get3A_980] {strides = array<i32>} : memref<512x128xf32, #tpu.memory_space<vmem>>, vector<1x16xf32>,
      %get3A_982 = vector.shape_cast %get3A_981 : vector<1x16xf32> to vector<16xf32>
      %get3A_983 = arith.index_cast %squeeze3A_960 : i32 to index
      %get3A_984 = arith.constant 32 : index
      %get3A_985 = tpu.vector_load %arg7[%get3A_983, %get3A_984] {strides = array<i32>} : memref<8x128xf32, #tpu.memory_space<vmem>>, vector<1x16xf32>,
      %get3A_986 = vector.shape_cast %get3A_985 : vector<1x16xf32> to vector<16xf32>
      %mul3A_987 = arith.mulf %get3A_982, %get3A_986 : vector<16xf32>
      %get3A_988 = arith.index_cast %add3A_958 : i32 to index
      %get3A_989 = arith.constant 48 : index
      %get3A_990 = tpu.vector_load %arg8[%get3A_988, %get3A_989] {strides = array<i32>} : memref<512x128xf32, #tpu.memory_space<vmem>>, vector<1x16xf32>,
      %get3A_991 = vector.shape_cast %get3A_990 : vector<1x16xf32> to vector<16xf32>
      %get3A_992 = arith.index_cast %squeeze3A_960 : i32 to index
      %get3A_993 = arith.constant 48 : index
      %get3A_994 = tpu.vector_load %arg7[%get3A_992, %get3A_993] {strides = array<i32>} : memref<8x128xf32, #tpu.memory_space<vmem>>, vector<1x16xf32>,
      %get3A_995 = vector.shape_cast %get3A_994 : vector<1x16xf32> to vector<16xf32>
      %mul3A_996 = arith.mulf %get3A_991, %get3A_995 : vector<16xf32>
      %get3A_997 = arith.index_cast %add3A_958 : i32 to index
      %get3A_998 = arith.constant 64 : index
      %get3A_999 = tpu.vector_load %arg8[%get3A_997, %get3A_998] {strides = array<i32>} : memref<512x128xf32, #tpu.memory_space<vmem>>, vector<1x16xf32>,
      %get3A_1000 = vector.shape_cast %get3A_999 : vector<1x16xf32> to vector<16xf32>
      %get3A_1001 = arith.index_cast %squeeze3A_960 : i32 to index
      %get3A_1002 = arith.constant 64 : index
      %get3A_1003 = tpu.vector_load %arg7[%get3A_1001, %get3A_1002] {strides = array<i32>} : memref<8x128xf32, #tpu.memory_space<vmem>>, vector<1x16xf32>,
      %get3A_1004 = vector.shape_cast %get3A_1003 : vector<1x16xf32> to vector<16xf32>
      %mul3A_1005 = arith.mulf %get3A_1000, %get3A_1004 : vector<16xf32>
      %get3A_1006 = arith.index_cast %add3A_958 : i32 to index
      %get3A_1007 = arith.constant 80 : index
      %get3A_1008 = tpu.vector_load %arg8[%get3A_1006, %get3A_1007] {strides = array<i32>} : memref<512x128xf32, #tpu.memory_space<vmem>>, vector<1x16xf32>,
      %get3A_1009 = vector.shape_cast %get3A_1008 : vector<1x16xf32> to vector<16xf32>
      %get3A_1010 = arith.index_cast %squeeze3A_960 : i32 to index
      %get3A_1011 = arith.constant 80 : index
      %get3A_1012 = tpu.vector_load %arg7[%get3A_1010, %get3A_1011] {strides = array<i32>} : memref<8x128xf32, #tpu.memory_space<vmem>>, vector<1x16xf32>,
      %get3A_1013 = vector.shape_cast %get3A_1012 : vector<1x16xf32> to vector<16xf32>
      %mul3A_1014 = arith.mulf %get3A_1009, %get3A_1013 : vector<16xf32>
      %get3A_1015 = arith.index_cast %add3A_958 : i32 to index
      %get3A_1016 = arith.constant 96 : index
      %get3A_1017 = tpu.vector_load %arg8[%get3A_1015, %get3A_1016] {strides = array<i32>} : memref<512x128xf32, #tpu.memory_space<vmem>>, vector<1x16xf32>,
      %get3A_1018 = vector.shape_cast %get3A_1017 : vector<1x16xf32> to vector<16xf32>
      %get3A_1019 = arith.index_cast %squeeze3A_960 : i32 to index
      %get3A_1020 = arith.constant 96 : index
      %get3A_1021 = tpu.vector_load %arg7[%get3A_1019, %get3A_1020] {strides = array<i32>} : memref<8x128xf32, #tpu.memory_space<vmem>>, vector<1x16xf32>,
      %get3A_1022 = vector.shape_cast %get3A_1021 : vector<1x16xf32> to vector<16xf32>
      %mul3A_1023 = arith.mulf %get3A_1018, %get3A_1022 : vector<16xf32>
      %get3A_1024 = arith.index_cast %add3A_958 : i32 to index
      %get3A_1025 = arith.constant 112 : index
      %get3A_1026 = tpu.vector_load %arg8[%get3A_1024, %get3A_1025] {strides = array<i32>} : memref<512x128xf32, #tpu.memory_space<vmem>>, vector<1x16xf32>,
      %get3A_1027 = vector.shape_cast %get3A_1026 : vector<1x16xf32> to vector<16xf32>
      %get3A_1028 = arith.index_cast %squeeze3A_960 : i32 to index
      %get3A_1029 = arith.constant 112 : index
      %get3A_1030 = tpu.vector_load %arg7[%get3A_1028, %get3A_1029] {strides = array<i32>} : memref<8x128xf32, #tpu.memory_space<vmem>>, vector<1x16xf32>,
      %get3A_1031 = vector.shape_cast %get3A_1030 : vector<1x16xf32> to vector<16xf32>
      %mul3A_1032 = arith.mulf %get3A_1027, %get3A_1031 : vector<16xf32>
      %swap3A_1033 = arith.index_cast %add3A_958 : i32 to index
      %swap3A_1034 = arith.constant 0 : index
      %swap3A_1035 = tpu.vector_load %arg8[%swap3A_1033, %swap3A_1034] {strides = array<i32>} : memref<512x128xf32, #tpu.memory_space<vmem>>, vector<1x16xf32>,
      %swap3A_1036 = vector.shape_cast %swap3A_1035 : vector<1x16xf32> to vector<16xf32>
      %swap3A_1037 = vector.shape_cast %mul3A_969 : vector<16xf32> to vector<1x16xf32>
      tpu.vector_store %arg8[%swap3A_1033, %swap3A_1034], %swap3A_1037 {strides = array<i32>} : memref<512x128xf32, #tpu.memory_space<vmem>>, vector<1x16xf32>,
      %swap3A_1038 = arith.index_cast %add3A_958 : i32 to index
      %swap3A_1039 = arith.constant 16 : index
      %swap3A_1040 = tpu.vector_load %arg8[%swap3A_1038, %swap3A_1039] {strides = array<i32>} : memref<512x128xf32, #tpu.memory_space<vmem>>, vector<1x16xf32>,
      %swap3A_1041 = vector.shape_cast %swap3A_1040 : vector<1x16xf32> to vector<16xf32>
      %swap3A_1042 = vector.shape_cast %mul3A_978 : vector<16xf32> to vector<1x16xf32>
      tpu.vector_store %arg8[%swap3A_1038, %swap3A_1039], %swap3A_1042 {strides = array<i32>} : memref<512x128xf32, #tpu.memory_space<vmem>>, vector<1x16xf32>,
      %swap3A_1043 = arith.index_cast %add3A_958 : i32 to index
      %swap3A_1044 = arith.constant 32 : index
      %swap3A_1045 = tpu.vector_load %arg8[%swap3A_1043, %swap3A_1044] {strides = array<i32>} : memref<512x128xf32, #tpu.memory_space<vmem>>, vector<1x16xf32>,
      %swap3A_1046 = vector.shape_cast %swap3A_1045 : vector<1x16xf32> to vector<16xf32>
      %swap3A_1047 = vector.shape_cast %mul3A_987 : vector<16xf32> to vector<1x16xf32>
      tpu.vector_store %arg8[%swap3A_1043, %swap3A_1044], %swap3A_1047 {strides = array<i32>} : memref<512x128xf32, #tpu.memory_space<vmem>>, vector<1x16xf32>,
      %swap3A_1048 = arith.index_cast %add3A_958 : i32 to index
      %swap3A_1049 = arith.constant 48 : index
      %swap3A_1050 = tpu.vector_load %arg8[%swap3A_1048, %swap3A_1049] {strides = array<i32>} : memref<512x128xf32, #tpu.memory_space<vmem>>, vector<1x16xf32>,
      %swap3A_1051 = vector.shape_cast %swap3A_1050 : vector<1x16xf32> to vector<16xf32>
      %swap3A_1052 = vector.shape_cast %mul3A_996 : vector<16xf32> to vector<1x16xf32>
      tpu.vector_store %arg8[%swap3A_1048, %swap3A_1049], %swap3A_1052 {strides = array<i32>} : memref<512x128xf32, #tpu.memory_space<vmem>>, vector<1x16xf32>,
      %swap3A_1053 = arith.index_cast %add3A_958 : i32 to index
      %swap3A_1054 = arith.constant 64 : index
      %swap3A_1055 = tpu.vector_load %arg8[%swap3A_1053, %swap3A_1054] {strides = array<i32>} : memref<512x128xf32, #tpu.memory_space<vmem>>, vector<1x16xf32>,
      %swap3A_1056 = vector.shape_cast %swap3A_1055 : vector<1x16xf32> to vector<16xf32>
      %swap3A_1057 = vector.shape_cast %mul3A_1005 : vector<16xf32> to vector<1x16xf32>
      tpu.vector_store %arg8[%swap3A_1053, %swap3A_1054], %swap3A_1057 {strides = array<i32>} : memref<512x128xf32, #tpu.memory_space<vmem>>, vector<1x16xf32>,
      %swap3A_1058 = arith.index_cast %add3A_958 : i32 to index
      %swap3A_1059 = arith.constant 80 : index
      %swap3A_1060 = tpu.vector_load %arg8[%swap3A_1058, %swap3A_1059] {strides = array<i32>} : memref<512x128xf32, #tpu.memory_space<vmem>>, vector<1x16xf32>,
      %swap3A_1061 = vector.shape_cast %swap3A_1060 : vector<1x16xf32> to vector<16xf32>
      %swap3A_1062 = vector.shape_cast %mul3A_1014 : vector<16xf32> to vector<1x16xf32>
      tpu.vector_store %arg8[%swap3A_1058, %swap3A_1059], %swap3A_1062 {strides = array<i32>} : memref<512x128xf32, #tpu.memory_space<vmem>>, vector<1x16xf32>,
      %swap3A_1063 = arith.index_cast %add3A_958 : i32 to index
      %swap3A_1064 = arith.constant 96 : index
      %swap3A_1065 = tpu.vector_load %arg8[%swap3A_1063, %swap3A_1064] {strides = array<i32>} : memref<512x128xf32, #tpu.memory_space<vmem>>, vector<1x16xf32>,
      %swap3A_1066 = vector.shape_cast %swap3A_1065 : vector<1x16xf32> to vector<16xf32>
      %swap3A_1067 = vector.shape_cast %mul3A_1023 : vector<16xf32> to vector<1x16xf32>
      tpu.vector_store %arg8[%swap3A_1063, %swap3A_1064], %swap3A_1067 {strides = array<i32>} : memref<512x128xf32, #tpu.memory_space<vmem>>, vector<1x16xf32>,
      %swap3A_1068 = arith.index_cast %add3A_958 : i32 to index
      %swap3A_1069 = arith.constant 112 : index
      %swap3A_1070 = tpu.vector_load %arg8[%swap3A_1068, %swap3A_1069] {strides = array<i32>} : memref<512x128xf32, #tpu.memory_space<vmem>>, vector<1x16xf32>,
      %swap3A_1071 = vector.shape_cast %swap3A_1070 : vector<1x16xf32> to vector<16xf32>
      %swap3A_1072 = vector.shape_cast %mul3A_1032 : vector<16xf32> to vector<1x16xf32>
      tpu.vector_store %arg8[%swap3A_1068, %swap3A_1069], %swap3A_1072 {strides = array<i32>} : memref<512x128xf32, #tpu.memory_space<vmem>>, vector<1x16xf32>,
      %mul3A_1073 = arith.constant 16 : i32
      %mul3A_1074 = arith.muli %scan3A_404, %mul3A_1073 : i32
      %add3A_1075 = arith.constant 5 : i32
      %add3A_1076 = arith.addi %mul3A_1074, %add3A_1075 : i32
      %slice3A_1077 = vector.extract_strided_slice %get3A_485 {offsets = [5], sizes = [1], strides = [1]} : vector<16xi32> to vector<1xi32>
      %squeeze3A_1078 = vector.extract %slice3A_1077[0] : i32 from vector<1xi32>
      %get3A_1079 = arith.index_cast %add3A_1076 : i32 to index
      %get3A_1080 = arith.constant 0 : index
      %get3A_1081 = tpu.vector_load %arg8[%get3A_1079, %get3A_1080] {strides = array<i32>} : memref<512x128xf32, #tpu.memory_space<vmem>>, vector<1x16xf32>,
      %get3A_1082 = vector.shape_cast %get3A_1081 : vector<1x16xf32> to vector<16xf32>
      %get3A_1083 = arith.index_cast %squeeze3A_1078 : i32 to index
      %get3A_1084 = arith.constant 0 : index
      %get3A_1085 = tpu.vector_load %arg7[%get3A_1083, %get3A_1084] {strides = array<i32>} : memref<8x128xf32, #tpu.memory_space<vmem>>, vector<1x16xf32>,
      %get3A_1086 = vector.shape_cast %get3A_1085 : vector<1x16xf32> to vector<16xf32>
      %mul3A_1087 = arith.mulf %get3A_1082, %get3A_1086 : vector<16xf32>
      %get3A_1088 = arith.index_cast %add3A_1076 : i32 to index
      %get3A_1089 = arith.constant 16 : index
      %get3A_1090 = tpu.vector_load %arg8[%get3A_1088, %get3A_1089] {strides = array<i32>} : memref<512x128xf32, #tpu.memory_space<vmem>>, vector<1x16xf32>,
      %get3A_1091 = vector.shape_cast %get3A_1090 : vector<1x16xf32> to vector<16xf32>
      %get3A_1092 = arith.index_cast %squeeze3A_1078 : i32 to index
      %get3A_1093 = arith.constant 16 : index
      %get3A_1094 = tpu.vector_load %arg7[%get3A_1092, %get3A_1093] {strides = array<i32>} : memref<8x128xf32, #tpu.memory_space<vmem>>, vector<1x16xf32>,
      %get3A_1095 = vector.shape_cast %get3A_1094 : vector<1x16xf32> to vector<16xf32>
      %mul3A_1096 = arith.mulf %get3A_1091, %get3A_1095 : vector<16xf32>
      %get3A_1097 = arith.index_cast %add3A_1076 : i32 to index
      %get3A_1098 = arith.constant 32 : index
      %get3A_1099 = tpu.vector_load %arg8[%get3A_1097, %get3A_1098] {strides = array<i32>} : memref<512x128xf32, #tpu.memory_space<vmem>>, vector<1x16xf32>,
      %get3A_1100 = vector.shape_cast %get3A_1099 : vector<1x16xf32> to vector<16xf32>
      %get3A_1101 = arith.index_cast %squeeze3A_1078 : i32 to index
      %get3A_1102 = arith.constant 32 : index
      %get3A_1103 = tpu.vector_load %arg7[%get3A_1101, %get3A_1102] {strides = array<i32>} : memref<8x128xf32, #tpu.memory_space<vmem>>, vector<1x16xf32>,
      %get3A_1104 = vector.shape_cast %get3A_1103 : vector<1x16xf32> to vector<16xf32>
      %mul3A_1105 = arith.mulf %get3A_1100, %get3A_1104 : vector<16xf32>
      %get3A_1106 = arith.index_cast %add3A_1076 : i32 to index
      %get3A_1107 = arith.constant 48 : index
      %get3A_1108 = tpu.vector_load %arg8[%get3A_1106, %get3A_1107] {strides = array<i32>} : memref<512x128xf32, #tpu.memory_space<vmem>>, vector<1x16xf32>,
      %get3A_1109 = vector.shape_cast %get3A_1108 : vector<1x16xf32> to vector<16xf32>
      %get3A_1110 = arith.index_cast %squeeze3A_1078 : i32 to index
      %get3A_1111 = arith.constant 48 : index
      %get3A_1112 = tpu.vector_load %arg7[%get3A_1110, %get3A_1111] {strides = array<i32>} : memref<8x128xf32, #tpu.memory_space<vmem>>, vector<1x16xf32>,
      %get3A_1113 = vector.shape_cast %get3A_1112 : vector<1x16xf32> to vector<16xf32>
      %mul3A_1114 = arith.mulf %get3A_1109, %get3A_1113 : vector<16xf32>
      %get3A_1115 = arith.index_cast %add3A_1076 : i32 to index
      %get3A_1116 = arith.constant 64 : index
      %get3A_1117 = tpu.vector_load %arg8[%get3A_1115, %get3A_1116] {strides = array<i32>} : memref<512x128xf32, #tpu.memory_space<vmem>>, vector<1x16xf32>,
      %get3A_1118 = vector.shape_cast %get3A_1117 : vector<1x16xf32> to vector<16xf32>
      %get3A_1119 = arith.index_cast %squeeze3A_1078 : i32 to index
      %get3A_1120 = arith.constant 64 : index
      %get3A_1121 = tpu.vector_load %arg7[%get3A_1119, %get3A_1120] {strides = array<i32>} : memref<8x128xf32, #tpu.memory_space<vmem>>, vector<1x16xf32>,
      %get3A_1122 = vector.shape_cast %get3A_1121 : vector<1x16xf32> to vector<16xf32>
      %mul3A_1123 = arith.mulf %get3A_1118, %get3A_1122 : vector<16xf32>
      %get3A_1124 = arith.index_cast %add3A_1076 : i32 to index
      %get3A_1125 = arith.constant 80 : index
      %get3A_1126 = tpu.vector_load %arg8[%get3A_1124, %get3A_1125] {strides = array<i32>} : memref<512x128xf32, #tpu.memory_space<vmem>>, vector<1x16xf32>,
      %get3A_1127 = vector.shape_cast %get3A_1126 : vector<1x16xf32> to vector<16xf32>
      %get3A_1128 = arith.index_cast %squeeze3A_1078 : i32 to index
      %get3A_1129 = arith.constant 80 : index
      %get3A_1130 = tpu.vector_load %arg7[%get3A_1128, %get3A_1129] {strides = array<i32>} : memref<8x128xf32, #tpu.memory_space<vmem>>, vector<1x16xf32>,
      %get3A_1131 = vector.shape_cast %get3A_1130 : vector<1x16xf32> to vector<16xf32>
      %mul3A_1132 = arith.mulf %get3A_1127, %get3A_1131 : vector<16xf32>
      %get3A_1133 = arith.index_cast %add3A_1076 : i32 to index
      %get3A_1134 = arith.constant 96 : index
      %get3A_1135 = tpu.vector_load %arg8[%get3A_1133, %get3A_1134] {strides = array<i32>} : memref<512x128xf32, #tpu.memory_space<vmem>>, vector<1x16xf32>,
      %get3A_1136 = vector.shape_cast %get3A_1135 : vector<1x16xf32> to vector<16xf32>
      %get3A_1137 = arith.index_cast %squeeze3A_1078 : i32 to index
      %get3A_1138 = arith.constant 96 : index
      %get3A_1139 = tpu.vector_load %arg7[%get3A_1137, %get3A_1138] {strides = array<i32>} : memref<8x128xf32, #tpu.memory_space<vmem>>, vector<1x16xf32>,
      %get3A_1140 = vector.shape_cast %get3A_1139 : vector<1x16xf32> to vector<16xf32>
      %mul3A_1141 = arith.mulf %get3A_1136, %get3A_1140 : vector<16xf32>
      %get3A_1142 = arith.index_cast %add3A_1076 : i32 to index
      %get3A_1143 = arith.constant 112 : index
      %get3A_1144 = tpu.vector_load %arg8[%get3A_1142, %get3A_1143] {strides = array<i32>} : memref<512x128xf32, #tpu.memory_space<vmem>>, vector<1x16xf32>,
      %get3A_1145 = vector.shape_cast %get3A_1144 : vector<1x16xf32> to vector<16xf32>
      %get3A_1146 = arith.index_cast %squeeze3A_1078 : i32 to index
      %get3A_1147 = arith.constant 112 : index
      %get3A_1148 = tpu.vector_load %arg7[%get3A_1146, %get3A_1147] {strides = array<i32>} : memref<8x128xf32, #tpu.memory_space<vmem>>, vector<1x16xf32>,
      %get3A_1149 = vector.shape_cast %get3A_1148 : vector<1x16xf32> to vector<16xf32>
      %mul3A_1150 = arith.mulf %get3A_1145, %get3A_1149 : vector<16xf32>
      %swap3A_1151 = arith.index_cast %add3A_1076 : i32 to index
      %swap3A_1152 = arith.constant 0 : index
      %swap3A_1153 = tpu.vector_load %arg8[%swap3A_1151, %swap3A_1152] {strides = array<i32>} : memref<512x128xf32, #tpu.memory_space<vmem>>, vector<1x16xf32>,
      %swap3A_1154 = vector.shape_cast %swap3A_1153 : vector<1x16xf32> to vector<16xf32>
      %swap3A_1155 = vector.shape_cast %mul3A_1087 : vector<16xf32> to vector<1x16xf32>
      tpu.vector_store %arg8[%swap3A_1151, %swap3A_1152], %swap3A_1155 {strides = array<i32>} : memref<512x128xf32, #tpu.memory_space<vmem>>, vector<1x16xf32>,
      %swap3A_1156 = arith.index_cast %add3A_1076 : i32 to index
      %swap3A_1157 = arith.constant 16 : index
      %swap3A_1158 = tpu.vector_load %arg8[%swap3A_1156, %swap3A_1157] {strides = array<i32>} : memref<512x128xf32, #tpu.memory_space<vmem>>, vector<1x16xf32>,
      %swap3A_1159 = vector.shape_cast %swap3A_1158 : vector<1x16xf32> to vector<16xf32>
      %swap3A_1160 = vector.shape_cast %mul3A_1096 : vector<16xf32> to vector<1x16xf32>
      tpu.vector_store %arg8[%swap3A_1156, %swap3A_1157], %swap3A_1160 {strides = array<i32>} : memref<512x128xf32, #tpu.memory_space<vmem>>, vector<1x16xf32>,
      %swap3A_1161 = arith.index_cast %add3A_1076 : i32 to index
      %swap3A_1162 = arith.constant 32 : index
      %swap3A_1163 = tpu.vector_load %arg8[%swap3A_1161, %swap3A_1162] {strides = array<i32>} : memref<512x128xf32, #tpu.memory_space<vmem>>, vector<1x16xf32>,
      %swap3A_1164 = vector.shape_cast %swap3A_1163 : vector<1x16xf32> to vector<16xf32>
      %swap3A_1165 = vector.shape_cast %mul3A_1105 : vector<16xf32> to vector<1x16xf32>
      tpu.vector_store %arg8[%swap3A_1161, %swap3A_1162], %swap3A_1165 {strides = array<i32>} : memref<512x128xf32, #tpu.memory_space<vmem>>, vector<1x16xf32>,
      %swap3A_1166 = arith.index_cast %add3A_1076 : i32 to index
      %swap3A_1167 = arith.constant 48 : index
      %swap3A_1168 = tpu.vector_load %arg8[%swap3A_1166, %swap3A_1167] {strides = array<i32>} : memref<512x128xf32, #tpu.memory_space<vmem>>, vector<1x16xf32>,
      %swap3A_1169 = vector.shape_cast %swap3A_1168 : vector<1x16xf32> to vector<16xf32>
      %swap3A_1170 = vector.shape_cast %mul3A_1114 : vector<16xf32> to vector<1x16xf32>
      tpu.vector_store %arg8[%swap3A_1166, %swap3A_1167], %swap3A_1170 {strides = array<i32>} : memref<512x128xf32, #tpu.memory_space<vmem>>, vector<1x16xf32>,
      %swap3A_1171 = arith.index_cast %add3A_1076 : i32 to index
      %swap3A_1172 = arith.constant 64 : index
      %swap3A_1173 = tpu.vector_load %arg8[%swap3A_1171, %swap3A_1172] {strides = array<i32>} : memref<512x128xf32, #tpu.memory_space<vmem>>, vector<1x16xf32>,
      %swap3A_1174 = vector.shape_cast %swap3A_1173 : vector<1x16xf32> to vector<16xf32>
      %swap3A_1175 = vector.shape_cast %mul3A_1123 : vector<16xf32> to vector<1x16xf32>
      tpu.vector_store %arg8[%swap3A_1171, %swap3A_1172], %swap3A_1175 {strides = array<i32>} : memref<512x128xf32, #tpu.memory_space<vmem>>, vector<1x16xf32>,
      %swap3A_1176 = arith.index_cast %add3A_1076 : i32 to index
      %swap3A_1177 = arith.constant 80 : index
      %swap3A_1178 = tpu.vector_load %arg8[%swap3A_1176, %swap3A_1177] {strides = array<i32>} : memref<512x128xf32, #tpu.memory_space<vmem>>, vector<1x16xf32>,
      %swap3A_1179 = vector.shape_cast %swap3A_1178 : vector<1x16xf32> to vector<16xf32>
      %swap3A_1180 = vector.shape_cast %mul3A_1132 : vector<16xf32> to vector<1x16xf32>
      tpu.vector_store %arg8[%swap3A_1176, %swap3A_1177], %swap3A_1180 {strides = array<i32>} : memref<512x128xf32, #tpu.memory_space<vmem>>, vector<1x16xf32>,
      %swap3A_1181 = arith.index_cast %add3A_1076 : i32 to index
      %swap3A_1182 = arith.constant 96 : index
      %swap3A_1183 = tpu.vector_load %arg8[%swap3A_1181, %swap3A_1182] {strides = array<i32>} : memref<512x128xf32, #tpu.memory_space<vmem>>, vector<1x16xf32>,
      %swap3A_1184 = vector.shape_cast %swap3A_1183 : vector<1x16xf32> to vector<16xf32>
      %swap3A_1185 = vector.shape_cast %mul3A_1141 : vector<16xf32> to vector<1x16xf32>
      tpu.vector_store %arg8[%swap3A_1181, %swap3A_1182], %swap3A_1185 {strides = array<i32>} : memref<512x128xf32, #tpu.memory_space<vmem>>, vector<1x16xf32>,
      %swap3A_1186 = arith.index_cast %add3A_1076 : i32 to index
      %swap3A_1187 = arith.constant 112 : index
      %swap3A_1188 = tpu.vector_load %arg8[%swap3A_1186, %swap3A_1187] {strides = array<i32>} : memref<512x128xf32, #tpu.memory_space<vmem>>, vector<1x16xf32>,
      %swap3A_1189 = vector.shape_cast %swap3A_1188 : vector<1x16xf32> to vector<16xf32>
      %swap3A_1190 = vector.shape_cast %mul3A_1150 : vector<16xf32> to vector<1x16xf32>
      tpu.vector_store %arg8[%swap3A_1186, %swap3A_1187], %swap3A_1190 {strides = array<i32>} : memref<512x128xf32, #tpu.memory_space<vmem>>, vector<1x16xf32>,
      %mul3A_1191 = arith.constant 16 : i32
      %mul3A_1192 = arith.muli %scan3A_404, %mul3A_1191 : i32
      %add3A_1193 = arith.constant 6 : i32
      %add3A_1194 = arith.addi %mul3A_1192, %add3A_1193 : i32
      %slice3A_1195 = vector.extract_strided_slice %get3A_485 {offsets = [6], sizes = [1], strides = [1]} : vector<16xi32> to vector<1xi32>
      %squeeze3A_1196 = vector.extract %slice3A_1195[0] : i32 from vector<1xi32>
      %get3A_1197 = arith.index_cast %add3A_1194 : i32 to index
      %get3A_1198 = arith.constant 0 : index
      %get3A_1199 = tpu.vector_load %arg8[%get3A_1197, %get3A_1198] {strides = array<i32>} : memref<512x128xf32, #tpu.memory_space<vmem>>, vector<1x16xf32>,
      %get3A_1200 = vector.shape_cast %get3A_1199 : vector<1x16xf32> to vector<16xf32>
      %get3A_1201 = arith.index_cast %squeeze3A_1196 : i32 to index
      %get3A_1202 = arith.constant 0 : index
      %get3A_1203 = tpu.vector_load %arg7[%get3A_1201, %get3A_1202] {strides = array<i32>} : memref<8x128xf32, #tpu.memory_space<vmem>>, vector<1x16xf32>,
      %get3A_1204 = vector.shape_cast %get3A_1203 : vector<1x16xf32> to vector<16xf32>
      %mul3A_1205 = arith.mulf %get3A_1200, %get3A_1204 : vector<16xf32>
      %get3A_1206 = arith.index_cast %add3A_1194 : i32 to index
      %get3A_1207 = arith.constant 16 : index
      %get3A_1208 = tpu.vector_load %arg8[%get3A_1206, %get3A_1207] {strides = array<i32>} : memref<512x128xf32, #tpu.memory_space<vmem>>, vector<1x16xf32>,
      %get3A_1209 = vector.shape_cast %get3A_1208 : vector<1x16xf32> to vector<16xf32>
      %get3A_1210 = arith.index_cast %squeeze3A_1196 : i32 to index
      %get3A_1211 = arith.constant 16 : index
      %get3A_1212 = tpu.vector_load %arg7[%get3A_1210, %get3A_1211] {strides = array<i32>} : memref<8x128xf32, #tpu.memory_space<vmem>>, vector<1x16xf32>,
      %get3A_1213 = vector.shape_cast %get3A_1212 : vector<1x16xf32> to vector<16xf32>
      %mul3A_1214 = arith.mulf %get3A_1209, %get3A_1213 : vector<16xf32>
      %get3A_1215 = arith.index_cast %add3A_1194 : i32 to index
      %get3A_1216 = arith.constant 32 : index
      %get3A_1217 = tpu.vector_load %arg8[%get3A_1215, %get3A_1216] {strides = array<i32>} : memref<512x128xf32, #tpu.memory_space<vmem>>, vector<1x16xf32>,
      %get3A_1218 = vector.shape_cast %get3A_1217 : vector<1x16xf32> to vector<16xf32>
      %get3A_1219 = arith.index_cast %squeeze3A_1196 : i32 to index
      %get3A_1220 = arith.constant 32 : index
      %get3A_1221 = tpu.vector_load %arg7[%get3A_1219, %get3A_1220] {strides = array<i32>} : memref<8x128xf32, #tpu.memory_space<vmem>>, vector<1x16xf32>,
      %get3A_1222 = vector.shape_cast %get3A_1221 : vector<1x16xf32> to vector<16xf32>
      %mul3A_1223 = arith.mulf %get3A_1218, %get3A_1222 : vector<16xf32>
      %get3A_1224 = arith.index_cast %add3A_1194 : i32 to index
      %get3A_1225 = arith.constant 48 : index
      %get3A_1226 = tpu.vector_load %arg8[%get3A_1224, %get3A_1225] {strides = array<i32>} : memref<512x128xf32, #tpu.memory_space<vmem>>, vector<1x16xf32>,
      %get3A_1227 = vector.shape_cast %get3A_1226 : vector<1x16xf32> to vector<16xf32>
      %get3A_1228 = arith.index_cast %squeeze3A_1196 : i32 to index
      %get3A_1229 = arith.constant 48 : index
      %get3A_1230 = tpu.vector_load %arg7[%get3A_1228, %get3A_1229] {strides = array<i32>} : memref<8x128xf32, #tpu.memory_space<vmem>>, vector<1x16xf32>,
      %get3A_1231 = vector.shape_cast %get3A_1230 : vector<1x16xf32> to vector<16xf32>
      %mul3A_1232 = arith.mulf %get3A_1227, %get3A_1231 : vector<16xf32>
      %get3A_1233 = arith.index_cast %add3A_1194 : i32 to index
      %get3A_1234 = arith.constant 64 : index
      %get3A_1235 = tpu.vector_load %arg8[%get3A_1233, %get3A_1234] {strides = array<i32>} : memref<512x128xf32, #tpu.memory_space<vmem>>, vector<1x16xf32>,
      %get3A_1236 = vector.shape_cast %get3A_1235 : vector<1x16xf32> to vector<16xf32>
      %get3A_1237 = arith.index_cast %squeeze3A_1196 : i32 to index
      %get3A_1238 = arith.constant 64 : index
      %get3A_1239 = tpu.vector_load %arg7[%get3A_1237, %get3A_1238] {strides = array<i32>} : memref<8x128xf32, #tpu.memory_space<vmem>>, vector<1x16xf32>,
      %get3A_1240 = vector.shape_cast %get3A_1239 : vector<1x16xf32> to vector<16xf32>
      %mul3A_1241 = arith.mulf %get3A_1236, %get3A_1240 : vector<16xf32>
      %get3A_1242 = arith.index_cast %add3A_1194 : i32 to index
      %get3A_1243 = arith.constant 80 : index
      %get3A_1244 = tpu.vector_load %arg8[%get3A_1242, %get3A_1243] {strides = array<i32>} : memref<512x128xf32, #tpu.memory_space<vmem>>, vector<1x16xf32>,
      %get3A_1245 = vector.shape_cast %get3A_1244 : vector<1x16xf32> to vector<16xf32>
      %get3A_1246 = arith.index_cast %squeeze3A_1196 : i32 to index
      %get3A_1247 = arith.constant 80 : index
      %get3A_1248 = tpu.vector_load %arg7[%get3A_1246, %get3A_1247] {strides = array<i32>} : memref<8x128xf32, #tpu.memory_space<vmem>>, vector<1x16xf32>,
      %get3A_1249 = vector.shape_cast %get3A_1248 : vector<1x16xf32> to vector<16xf32>
      %mul3A_1250 = arith.mulf %get3A_1245, %get3A_1249 : vector<16xf32>
      %get3A_1251 = arith.index_cast %add3A_1194 : i32 to index
      %get3A_1252 = arith.constant 96 : index
      %get3A_1253 = tpu.vector_load %arg8[%get3A_1251, %get3A_1252] {strides = array<i32>} : memref<512x128xf32, #tpu.memory_space<vmem>>, vector<1x16xf32>,
      %get3A_1254 = vector.shape_cast %get3A_1253 : vector<1x16xf32> to vector<16xf32>
      %get3A_1255 = arith.index_cast %squeeze3A_1196 : i32 to index
      %get3A_1256 = arith.constant 96 : index
      %get3A_1257 = tpu.vector_load %arg7[%get3A_1255, %get3A_1256] {strides = array<i32>} : memref<8x128xf32, #tpu.memory_space<vmem>>, vector<1x16xf32>,
      %get3A_1258 = vector.shape_cast %get3A_1257 : vector<1x16xf32> to vector<16xf32>
      %mul3A_1259 = arith.mulf %get3A_1254, %get3A_1258 : vector<16xf32>
      %get3A_1260 = arith.index_cast %add3A_1194 : i32 to index
      %get3A_1261 = arith.constant 112 : index
      %get3A_1262 = tpu.vector_load %arg8[%get3A_1260, %get3A_1261] {strides = array<i32>} : memref<512x128xf32, #tpu.memory_space<vmem>>, vector<1x16xf32>,
      %get3A_1263 = vector.shape_cast %get3A_1262 : vector<1x16xf32> to vector<16xf32>
      %get3A_1264 = arith.index_cast %squeeze3A_1196 : i32 to index
      %get3A_1265 = arith.constant 112 : index
      %get3A_1266 = tpu.vector_load %arg7[%get3A_1264, %get3A_1265] {strides = array<i32>} : memref<8x128xf32, #tpu.memory_space<vmem>>, vector<1x16xf32>,
      %get3A_1267 = vector.shape_cast %get3A_1266 : vector<1x16xf32> to vector<16xf32>
      %mul3A_1268 = arith.mulf %get3A_1263, %get3A_1267 : vector<16xf32>
      %swap3A_1269 = arith.index_cast %add3A_1194 : i32 to index
      %swap3A_1270 = arith.constant 0 : index
      %swap3A_1271 = tpu.vector_load %arg8[%swap3A_1269, %swap3A_1270] {strides = array<i32>} : memref<512x128xf32, #tpu.memory_space<vmem>>, vector<1x16xf32>,
      %swap3A_1272 = vector.shape_cast %swap3A_1271 : vector<1x16xf32> to vector<16xf32>
      %swap3A_1273 = vector.shape_cast %mul3A_1205 : vector<16xf32> to vector<1x16xf32>
      tpu.vector_store %arg8[%swap3A_1269, %swap3A_1270], %swap3A_1273 {strides = array<i32>} : memref<512x128xf32, #tpu.memory_space<vmem>>, vector<1x16xf32>,
      %swap3A_1274 = arith.index_cast %add3A_1194 : i32 to index
      %swap3A_1275 = arith.constant 16 : index
      %swap3A_1276 = tpu.vector_load %arg8[%swap3A_1274, %swap3A_1275] {strides = array<i32>} : memref<512x128xf32, #tpu.memory_space<vmem>>, vector<1x16xf32>,
      %swap3A_1277 = vector.shape_cast %swap3A_1276 : vector<1x16xf32> to vector<16xf32>
      %swap3A_1278 = vector.shape_cast %mul3A_1214 : vector<16xf32> to vector<1x16xf32>
      tpu.vector_store %arg8[%swap3A_1274, %swap3A_1275], %swap3A_1278 {strides = array<i32>} : memref<512x128xf32, #tpu.memory_space<vmem>>, vector<1x16xf32>,
      %swap3A_1279 = arith.index_cast %add3A_1194 : i32 to index
      %swap3A_1280 = arith.constant 32 : index
      %swap3A_1281 = tpu.vector_load %arg8[%swap3A_1279, %swap3A_1280] {strides = array<i32>} : memref<512x128xf32, #tpu.memory_space<vmem>>, vector<1x16xf32>,
      %swap3A_1282 = vector.shape_cast %swap3A_1281 : vector<1x16xf32> to vector<16xf32>
      %swap3A_1283 = vector.shape_cast %mul3A_1223 : vector<16xf32> to vector<1x16xf32>
      tpu.vector_store %arg8[%swap3A_1279, %swap3A_1280], %swap3A_1283 {strides = array<i32>} : memref<512x128xf32, #tpu.memory_space<vmem>>, vector<1x16xf32>,
      %swap3A_1284 = arith.index_cast %add3A_1194 : i32 to index
      %swap3A_1285 = arith.constant 48 : index
      %swap3A_1286 = tpu.vector_load %arg8[%swap3A_1284, %swap3A_1285] {strides = array<i32>} : memref<512x128xf32, #tpu.memory_space<vmem>>, vector<1x16xf32>,
      %swap3A_1287 = vector.shape_cast %swap3A_1286 : vector<1x16xf32> to vector<16xf32>
      %swap3A_1288 = vector.shape_cast %mul3A_1232 : vector<16xf32> to vector<1x16xf32>
      tpu.vector_store %arg8[%swap3A_1284, %swap3A_1285], %swap3A_1288 {strides = array<i32>} : memref<512x128xf32, #tpu.memory_space<vmem>>, vector<1x16xf32>,
      %swap3A_1289 = arith.index_cast %add3A_1194 : i32 to index
      %swap3A_1290 = arith.constant 64 : index
      %swap3A_1291 = tpu.vector_load %arg8[%swap3A_1289, %swap3A_1290] {strides = array<i32>} : memref<512x128xf32, #tpu.memory_space<vmem>>, vector<1x16xf32>,
      %swap3A_1292 = vector.shape_cast %swap3A_1291 : vector<1x16xf32> to vector<16xf32>
      %swap3A_1293 = vector.shape_cast %mul3A_1241 : vector<16xf32> to vector<1x16xf32>
      tpu.vector_store %arg8[%swap3A_1289, %swap3A_1290], %swap3A_1293 {strides = array<i32>} : memref<512x128xf32, #tpu.memory_space<vmem>>, vector<1x16xf32>,
      %swap3A_1294 = arith.index_cast %add3A_1194 : i32 to index
      %swap3A_1295 = arith.constant 80 : index
      %swap3A_1296 = tpu.vector_load %arg8[%swap3A_1294, %swap3A_1295] {strides = array<i32>} : memref<512x128xf32, #tpu.memory_space<vmem>>, vector<1x16xf32>,
      %swap3A_1297 = vector.shape_cast %swap3A_1296 : vector<1x16xf32> to vector<16xf32>
      %swap3A_1298 = vector.shape_cast %mul3A_1250 : vector<16xf32> to vector<1x16xf32>
      tpu.vector_store %arg8[%swap3A_1294, %swap3A_1295], %swap3A_1298 {strides = array<i32>} : memref<512x128xf32, #tpu.memory_space<vmem>>, vector<1x16xf32>,
      %swap3A_1299 = arith.index_cast %add3A_1194 : i32 to index
      %swap3A_1300 = arith.constant 96 : index
      %swap3A_1301 = tpu.vector_load %arg8[%swap3A_1299, %swap3A_1300] {strides = array<i32>} : memref<512x128xf32, #tpu.memory_space<vmem>>, vector<1x16xf32>,
      %swap3A_1302 = vector.shape_cast %swap3A_1301 : vector<1x16xf32> to vector<16xf32>
      %swap3A_1303 = vector.shape_cast %mul3A_1259 : vector<16xf32> to vector<1x16xf32>
      tpu.vector_store %arg8[%swap3A_1299, %swap3A_1300], %swap3A_1303 {strides = array<i32>} : memref<512x128xf32, #tpu.memory_space<vmem>>, vector<1x16xf32>,
      %swap3A_1304 = arith.index_cast %add3A_1194 : i32 to index
      %swap3A_1305 = arith.constant 112 : index
      %swap3A_1306 = tpu.vector_load %arg8[%swap3A_1304, %swap3A_1305] {strides = array<i32>} : memref<512x128xf32, #tpu.memory_space<vmem>>, vector<1x16xf32>,
      %swap3A_1307 = vector.shape_cast %swap3A_1306 : vector<1x16xf32> to vector<16xf32>
      %swap3A_1308 = vector.shape_cast %mul3A_1268 : vector<16xf32> to vector<1x16xf32>
      tpu.vector_store %arg8[%swap3A_1304, %swap3A_1305], %swap3A_1308 {strides = array<i32>} : memref<512x128xf32, #tpu.memory_space<vmem>>, vector<1x16xf32>,
      %mul3A_1309 = arith.constant 16 : i32
      %mul3A_1310 = arith.muli %scan3A_404, %mul3A_1309 : i32
      %add3A_1311 = arith.constant 7 : i32
      %add3A_1312 = arith.addi %mul3A_1310, %add3A_1311 : i32
      %slice3A_1313 = vector.extract_strided_slice %get3A_485 {offsets = [7], sizes = [1], strides = [1]} : vector<16xi32> to vector<1xi32>
      %squeeze3A_1314 = vector.extract %slice3A_1313[0] : i32 from vector<1xi32>
      %get3A_1315 = arith.index_cast %add3A_1312 : i32 to index
      %get3A_1316 = arith.constant 0 : index
      %get3A_1317 = tpu.vector_load %arg8[%get3A_1315, %get3A_1316] {strides = array<i32>} : memref<512x128xf32, #tpu.memory_space<vmem>>, vector<1x16xf32>,
      %get3A_1318 = vector.shape_cast %get3A_1317 : vector<1x16xf32> to vector<16xf32>
      %get3A_1319 = arith.index_cast %squeeze3A_1314 : i32 to index
      %get3A_1320 = arith.constant 0 : index
      %get3A_1321 = tpu.vector_load %arg7[%get3A_1319, %get3A_1320] {strides = array<i32>} : memref<8x128xf32, #tpu.memory_space<vmem>>, vector<1x16xf32>,
      %get3A_1322 = vector.shape_cast %get3A_1321 : vector<1x16xf32> to vector<16xf32>
      %mul3A_1323 = arith.mulf %get3A_1318, %get3A_1322 : vector<16xf32>
      %get3A_1324 = arith.index_cast %add3A_1312 : i32 to index
      %get3A_1325 = arith.constant 16 : index
      %get3A_1326 = tpu.vector_load %arg8[%get3A_1324, %get3A_1325] {strides = array<i32>} : memref<512x128xf32, #tpu.memory_space<vmem>>, vector<1x16xf32>,
      %get3A_1327 = vector.shape_cast %get3A_1326 : vector<1x16xf32> to vector<16xf32>
      %get3A_1328 = arith.index_cast %squeeze3A_1314 : i32 to index
      %get3A_1329 = arith.constant 16 : index
      %get3A_1330 = tpu.vector_load %arg7[%get3A_1328, %get3A_1329] {strides = array<i32>} : memref<8x128xf32, #tpu.memory_space<vmem>>, vector<1x16xf32>,
      %get3A_1331 = vector.shape_cast %get3A_1330 : vector<1x16xf32> to vector<16xf32>
      %mul3A_1332 = arith.mulf %get3A_1327, %get3A_1331 : vector<16xf32>
      %get3A_1333 = arith.index_cast %add3A_1312 : i32 to index
      %get3A_1334 = arith.constant 32 : index
      %get3A_1335 = tpu.vector_load %arg8[%get3A_1333, %get3A_1334] {strides = array<i32>} : memref<512x128xf32, #tpu.memory_space<vmem>>, vector<1x16xf32>,
      %get3A_1336 = vector.shape_cast %get3A_1335 : vector<1x16xf32> to vector<16xf32>
      %get3A_1337 = arith.index_cast %squeeze3A_1314 : i32 to index
      %get3A_1338 = arith.constant 32 : index
      %get3A_1339 = tpu.vector_load %arg7[%get3A_1337, %get3A_1338] {strides = array<i32>} : memref<8x128xf32, #tpu.memory_space<vmem>>, vector<1x16xf32>,
      %get3A_1340 = vector.shape_cast %get3A_1339 : vector<1x16xf32> to vector<16xf32>
      %mul3A_1341 = arith.mulf %get3A_1336, %get3A_1340 : vector<16xf32>
      %get3A_1342 = arith.index_cast %add3A_1312 : i32 to index
      %get3A_1343 = arith.constant 48 : index
      %get3A_1344 = tpu.vector_load %arg8[%get3A_1342, %get3A_1343] {strides = array<i32>} : memref<512x128xf32, #tpu.memory_space<vmem>>, vector<1x16xf32>,
      %get3A_1345 = vector.shape_cast %get3A_1344 : vector<1x16xf32> to vector<16xf32>
      %get3A_1346 = arith.index_cast %squeeze3A_1314 : i32 to index
      %get3A_1347 = arith.constant 48 : index
      %get3A_1348 = tpu.vector_load %arg7[%get3A_1346, %get3A_1347] {strides = array<i32>} : memref<8x128xf32, #tpu.memory_space<vmem>>, vector<1x16xf32>,
      %get3A_1349 = vector.shape_cast %get3A_1348 : vector<1x16xf32> to vector<16xf32>
      %mul3A_1350 = arith.mulf %get3A_1345, %get3A_1349 : vector<16xf32>
      %get3A_1351 = arith.index_cast %add3A_1312 : i32 to index
      %get3A_1352 = arith.constant 64 : index
      %get3A_1353 = tpu.vector_load %arg8[%get3A_1351, %get3A_1352] {strides = array<i32>} : memref<512x128xf32, #tpu.memory_space<vmem>>, vector<1x16xf32>,
      %get3A_1354 = vector.shape_cast %get3A_1353 : vector<1x16xf32> to vector<16xf32>
      %get3A_1355 = arith.index_cast %squeeze3A_1314 : i32 to index
      %get3A_1356 = arith.constant 64 : index
      %get3A_1357 = tpu.vector_load %arg7[%get3A_1355, %get3A_1356] {strides = array<i32>} : memref<8x128xf32, #tpu.memory_space<vmem>>, vector<1x16xf32>,
      %get3A_1358 = vector.shape_cast %get3A_1357 : vector<1x16xf32> to vector<16xf32>
      %mul3A_1359 = arith.mulf %get3A_1354, %get3A_1358 : vector<16xf32>
      %get3A_1360 = arith.index_cast %add3A_1312 : i32 to index
      %get3A_1361 = arith.constant 80 : index
      %get3A_1362 = tpu.vector_load %arg8[%get3A_1360, %get3A_1361] {strides = array<i32>} : memref<512x128xf32, #tpu.memory_space<vmem>>, vector<1x16xf32>,
      %get3A_1363 = vector.shape_cast %get3A_1362 : vector<1x16xf32> to vector<16xf32>
      %get3A_1364 = arith.index_cast %squeeze3A_1314 : i32 to index
      %get3A_1365 = arith.constant 80 : index
      %get3A_1366 = tpu.vector_load %arg7[%get3A_1364, %get3A_1365] {strides = array<i32>} : memref<8x128xf32, #tpu.memory_space<vmem>>, vector<1x16xf32>,
      %get3A_1367 = vector.shape_cast %get3A_1366 : vector<1x16xf32> to vector<16xf32>
      %mul3A_1368 = arith.mulf %get3A_1363, %get3A_1367 : vector<16xf32>
      %get3A_1369 = arith.index_cast %add3A_1312 : i32 to index
      %get3A_1370 = arith.constant 96 : index
      %get3A_1371 = tpu.vector_load %arg8[%get3A_1369, %get3A_1370] {strides = array<i32>} : memref<512x128xf32, #tpu.memory_space<vmem>>, vector<1x16xf32>,
      %get3A_1372 = vector.shape_cast %get3A_1371 : vector<1x16xf32> to vector<16xf32>
      %get3A_1373 = arith.index_cast %squeeze3A_1314 : i32 to index
      %get3A_1374 = arith.constant 96 : index
      %get3A_1375 = tpu.vector_load %arg7[%get3A_1373, %get3A_1374] {strides = array<i32>} : memref<8x128xf32, #tpu.memory_space<vmem>>, vector<1x16xf32>,
      %get3A_1376 = vector.shape_cast %get3A_1375 : vector<1x16xf32> to vector<16xf32>
      %mul3A_1377 = arith.mulf %get3A_1372, %get3A_1376 : vector<16xf32>
      %get3A_1378 = arith.index_cast %add3A_1312 : i32 to index
      %get3A_1379 = arith.constant 112 : index
      %get3A_1380 = tpu.vector_load %arg8[%get3A_1378, %get3A_1379] {strides = array<i32>} : memref<512x128xf32, #tpu.memory_space<vmem>>, vector<1x16xf32>,
      %get3A_1381 = vector.shape_cast %get3A_1380 : vector<1x16xf32> to vector<16xf32>
      %get3A_1382 = arith.index_cast %squeeze3A_1314 : i32 to index
      %get3A_1383 = arith.constant 112 : index
      %get3A_1384 = tpu.vector_load %arg7[%get3A_1382, %get3A_1383] {strides = array<i32>} : memref<8x128xf32, #tpu.memory_space<vmem>>, vector<1x16xf32>,
      %get3A_1385 = vector.shape_cast %get3A_1384 : vector<1x16xf32> to vector<16xf32>
      %mul3A_1386 = arith.mulf %get3A_1381, %get3A_1385 : vector<16xf32>
      %swap3A_1387 = arith.index_cast %add3A_1312 : i32 to index
      %swap3A_1388 = arith.constant 0 : index
      %swap3A_1389 = tpu.vector_load %arg8[%swap3A_1387, %swap3A_1388] {strides = array<i32>} : memref<512x128xf32, #tpu.memory_space<vmem>>, vector<1x16xf32>,
      %swap3A_1390 = vector.shape_cast %swap3A_1389 : vector<1x16xf32> to vector<16xf32>
      %swap3A_1391 = vector.shape_cast %mul3A_1323 : vector<16xf32> to vector<1x16xf32>
      tpu.vector_store %arg8[%swap3A_1387, %swap3A_1388], %swap3A_1391 {strides = array<i32>} : memref<512x128xf32, #tpu.memory_space<vmem>>, vector<1x16xf32>,
      %swap3A_1392 = arith.index_cast %add3A_1312 : i32 to index
      %swap3A_1393 = arith.constant 16 : index
      %swap3A_1394 = tpu.vector_load %arg8[%swap3A_1392, %swap3A_1393] {strides = array<i32>} : memref<512x128xf32, #tpu.memory_space<vmem>>, vector<1x16xf32>,
      %swap3A_1395 = vector.shape_cast %swap3A_1394 : vector<1x16xf32> to vector<16xf32>
      %swap3A_1396 = vector.shape_cast %mul3A_1332 : vector<16xf32> to vector<1x16xf32>
      tpu.vector_store %arg8[%swap3A_1392, %swap3A_1393], %swap3A_1396 {strides = array<i32>} : memref<512x128xf32, #tpu.memory_space<vmem>>, vector<1x16xf32>,
      %swap3A_1397 = arith.index_cast %add3A_1312 : i32 to index
      %swap3A_1398 = arith.constant 32 : index
      %swap3A_1399 = tpu.vector_load %arg8[%swap3A_1397, %swap3A_1398] {strides = array<i32>} : memref<512x128xf32, #tpu.memory_space<vmem>>, vector<1x16xf32>,
      %swap3A_1400 = vector.shape_cast %swap3A_1399 : vector<1x16xf32> to vector<16xf32>
      %swap3A_1401 = vector.shape_cast %mul3A_1341 : vector<16xf32> to vector<1x16xf32>
      tpu.vector_store %arg8[%swap3A_1397, %swap3A_1398], %swap3A_1401 {strides = array<i32>} : memref<512x128xf32, #tpu.memory_space<vmem>>, vector<1x16xf32>,
      %swap3A_1402 = arith.index_cast %add3A_1312 : i32 to index
      %swap3A_1403 = arith.constant 48 : index
      %swap3A_1404 = tpu.vector_load %arg8[%swap3A_1402, %swap3A_1403] {strides = array<i32>} : memref<512x128xf32, #tpu.memory_space<vmem>>, vector<1x16xf32>,
      %swap3A_1405 = vector.shape_cast %swap3A_1404 : vector<1x16xf32> to vector<16xf32>
      %swap3A_1406 = vector.shape_cast %mul3A_1350 : vector<16xf32> to vector<1x16xf32>
      tpu.vector_store %arg8[%swap3A_1402, %swap3A_1403], %swap3A_1406 {strides = array<i32>} : memref<512x128xf32, #tpu.memory_space<vmem>>, vector<1x16xf32>,
      %swap3A_1407 = arith.index_cast %add3A_1312 : i32 to index
      %swap3A_1408 = arith.constant 64 : index
      %swap3A_1409 = tpu.vector_load %arg8[%swap3A_1407, %swap3A_1408] {strides = array<i32>} : memref<512x128xf32, #tpu.memory_space<vmem>>, vector<1x16xf32>,
      %swap3A_1410 = vector.shape_cast %swap3A_1409 : vector<1x16xf32> to vector<16xf32>
      %swap3A_1411 = vector.shape_cast %mul3A_1359 : vector<16xf32> to vector<1x16xf32>
      tpu.vector_store %arg8[%swap3A_1407, %swap3A_1408], %swap3A_1411 {strides = array<i32>} : memref<512x128xf32, #tpu.memory_space<vmem>>, vector<1x16xf32>,
      %swap3A_1412 = arith.index_cast %add3A_1312 : i32 to index
      %swap3A_1413 = arith.constant 80 : index
      %swap3A_1414 = tpu.vector_load %arg8[%swap3A_1412, %swap3A_1413] {strides = array<i32>} : memref<512x128xf32, #tpu.memory_space<vmem>>, vector<1x16xf32>,
      %swap3A_1415 = vector.shape_cast %swap3A_1414 : vector<1x16xf32> to vector<16xf32>
      %swap3A_1416 = vector.shape_cast %mul3A_1368 : vector<16xf32> to vector<1x16xf32>
      tpu.vector_store %arg8[%swap3A_1412, %swap3A_1413], %swap3A_1416 {strides = array<i32>} : memref<512x128xf32, #tpu.memory_space<vmem>>, vector<1x16xf32>,
      %swap3A_1417 = arith.index_cast %add3A_1312 : i32 to index
      %swap3A_1418 = arith.constant 96 : index
      %swap3A_1419 = tpu.vector_load %arg8[%swap3A_1417, %swap3A_1418] {strides = array<i32>} : memref<512x128xf32, #tpu.memory_space<vmem>>, vector<1x16xf32>,
      %swap3A_1420 = vector.shape_cast %swap3A_1419 : vector<1x16xf32> to vector<16xf32>
      %swap3A_1421 = vector.shape_cast %mul3A_1377 : vector<16xf32> to vector<1x16xf32>
      tpu.vector_store %arg8[%swap3A_1417, %swap3A_1418], %swap3A_1421 {strides = array<i32>} : memref<512x128xf32, #tpu.memory_space<vmem>>, vector<1x16xf32>,
      %swap3A_1422 = arith.index_cast %add3A_1312 : i32 to index
      %swap3A_1423 = arith.constant 112 : index
      %swap3A_1424 = tpu.vector_load %arg8[%swap3A_1422, %swap3A_1423] {strides = array<i32>} : memref<512x128xf32, #tpu.memory_space<vmem>>, vector<1x16xf32>,
      %swap3A_1425 = vector.shape_cast %swap3A_1424 : vector<1x16xf32> to vector<16xf32>
      %swap3A_1426 = vector.shape_cast %mul3A_1386 : vector<16xf32> to vector<1x16xf32>
      tpu.vector_store %arg8[%swap3A_1422, %swap3A_1423], %swap3A_1426 {strides = array<i32>} : memref<512x128xf32, #tpu.memory_space<vmem>>, vector<1x16xf32>,
      %mul3A_1427 = arith.constant 16 : i32
      %mul3A_1428 = arith.muli %scan3A_404, %mul3A_1427 : i32
      %add3A_1429 = arith.constant 8 : i32
      %add3A_1430 = arith.addi %mul3A_1428, %add3A_1429 : i32
      %slice3A_1431 = vector.extract_strided_slice %get3A_485 {offsets = [8], sizes = [1], strides = [1]} : vector<16xi32> to vector<1xi32>
      %squeeze3A_1432 = vector.extract %slice3A_1431[0] : i32 from vector<1xi32>
      %get3A_1433 = arith.index_cast %add3A_1430 : i32 to index
      %get3A_1434 = arith.constant 0 : index
      %get3A_1435 = tpu.vector_load %arg8[%get3A_1433, %get3A_1434] {strides = array<i32>} : memref<512x128xf32, #tpu.memory_space<vmem>>, vector<1x16xf32>,
      %get3A_1436 = vector.shape_cast %get3A_1435 : vector<1x16xf32> to vector<16xf32>
      %get3A_1437 = arith.index_cast %squeeze3A_1432 : i32 to index
      %get3A_1438 = arith.constant 0 : index
      %get3A_1439 = tpu.vector_load %arg7[%get3A_1437, %get3A_1438] {strides = array<i32>} : memref<8x128xf32, #tpu.memory_space<vmem>>, vector<1x16xf32>,
      %get3A_1440 = vector.shape_cast %get3A_1439 : vector<1x16xf32> to vector<16xf32>
      %mul3A_1441 = arith.mulf %get3A_1436, %get3A_1440 : vector<16xf32>
      %get3A_1442 = arith.index_cast %add3A_1430 : i32 to index
      %get3A_1443 = arith.constant 16 : index
      %get3A_1444 = tpu.vector_load %arg8[%get3A_1442, %get3A_1443] {strides = array<i32>} : memref<512x128xf32, #tpu.memory_space<vmem>>, vector<1x16xf32>,
      %get3A_1445 = vector.shape_cast %get3A_1444 : vector<1x16xf32> to vector<16xf32>
      %get3A_1446 = arith.index_cast %squeeze3A_1432 : i32 to index
      %get3A_1447 = arith.constant 16 : index
      %get3A_1448 = tpu.vector_load %arg7[%get3A_1446, %get3A_1447] {strides = array<i32>} : memref<8x128xf32, #tpu.memory_space<vmem>>, vector<1x16xf32>,
      %get3A_1449 = vector.shape_cast %get3A_1448 : vector<1x16xf32> to vector<16xf32>
      %mul3A_1450 = arith.mulf %get3A_1445, %get3A_1449 : vector<16xf32>
      %get3A_1451 = arith.index_cast %add3A_1430 : i32 to index
      %get3A_1452 = arith.constant 32 : index
      %get3A_1453 = tpu.vector_load %arg8[%get3A_1451, %get3A_1452] {strides = array<i32>} : memref<512x128xf32, #tpu.memory_space<vmem>>, vector<1x16xf32>,
      %get3A_1454 = vector.shape_cast %get3A_1453 : vector<1x16xf32> to vector<16xf32>
      %get3A_1455 = arith.index_cast %squeeze3A_1432 : i32 to index
      %get3A_1456 = arith.constant 32 : index
      %get3A_1457 = tpu.vector_load %arg7[%get3A_1455, %get3A_1456] {strides = array<i32>} : memref<8x128xf32, #tpu.memory_space<vmem>>, vector<1x16xf32>,
      %get3A_1458 = vector.shape_cast %get3A_1457 : vector<1x16xf32> to vector<16xf32>
      %mul3A_1459 = arith.mulf %get3A_1454, %get3A_1458 : vector<16xf32>
      %get3A_1460 = arith.index_cast %add3A_1430 : i32 to index
      %get3A_1461 = arith.constant 48 : index
      %get3A_1462 = tpu.vector_load %arg8[%get3A_1460, %get3A_1461] {strides = array<i32>} : memref<512x128xf32, #tpu.memory_space<vmem>>, vector<1x16xf32>,
      %get3A_1463 = vector.shape_cast %get3A_1462 : vector<1x16xf32> to vector<16xf32>
      %get3A_1464 = arith.index_cast %squeeze3A_1432 : i32 to index
      %get3A_1465 = arith.constant 48 : index
      %get3A_1466 = tpu.vector_load %arg7[%get3A_1464, %get3A_1465] {strides = array<i32>} : memref<8x128xf32, #tpu.memory_space<vmem>>, vector<1x16xf32>,
      %get3A_1467 = vector.shape_cast %get3A_1466 : vector<1x16xf32> to vector<16xf32>
      %mul3A_1468 = arith.mulf %get3A_1463, %get3A_1467 : vector<16xf32>
      %get3A_1469 = arith.index_cast %add3A_1430 : i32 to index
      %get3A_1470 = arith.constant 64 : index
      %get3A_1471 = tpu.vector_load %arg8[%get3A_1469, %get3A_1470] {strides = array<i32>} : memref<512x128xf32, #tpu.memory_space<vmem>>, vector<1x16xf32>,
      %get3A_1472 = vector.shape_cast %get3A_1471 : vector<1x16xf32> to vector<16xf32>
      %get3A_1473 = arith.index_cast %squeeze3A_1432 : i32 to index
      %get3A_1474 = arith.constant 64 : index
      %get3A_1475 = tpu.vector_load %arg7[%get3A_1473, %get3A_1474] {strides = array<i32>} : memref<8x128xf32, #tpu.memory_space<vmem>>, vector<1x16xf32>,
      %get3A_1476 = vector.shape_cast %get3A_1475 : vector<1x16xf32> to vector<16xf32>
      %mul3A_1477 = arith.mulf %get3A_1472, %get3A_1476 : vector<16xf32>
      %get3A_1478 = arith.index_cast %add3A_1430 : i32 to index
      %get3A_1479 = arith.constant 80 : index
      %get3A_1480 = tpu.vector_load %arg8[%get3A_1478, %get3A_1479] {strides = array<i32>} : memref<512x128xf32, #tpu.memory_space<vmem>>, vector<1x16xf32>,
      %get3A_1481 = vector.shape_cast %get3A_1480 : vector<1x16xf32> to vector<16xf32>
      %get3A_1482 = arith.index_cast %squeeze3A_1432 : i32 to index
      %get3A_1483 = arith.constant 80 : index
      %get3A_1484 = tpu.vector_load %arg7[%get3A_1482, %get3A_1483] {strides = array<i32>} : memref<8x128xf32, #tpu.memory_space<vmem>>, vector<1x16xf32>,
      %get3A_1485 = vector.shape_cast %get3A_1484 : vector<1x16xf32> to vector<16xf32>
      %mul3A_1486 = arith.mulf %get3A_1481, %get3A_1485 : vector<16xf32>
      %get3A_1487 = arith.index_cast %add3A_1430 : i32 to index
      %get3A_1488 = arith.constant 96 : index
      %get3A_1489 = tpu.vector_load %arg8[%get3A_1487, %get3A_1488] {strides = array<i32>} : memref<512x128xf32, #tpu.memory_space<vmem>>, vector<1x16xf32>,
      %get3A_1490 = vector.shape_cast %get3A_1489 : vector<1x16xf32> to vector<16xf32>
      %get3A_1491 = arith.index_cast %squeeze3A_1432 : i32 to index
      %get3A_1492 = arith.constant 96 : index
      %get3A_1493 = tpu.vector_load %arg7[%get3A_1491, %get3A_1492] {strides = array<i32>} : memref<8x128xf32, #tpu.memory_space<vmem>>, vector<1x16xf32>,
      %get3A_1494 = vector.shape_cast %get3A_1493 : vector<1x16xf32> to vector<16xf32>
      %mul3A_1495 = arith.mulf %get3A_1490, %get3A_1494 : vector<16xf32>
      %get3A_1496 = arith.index_cast %add3A_1430 : i32 to index
      %get3A_1497 = arith.constant 112 : index
      %get3A_1498 = tpu.vector_load %arg8[%get3A_1496, %get3A_1497] {strides = array<i32>} : memref<512x128xf32, #tpu.memory_space<vmem>>, vector<1x16xf32>,
      %get3A_1499 = vector.shape_cast %get3A_1498 : vector<1x16xf32> to vector<16xf32>
      %get3A_1500 = arith.index_cast %squeeze3A_1432 : i32 to index
      %get3A_1501 = arith.constant 112 : index
      %get3A_1502 = tpu.vector_load %arg7[%get3A_1500, %get3A_1501] {strides = array<i32>} : memref<8x128xf32, #tpu.memory_space<vmem>>, vector<1x16xf32>,
      %get3A_1503 = vector.shape_cast %get3A_1502 : vector<1x16xf32> to vector<16xf32>
      %mul3A_1504 = arith.mulf %get3A_1499, %get3A_1503 : vector<16xf32>
      %swap3A_1505 = arith.index_cast %add3A_1430 : i32 to index
      %swap3A_1506 = arith.constant 0 : index
      %swap3A_1507 = tpu.vector_load %arg8[%swap3A_1505, %swap3A_1506] {strides = array<i32>} : memref<512x128xf32, #tpu.memory_space<vmem>>, vector<1x16xf32>,
      %swap3A_1508 = vector.shape_cast %swap3A_1507 : vector<1x16xf32> to vector<16xf32>
      %swap3A_1509 = vector.shape_cast %mul3A_1441 : vector<16xf32> to vector<1x16xf32>
      tpu.vector_store %arg8[%swap3A_1505, %swap3A_1506], %swap3A_1509 {strides = array<i32>} : memref<512x128xf32, #tpu.memory_space<vmem>>, vector<1x16xf32>,
      %swap3A_1510 = arith.index_cast %add3A_1430 : i32 to index
      %swap3A_1511 = arith.constant 16 : index
      %swap3A_1512 = tpu.vector_load %arg8[%swap3A_1510, %swap3A_1511] {strides = array<i32>} : memref<512x128xf32, #tpu.memory_space<vmem>>, vector<1x16xf32>,
      %swap3A_1513 = vector.shape_cast %swap3A_1512 : vector<1x16xf32> to vector<16xf32>
      %swap3A_1514 = vector.shape_cast %mul3A_1450 : vector<16xf32> to vector<1x16xf32>
      tpu.vector_store %arg8[%swap3A_1510, %swap3A_1511], %swap3A_1514 {strides = array<i32>} : memref<512x128xf32, #tpu.memory_space<vmem>>, vector<1x16xf32>,
      %swap3A_1515 = arith.index_cast %add3A_1430 : i32 to index
      %swap3A_1516 = arith.constant 32 : index
      %swap3A_1517 = tpu.vector_load %arg8[%swap3A_1515, %swap3A_1516] {strides = array<i32>} : memref<512x128xf32, #tpu.memory_space<vmem>>, vector<1x16xf32>,
      %swap3A_1518 = vector.shape_cast %swap3A_1517 : vector<1x16xf32> to vector<16xf32>
      %swap3A_1519 = vector.shape_cast %mul3A_1459 : vector<16xf32> to vector<1x16xf32>
      tpu.vector_store %arg8[%swap3A_1515, %swap3A_1516], %swap3A_1519 {strides = array<i32>} : memref<512x128xf32, #tpu.memory_space<vmem>>, vector<1x16xf32>,
      %swap3A_1520 = arith.index_cast %add3A_1430 : i32 to index
      %swap3A_1521 = arith.constant 48 : index
      %swap3A_1522 = tpu.vector_load %arg8[%swap3A_1520, %swap3A_1521] {strides = array<i32>} : memref<512x128xf32, #tpu.memory_space<vmem>>, vector<1x16xf32>,
      %swap3A_1523 = vector.shape_cast %swap3A_1522 : vector<1x16xf32> to vector<16xf32>
      %swap3A_1524 = vector.shape_cast %mul3A_1468 : vector<16xf32> to vector<1x16xf32>
      tpu.vector_store %arg8[%swap3A_1520, %swap3A_1521], %swap3A_1524 {strides = array<i32>} : memref<512x128xf32, #tpu.memory_space<vmem>>, vector<1x16xf32>,
      %swap3A_1525 = arith.index_cast %add3A_1430 : i32 to index
      %swap3A_1526 = arith.constant 64 : index
      %swap3A_1527 = tpu.vector_load %arg8[%swap3A_1525, %swap3A_1526] {strides = array<i32>} : memref<512x128xf32, #tpu.memory_space<vmem>>, vector<1x16xf32>,
      %swap3A_1528 = vector.shape_cast %swap3A_1527 : vector<1x16xf32> to vector<16xf32>
      %swap3A_1529 = vector.shape_cast %mul3A_1477 : vector<16xf32> to vector<1x16xf32>
      tpu.vector_store %arg8[%swap3A_1525, %swap3A_1526], %swap3A_1529 {strides = array<i32>} : memref<512x128xf32, #tpu.memory_space<vmem>>, vector<1x16xf32>,
      %swap3A_1530 = arith.index_cast %add3A_1430 : i32 to index
      %swap3A_1531 = arith.constant 80 : index
      %swap3A_1532 = tpu.vector_load %arg8[%swap3A_1530, %swap3A_1531] {strides = array<i32>} : memref<512x128xf32, #tpu.memory_space<vmem>>, vector<1x16xf32>,
      %swap3A_1533 = vector.shape_cast %swap3A_1532 : vector<1x16xf32> to vector<16xf32>
      %swap3A_1534 = vector.shape_cast %mul3A_1486 : vector<16xf32> to vector<1x16xf32>
      tpu.vector_store %arg8[%swap3A_1530, %swap3A_1531], %swap3A_1534 {strides = array<i32>} : memref<512x128xf32, #tpu.memory_space<vmem>>, vector<1x16xf32>,
      %swap3A_1535 = arith.index_cast %add3A_1430 : i32 to index
      %swap3A_1536 = arith.constant 96 : index
      %swap3A_1537 = tpu.vector_load %arg8[%swap3A_1535, %swap3A_1536] {strides = array<i32>} : memref<512x128xf32, #tpu.memory_space<vmem>>, vector<1x16xf32>,
      %swap3A_1538 = vector.shape_cast %swap3A_1537 : vector<1x16xf32> to vector<16xf32>
      %swap3A_1539 = vector.shape_cast %mul3A_1495 : vector<16xf32> to vector<1x16xf32>
      tpu.vector_store %arg8[%swap3A_1535, %swap3A_1536], %swap3A_1539 {strides = array<i32>} : memref<512x128xf32, #tpu.memory_space<vmem>>, vector<1x16xf32>,
      %swap3A_1540 = arith.index_cast %add3A_1430 : i32 to index
      %swap3A_1541 = arith.constant 112 : index
      %swap3A_1542 = tpu.vector_load %arg8[%swap3A_1540, %swap3A_1541] {strides = array<i32>} : memref<512x128xf32, #tpu.memory_space<vmem>>, vector<1x16xf32>,
      %swap3A_1543 = vector.shape_cast %swap3A_1542 : vector<1x16xf32> to vector<16xf32>
      %swap3A_1544 = vector.shape_cast %mul3A_1504 : vector<16xf32> to vector<1x16xf32>
      tpu.vector_store %arg8[%swap3A_1540, %swap3A_1541], %swap3A_1544 {strides = array<i32>} : memref<512x128xf32, #tpu.memory_space<vmem>>, vector<1x16xf32>,
      %mul3A_1545 = arith.constant 16 : i32
      %mul3A_1546 = arith.muli %scan3A_404, %mul3A_1545 : i32
      %add3A_1547 = arith.constant 9 : i32
      %add3A_1548 = arith.addi %mul3A_1546, %add3A_1547 : i32
      %slice3A_1549 = vector.extract_strided_slice %get3A_485 {offsets = [9], sizes = [1], strides = [1]} : vector<16xi32> to vector<1xi32>
      %squeeze3A_1550 = vector.extract %slice3A_1549[0] : i32 from vector<1xi32>
      %get3A_1551 = arith.index_cast %add3A_1548 : i32 to index
      %get3A_1552 = arith.constant 0 : index
      %get3A_1553 = tpu.vector_load %arg8[%get3A_1551, %get3A_1552] {strides = array<i32>} : memref<512x128xf32, #tpu.memory_space<vmem>>, vector<1x16xf32>,
      %get3A_1554 = vector.shape_cast %get3A_1553 : vector<1x16xf32> to vector<16xf32>
      %get3A_1555 = arith.index_cast %squeeze3A_1550 : i32 to index
      %get3A_1556 = arith.constant 0 : index
      %get3A_1557 = tpu.vector_load %arg7[%get3A_1555, %get3A_1556] {strides = array<i32>} : memref<8x128xf32, #tpu.memory_space<vmem>>, vector<1x16xf32>,
      %get3A_1558 = vector.shape_cast %get3A_1557 : vector<1x16xf32> to vector<16xf32>
      %mul3A_1559 = arith.mulf %get3A_1554, %get3A_1558 : vector<16xf32>
      %get3A_1560 = arith.index_cast %add3A_1548 : i32 to index
      %get3A_1561 = arith.constant 16 : index
      %get3A_1562 = tpu.vector_load %arg8[%get3A_1560, %get3A_1561] {strides = array<i32>} : memref<512x128xf32, #tpu.memory_space<vmem>>, vector<1x16xf32>,
      %get3A_1563 = vector.shape_cast %get3A_1562 : vector<1x16xf32> to vector<16xf32>
      %get3A_1564 = arith.index_cast %squeeze3A_1550 : i32 to index
      %get3A_1565 = arith.constant 16 : index
      %get3A_1566 = tpu.vector_load %arg7[%get3A_1564, %get3A_1565] {strides = array<i32>} : memref<8x128xf32, #tpu.memory_space<vmem>>, vector<1x16xf32>,
      %get3A_1567 = vector.shape_cast %get3A_1566 : vector<1x16xf32> to vector<16xf32>
      %mul3A_1568 = arith.mulf %get3A_1563, %get3A_1567 : vector<16xf32>
      %get3A_1569 = arith.index_cast %add3A_1548 : i32 to index
      %get3A_1570 = arith.constant 32 : index
      %get3A_1571 = tpu.vector_load %arg8[%get3A_1569, %get3A_1570] {strides = array<i32>} : memref<512x128xf32, #tpu.memory_space<vmem>>, vector<1x16xf32>,
      %get3A_1572 = vector.shape_cast %get3A_1571 : vector<1x16xf32> to vector<16xf32>
      %get3A_1573 = arith.index_cast %squeeze3A_1550 : i32 to index
      %get3A_1574 = arith.constant 32 : index
      %get3A_1575 = tpu.vector_load %arg7[%get3A_1573, %get3A_1574] {strides = array<i32>} : memref<8x128xf32, #tpu.memory_space<vmem>>, vector<1x16xf32>,
      %get3A_1576 = vector.shape_cast %get3A_1575 : vector<1x16xf32> to vector<16xf32>
      %mul3A_1577 = arith.mulf %get3A_1572, %get3A_1576 : vector<16xf32>
      %get3A_1578 = arith.index_cast %add3A_1548 : i32 to index
      %get3A_1579 = arith.constant 48 : index
      %get3A_1580 = tpu.vector_load %arg8[%get3A_1578, %get3A_1579] {strides = array<i32>} : memref<512x128xf32, #tpu.memory_space<vmem>>, vector<1x16xf32>,
      %get3A_1581 = vector.shape_cast %get3A_1580 : vector<1x16xf32> to vector<16xf32>
      %get3A_1582 = arith.index_cast %squeeze3A_1550 : i32 to index
      %get3A_1583 = arith.constant 48 : index
      %get3A_1584 = tpu.vector_load %arg7[%get3A_1582, %get3A_1583] {strides = array<i32>} : memref<8x128xf32, #tpu.memory_space<vmem>>, vector<1x16xf32>,
      %get3A_1585 = vector.shape_cast %get3A_1584 : vector<1x16xf32> to vector<16xf32>
      %mul3A_1586 = arith.mulf %get3A_1581, %get3A_1585 : vector<16xf32>
      %get3A_1587 = arith.index_cast %add3A_1548 : i32 to index
      %get3A_1588 = arith.constant 64 : index
      %get3A_1589 = tpu.vector_load %arg8[%get3A_1587, %get3A_1588] {strides = array<i32>} : memref<512x128xf32, #tpu.memory_space<vmem>>, vector<1x16xf32>,
      %get3A_1590 = vector.shape_cast %get3A_1589 : vector<1x16xf32> to vector<16xf32>
      %get3A_1591 = arith.index_cast %squeeze3A_1550 : i32 to index
      %get3A_1592 = arith.constant 64 : index
      %get3A_1593 = tpu.vector_load %arg7[%get3A_1591, %get3A_1592] {strides = array<i32>} : memref<8x128xf32, #tpu.memory_space<vmem>>, vector<1x16xf32>,
      %get3A_1594 = vector.shape_cast %get3A_1593 : vector<1x16xf32> to vector<16xf32>
      %mul3A_1595 = arith.mulf %get3A_1590, %get3A_1594 : vector<16xf32>
      %get3A_1596 = arith.index_cast %add3A_1548 : i32 to index
      %get3A_1597 = arith.constant 80 : index
      %get3A_1598 = tpu.vector_load %arg8[%get3A_1596, %get3A_1597] {strides = array<i32>} : memref<512x128xf32, #tpu.memory_space<vmem>>, vector<1x16xf32>,
      %get3A_1599 = vector.shape_cast %get3A_1598 : vector<1x16xf32> to vector<16xf32>
      %get3A_1600 = arith.index_cast %squeeze3A_1550 : i32 to index
      %get3A_1601 = arith.constant 80 : index
      %get3A_1602 = tpu.vector_load %arg7[%get3A_1600, %get3A_1601] {strides = array<i32>} : memref<8x128xf32, #tpu.memory_space<vmem>>, vector<1x16xf32>,
      %get3A_1603 = vector.shape_cast %get3A_1602 : vector<1x16xf32> to vector<16xf32>
      %mul3A_1604 = arith.mulf %get3A_1599, %get3A_1603 : vector<16xf32>
      %get3A_1605 = arith.index_cast %add3A_1548 : i32 to index
      %get3A_1606 = arith.constant 96 : index
      %get3A_1607 = tpu.vector_load %arg8[%get3A_1605, %get3A_1606] {strides = array<i32>} : memref<512x128xf32, #tpu.memory_space<vmem>>, vector<1x16xf32>,
      %get3A_1608 = vector.shape_cast %get3A_1607 : vector<1x16xf32> to vector<16xf32>
      %get3A_1609 = arith.index_cast %squeeze3A_1550 : i32 to index
      %get3A_1610 = arith.constant 96 : index
      %get3A_1611 = tpu.vector_load %arg7[%get3A_1609, %get3A_1610] {strides = array<i32>} : memref<8x128xf32, #tpu.memory_space<vmem>>, vector<1x16xf32>,
      %get3A_1612 = vector.shape_cast %get3A_1611 : vector<1x16xf32> to vector<16xf32>
      %mul3A_1613 = arith.mulf %get3A_1608, %get3A_1612 : vector<16xf32>
      %get3A_1614 = arith.index_cast %add3A_1548 : i32 to index
      %get3A_1615 = arith.constant 112 : index
      %get3A_1616 = tpu.vector_load %arg8[%get3A_1614, %get3A_1615] {strides = array<i32>} : memref<512x128xf32, #tpu.memory_space<vmem>>, vector<1x16xf32>,
      %get3A_1617 = vector.shape_cast %get3A_1616 : vector<1x16xf32> to vector<16xf32>
      %get3A_1618 = arith.index_cast %squeeze3A_1550 : i32 to index
      %get3A_1619 = arith.constant 112 : index
      %get3A_1620 = tpu.vector_load %arg7[%get3A_1618, %get3A_1619] {strides = array<i32>} : memref<8x128xf32, #tpu.memory_space<vmem>>, vector<1x16xf32>,
      %get3A_1621 = vector.shape_cast %get3A_1620 : vector<1x16xf32> to vector<16xf32>
      %mul3A_1622 = arith.mulf %get3A_1617, %get3A_1621 : vector<16xf32>
      %swap3A_1623 = arith.index_cast %add3A_1548 : i32 to index
      %swap3A_1624 = arith.constant 0 : index
      %swap3A_1625 = tpu.vector_load %arg8[%swap3A_1623, %swap3A_1624] {strides = array<i32>} : memref<512x128xf32, #tpu.memory_space<vmem>>, vector<1x16xf32>,
      %swap3A_1626 = vector.shape_cast %swap3A_1625 : vector<1x16xf32> to vector<16xf32>
      %swap3A_1627 = vector.shape_cast %mul3A_1559 : vector<16xf32> to vector<1x16xf32>
      tpu.vector_store %arg8[%swap3A_1623, %swap3A_1624], %swap3A_1627 {strides = array<i32>} : memref<512x128xf32, #tpu.memory_space<vmem>>, vector<1x16xf32>,
      %swap3A_1628 = arith.index_cast %add3A_1548 : i32 to index
      %swap3A_1629 = arith.constant 16 : index
      %swap3A_1630 = tpu.vector_load %arg8[%swap3A_1628, %swap3A_1629] {strides = array<i32>} : memref<512x128xf32, #tpu.memory_space<vmem>>, vector<1x16xf32>,
      %swap3A_1631 = vector.shape_cast %swap3A_1630 : vector<1x16xf32> to vector<16xf32>
      %swap3A_1632 = vector.shape_cast %mul3A_1568 : vector<16xf32> to vector<1x16xf32>
      tpu.vector_store %arg8[%swap3A_1628, %swap3A_1629], %swap3A_1632 {strides = array<i32>} : memref<512x128xf32, #tpu.memory_space<vmem>>, vector<1x16xf32>,
      %swap3A_1633 = arith.index_cast %add3A_1548 : i32 to index
      %swap3A_1634 = arith.constant 32 : index
      %swap3A_1635 = tpu.vector_load %arg8[%swap3A_1633, %swap3A_1634] {strides = array<i32>} : memref<512x128xf32, #tpu.memory_space<vmem>>, vector<1x16xf32>,
      %swap3A_1636 = vector.shape_cast %swap3A_1635 : vector<1x16xf32> to vector<16xf32>
      %swap3A_1637 = vector.shape_cast %mul3A_1577 : vector<16xf32> to vector<1x16xf32>
      tpu.vector_store %arg8[%swap3A_1633, %swap3A_1634], %swap3A_1637 {strides = array<i32>} : memref<512x128xf32, #tpu.memory_space<vmem>>, vector<1x16xf32>,
      %swap3A_1638 = arith.index_cast %add3A_1548 : i32 to index
      %swap3A_1639 = arith.constant 48 : index
      %swap3A_1640 = tpu.vector_load %arg8[%swap3A_1638, %swap3A_1639] {strides = array<i32>} : memref<512x128xf32, #tpu.memory_space<vmem>>, vector<1x16xf32>,
      %swap3A_1641 = vector.shape_cast %swap3A_1640 : vector<1x16xf32> to vector<16xf32>
      %swap3A_1642 = vector.shape_cast %mul3A_1586 : vector<16xf32> to vector<1x16xf32>
      tpu.vector_store %arg8[%swap3A_1638, %swap3A_1639], %swap3A_1642 {strides = array<i32>} : memref<512x128xf32, #tpu.memory_space<vmem>>, vector<1x16xf32>,
      %swap3A_1643 = arith.index_cast %add3A_1548 : i32 to index
      %swap3A_1644 = arith.constant 64 : index
      %swap3A_1645 = tpu.vector_load %arg8[%swap3A_1643, %swap3A_1644] {strides = array<i32>} : memref<512x128xf32, #tpu.memory_space<vmem>>, vector<1x16xf32>,
      %swap3A_1646 = vector.shape_cast %swap3A_1645 : vector<1x16xf32> to vector<16xf32>
      %swap3A_1647 = vector.shape_cast %mul3A_1595 : vector<16xf32> to vector<1x16xf32>
      tpu.vector_store %arg8[%swap3A_1643, %swap3A_1644], %swap3A_1647 {strides = array<i32>} : memref<512x128xf32, #tpu.memory_space<vmem>>, vector<1x16xf32>,
      %swap3A_1648 = arith.index_cast %add3A_1548 : i32 to index
      %swap3A_1649 = arith.constant 80 : index
      %swap3A_1650 = tpu.vector_load %arg8[%swap3A_1648, %swap3A_1649] {strides = array<i32>} : memref<512x128xf32, #tpu.memory_space<vmem>>, vector<1x16xf32>,
      %swap3A_1651 = vector.shape_cast %swap3A_1650 : vector<1x16xf32> to vector<16xf32>
      %swap3A_1652 = vector.shape_cast %mul3A_1604 : vector<16xf32> to vector<1x16xf32>
      tpu.vector_store %arg8[%swap3A_1648, %swap3A_1649], %swap3A_1652 {strides = array<i32>} : memref<512x128xf32, #tpu.memory_space<vmem>>, vector<1x16xf32>,
      %swap3A_1653 = arith.index_cast %add3A_1548 : i32 to index
      %swap3A_1654 = arith.constant 96 : index
      %swap3A_1655 = tpu.vector_load %arg8[%swap3A_1653, %swap3A_1654] {strides = array<i32>} : memref<512x128xf32, #tpu.memory_space<vmem>>, vector<1x16xf32>,
      %swap3A_1656 = vector.shape_cast %swap3A_1655 : vector<1x16xf32> to vector<16xf32>
      %swap3A_1657 = vector.shape_cast %mul3A_1613 : vector<16xf32> to vector<1x16xf32>
      tpu.vector_store %arg8[%swap3A_1653, %swap3A_1654], %swap3A_1657 {strides = array<i32>} : memref<512x128xf32, #tpu.memory_space<vmem>>, vector<1x16xf32>,
      %swap3A_1658 = arith.index_cast %add3A_1548 : i32 to index
      %swap3A_1659 = arith.constant 112 : index
      %swap3A_1660 = tpu.vector_load %arg8[%swap3A_1658, %swap3A_1659] {strides = array<i32>} : memref<512x128xf32, #tpu.memory_space<vmem>>, vector<1x16xf32>,
      %swap3A_1661 = vector.shape_cast %swap3A_1660 : vector<1x16xf32> to vector<16xf32>
      %swap3A_1662 = vector.shape_cast %mul3A_1622 : vector<16xf32> to vector<1x16xf32>
      tpu.vector_store %arg8[%swap3A_1658, %swap3A_1659], %swap3A_1662 {strides = array<i32>} : memref<512x128xf32, #tpu.memory_space<vmem>>, vector<1x16xf32>,
      %mul3A_1663 = arith.constant 16 : i32
      %mul3A_1664 = arith.muli %scan3A_404, %mul3A_1663 : i32
      %add3A_1665 = arith.constant 10 : i32
      %add3A_1666 = arith.addi %mul3A_1664, %add3A_1665 : i32
      %slice3A_1667 = vector.extract_strided_slice %get3A_485 {offsets = [10], sizes = [1], strides = [1]} : vector<16xi32> to vector<1xi32>
      %squeeze3A_1668 = vector.extract %slice3A_1667[0] : i32 from vector<1xi32>
      %get3A_1669 = arith.index_cast %add3A_1666 : i32 to index
      %get3A_1670 = arith.constant 0 : index
      %get3A_1671 = tpu.vector_load %arg8[%get3A_1669, %get3A_1670] {strides = array<i32>} : memref<512x128xf32, #tpu.memory_space<vmem>>, vector<1x16xf32>,
      %get3A_1672 = vector.shape_cast %get3A_1671 : vector<1x16xf32> to vector<16xf32>
      %get3A_1673 = arith.index_cast %squeeze3A_1668 : i32 to index
      %get3A_1674 = arith.constant 0 : index
      %get3A_1675 = tpu.vector_load %arg7[%get3A_1673, %get3A_1674] {strides = array<i32>} : memref<8x128xf32, #tpu.memory_space<vmem>>, vector<1x16xf32>,
      %get3A_1676 = vector.shape_cast %get3A_1675 : vector<1x16xf32> to vector<16xf32>
      %mul3A_1677 = arith.mulf %get3A_1672, %get3A_1676 : vector<16xf32>
      %get3A_1678 = arith.index_cast %add3A_1666 : i32 to index
      %get3A_1679 = arith.constant 16 : index
      %get3A_1680 = tpu.vector_load %arg8[%get3A_1678, %get3A_1679] {strides = array<i32>} : memref<512x128xf32, #tpu.memory_space<vmem>>, vector<1x16xf32>,
      %get3A_1681 = vector.shape_cast %get3A_1680 : vector<1x16xf32> to vector<16xf32>
      %get3A_1682 = arith.index_cast %squeeze3A_1668 : i32 to index
      %get3A_1683 = arith.constant 16 : index
      %get3A_1684 = tpu.vector_load %arg7[%get3A_1682, %get3A_1683] {strides = array<i32>} : memref<8x128xf32, #tpu.memory_space<vmem>>, vector<1x16xf32>,
      %get3A_1685 = vector.shape_cast %get3A_1684 : vector<1x16xf32> to vector<16xf32>
      %mul3A_1686 = arith.mulf %get3A_1681, %get3A_1685 : vector<16xf32>
      %get3A_1687 = arith.index_cast %add3A_1666 : i32 to index
      %get3A_1688 = arith.constant 32 : index
      %get3A_1689 = tpu.vector_load %arg8[%get3A_1687, %get3A_1688] {strides = array<i32>} : memref<512x128xf32, #tpu.memory_space<vmem>>, vector<1x16xf32>,
      %get3A_1690 = vector.shape_cast %get3A_1689 : vector<1x16xf32> to vector<16xf32>
      %get3A_1691 = arith.index_cast %squeeze3A_1668 : i32 to index
      %get3A_1692 = arith.constant 32 : index
      %get3A_1693 = tpu.vector_load %arg7[%get3A_1691, %get3A_1692] {strides = array<i32>} : memref<8x128xf32, #tpu.memory_space<vmem>>, vector<1x16xf32>,
      %get3A_1694 = vector.shape_cast %get3A_1693 : vector<1x16xf32> to vector<16xf32>
      %mul3A_1695 = arith.mulf %get3A_1690, %get3A_1694 : vector<16xf32>
      %get3A_1696 = arith.index_cast %add3A_1666 : i32 to index
      %get3A_1697 = arith.constant 48 : index
      %get3A_1698 = tpu.vector_load %arg8[%get3A_1696, %get3A_1697] {strides = array<i32>} : memref<512x128xf32, #tpu.memory_space<vmem>>, vector<1x16xf32>,
      %get3A_1699 = vector.shape_cast %get3A_1698 : vector<1x16xf32> to vector<16xf32>
      %get3A_1700 = arith.index_cast %squeeze3A_1668 : i32 to index
      %get3A_1701 = arith.constant 48 : index
      %get3A_1702 = tpu.vector_load %arg7[%get3A_1700, %get3A_1701] {strides = array<i32>} : memref<8x128xf32, #tpu.memory_space<vmem>>, vector<1x16xf32>,
      %get3A_1703 = vector.shape_cast %get3A_1702 : vector<1x16xf32> to vector<16xf32>
      %mul3A_1704 = arith.mulf %get3A_1699, %get3A_1703 : vector<16xf32>
      %get3A_1705 = arith.index_cast %add3A_1666 : i32 to index
      %get3A_1706 = arith.constant 64 : index
      %get3A_1707 = tpu.vector_load %arg8[%get3A_1705, %get3A_1706] {strides = array<i32>} : memref<512x128xf32, #tpu.memory_space<vmem>>, vector<1x16xf32>,
      %get3A_1708 = vector.shape_cast %get3A_1707 : vector<1x16xf32> to vector<16xf32>
      %get3A_1709 = arith.index_cast %squeeze3A_1668 : i32 to index
      %get3A_1710 = arith.constant 64 : index
      %get3A_1711 = tpu.vector_load %arg7[%get3A_1709, %get3A_1710] {strides = array<i32>} : memref<8x128xf32, #tpu.memory_space<vmem>>, vector<1x16xf32>,
      %get3A_1712 = vector.shape_cast %get3A_1711 : vector<1x16xf32> to vector<16xf32>
      %mul3A_1713 = arith.mulf %get3A_1708, %get3A_1712 : vector<16xf32>
      %get3A_1714 = arith.index_cast %add3A_1666 : i32 to index
      %get3A_1715 = arith.constant 80 : index
      %get3A_1716 = tpu.vector_load %arg8[%get3A_1714, %get3A_1715] {strides = array<i32>} : memref<512x128xf32, #tpu.memory_space<vmem>>, vector<1x16xf32>,
      %get3A_1717 = vector.shape_cast %get3A_1716 : vector<1x16xf32> to vector<16xf32>
      %get3A_1718 = arith.index_cast %squeeze3A_1668 : i32 to index
      %get3A_1719 = arith.constant 80 : index
      %get3A_1720 = tpu.vector_load %arg7[%get3A_1718, %get3A_1719] {strides = array<i32>} : memref<8x128xf32, #tpu.memory_space<vmem>>, vector<1x16xf32>,
      %get3A_1721 = vector.shape_cast %get3A_1720 : vector<1x16xf32> to vector<16xf32>
      %mul3A_1722 = arith.mulf %get3A_1717, %get3A_1721 : vector<16xf32>
      %get3A_1723 = arith.index_cast %add3A_1666 : i32 to index
      %get3A_1724 = arith.constant 96 : index
      %get3A_1725 = tpu.vector_load %arg8[%get3A_1723, %get3A_1724] {strides = array<i32>} : memref<512x128xf32, #tpu.memory_space<vmem>>, vector<1x16xf32>,
      %get3A_1726 = vector.shape_cast %get3A_1725 : vector<1x16xf32> to vector<16xf32>
      %get3A_1727 = arith.index_cast %squeeze3A_1668 : i32 to index
      %get3A_1728 = arith.constant 96 : index
      %get3A_1729 = tpu.vector_load %arg7[%get3A_1727, %get3A_1728] {strides = array<i32>} : memref<8x128xf32, #tpu.memory_space<vmem>>, vector<1x16xf32>,
      %get3A_1730 = vector.shape_cast %get3A_1729 : vector<1x16xf32> to vector<16xf32>
      %mul3A_1731 = arith.mulf %get3A_1726, %get3A_1730 : vector<16xf32>
      %get3A_1732 = arith.index_cast %add3A_1666 : i32 to index
      %get3A_1733 = arith.constant 112 : index
      %get3A_1734 = tpu.vector_load %arg8[%get3A_1732, %get3A_1733] {strides = array<i32>} : memref<512x128xf32, #tpu.memory_space<vmem>>, vector<1x16xf32>,
      %get3A_1735 = vector.shape_cast %get3A_1734 : vector<1x16xf32> to vector<16xf32>
      %get3A_1736 = arith.index_cast %squeeze3A_1668 : i32 to index
      %get3A_1737 = arith.constant 112 : index
      %get3A_1738 = tpu.vector_load %arg7[%get3A_1736, %get3A_1737] {strides = array<i32>} : memref<8x128xf32, #tpu.memory_space<vmem>>, vector<1x16xf32>,
      %get3A_1739 = vector.shape_cast %get3A_1738 : vector<1x16xf32> to vector<16xf32>
      %mul3A_1740 = arith.mulf %get3A_1735, %get3A_1739 : vector<16xf32>
      %swap3A_1741 = arith.index_cast %add3A_1666 : i32 to index
      %swap3A_1742 = arith.constant 0 : index
      %swap3A_1743 = tpu.vector_load %arg8[%swap3A_1741, %swap3A_1742] {strides = array<i32>} : memref<512x128xf32, #tpu.memory_space<vmem>>, vector<1x16xf32>,
      %swap3A_1744 = vector.shape_cast %swap3A_1743 : vector<1x16xf32> to vector<16xf32>
      %swap3A_1745 = vector.shape_cast %mul3A_1677 : vector<16xf32> to vector<1x16xf32>
      tpu.vector_store %arg8[%swap3A_1741, %swap3A_1742], %swap3A_1745 {strides = array<i32>} : memref<512x128xf32, #tpu.memory_space<vmem>>, vector<1x16xf32>,
      %swap3A_1746 = arith.index_cast %add3A_1666 : i32 to index
      %swap3A_1747 = arith.constant 16 : index
      %swap3A_1748 = tpu.vector_load %arg8[%swap3A_1746, %swap3A_1747] {strides = array<i32>} : memref<512x128xf32, #tpu.memory_space<vmem>>, vector<1x16xf32>,
      %swap3A_1749 = vector.shape_cast %swap3A_1748 : vector<1x16xf32> to vector<16xf32>
      %swap3A_1750 = vector.shape_cast %mul3A_1686 : vector<16xf32> to vector<1x16xf32>
      tpu.vector_store %arg8[%swap3A_1746, %swap3A_1747], %swap3A_1750 {strides = array<i32>} : memref<512x128xf32, #tpu.memory_space<vmem>>, vector<1x16xf32>,
      %swap3A_1751 = arith.index_cast %add3A_1666 : i32 to index
      %swap3A_1752 = arith.constant 32 : index
      %swap3A_1753 = tpu.vector_load %arg8[%swap3A_1751, %swap3A_1752] {strides = array<i32>} : memref<512x128xf32, #tpu.memory_space<vmem>>, vector<1x16xf32>,
      %swap3A_1754 = vector.shape_cast %swap3A_1753 : vector<1x16xf32> to vector<16xf32>
      %swap3A_1755 = vector.shape_cast %mul3A_1695 : vector<16xf32> to vector<1x16xf32>
      tpu.vector_store %arg8[%swap3A_1751, %swap3A_1752], %swap3A_1755 {strides = array<i32>} : memref<512x128xf32, #tpu.memory_space<vmem>>, vector<1x16xf32>,
      %swap3A_1756 = arith.index_cast %add3A_1666 : i32 to index
      %swap3A_1757 = arith.constant 48 : index
      %swap3A_1758 = tpu.vector_load %arg8[%swap3A_1756, %swap3A_1757] {strides = array<i32>} : memref<512x128xf32, #tpu.memory_space<vmem>>, vector<1x16xf32>,
      %swap3A_1759 = vector.shape_cast %swap3A_1758 : vector<1x16xf32> to vector<16xf32>
      %swap3A_1760 = vector.shape_cast %mul3A_1704 : vector<16xf32> to vector<1x16xf32>
      tpu.vector_store %arg8[%swap3A_1756, %swap3A_1757], %swap3A_1760 {strides = array<i32>} : memref<512x128xf32, #tpu.memory_space<vmem>>, vector<1x16xf32>,
      %swap3A_1761 = arith.index_cast %add3A_1666 : i32 to index
      %swap3A_1762 = arith.constant 64 : index
      %swap3A_1763 = tpu.vector_load %arg8[%swap3A_1761, %swap3A_1762] {strides = array<i32>} : memref<512x128xf32, #tpu.memory_space<vmem>>, vector<1x16xf32>,
      %swap3A_1764 = vector.shape_cast %swap3A_1763 : vector<1x16xf32> to vector<16xf32>
      %swap3A_1765 = vector.shape_cast %mul3A_1713 : vector<16xf32> to vector<1x16xf32>
      tpu.vector_store %arg8[%swap3A_1761, %swap3A_1762], %swap3A_1765 {strides = array<i32>} : memref<512x128xf32, #tpu.memory_space<vmem>>, vector<1x16xf32>,
      %swap3A_1766 = arith.index_cast %add3A_1666 : i32 to index
      %swap3A_1767 = arith.constant 80 : index
      %swap3A_1768 = tpu.vector_load %arg8[%swap3A_1766, %swap3A_1767] {strides = array<i32>} : memref<512x128xf32, #tpu.memory_space<vmem>>, vector<1x16xf32>,
      %swap3A_1769 = vector.shape_cast %swap3A_1768 : vector<1x16xf32> to vector<16xf32>
      %swap3A_1770 = vector.shape_cast %mul3A_1722 : vector<16xf32> to vector<1x16xf32>
      tpu.vector_store %arg8[%swap3A_1766, %swap3A_1767], %swap3A_1770 {strides = array<i32>} : memref<512x128xf32, #tpu.memory_space<vmem>>, vector<1x16xf32>,
      %swap3A_1771 = arith.index_cast %add3A_1666 : i32 to index
      %swap3A_1772 = arith.constant 96 : index
      %swap3A_1773 = tpu.vector_load %arg8[%swap3A_1771, %swap3A_1772] {strides = array<i32>} : memref<512x128xf32, #tpu.memory_space<vmem>>, vector<1x16xf32>,
      %swap3A_1774 = vector.shape_cast %swap3A_1773 : vector<1x16xf32> to vector<16xf32>
      %swap3A_1775 = vector.shape_cast %mul3A_1731 : vector<16xf32> to vector<1x16xf32>
      tpu.vector_store %arg8[%swap3A_1771, %swap3A_1772], %swap3A_1775 {strides = array<i32>} : memref<512x128xf32, #tpu.memory_space<vmem>>, vector<1x16xf32>,
      %swap3A_1776 = arith.index_cast %add3A_1666 : i32 to index
      %swap3A_1777 = arith.constant 112 : index
      %swap3A_1778 = tpu.vector_load %arg8[%swap3A_1776, %swap3A_1777] {strides = array<i32>} : memref<512x128xf32, #tpu.memory_space<vmem>>, vector<1x16xf32>,
      %swap3A_1779 = vector.shape_cast %swap3A_1778 : vector<1x16xf32> to vector<16xf32>
      %swap3A_1780 = vector.shape_cast %mul3A_1740 : vector<16xf32> to vector<1x16xf32>
      tpu.vector_store %arg8[%swap3A_1776, %swap3A_1777], %swap3A_1780 {strides = array<i32>} : memref<512x128xf32, #tpu.memory_space<vmem>>, vector<1x16xf32>,
      %mul3A_1781 = arith.constant 16 : i32
      %mul3A_1782 = arith.muli %scan3A_404, %mul3A_1781 : i32
      %add3A_1783 = arith.constant 11 : i32
      %add3A_1784 = arith.addi %mul3A_1782, %add3A_1783 : i32
      %slice3A_1785 = vector.extract_strided_slice %get3A_485 {offsets = [11], sizes = [1], strides = [1]} : vector<16xi32> to vector<1xi32>
      %squeeze3A_1786 = vector.extract %slice3A_1785[0] : i32 from vector<1xi32>
      %get3A_1787 = arith.index_cast %add3A_1784 : i32 to index
      %get3A_1788 = arith.constant 0 : index
      %get3A_1789 = tpu.vector_load %arg8[%get3A_1787, %get3A_1788] {strides = array<i32>} : memref<512x128xf32, #tpu.memory_space<vmem>>, vector<1x16xf32>,
      %get3A_1790 = vector.shape_cast %get3A_1789 : vector<1x16xf32> to vector<16xf32>
      %get3A_1791 = arith.index_cast %squeeze3A_1786 : i32 to index
      %get3A_1792 = arith.constant 0 : index
      %get3A_1793 = tpu.vector_load %arg7[%get3A_1791, %get3A_1792] {strides = array<i32>} : memref<8x128xf32, #tpu.memory_space<vmem>>, vector<1x16xf32>,
      %get3A_1794 = vector.shape_cast %get3A_1793 : vector<1x16xf32> to vector<16xf32>
      %mul3A_1795 = arith.mulf %get3A_1790, %get3A_1794 : vector<16xf32>
      %get3A_1796 = arith.index_cast %add3A_1784 : i32 to index
      %get3A_1797 = arith.constant 16 : index
      %get3A_1798 = tpu.vector_load %arg8[%get3A_1796, %get3A_1797] {strides = array<i32>} : memref<512x128xf32, #tpu.memory_space<vmem>>, vector<1x16xf32>,
      %get3A_1799 = vector.shape_cast %get3A_1798 : vector<1x16xf32> to vector<16xf32>
      %get3A_1800 = arith.index_cast %squeeze3A_1786 : i32 to index
      %get3A_1801 = arith.constant 16 : index
      %get3A_1802 = tpu.vector_load %arg7[%get3A_1800, %get3A_1801] {strides = array<i32>} : memref<8x128xf32, #tpu.memory_space<vmem>>, vector<1x16xf32>,
      %get3A_1803 = vector.shape_cast %get3A_1802 : vector<1x16xf32> to vector<16xf32>
      %mul3A_1804 = arith.mulf %get3A_1799, %get3A_1803 : vector<16xf32>
      %get3A_1805 = arith.index_cast %add3A_1784 : i32 to index
      %get3A_1806 = arith.constant 32 : index
      %get3A_1807 = tpu.vector_load %arg8[%get3A_1805, %get3A_1806] {strides = array<i32>} : memref<512x128xf32, #tpu.memory_space<vmem>>, vector<1x16xf32>,
      %get3A_1808 = vector.shape_cast %get3A_1807 : vector<1x16xf32> to vector<16xf32>
      %get3A_1809 = arith.index_cast %squeeze3A_1786 : i32 to index
      %get3A_1810 = arith.constant 32 : index
      %get3A_1811 = tpu.vector_load %arg7[%get3A_1809, %get3A_1810] {strides = array<i32>} : memref<8x128xf32, #tpu.memory_space<vmem>>, vector<1x16xf32>,
      %get3A_1812 = vector.shape_cast %get3A_1811 : vector<1x16xf32> to vector<16xf32>
      %mul3A_1813 = arith.mulf %get3A_1808, %get3A_1812 : vector<16xf32>
      %get3A_1814 = arith.index_cast %add3A_1784 : i32 to index
      %get3A_1815 = arith.constant 48 : index
      %get3A_1816 = tpu.vector_load %arg8[%get3A_1814, %get3A_1815] {strides = array<i32>} : memref<512x128xf32, #tpu.memory_space<vmem>>, vector<1x16xf32>,
      %get3A_1817 = vector.shape_cast %get3A_1816 : vector<1x16xf32> to vector<16xf32>
      %get3A_1818 = arith.index_cast %squeeze3A_1786 : i32 to index
      %get3A_1819 = arith.constant 48 : index
      %get3A_1820 = tpu.vector_load %arg7[%get3A_1818, %get3A_1819] {strides = array<i32>} : memref<8x128xf32, #tpu.memory_space<vmem>>, vector<1x16xf32>,
      %get3A_1821 = vector.shape_cast %get3A_1820 : vector<1x16xf32> to vector<16xf32>
      %mul3A_1822 = arith.mulf %get3A_1817, %get3A_1821 : vector<16xf32>
      %get3A_1823 = arith.index_cast %add3A_1784 : i32 to index
      %get3A_1824 = arith.constant 64 : index
      %get3A_1825 = tpu.vector_load %arg8[%get3A_1823, %get3A_1824] {strides = array<i32>} : memref<512x128xf32, #tpu.memory_space<vmem>>, vector<1x16xf32>,
      %get3A_1826 = vector.shape_cast %get3A_1825 : vector<1x16xf32> to vector<16xf32>
      %get3A_1827 = arith.index_cast %squeeze3A_1786 : i32 to index
      %get3A_1828 = arith.constant 64 : index
      %get3A_1829 = tpu.vector_load %arg7[%get3A_1827, %get3A_1828] {strides = array<i32>} : memref<8x128xf32, #tpu.memory_space<vmem>>, vector<1x16xf32>,
      %get3A_1830 = vector.shape_cast %get3A_1829 : vector<1x16xf32> to vector<16xf32>
      %mul3A_1831 = arith.mulf %get3A_1826, %get3A_1830 : vector<16xf32>
      %get3A_1832 = arith.index_cast %add3A_1784 : i32 to index
      %get3A_1833 = arith.constant 80 : index
      %get3A_1834 = tpu.vector_load %arg8[%get3A_1832, %get3A_1833] {strides = array<i32>} : memref<512x128xf32, #tpu.memory_space<vmem>>, vector<1x16xf32>,
      %get3A_1835 = vector.shape_cast %get3A_1834 : vector<1x16xf32> to vector<16xf32>
      %get3A_1836 = arith.index_cast %squeeze3A_1786 : i32 to index
      %get3A_1837 = arith.constant 80 : index
      %get3A_1838 = tpu.vector_load %arg7[%get3A_1836, %get3A_1837] {strides = array<i32>} : memref<8x128xf32, #tpu.memory_space<vmem>>, vector<1x16xf32>,
      %get3A_1839 = vector.shape_cast %get3A_1838 : vector<1x16xf32> to vector<16xf32>
      %mul3A_1840 = arith.mulf %get3A_1835, %get3A_1839 : vector<16xf32>
      %get3A_1841 = arith.index_cast %add3A_1784 : i32 to index
      %get3A_1842 = arith.constant 96 : index
      %get3A_1843 = tpu.vector_load %arg8[%get3A_1841, %get3A_1842] {strides = array<i32>} : memref<512x128xf32, #tpu.memory_space<vmem>>, vector<1x16xf32>,
      %get3A_1844 = vector.shape_cast %get3A_1843 : vector<1x16xf32> to vector<16xf32>
      %get3A_1845 = arith.index_cast %squeeze3A_1786 : i32 to index
      %get3A_1846 = arith.constant 96 : index
      %get3A_1847 = tpu.vector_load %arg7[%get3A_1845, %get3A_1846] {strides = array<i32>} : memref<8x128xf32, #tpu.memory_space<vmem>>, vector<1x16xf32>,
      %get3A_1848 = vector.shape_cast %get3A_1847 : vector<1x16xf32> to vector<16xf32>
      %mul3A_1849 = arith.mulf %get3A_1844, %get3A_1848 : vector<16xf32>
      %get3A_1850 = arith.index_cast %add3A_1784 : i32 to index
      %get3A_1851 = arith.constant 112 : index
      %get3A_1852 = tpu.vector_load %arg8[%get3A_1850, %get3A_1851] {strides = array<i32>} : memref<512x128xf32, #tpu.memory_space<vmem>>, vector<1x16xf32>,
      %get3A_1853 = vector.shape_cast %get3A_1852 : vector<1x16xf32> to vector<16xf32>
      %get3A_1854 = arith.index_cast %squeeze3A_1786 : i32 to index
      %get3A_1855 = arith.constant 112 : index
      %get3A_1856 = tpu.vector_load %arg7[%get3A_1854, %get3A_1855] {strides = array<i32>} : memref<8x128xf32, #tpu.memory_space<vmem>>, vector<1x16xf32>,
      %get3A_1857 = vector.shape_cast %get3A_1856 : vector<1x16xf32> to vector<16xf32>
      %mul3A_1858 = arith.mulf %get3A_1853, %get3A_1857 : vector<16xf32>
      %swap3A_1859 = arith.index_cast %add3A_1784 : i32 to index
      %swap3A_1860 = arith.constant 0 : index
      %swap3A_1861 = tpu.vector_load %arg8[%swap3A_1859, %swap3A_1860] {strides = array<i32>} : memref<512x128xf32, #tpu.memory_space<vmem>>, vector<1x16xf32>,
      %swap3A_1862 = vector.shape_cast %swap3A_1861 : vector<1x16xf32> to vector<16xf32>
      %swap3A_1863 = vector.shape_cast %mul3A_1795 : vector<16xf32> to vector<1x16xf32>
      tpu.vector_store %arg8[%swap3A_1859, %swap3A_1860], %swap3A_1863 {strides = array<i32>} : memref<512x128xf32, #tpu.memory_space<vmem>>, vector<1x16xf32>,
      %swap3A_1864 = arith.index_cast %add3A_1784 : i32 to index
      %swap3A_1865 = arith.constant 16 : index
      %swap3A_1866 = tpu.vector_load %arg8[%swap3A_1864, %swap3A_1865] {strides = array<i32>} : memref<512x128xf32, #tpu.memory_space<vmem>>, vector<1x16xf32>,
      %swap3A_1867 = vector.shape_cast %swap3A_1866 : vector<1x16xf32> to vector<16xf32>
      %swap3A_1868 = vector.shape_cast %mul3A_1804 : vector<16xf32> to vector<1x16xf32>
      tpu.vector_store %arg8[%swap3A_1864, %swap3A_1865], %swap3A_1868 {strides = array<i32>} : memref<512x128xf32, #tpu.memory_space<vmem>>, vector<1x16xf32>,
      %swap3A_1869 = arith.index_cast %add3A_1784 : i32 to index
      %swap3A_1870 = arith.constant 32 : index
      %swap3A_1871 = tpu.vector_load %arg8[%swap3A_1869, %swap3A_1870] {strides = array<i32>} : memref<512x128xf32, #tpu.memory_space<vmem>>, vector<1x16xf32>,
      %swap3A_1872 = vector.shape_cast %swap3A_1871 : vector<1x16xf32> to vector<16xf32>
      %swap3A_1873 = vector.shape_cast %mul3A_1813 : vector<16xf32> to vector<1x16xf32>
      tpu.vector_store %arg8[%swap3A_1869, %swap3A_1870], %swap3A_1873 {strides = array<i32>} : memref<512x128xf32, #tpu.memory_space<vmem>>, vector<1x16xf32>,
      %swap3A_1874 = arith.index_cast %add3A_1784 : i32 to index
      %swap3A_1875 = arith.constant 48 : index
      %swap3A_1876 = tpu.vector_load %arg8[%swap3A_1874, %swap3A_1875] {strides = array<i32>} : memref<512x128xf32, #tpu.memory_space<vmem>>, vector<1x16xf32>,
      %swap3A_1877 = vector.shape_cast %swap3A_1876 : vector<1x16xf32> to vector<16xf32>
      %swap3A_1878 = vector.shape_cast %mul3A_1822 : vector<16xf32> to vector<1x16xf32>
      tpu.vector_store %arg8[%swap3A_1874, %swap3A_1875], %swap3A_1878 {strides = array<i32>} : memref<512x128xf32, #tpu.memory_space<vmem>>, vector<1x16xf32>,
      %swap3A_1879 = arith.index_cast %add3A_1784 : i32 to index
      %swap3A_1880 = arith.constant 64 : index
      %swap3A_1881 = tpu.vector_load %arg8[%swap3A_1879, %swap3A_1880] {strides = array<i32>} : memref<512x128xf32, #tpu.memory_space<vmem>>, vector<1x16xf32>,
      %swap3A_1882 = vector.shape_cast %swap3A_1881 : vector<1x16xf32> to vector<16xf32>
      %swap3A_1883 = vector.shape_cast %mul3A_1831 : vector<16xf32> to vector<1x16xf32>
      tpu.vector_store %arg8[%swap3A_1879, %swap3A_1880], %swap3A_1883 {strides = array<i32>} : memref<512x128xf32, #tpu.memory_space<vmem>>, vector<1x16xf32>,
      %swap3A_1884 = arith.index_cast %add3A_1784 : i32 to index
      %swap3A_1885 = arith.constant 80 : index
      %swap3A_1886 = tpu.vector_load %arg8[%swap3A_1884, %swap3A_1885] {strides = array<i32>} : memref<512x128xf32, #tpu.memory_space<vmem>>, vector<1x16xf32>,
      %swap3A_1887 = vector.shape_cast %swap3A_1886 : vector<1x16xf32> to vector<16xf32>
      %swap3A_1888 = vector.shape_cast %mul3A_1840 : vector<16xf32> to vector<1x16xf32>
      tpu.vector_store %arg8[%swap3A_1884, %swap3A_1885], %swap3A_1888 {strides = array<i32>} : memref<512x128xf32, #tpu.memory_space<vmem>>, vector<1x16xf32>,
      %swap3A_1889 = arith.index_cast %add3A_1784 : i32 to index
      %swap3A_1890 = arith.constant 96 : index
      %swap3A_1891 = tpu.vector_load %arg8[%swap3A_1889, %swap3A_1890] {strides = array<i32>} : memref<512x128xf32, #tpu.memory_space<vmem>>, vector<1x16xf32>,
      %swap3A_1892 = vector.shape_cast %swap3A_1891 : vector<1x16xf32> to vector<16xf32>
      %swap3A_1893 = vector.shape_cast %mul3A_1849 : vector<16xf32> to vector<1x16xf32>
      tpu.vector_store %arg8[%swap3A_1889, %swap3A_1890], %swap3A_1893 {strides = array<i32>} : memref<512x128xf32, #tpu.memory_space<vmem>>, vector<1x16xf32>,
      %swap3A_1894 = arith.index_cast %add3A_1784 : i32 to index
      %swap3A_1895 = arith.constant 112 : index
      %swap3A_1896 = tpu.vector_load %arg8[%swap3A_1894, %swap3A_1895] {strides = array<i32>} : memref<512x128xf32, #tpu.memory_space<vmem>>, vector<1x16xf32>,
      %swap3A_1897 = vector.shape_cast %swap3A_1896 : vector<1x16xf32> to vector<16xf32>
      %swap3A_1898 = vector.shape_cast %mul3A_1858 : vector<16xf32> to vector<1x16xf32>
      tpu.vector_store %arg8[%swap3A_1894, %swap3A_1895], %swap3A_1898 {strides = array<i32>} : memref<512x128xf32, #tpu.memory_space<vmem>>, vector<1x16xf32>,
      %mul3A_1899 = arith.constant 16 : i32
      %mul3A_1900 = arith.muli %scan3A_404, %mul3A_1899 : i32
      %add3A_1901 = arith.constant 12 : i32
      %add3A_1902 = arith.addi %mul3A_1900, %add3A_1901 : i32
      %slice3A_1903 = vector.extract_strided_slice %get3A_485 {offsets = [12], sizes = [1], strides = [1]} : vector<16xi32> to vector<1xi32>
      %squeeze3A_1904 = vector.extract %slice3A_1903[0] : i32 from vector<1xi32>
      %get3A_1905 = arith.index_cast %add3A_1902 : i32 to index
      %get3A_1906 = arith.constant 0 : index
      %get3A_1907 = tpu.vector_load %arg8[%get3A_1905, %get3A_1906] {strides = array<i32>} : memref<512x128xf32, #tpu.memory_space<vmem>>, vector<1x16xf32>,
      %get3A_1908 = vector.shape_cast %get3A_1907 : vector<1x16xf32> to vector<16xf32>
      %get3A_1909 = arith.index_cast %squeeze3A_1904 : i32 to index
      %get3A_1910 = arith.constant 0 : index
      %get3A_1911 = tpu.vector_load %arg7[%get3A_1909, %get3A_1910] {strides = array<i32>} : memref<8x128xf32, #tpu.memory_space<vmem>>, vector<1x16xf32>,
      %get3A_1912 = vector.shape_cast %get3A_1911 : vector<1x16xf32> to vector<16xf32>
      %mul3A_1913 = arith.mulf %get3A_1908, %get3A_1912 : vector<16xf32>
      %get3A_1914 = arith.index_cast %add3A_1902 : i32 to index
      %get3A_1915 = arith.constant 16 : index
      %get3A_1916 = tpu.vector_load %arg8[%get3A_1914, %get3A_1915] {strides = array<i32>} : memref<512x128xf32, #tpu.memory_space<vmem>>, vector<1x16xf32>,
      %get3A_1917 = vector.shape_cast %get3A_1916 : vector<1x16xf32> to vector<16xf32>
      %get3A_1918 = arith.index_cast %squeeze3A_1904 : i32 to index
      %get3A_1919 = arith.constant 16 : index
      %get3A_1920 = tpu.vector_load %arg7[%get3A_1918, %get3A_1919] {strides = array<i32>} : memref<8x128xf32, #tpu.memory_space<vmem>>, vector<1x16xf32>,
      %get3A_1921 = vector.shape_cast %get3A_1920 : vector<1x16xf32> to vector<16xf32>
      %mul3A_1922 = arith.mulf %get3A_1917, %get3A_1921 : vector<16xf32>
      %get3A_1923 = arith.index_cast %add3A_1902 : i32 to index
      %get3A_1924 = arith.constant 32 : index
      %get3A_1925 = tpu.vector_load %arg8[%get3A_1923, %get3A_1924] {strides = array<i32>} : memref<512x128xf32, #tpu.memory_space<vmem>>, vector<1x16xf32>,
      %get3A_1926 = vector.shape_cast %get3A_1925 : vector<1x16xf32> to vector<16xf32>
      %get3A_1927 = arith.index_cast %squeeze3A_1904 : i32 to index
      %get3A_1928 = arith.constant 32 : index
      %get3A_1929 = tpu.vector_load %arg7[%get3A_1927, %get3A_1928] {strides = array<i32>} : memref<8x128xf32, #tpu.memory_space<vmem>>, vector<1x16xf32>,
      %get3A_1930 = vector.shape_cast %get3A_1929 : vector<1x16xf32> to vector<16xf32>
      %mul3A_1931 = arith.mulf %get3A_1926, %get3A_1930 : vector<16xf32>
      %get3A_1932 = arith.index_cast %add3A_1902 : i32 to index
      %get3A_1933 = arith.constant 48 : index
      %get3A_1934 = tpu.vector_load %arg8[%get3A_1932, %get3A_1933] {strides = array<i32>} : memref<512x128xf32, #tpu.memory_space<vmem>>, vector<1x16xf32>,
      %get3A_1935 = vector.shape_cast %get3A_1934 : vector<1x16xf32> to vector<16xf32>
      %get3A_1936 = arith.index_cast %squeeze3A_1904 : i32 to index
      %get3A_1937 = arith.constant 48 : index
      %get3A_1938 = tpu.vector_load %arg7[%get3A_1936, %get3A_1937] {strides = array<i32>} : memref<8x128xf32, #tpu.memory_space<vmem>>, vector<1x16xf32>,
      %get3A_1939 = vector.shape_cast %get3A_1938 : vector<1x16xf32> to vector<16xf32>
      %mul3A_1940 = arith.mulf %get3A_1935, %get3A_1939 : vector<16xf32>
      %get3A_1941 = arith.index_cast %add3A_1902 : i32 to index
      %get3A_1942 = arith.constant 64 : index
      %get3A_1943 = tpu.vector_load %arg8[%get3A_1941, %get3A_1942] {strides = array<i32>} : memref<512x128xf32, #tpu.memory_space<vmem>>, vector<1x16xf32>,
      %get3A_1944 = vector.shape_cast %get3A_1943 : vector<1x16xf32> to vector<16xf32>
      %get3A_1945 = arith.index_cast %squeeze3A_1904 : i32 to index
      %get3A_1946 = arith.constant 64 : index
      %get3A_1947 = tpu.vector_load %arg7[%get3A_1945, %get3A_1946] {strides = array<i32>} : memref<8x128xf32, #tpu.memory_space<vmem>>, vector<1x16xf32>,
      %get3A_1948 = vector.shape_cast %get3A_1947 : vector<1x16xf32> to vector<16xf32>
      %mul3A_1949 = arith.mulf %get3A_1944, %get3A_1948 : vector<16xf32>
      %get3A_1950 = arith.index_cast %add3A_1902 : i32 to index
      %get3A_1951 = arith.constant 80 : index
      %get3A_1952 = tpu.vector_load %arg8[%get3A_1950, %get3A_1951] {strides = array<i32>} : memref<512x128xf32, #tpu.memory_space<vmem>>, vector<1x16xf32>,
      %get3A_1953 = vector.shape_cast %get3A_1952 : vector<1x16xf32> to vector<16xf32>
      %get3A_1954 = arith.index_cast %squeeze3A_1904 : i32 to index
      %get3A_1955 = arith.constant 80 : index
      %get3A_1956 = tpu.vector_load %arg7[%get3A_1954, %get3A_1955] {strides = array<i32>} : memref<8x128xf32, #tpu.memory_space<vmem>>, vector<1x16xf32>,
      %get3A_1957 = vector.shape_cast %get3A_1956 : vector<1x16xf32> to vector<16xf32>
      %mul3A_1958 = arith.mulf %get3A_1953, %get3A_1957 : vector<16xf32>
      %get3A_1959 = arith.index_cast %add3A_1902 : i32 to index
      %get3A_1960 = arith.constant 96 : index
      %get3A_1961 = tpu.vector_load %arg8[%get3A_1959, %get3A_1960] {strides = array<i32>} : memref<512x128xf32, #tpu.memory_space<vmem>>, vector<1x16xf32>,
      %get3A_1962 = vector.shape_cast %get3A_1961 : vector<1x16xf32> to vector<16xf32>
      %get3A_1963 = arith.index_cast %squeeze3A_1904 : i32 to index
      %get3A_1964 = arith.constant 96 : index
      %get3A_1965 = tpu.vector_load %arg7[%get3A_1963, %get3A_1964] {strides = array<i32>} : memref<8x128xf32, #tpu.memory_space<vmem>>, vector<1x16xf32>,
      %get3A_1966 = vector.shape_cast %get3A_1965 : vector<1x16xf32> to vector<16xf32>
      %mul3A_1967 = arith.mulf %get3A_1962, %get3A_1966 : vector<16xf32>
      %get3A_1968 = arith.index_cast %add3A_1902 : i32 to index
      %get3A_1969 = arith.constant 112 : index
      %get3A_1970 = tpu.vector_load %arg8[%get3A_1968, %get3A_1969] {strides = array<i32>} : memref<512x128xf32, #tpu.memory_space<vmem>>, vector<1x16xf32>,
      %get3A_1971 = vector.shape_cast %get3A_1970 : vector<1x16xf32> to vector<16xf32>
      %get3A_1972 = arith.index_cast %squeeze3A_1904 : i32 to index
      %get3A_1973 = arith.constant 112 : index
      %get3A_1974 = tpu.vector_load %arg7[%get3A_1972, %get3A_1973] {strides = array<i32>} : memref<8x128xf32, #tpu.memory_space<vmem>>, vector<1x16xf32>,
      %get3A_1975 = vector.shape_cast %get3A_1974 : vector<1x16xf32> to vector<16xf32>
      %mul3A_1976 = arith.mulf %get3A_1971, %get3A_1975 : vector<16xf32>
      %swap3A_1977 = arith.index_cast %add3A_1902 : i32 to index
      %swap3A_1978 = arith.constant 0 : index
      %swap3A_1979 = tpu.vector_load %arg8[%swap3A_1977, %swap3A_1978] {strides = array<i32>} : memref<512x128xf32, #tpu.memory_space<vmem>>, vector<1x16xf32>,
      %swap3A_1980 = vector.shape_cast %swap3A_1979 : vector<1x16xf32> to vector<16xf32>
      %swap3A_1981 = vector.shape_cast %mul3A_1913 : vector<16xf32> to vector<1x16xf32>
      tpu.vector_store %arg8[%swap3A_1977, %swap3A_1978], %swap3A_1981 {strides = array<i32>} : memref<512x128xf32, #tpu.memory_space<vmem>>, vector<1x16xf32>,
      %swap3A_1982 = arith.index_cast %add3A_1902 : i32 to index
      %swap3A_1983 = arith.constant 16 : index
      %swap3A_1984 = tpu.vector_load %arg8[%swap3A_1982, %swap3A_1983] {strides = array<i32>} : memref<512x128xf32, #tpu.memory_space<vmem>>, vector<1x16xf32>,
      %swap3A_1985 = vector.shape_cast %swap3A_1984 : vector<1x16xf32> to vector<16xf32>
      %swap3A_1986 = vector.shape_cast %mul3A_1922 : vector<16xf32> to vector<1x16xf32>
      tpu.vector_store %arg8[%swap3A_1982, %swap3A_1983], %swap3A_1986 {strides = array<i32>} : memref<512x128xf32, #tpu.memory_space<vmem>>, vector<1x16xf32>,
      %swap3A_1987 = arith.index_cast %add3A_1902 : i32 to index
      %swap3A_1988 = arith.constant 32 : index
      %swap3A_1989 = tpu.vector_load %arg8[%swap3A_1987, %swap3A_1988] {strides = array<i32>} : memref<512x128xf32, #tpu.memory_space<vmem>>, vector<1x16xf32>,
      %swap3A_1990 = vector.shape_cast %swap3A_1989 : vector<1x16xf32> to vector<16xf32>
      %swap3A_1991 = vector.shape_cast %mul3A_1931 : vector<16xf32> to vector<1x16xf32>
      tpu.vector_store %arg8[%swap3A_1987, %swap3A_1988], %swap3A_1991 {strides = array<i32>} : memref<512x128xf32, #tpu.memory_space<vmem>>, vector<1x16xf32>,
      %swap3A_1992 = arith.index_cast %add3A_1902 : i32 to index
      %swap3A_1993 = arith.constant 48 : index
      %swap3A_1994 = tpu.vector_load %arg8[%swap3A_1992, %swap3A_1993] {strides = array<i32>} : memref<512x128xf32, #tpu.memory_space<vmem>>, vector<1x16xf32>,
      %swap3A_1995 = vector.shape_cast %swap3A_1994 : vector<1x16xf32> to vector<16xf32>
      %swap3A_1996 = vector.shape_cast %mul3A_1940 : vector<16xf32> to vector<1x16xf32>
      tpu.vector_store %arg8[%swap3A_1992, %swap3A_1993], %swap3A_1996 {strides = array<i32>} : memref<512x128xf32, #tpu.memory_space<vmem>>, vector<1x16xf32>,
      %swap3A_1997 = arith.index_cast %add3A_1902 : i32 to index
      %swap3A_1998 = arith.constant 64 : index
      %swap3A_1999 = tpu.vector_load %arg8[%swap3A_1997, %swap3A_1998] {strides = array<i32>} : memref<512x128xf32, #tpu.memory_space<vmem>>, vector<1x16xf32>,
      %swap3A_2000 = vector.shape_cast %swap3A_1999 : vector<1x16xf32> to vector<16xf32>
      %swap3A_2001 = vector.shape_cast %mul3A_1949 : vector<16xf32> to vector<1x16xf32>
      tpu.vector_store %arg8[%swap3A_1997, %swap3A_1998], %swap3A_2001 {strides = array<i32>} : memref<512x128xf32, #tpu.memory_space<vmem>>, vector<1x16xf32>,
      %swap3A_2002 = arith.index_cast %add3A_1902 : i32 to index
      %swap3A_2003 = arith.constant 80 : index
      %swap3A_2004 = tpu.vector_load %arg8[%swap3A_2002, %swap3A_2003] {strides = array<i32>} : memref<512x128xf32, #tpu.memory_space<vmem>>, vector<1x16xf32>,
      %swap3A_2005 = vector.shape_cast %swap3A_2004 : vector<1x16xf32> to vector<16xf32>
      %swap3A_2006 = vector.shape_cast %mul3A_1958 : vector<16xf32> to vector<1x16xf32>
      tpu.vector_store %arg8[%swap3A_2002, %swap3A_2003], %swap3A_2006 {strides = array<i32>} : memref<512x128xf32, #tpu.memory_space<vmem>>, vector<1x16xf32>,
      %swap3A_2007 = arith.index_cast %add3A_1902 : i32 to index
      %swap3A_2008 = arith.constant 96 : index
      %swap3A_2009 = tpu.vector_load %arg8[%swap3A_2007, %swap3A_2008] {strides = array<i32>} : memref<512x128xf32, #tpu.memory_space<vmem>>, vector<1x16xf32>,
      %swap3A_2010 = vector.shape_cast %swap3A_2009 : vector<1x16xf32> to vector<16xf32>
      %swap3A_2011 = vector.shape_cast %mul3A_1967 : vector<16xf32> to vector<1x16xf32>
      tpu.vector_store %arg8[%swap3A_2007, %swap3A_2008], %swap3A_2011 {strides = array<i32>} : memref<512x128xf32, #tpu.memory_space<vmem>>, vector<1x16xf32>,
      %swap3A_2012 = arith.index_cast %add3A_1902 : i32 to index
      %swap3A_2013 = arith.constant 112 : index
      %swap3A_2014 = tpu.vector_load %arg8[%swap3A_2012, %swap3A_2013] {strides = array<i32>} : memref<512x128xf32, #tpu.memory_space<vmem>>, vector<1x16xf32>,
      %swap3A_2015 = vector.shape_cast %swap3A_2014 : vector<1x16xf32> to vector<16xf32>
      %swap3A_2016 = vector.shape_cast %mul3A_1976 : vector<16xf32> to vector<1x16xf32>
      tpu.vector_store %arg8[%swap3A_2012, %swap3A_2013], %swap3A_2016 {strides = array<i32>} : memref<512x128xf32, #tpu.memory_space<vmem>>, vector<1x16xf32>,
      %mul3A_2017 = arith.constant 16 : i32
      %mul3A_2018 = arith.muli %scan3A_404, %mul3A_2017 : i32
      %add3A_2019 = arith.constant 13 : i32
      %add3A_2020 = arith.addi %mul3A_2018, %add3A_2019 : i32
      %slice3A_2021 = vector.extract_strided_slice %get3A_485 {offsets = [13], sizes = [1], strides = [1]} : vector<16xi32> to vector<1xi32>
      %squeeze3A_2022 = vector.extract %slice3A_2021[0] : i32 from vector<1xi32>
      %get3A_2023 = arith.index_cast %add3A_2020 : i32 to index
      %get3A_2024 = arith.constant 0 : index
      %get3A_2025 = tpu.vector_load %arg8[%get3A_2023, %get3A_2024] {strides = array<i32>} : memref<512x128xf32, #tpu.memory_space<vmem>>, vector<1x16xf32>,
      %get3A_2026 = vector.shape_cast %get3A_2025 : vector<1x16xf32> to vector<16xf32>
      %get3A_2027 = arith.index_cast %squeeze3A_2022 : i32 to index
      %get3A_2028 = arith.constant 0 : index
      %get3A_2029 = tpu.vector_load %arg7[%get3A_2027, %get3A_2028] {strides = array<i32>} : memref<8x128xf32, #tpu.memory_space<vmem>>, vector<1x16xf32>,
      %get3A_2030 = vector.shape_cast %get3A_2029 : vector<1x16xf32> to vector<16xf32>
      %mul3A_2031 = arith.mulf %get3A_2026, %get3A_2030 : vector<16xf32>
      %get3A_2032 = arith.index_cast %add3A_2020 : i32 to index
      %get3A_2033 = arith.constant 16 : index
      %get3A_2034 = tpu.vector_load %arg8[%get3A_2032, %get3A_2033] {strides = array<i32>} : memref<512x128xf32, #tpu.memory_space<vmem>>, vector<1x16xf32>,
      %get3A_2035 = vector.shape_cast %get3A_2034 : vector<1x16xf32> to vector<16xf32>
      %get3A_2036 = arith.index_cast %squeeze3A_2022 : i32 to index
      %get3A_2037 = arith.constant 16 : index
      %get3A_2038 = tpu.vector_load %arg7[%get3A_2036, %get3A_2037] {strides = array<i32>} : memref<8x128xf32, #tpu.memory_space<vmem>>, vector<1x16xf32>,
      %get3A_2039 = vector.shape_cast %get3A_2038 : vector<1x16xf32> to vector<16xf32>
      %mul3A_2040 = arith.mulf %get3A_2035, %get3A_2039 : vector<16xf32>
      %get3A_2041 = arith.index_cast %add3A_2020 : i32 to index
      %get3A_2042 = arith.constant 32 : index
      %get3A_2043 = tpu.vector_load %arg8[%get3A_2041, %get3A_2042] {strides = array<i32>} : memref<512x128xf32, #tpu.memory_space<vmem>>, vector<1x16xf32>,
      %get3A_2044 = vector.shape_cast %get3A_2043 : vector<1x16xf32> to vector<16xf32>
      %get3A_2045 = arith.index_cast %squeeze3A_2022 : i32 to index
      %get3A_2046 = arith.constant 32 : index
      %get3A_2047 = tpu.vector_load %arg7[%get3A_2045, %get3A_2046] {strides = array<i32>} : memref<8x128xf32, #tpu.memory_space<vmem>>, vector<1x16xf32>,
      %get3A_2048 = vector.shape_cast %get3A_2047 : vector<1x16xf32> to vector<16xf32>
      %mul3A_2049 = arith.mulf %get3A_2044, %get3A_2048 : vector<16xf32>
      %get3A_2050 = arith.index_cast %add3A_2020 : i32 to index
      %get3A_2051 = arith.constant 48 : index
      %get3A_2052 = tpu.vector_load %arg8[%get3A_2050, %get3A_2051] {strides = array<i32>} : memref<512x128xf32, #tpu.memory_space<vmem>>, vector<1x16xf32>,
      %get3A_2053 = vector.shape_cast %get3A_2052 : vector<1x16xf32> to vector<16xf32>
      %get3A_2054 = arith.index_cast %squeeze3A_2022 : i32 to index
      %get3A_2055 = arith.constant 48 : index
      %get3A_2056 = tpu.vector_load %arg7[%get3A_2054, %get3A_2055] {strides = array<i32>} : memref<8x128xf32, #tpu.memory_space<vmem>>, vector<1x16xf32>,
      %get3A_2057 = vector.shape_cast %get3A_2056 : vector<1x16xf32> to vector<16xf32>
      %mul3A_2058 = arith.mulf %get3A_2053, %get3A_2057 : vector<16xf32>
      %get3A_2059 = arith.index_cast %add3A_2020 : i32 to index
      %get3A_2060 = arith.constant 64 : index
      %get3A_2061 = tpu.vector_load %arg8[%get3A_2059, %get3A_2060] {strides = array<i32>} : memref<512x128xf32, #tpu.memory_space<vmem>>, vector<1x16xf32>,
      %get3A_2062 = vector.shape_cast %get3A_2061 : vector<1x16xf32> to vector<16xf32>
      %get3A_2063 = arith.index_cast %squeeze3A_2022 : i32 to index
      %get3A_2064 = arith.constant 64 : index
      %get3A_2065 = tpu.vector_load %arg7[%get3A_2063, %get3A_2064] {strides = array<i32>} : memref<8x128xf32, #tpu.memory_space<vmem>>, vector<1x16xf32>,
      %get3A_2066 = vector.shape_cast %get3A_2065 : vector<1x16xf32> to vector<16xf32>
      %mul3A_2067 = arith.mulf %get3A_2062, %get3A_2066 : vector<16xf32>
      %get3A_2068 = arith.index_cast %add3A_2020 : i32 to index
      %get3A_2069 = arith.constant 80 : index
      %get3A_2070 = tpu.vector_load %arg8[%get3A_2068, %get3A_2069] {strides = array<i32>} : memref<512x128xf32, #tpu.memory_space<vmem>>, vector<1x16xf32>,
      %get3A_2071 = vector.shape_cast %get3A_2070 : vector<1x16xf32> to vector<16xf32>
      %get3A_2072 = arith.index_cast %squeeze3A_2022 : i32 to index
      %get3A_2073 = arith.constant 80 : index
      %get3A_2074 = tpu.vector_load %arg7[%get3A_2072, %get3A_2073] {strides = array<i32>} : memref<8x128xf32, #tpu.memory_space<vmem>>, vector<1x16xf32>,
      %get3A_2075 = vector.shape_cast %get3A_2074 : vector<1x16xf32> to vector<16xf32>
      %mul3A_2076 = arith.mulf %get3A_2071, %get3A_2075 : vector<16xf32>
      %get3A_2077 = arith.index_cast %add3A_2020 : i32 to index
      %get3A_2078 = arith.constant 96 : index
      %get3A_2079 = tpu.vector_load %arg8[%get3A_2077, %get3A_2078] {strides = array<i32>} : memref<512x128xf32, #tpu.memory_space<vmem>>, vector<1x16xf32>,
      %get3A_2080 = vector.shape_cast %get3A_2079 : vector<1x16xf32> to vector<16xf32>
      %get3A_2081 = arith.index_cast %squeeze3A_2022 : i32 to index
      %get3A_2082 = arith.constant 96 : index
      %get3A_2083 = tpu.vector_load %arg7[%get3A_2081, %get3A_2082] {strides = array<i32>} : memref<8x128xf32, #tpu.memory_space<vmem>>, vector<1x16xf32>,
      %get3A_2084 = vector.shape_cast %get3A_2083 : vector<1x16xf32> to vector<16xf32>
      %mul3A_2085 = arith.mulf %get3A_2080, %get3A_2084 : vector<16xf32>
      %get3A_2086 = arith.index_cast %add3A_2020 : i32 to index
      %get3A_2087 = arith.constant 112 : index
      %get3A_2088 = tpu.vector_load %arg8[%get3A_2086, %get3A_2087] {strides = array<i32>} : memref<512x128xf32, #tpu.memory_space<vmem>>, vector<1x16xf32>,
      %get3A_2089 = vector.shape_cast %get3A_2088 : vector<1x16xf32> to vector<16xf32>
      %get3A_2090 = arith.index_cast %squeeze3A_2022 : i32 to index
      %get3A_2091 = arith.constant 112 : index
      %get3A_2092 = tpu.vector_load %arg7[%get3A_2090, %get3A_2091] {strides = array<i32>} : memref<8x128xf32, #tpu.memory_space<vmem>>, vector<1x16xf32>,
      %get3A_2093 = vector.shape_cast %get3A_2092 : vector<1x16xf32> to vector<16xf32>
      %mul3A_2094 = arith.mulf %get3A_2089, %get3A_2093 : vector<16xf32>
      %swap3A_2095 = arith.index_cast %add3A_2020 : i32 to index
      %swap3A_2096 = arith.constant 0 : index
      %swap3A_2097 = tpu.vector_load %arg8[%swap3A_2095, %swap3A_2096] {strides = array<i32>} : memref<512x128xf32, #tpu.memory_space<vmem>>, vector<1x16xf32>,
      %swap3A_2098 = vector.shape_cast %swap3A_2097 : vector<1x16xf32> to vector<16xf32>
      %swap3A_2099 = vector.shape_cast %mul3A_2031 : vector<16xf32> to vector<1x16xf32>
      tpu.vector_store %arg8[%swap3A_2095, %swap3A_2096], %swap3A_2099 {strides = array<i32>} : memref<512x128xf32, #tpu.memory_space<vmem>>, vector<1x16xf32>,
      %swap3A_2100 = arith.index_cast %add3A_2020 : i32 to index
      %swap3A_2101 = arith.constant 16 : index
      %swap3A_2102 = tpu.vector_load %arg8[%swap3A_2100, %swap3A_2101] {strides = array<i32>} : memref<512x128xf32, #tpu.memory_space<vmem>>, vector<1x16xf32>,
      %swap3A_2103 = vector.shape_cast %swap3A_2102 : vector<1x16xf32> to vector<16xf32>
      %swap3A_2104 = vector.shape_cast %mul3A_2040 : vector<16xf32> to vector<1x16xf32>
      tpu.vector_store %arg8[%swap3A_2100, %swap3A_2101], %swap3A_2104 {strides = array<i32>} : memref<512x128xf32, #tpu.memory_space<vmem>>, vector<1x16xf32>,
      %swap3A_2105 = arith.index_cast %add3A_2020 : i32 to index
      %swap3A_2106 = arith.constant 32 : index
      %swap3A_2107 = tpu.vector_load %arg8[%swap3A_2105, %swap3A_2106] {strides = array<i32>} : memref<512x128xf32, #tpu.memory_space<vmem>>, vector<1x16xf32>,
      %swap3A_2108 = vector.shape_cast %swap3A_2107 : vector<1x16xf32> to vector<16xf32>
      %swap3A_2109 = vector.shape_cast %mul3A_2049 : vector<16xf32> to vector<1x16xf32>
      tpu.vector_store %arg8[%swap3A_2105, %swap3A_2106], %swap3A_2109 {strides = array<i32>} : memref<512x128xf32, #tpu.memory_space<vmem>>, vector<1x16xf32>,
      %swap3A_2110 = arith.index_cast %add3A_2020 : i32 to index
      %swap3A_2111 = arith.constant 48 : index
      %swap3A_2112 = tpu.vector_load %arg8[%swap3A_2110, %swap3A_2111] {strides = array<i32>} : memref<512x128xf32, #tpu.memory_space<vmem>>, vector<1x16xf32>,
      %swap3A_2113 = vector.shape_cast %swap3A_2112 : vector<1x16xf32> to vector<16xf32>
      %swap3A_2114 = vector.shape_cast %mul3A_2058 : vector<16xf32> to vector<1x16xf32>
      tpu.vector_store %arg8[%swap3A_2110, %swap3A_2111], %swap3A_2114 {strides = array<i32>} : memref<512x128xf32, #tpu.memory_space<vmem>>, vector<1x16xf32>,
      %swap3A_2115 = arith.index_cast %add3A_2020 : i32 to index
      %swap3A_2116 = arith.constant 64 : index
      %swap3A_2117 = tpu.vector_load %arg8[%swap3A_2115, %swap3A_2116] {strides = array<i32>} : memref<512x128xf32, #tpu.memory_space<vmem>>, vector<1x16xf32>,
      %swap3A_2118 = vector.shape_cast %swap3A_2117 : vector<1x16xf32> to vector<16xf32>
      %swap3A_2119 = vector.shape_cast %mul3A_2067 : vector<16xf32> to vector<1x16xf32>
      tpu.vector_store %arg8[%swap3A_2115, %swap3A_2116], %swap3A_2119 {strides = array<i32>} : memref<512x128xf32, #tpu.memory_space<vmem>>, vector<1x16xf32>,
      %swap3A_2120 = arith.index_cast %add3A_2020 : i32 to index
      %swap3A_2121 = arith.constant 80 : index
      %swap3A_2122 = tpu.vector_load %arg8[%swap3A_2120, %swap3A_2121] {strides = array<i32>} : memref<512x128xf32, #tpu.memory_space<vmem>>, vector<1x16xf32>,
      %swap3A_2123 = vector.shape_cast %swap3A_2122 : vector<1x16xf32> to vector<16xf32>
      %swap3A_2124 = vector.shape_cast %mul3A_2076 : vector<16xf32> to vector<1x16xf32>
      tpu.vector_store %arg8[%swap3A_2120, %swap3A_2121], %swap3A_2124 {strides = array<i32>} : memref<512x128xf32, #tpu.memory_space<vmem>>, vector<1x16xf32>,
      %swap3A_2125 = arith.index_cast %add3A_2020 : i32 to index
      %swap3A_2126 = arith.constant 96 : index
      %swap3A_2127 = tpu.vector_load %arg8[%swap3A_2125, %swap3A_2126] {strides = array<i32>} : memref<512x128xf32, #tpu.memory_space<vmem>>, vector<1x16xf32>,
      %swap3A_2128 = vector.shape_cast %swap3A_2127 : vector<1x16xf32> to vector<16xf32>
      %swap3A_2129 = vector.shape_cast %mul3A_2085 : vector<16xf32> to vector<1x16xf32>
      tpu.vector_store %arg8[%swap3A_2125, %swap3A_2126], %swap3A_2129 {strides = array<i32>} : memref<512x128xf32, #tpu.memory_space<vmem>>, vector<1x16xf32>,
      %swap3A_2130 = arith.index_cast %add3A_2020 : i32 to index
      %swap3A_2131 = arith.constant 112 : index
      %swap3A_2132 = tpu.vector_load %arg8[%swap3A_2130, %swap3A_2131] {strides = array<i32>} : memref<512x128xf32, #tpu.memory_space<vmem>>, vector<1x16xf32>,
      %swap3A_2133 = vector.shape_cast %swap3A_2132 : vector<1x16xf32> to vector<16xf32>
      %swap3A_2134 = vector.shape_cast %mul3A_2094 : vector<16xf32> to vector<1x16xf32>
      tpu.vector_store %arg8[%swap3A_2130, %swap3A_2131], %swap3A_2134 {strides = array<i32>} : memref<512x128xf32, #tpu.memory_space<vmem>>, vector<1x16xf32>,
      %mul3A_2135 = arith.constant 16 : i32
      %mul3A_2136 = arith.muli %scan3A_404, %mul3A_2135 : i32
      %add3A_2137 = arith.constant 14 : i32
      %add3A_2138 = arith.addi %mul3A_2136, %add3A_2137 : i32
      %slice3A_2139 = vector.extract_strided_slice %get3A_485 {offsets = [14], sizes = [1], strides = [1]} : vector<16xi32> to vector<1xi32>
      %squeeze3A_2140 = vector.extract %slice3A_2139[0] : i32 from vector<1xi32>
      %get3A_2141 = arith.index_cast %add3A_2138 : i32 to index
      %get3A_2142 = arith.constant 0 : index
      %get3A_2143 = tpu.vector_load %arg8[%get3A_2141, %get3A_2142] {strides = array<i32>} : memref<512x128xf32, #tpu.memory_space<vmem>>, vector<1x16xf32>,
      %get3A_2144 = vector.shape_cast %get3A_2143 : vector<1x16xf32> to vector<16xf32>
      %get3A_2145 = arith.index_cast %squeeze3A_2140 : i32 to index
      %get3A_2146 = arith.constant 0 : index
      %get3A_2147 = tpu.vector_load %arg7[%get3A_2145, %get3A_2146] {strides = array<i32>} : memref<8x128xf32, #tpu.memory_space<vmem>>, vector<1x16xf32>,
      %get3A_2148 = vector.shape_cast %get3A_2147 : vector<1x16xf32> to vector<16xf32>
      %mul3A_2149 = arith.mulf %get3A_2144, %get3A_2148 : vector<16xf32>
      %get3A_2150 = arith.index_cast %add3A_2138 : i32 to index
      %get3A_2151 = arith.constant 16 : index
      %get3A_2152 = tpu.vector_load %arg8[%get3A_2150, %get3A_2151] {strides = array<i32>} : memref<512x128xf32, #tpu.memory_space<vmem>>, vector<1x16xf32>,
      %get3A_2153 = vector.shape_cast %get3A_2152 : vector<1x16xf32> to vector<16xf32>
      %get3A_2154 = arith.index_cast %squeeze3A_2140 : i32 to index
      %get3A_2155 = arith.constant 16 : index
      %get3A_2156 = tpu.vector_load %arg7[%get3A_2154, %get3A_2155] {strides = array<i32>} : memref<8x128xf32, #tpu.memory_space<vmem>>, vector<1x16xf32>,
      %get3A_2157 = vector.shape_cast %get3A_2156 : vector<1x16xf32> to vector<16xf32>
      %mul3A_2158 = arith.mulf %get3A_2153, %get3A_2157 : vector<16xf32>
      %get3A_2159 = arith.index_cast %add3A_2138 : i32 to index
      %get3A_2160 = arith.constant 32 : index
      %get3A_2161 = tpu.vector_load %arg8[%get3A_2159, %get3A_2160] {strides = array<i32>} : memref<512x128xf32, #tpu.memory_space<vmem>>, vector<1x16xf32>,
      %get3A_2162 = vector.shape_cast %get3A_2161 : vector<1x16xf32> to vector<16xf32>
      %get3A_2163 = arith.index_cast %squeeze3A_2140 : i32 to index
      %get3A_2164 = arith.constant 32 : index
      %get3A_2165 = tpu.vector_load %arg7[%get3A_2163, %get3A_2164] {strides = array<i32>} : memref<8x128xf32, #tpu.memory_space<vmem>>, vector<1x16xf32>,
      %get3A_2166 = vector.shape_cast %get3A_2165 : vector<1x16xf32> to vector<16xf32>
      %mul3A_2167 = arith.mulf %get3A_2162, %get3A_2166 : vector<16xf32>
      %get3A_2168 = arith.index_cast %add3A_2138 : i32 to index
      %get3A_2169 = arith.constant 48 : index
      %get3A_2170 = tpu.vector_load %arg8[%get3A_2168, %get3A_2169] {strides = array<i32>} : memref<512x128xf32, #tpu.memory_space<vmem>>, vector<1x16xf32>,
      %get3A_2171 = vector.shape_cast %get3A_2170 : vector<1x16xf32> to vector<16xf32>
      %get3A_2172 = arith.index_cast %squeeze3A_2140 : i32 to index
      %get3A_2173 = arith.constant 48 : index
      %get3A_2174 = tpu.vector_load %arg7[%get3A_2172, %get3A_2173] {strides = array<i32>} : memref<8x128xf32, #tpu.memory_space<vmem>>, vector<1x16xf32>,
      %get3A_2175 = vector.shape_cast %get3A_2174 : vector<1x16xf32> to vector<16xf32>
      %mul3A_2176 = arith.mulf %get3A_2171, %get3A_2175 : vector<16xf32>
      %get3A_2177 = arith.index_cast %add3A_2138 : i32 to index
      %get3A_2178 = arith.constant 64 : index
      %get3A_2179 = tpu.vector_load %arg8[%get3A_2177, %get3A_2178] {strides = array<i32>} : memref<512x128xf32, #tpu.memory_space<vmem>>, vector<1x16xf32>,
      %get3A_2180 = vector.shape_cast %get3A_2179 : vector<1x16xf32> to vector<16xf32>
      %get3A_2181 = arith.index_cast %squeeze3A_2140 : i32 to index
      %get3A_2182 = arith.constant 64 : index
      %get3A_2183 = tpu.vector_load %arg7[%get3A_2181, %get3A_2182] {strides = array<i32>} : memref<8x128xf32, #tpu.memory_space<vmem>>, vector<1x16xf32>,
      %get3A_2184 = vector.shape_cast %get3A_2183 : vector<1x16xf32> to vector<16xf32>
      %mul3A_2185 = arith.mulf %get3A_2180, %get3A_2184 : vector<16xf32>
      %get3A_2186 = arith.index_cast %add3A_2138 : i32 to index
      %get3A_2187 = arith.constant 80 : index
      %get3A_2188 = tpu.vector_load %arg8[%get3A_2186, %get3A_2187] {strides = array<i32>} : memref<512x128xf32, #tpu.memory_space<vmem>>, vector<1x16xf32>,
      %get3A_2189 = vector.shape_cast %get3A_2188 : vector<1x16xf32> to vector<16xf32>
      %get3A_2190 = arith.index_cast %squeeze3A_2140 : i32 to index
      %get3A_2191 = arith.constant 80 : index
      %get3A_2192 = tpu.vector_load %arg7[%get3A_2190, %get3A_2191] {strides = array<i32>} : memref<8x128xf32, #tpu.memory_space<vmem>>, vector<1x16xf32>,
      %get3A_2193 = vector.shape_cast %get3A_2192 : vector<1x16xf32> to vector<16xf32>
      %mul3A_2194 = arith.mulf %get3A_2189, %get3A_2193 : vector<16xf32>
      %get3A_2195 = arith.index_cast %add3A_2138 : i32 to index
      %get3A_2196 = arith.constant 96 : index
      %get3A_2197 = tpu.vector_load %arg8[%get3A_2195, %get3A_2196] {strides = array<i32>} : memref<512x128xf32, #tpu.memory_space<vmem>>, vector<1x16xf32>,
      %get3A_2198 = vector.shape_cast %get3A_2197 : vector<1x16xf32> to vector<16xf32>
      %get3A_2199 = arith.index_cast %squeeze3A_2140 : i32 to index
      %get3A_2200 = arith.constant 96 : index
      %get3A_2201 = tpu.vector_load %arg7[%get3A_2199, %get3A_2200] {strides = array<i32>} : memref<8x128xf32, #tpu.memory_space<vmem>>, vector<1x16xf32>,
      %get3A_2202 = vector.shape_cast %get3A_2201 : vector<1x16xf32> to vector<16xf32>
      %mul3A_2203 = arith.mulf %get3A_2198, %get3A_2202 : vector<16xf32>
      %get3A_2204 = arith.index_cast %add3A_2138 : i32 to index
      %get3A_2205 = arith.constant 112 : index
      %get3A_2206 = tpu.vector_load %arg8[%get3A_2204, %get3A_2205] {strides = array<i32>} : memref<512x128xf32, #tpu.memory_space<vmem>>, vector<1x16xf32>,
      %get3A_2207 = vector.shape_cast %get3A_2206 : vector<1x16xf32> to vector<16xf32>
      %get3A_2208 = arith.index_cast %squeeze3A_2140 : i32 to index
      %get3A_2209 = arith.constant 112 : index
      %get3A_2210 = tpu.vector_load %arg7[%get3A_2208, %get3A_2209] {strides = array<i32>} : memref<8x128xf32, #tpu.memory_space<vmem>>, vector<1x16xf32>,
      %get3A_2211 = vector.shape_cast %get3A_2210 : vector<1x16xf32> to vector<16xf32>
      %mul3A_2212 = arith.mulf %get3A_2207, %get3A_2211 : vector<16xf32>
      %swap3A_2213 = arith.index_cast %add3A_2138 : i32 to index
      %swap3A_2214 = arith.constant 0 : index
      %swap3A_2215 = tpu.vector_load %arg8[%swap3A_2213, %swap3A_2214] {strides = array<i32>} : memref<512x128xf32, #tpu.memory_space<vmem>>, vector<1x16xf32>,
      %swap3A_2216 = vector.shape_cast %swap3A_2215 : vector<1x16xf32> to vector<16xf32>
      %swap3A_2217 = vector.shape_cast %mul3A_2149 : vector<16xf32> to vector<1x16xf32>
      tpu.vector_store %arg8[%swap3A_2213, %swap3A_2214], %swap3A_2217 {strides = array<i32>} : memref<512x128xf32, #tpu.memory_space<vmem>>, vector<1x16xf32>,
      %swap3A_2218 = arith.index_cast %add3A_2138 : i32 to index
      %swap3A_2219 = arith.constant 16 : index
      %swap3A_2220 = tpu.vector_load %arg8[%swap3A_2218, %swap3A_2219] {strides = array<i32>} : memref<512x128xf32, #tpu.memory_space<vmem>>, vector<1x16xf32>,
      %swap3A_2221 = vector.shape_cast %swap3A_2220 : vector<1x16xf32> to vector<16xf32>
      %swap3A_2222 = vector.shape_cast %mul3A_2158 : vector<16xf32> to vector<1x16xf32>
      tpu.vector_store %arg8[%swap3A_2218, %swap3A_2219], %swap3A_2222 {strides = array<i32>} : memref<512x128xf32, #tpu.memory_space<vmem>>, vector<1x16xf32>,
      %swap3A_2223 = arith.index_cast %add3A_2138 : i32 to index
      %swap3A_2224 = arith.constant 32 : index
      %swap3A_2225 = tpu.vector_load %arg8[%swap3A_2223, %swap3A_2224] {strides = array<i32>} : memref<512x128xf32, #tpu.memory_space<vmem>>, vector<1x16xf32>,
      %swap3A_2226 = vector.shape_cast %swap3A_2225 : vector<1x16xf32> to vector<16xf32>
      %swap3A_2227 = vector.shape_cast %mul3A_2167 : vector<16xf32> to vector<1x16xf32>
      tpu.vector_store %arg8[%swap3A_2223, %swap3A_2224], %swap3A_2227 {strides = array<i32>} : memref<512x128xf32, #tpu.memory_space<vmem>>, vector<1x16xf32>,
      %swap3A_2228 = arith.index_cast %add3A_2138 : i32 to index
      %swap3A_2229 = arith.constant 48 : index
      %swap3A_2230 = tpu.vector_load %arg8[%swap3A_2228, %swap3A_2229] {strides = array<i32>} : memref<512x128xf32, #tpu.memory_space<vmem>>, vector<1x16xf32>,
      %swap3A_2231 = vector.shape_cast %swap3A_2230 : vector<1x16xf32> to vector<16xf32>
      %swap3A_2232 = vector.shape_cast %mul3A_2176 : vector<16xf32> to vector<1x16xf32>
      tpu.vector_store %arg8[%swap3A_2228, %swap3A_2229], %swap3A_2232 {strides = array<i32>} : memref<512x128xf32, #tpu.memory_space<vmem>>, vector<1x16xf32>,
      %swap3A_2233 = arith.index_cast %add3A_2138 : i32 to index
      %swap3A_2234 = arith.constant 64 : index
      %swap3A_2235 = tpu.vector_load %arg8[%swap3A_2233, %swap3A_2234] {strides = array<i32>} : memref<512x128xf32, #tpu.memory_space<vmem>>, vector<1x16xf32>,
      %swap3A_2236 = vector.shape_cast %swap3A_2235 : vector<1x16xf32> to vector<16xf32>
      %swap3A_2237 = vector.shape_cast %mul3A_2185 : vector<16xf32> to vector<1x16xf32>
      tpu.vector_store %arg8[%swap3A_2233, %swap3A_2234], %swap3A_2237 {strides = array<i32>} : memref<512x128xf32, #tpu.memory_space<vmem>>, vector<1x16xf32>,
      %swap3A_2238 = arith.index_cast %add3A_2138 : i32 to index
      %swap3A_2239 = arith.constant 80 : index
      %swap3A_2240 = tpu.vector_load %arg8[%swap3A_2238, %swap3A_2239] {strides = array<i32>} : memref<512x128xf32, #tpu.memory_space<vmem>>, vector<1x16xf32>,
      %swap3A_2241 = vector.shape_cast %swap3A_2240 : vector<1x16xf32> to vector<16xf32>
      %swap3A_2242 = vector.shape_cast %mul3A_2194 : vector<16xf32> to vector<1x16xf32>
      tpu.vector_store %arg8[%swap3A_2238, %swap3A_2239], %swap3A_2242 {strides = array<i32>} : memref<512x128xf32, #tpu.memory_space<vmem>>, vector<1x16xf32>,
      %swap3A_2243 = arith.index_cast %add3A_2138 : i32 to index
      %swap3A_2244 = arith.constant 96 : index
      %swap3A_2245 = tpu.vector_load %arg8[%swap3A_2243, %swap3A_2244] {strides = array<i32>} : memref<512x128xf32, #tpu.memory_space<vmem>>, vector<1x16xf32>,
      %swap3A_2246 = vector.shape_cast %swap3A_2245 : vector<1x16xf32> to vector<16xf32>
      %swap3A_2247 = vector.shape_cast %mul3A_2203 : vector<16xf32> to vector<1x16xf32>
      tpu.vector_store %arg8[%swap3A_2243, %swap3A_2244], %swap3A_2247 {strides = array<i32>} : memref<512x128xf32, #tpu.memory_space<vmem>>, vector<1x16xf32>,
      %swap3A_2248 = arith.index_cast %add3A_2138 : i32 to index
      %swap3A_2249 = arith.constant 112 : index
      %swap3A_2250 = tpu.vector_load %arg8[%swap3A_2248, %swap3A_2249] {strides = array<i32>} : memref<512x128xf32, #tpu.memory_space<vmem>>, vector<1x16xf32>,
      %swap3A_2251 = vector.shape_cast %swap3A_2250 : vector<1x16xf32> to vector<16xf32>
      %swap3A_2252 = vector.shape_cast %mul3A_2212 : vector<16xf32> to vector<1x16xf32>
      tpu.vector_store %arg8[%swap3A_2248, %swap3A_2249], %swap3A_2252 {strides = array<i32>} : memref<512x128xf32, #tpu.memory_space<vmem>>, vector<1x16xf32>,
      %mul3A_2253 = arith.constant 16 : i32
      %mul3A_2254 = arith.muli %scan3A_404, %mul3A_2253 : i32
      %add3A_2255 = arith.constant 15 : i32
      %add3A_2256 = arith.addi %mul3A_2254, %add3A_2255 : i32
      %slice3A_2257 = vector.extract_strided_slice %get3A_485 {offsets = [15], sizes = [1], strides = [1]} : vector<16xi32> to vector<1xi32>
      %squeeze3A_2258 = vector.extract %slice3A_2257[0] : i32 from vector<1xi32>
      %get3A_2259 = arith.index_cast %add3A_2256 : i32 to index
      %get3A_2260 = arith.constant 0 : index
      %get3A_2261 = tpu.vector_load %arg8[%get3A_2259, %get3A_2260] {strides = array<i32>} : memref<512x128xf32, #tpu.memory_space<vmem>>, vector<1x16xf32>,
      %get3A_2262 = vector.shape_cast %get3A_2261 : vector<1x16xf32> to vector<16xf32>
      %get3A_2263 = arith.index_cast %squeeze3A_2258 : i32 to index
      %get3A_2264 = arith.constant 0 : index
      %get3A_2265 = tpu.vector_load %arg7[%get3A_2263, %get3A_2264] {strides = array<i32>} : memref<8x128xf32, #tpu.memory_space<vmem>>, vector<1x16xf32>,
      %get3A_2266 = vector.shape_cast %get3A_2265 : vector<1x16xf32> to vector<16xf32>
      %mul3A_2267 = arith.mulf %get3A_2262, %get3A_2266 : vector<16xf32>
      %get3A_2268 = arith.index_cast %add3A_2256 : i32 to index
      %get3A_2269 = arith.constant 16 : index
      %get3A_2270 = tpu.vector_load %arg8[%get3A_2268, %get3A_2269] {strides = array<i32>} : memref<512x128xf32, #tpu.memory_space<vmem>>, vector<1x16xf32>,
      %get3A_2271 = vector.shape_cast %get3A_2270 : vector<1x16xf32> to vector<16xf32>
      %get3A_2272 = arith.index_cast %squeeze3A_2258 : i32 to index
      %get3A_2273 = arith.constant 16 : index
      %get3A_2274 = tpu.vector_load %arg7[%get3A_2272, %get3A_2273] {strides = array<i32>} : memref<8x128xf32, #tpu.memory_space<vmem>>, vector<1x16xf32>,
      %get3A_2275 = vector.shape_cast %get3A_2274 : vector<1x16xf32> to vector<16xf32>
      %mul3A_2276 = arith.mulf %get3A_2271, %get3A_2275 : vector<16xf32>
      %get3A_2277 = arith.index_cast %add3A_2256 : i32 to index
      %get3A_2278 = arith.constant 32 : index
      %get3A_2279 = tpu.vector_load %arg8[%get3A_2277, %get3A_2278] {strides = array<i32>} : memref<512x128xf32, #tpu.memory_space<vmem>>, vector<1x16xf32>,
      %get3A_2280 = vector.shape_cast %get3A_2279 : vector<1x16xf32> to vector<16xf32>
      %get3A_2281 = arith.index_cast %squeeze3A_2258 : i32 to index
      %get3A_2282 = arith.constant 32 : index
      %get3A_2283 = tpu.vector_load %arg7[%get3A_2281, %get3A_2282] {strides = array<i32>} : memref<8x128xf32, #tpu.memory_space<vmem>>, vector<1x16xf32>,
      %get3A_2284 = vector.shape_cast %get3A_2283 : vector<1x16xf32> to vector<16xf32>
      %mul3A_2285 = arith.mulf %get3A_2280, %get3A_2284 : vector<16xf32>
      %get3A_2286 = arith.index_cast %add3A_2256 : i32 to index
      %get3A_2287 = arith.constant 48 : index
      %get3A_2288 = tpu.vector_load %arg8[%get3A_2286, %get3A_2287] {strides = array<i32>} : memref<512x128xf32, #tpu.memory_space<vmem>>, vector<1x16xf32>,
      %get3A_2289 = vector.shape_cast %get3A_2288 : vector<1x16xf32> to vector<16xf32>
      %get3A_2290 = arith.index_cast %squeeze3A_2258 : i32 to index
      %get3A_2291 = arith.constant 48 : index
      %get3A_2292 = tpu.vector_load %arg7[%get3A_2290, %get3A_2291] {strides = array<i32>} : memref<8x128xf32, #tpu.memory_space<vmem>>, vector<1x16xf32>,
      %get3A_2293 = vector.shape_cast %get3A_2292 : vector<1x16xf32> to vector<16xf32>
      %mul3A_2294 = arith.mulf %get3A_2289, %get3A_2293 : vector<16xf32>
      %get3A_2295 = arith.index_cast %add3A_2256 : i32 to index
      %get3A_2296 = arith.constant 64 : index
      %get3A_2297 = tpu.vector_load %arg8[%get3A_2295, %get3A_2296] {strides = array<i32>} : memref<512x128xf32, #tpu.memory_space<vmem>>, vector<1x16xf32>,
      %get3A_2298 = vector.shape_cast %get3A_2297 : vector<1x16xf32> to vector<16xf32>
      %get3A_2299 = arith.index_cast %squeeze3A_2258 : i32 to index
      %get3A_2300 = arith.constant 64 : index
      %get3A_2301 = tpu.vector_load %arg7[%get3A_2299, %get3A_2300] {strides = array<i32>} : memref<8x128xf32, #tpu.memory_space<vmem>>, vector<1x16xf32>,
      %get3A_2302 = vector.shape_cast %get3A_2301 : vector<1x16xf32> to vector<16xf32>
      %mul3A_2303 = arith.mulf %get3A_2298, %get3A_2302 : vector<16xf32>
      %get3A_2304 = arith.index_cast %add3A_2256 : i32 to index
      %get3A_2305 = arith.constant 80 : index
      %get3A_2306 = tpu.vector_load %arg8[%get3A_2304, %get3A_2305] {strides = array<i32>} : memref<512x128xf32, #tpu.memory_space<vmem>>, vector<1x16xf32>,
      %get3A_2307 = vector.shape_cast %get3A_2306 : vector<1x16xf32> to vector<16xf32>
      %get3A_2308 = arith.index_cast %squeeze3A_2258 : i32 to index
      %get3A_2309 = arith.constant 80 : index
      %get3A_2310 = tpu.vector_load %arg7[%get3A_2308, %get3A_2309] {strides = array<i32>} : memref<8x128xf32, #tpu.memory_space<vmem>>, vector<1x16xf32>,
      %get3A_2311 = vector.shape_cast %get3A_2310 : vector<1x16xf32> to vector<16xf32>
      %mul3A_2312 = arith.mulf %get3A_2307, %get3A_2311 : vector<16xf32>
      %get3A_2313 = arith.index_cast %add3A_2256 : i32 to index
      %get3A_2314 = arith.constant 96 : index
      %get3A_2315 = tpu.vector_load %arg8[%get3A_2313, %get3A_2314] {strides = array<i32>} : memref<512x128xf32, #tpu.memory_space<vmem>>, vector<1x16xf32>,
      %get3A_2316 = vector.shape_cast %get3A_2315 : vector<1x16xf32> to vector<16xf32>
      %get3A_2317 = arith.index_cast %squeeze3A_2258 : i32 to index
      %get3A_2318 = arith.constant 96 : index
      %get3A_2319 = tpu.vector_load %arg7[%get3A_2317, %get3A_2318] {strides = array<i32>} : memref<8x128xf32, #tpu.memory_space<vmem>>, vector<1x16xf32>,
      %get3A_2320 = vector.shape_cast %get3A_2319 : vector<1x16xf32> to vector<16xf32>
      %mul3A_2321 = arith.mulf %get3A_2316, %get3A_2320 : vector<16xf32>
      %get3A_2322 = arith.index_cast %add3A_2256 : i32 to index
      %get3A_2323 = arith.constant 112 : index
      %get3A_2324 = tpu.vector_load %arg8[%get3A_2322, %get3A_2323] {strides = array<i32>} : memref<512x128xf32, #tpu.memory_space<vmem>>, vector<1x16xf32>,
      %get3A_2325 = vector.shape_cast %get3A_2324 : vector<1x16xf32> to vector<16xf32>
      %get3A_2326 = arith.index_cast %squeeze3A_2258 : i32 to index
      %get3A_2327 = arith.constant 112 : index
      %get3A_2328 = tpu.vector_load %arg7[%get3A_2326, %get3A_2327] {strides = array<i32>} : memref<8x128xf32, #tpu.memory_space<vmem>>, vector<1x16xf32>,
      %get3A_2329 = vector.shape_cast %get3A_2328 : vector<1x16xf32> to vector<16xf32>
      %mul3A_2330 = arith.mulf %get3A_2325, %get3A_2329 : vector<16xf32>
      %swap3A_2331 = arith.index_cast %add3A_2256 : i32 to index
      %swap3A_2332 = arith.constant 0 : index
      %swap3A_2333 = tpu.vector_load %arg8[%swap3A_2331, %swap3A_2332] {strides = array<i32>} : memref<512x128xf32, #tpu.memory_space<vmem>>, vector<1x16xf32>,
      %swap3A_2334 = vector.shape_cast %swap3A_2333 : vector<1x16xf32> to vector<16xf32>
      %swap3A_2335 = vector.shape_cast %mul3A_2267 : vector<16xf32> to vector<1x16xf32>
      tpu.vector_store %arg8[%swap3A_2331, %swap3A_2332], %swap3A_2335 {strides = array<i32>} : memref<512x128xf32, #tpu.memory_space<vmem>>, vector<1x16xf32>,
      %swap3A_2336 = arith.index_cast %add3A_2256 : i32 to index
      %swap3A_2337 = arith.constant 16 : index
      %swap3A_2338 = tpu.vector_load %arg8[%swap3A_2336, %swap3A_2337] {strides = array<i32>} : memref<512x128xf32, #tpu.memory_space<vmem>>, vector<1x16xf32>,
      %swap3A_2339 = vector.shape_cast %swap3A_2338 : vector<1x16xf32> to vector<16xf32>
      %swap3A_2340 = vector.shape_cast %mul3A_2276 : vector<16xf32> to vector<1x16xf32>
      tpu.vector_store %arg8[%swap3A_2336, %swap3A_2337], %swap3A_2340 {strides = array<i32>} : memref<512x128xf32, #tpu.memory_space<vmem>>, vector<1x16xf32>,
      %swap3A_2341 = arith.index_cast %add3A_2256 : i32 to index
      %swap3A_2342 = arith.constant 32 : index
      %swap3A_2343 = tpu.vector_load %arg8[%swap3A_2341, %swap3A_2342] {strides = array<i32>} : memref<512x128xf32, #tpu.memory_space<vmem>>, vector<1x16xf32>,
      %swap3A_2344 = vector.shape_cast %swap3A_2343 : vector<1x16xf32> to vector<16xf32>
      %swap3A_2345 = vector.shape_cast %mul3A_2285 : vector<16xf32> to vector<1x16xf32>
      tpu.vector_store %arg8[%swap3A_2341, %swap3A_2342], %swap3A_2345 {strides = array<i32>} : memref<512x128xf32, #tpu.memory_space<vmem>>, vector<1x16xf32>,
      %swap3A_2346 = arith.index_cast %add3A_2256 : i32 to index
      %swap3A_2347 = arith.constant 48 : index
      %swap3A_2348 = tpu.vector_load %arg8[%swap3A_2346, %swap3A_2347] {strides = array<i32>} : memref<512x128xf32, #tpu.memory_space<vmem>>, vector<1x16xf32>,
      %swap3A_2349 = vector.shape_cast %swap3A_2348 : vector<1x16xf32> to vector<16xf32>
      %swap3A_2350 = vector.shape_cast %mul3A_2294 : vector<16xf32> to vector<1x16xf32>
      tpu.vector_store %arg8[%swap3A_2346, %swap3A_2347], %swap3A_2350 {strides = array<i32>} : memref<512x128xf32, #tpu.memory_space<vmem>>, vector<1x16xf32>,
      %swap3A_2351 = arith.index_cast %add3A_2256 : i32 to index
      %swap3A_2352 = arith.constant 64 : index
      %swap3A_2353 = tpu.vector_load %arg8[%swap3A_2351, %swap3A_2352] {strides = array<i32>} : memref<512x128xf32, #tpu.memory_space<vmem>>, vector<1x16xf32>,
      %swap3A_2354 = vector.shape_cast %swap3A_2353 : vector<1x16xf32> to vector<16xf32>
      %swap3A_2355 = vector.shape_cast %mul3A_2303 : vector<16xf32> to vector<1x16xf32>
      tpu.vector_store %arg8[%swap3A_2351, %swap3A_2352], %swap3A_2355 {strides = array<i32>} : memref<512x128xf32, #tpu.memory_space<vmem>>, vector<1x16xf32>,
      %swap3A_2356 = arith.index_cast %add3A_2256 : i32 to index
      %swap3A_2357 = arith.constant 80 : index
      %swap3A_2358 = tpu.vector_load %arg8[%swap3A_2356, %swap3A_2357] {strides = array<i32>} : memref<512x128xf32, #tpu.memory_space<vmem>>, vector<1x16xf32>,
      %swap3A_2359 = vector.shape_cast %swap3A_2358 : vector<1x16xf32> to vector<16xf32>
      %swap3A_2360 = vector.shape_cast %mul3A_2312 : vector<16xf32> to vector<1x16xf32>
      tpu.vector_store %arg8[%swap3A_2356, %swap3A_2357], %swap3A_2360 {strides = array<i32>} : memref<512x128xf32, #tpu.memory_space<vmem>>, vector<1x16xf32>,
      %swap3A_2361 = arith.index_cast %add3A_2256 : i32 to index
      %swap3A_2362 = arith.constant 96 : index
      %swap3A_2363 = tpu.vector_load %arg8[%swap3A_2361, %swap3A_2362] {strides = array<i32>} : memref<512x128xf32, #tpu.memory_space<vmem>>, vector<1x16xf32>,
      %swap3A_2364 = vector.shape_cast %swap3A_2363 : vector<1x16xf32> to vector<16xf32>
      %swap3A_2365 = vector.shape_cast %mul3A_2321 : vector<16xf32> to vector<1x16xf32>
      tpu.vector_store %arg8[%swap3A_2361, %swap3A_2362], %swap3A_2365 {strides = array<i32>} : memref<512x128xf32, #tpu.memory_space<vmem>>, vector<1x16xf32>,
      %swap3A_2366 = arith.index_cast %add3A_2256 : i32 to index
      %swap3A_2367 = arith.constant 112 : index
      %swap3A_2368 = tpu.vector_load %arg8[%swap3A_2366, %swap3A_2367] {strides = array<i32>} : memref<512x128xf32, #tpu.memory_space<vmem>>, vector<1x16xf32>,
      %swap3A_2369 = vector.shape_cast %swap3A_2368 : vector<1x16xf32> to vector<16xf32>
      %swap3A_2370 = vector.shape_cast %mul3A_2330 : vector<16xf32> to vector<1x16xf32>
      tpu.vector_store %arg8[%swap3A_2366, %swap3A_2367], %swap3A_2370 {strides = array<i32>} : memref<512x128xf32, #tpu.memory_space<vmem>>, vector<1x16xf32>,
    }
    %scan3A_233 = arith.constant 32 : i32
    %dma_start3A_234 = arith.constant 480 : i32
    %dma_start3A_235 = arith.constant 0 : i32
    %dma_start3A_236 = tpu.memref_slice %arg8[%dma_start3A_234, %dma_start3A_235] : memref<512x128xf32, #tpu.memory_space<vmem>> -> memref<32x128xf32, #tpu.memory_space<vmem>>
    %dma_start3A_237 = arith.constant 0 : i32
    %dma_start3A_238 = tpu.memref_slice %arg5[%add3A_228, %dma_start3A_237] : memref<16384x128xf32, #tpu.memory_space<hbm>> -> memref<32x128xf32, #tpu.memory_space<hbm>>
    %dma_start3A_239 = arith.constant 0 : i32
    %dma_start3A_240 = tpu.memref_slice %arg5[%add3A_228, %dma_start3A_239] : memref<16384x128xf32, #tpu.memory_space<hbm>> -> memref<32x128xf32, #tpu.memory_space<hbm>>
    %dma_start3A_241 = arith.constant 480 : i32
    %dma_start3A_242 = arith.constant 0 : i32
    %dma_start3A_243 = tpu.memref_slice %arg8[%dma_start3A_241, %dma_start3A_242] : memref<512x128xf32, #tpu.memory_space<vmem>> -> memref<32x128xf32, #tpu.memory_space<vmem>>
    tpu.enqueue_dma source(%dma_start3A_243 : memref<32x128xf32, #tpu.memory_space<vmem>>) target(%dma_start3A_240 : memref<32x128xf32, #tpu.memory_space<hbm>>) target_semaphore(%arg25 : memref<!tpu.dma_semaphore, #tpu.memory_space<semaphore_mem>>)
    %dma_wait3A_244 = arith.constant 0 : i32
    %dma_wait3A_245 = arith.constant 0 : i32
    %dma_wait3A_246 = tpu.memref_slice %arg8[%dma_wait3A_244, %dma_wait3A_245] : memref<512x128xf32, #tpu.memory_space<vmem>> -> memref<32x128xf32, #tpu.memory_space<vmem>>
    %dma_wait3A_247 = arith.constant 0 : i32
    %dma_wait3A_248 = tpu.memref_slice %arg5[%add3A_198, %dma_wait3A_247] : memref<16384x128xf32, #tpu.memory_space<hbm>> -> memref<32x128xf32, #tpu.memory_space<hbm>>
    %dma_wait3A_249 = arith.constant 0 : i32
    %dma_wait3A_250 = tpu.memref_slice %arg5[%add3A_198, %dma_wait3A_249] : memref<16384x128xf32, #tpu.memory_space<hbm>> -> memref<32x128xf32, #tpu.memory_space<hbm>>
    %dma_wait3A_251 = arith.constant 0 : i32
    %dma_wait3A_252 = arith.constant 0 : i32
    %dma_wait3A_253 = tpu.memref_slice %arg8[%dma_wait3A_251, %dma_wait3A_252] : memref<512x128xf32, #tpu.memory_space<vmem>> -> memref<32x128xf32, #tpu.memory_space<vmem>>
    tpu.wait_dma2 semaphore(%arg25 : memref<!tpu.dma_semaphore, #tpu.memory_space<semaphore_mem>>) src(%dma_wait3A_253 : memref<32x128xf32, #tpu.memory_space<vmem>>) dst(%dma_wait3A_250 : memref<32x128xf32, #tpu.memory_space<hbm>>)
    %dma_wait3A_254 = arith.constant 32 : i32
    %dma_wait3A_255 = arith.constant 0 : i32
    %dma_wait3A_256 = tpu.memref_slice %arg8[%dma_wait3A_254, %dma_wait3A_255] : memref<512x128xf32, #tpu.memory_space<vmem>> -> memref<32x128xf32, #tpu.memory_space<vmem>>
    %dma_wait3A_257 = arith.constant 0 : i32
    %dma_wait3A_258 = tpu.memref_slice %arg5[%add3A_200, %dma_wait3A_257] : memref<16384x128xf32, #tpu.memory_space<hbm>> -> memref<32x128xf32, #tpu.memory_space<hbm>>
    %dma_wait3A_259 = arith.constant 0 : i32
    %dma_wait3A_260 = tpu.memref_slice %arg5[%add3A_200, %dma_wait3A_259] : memref<16384x128xf32, #tpu.memory_space<hbm>> -> memref<32x128xf32, #tpu.memory_space<hbm>>
    %dma_wait3A_261 = arith.constant 32 : i32
    %dma_wait3A_262 = arith.constant 0 : i32
    %dma_wait3A_263 = tpu.memref_slice %arg8[%dma_wait3A_261, %dma_wait3A_262] : memref<512x128xf32, #tpu.memory_space<vmem>> -> memref<32x128xf32, #tpu.memory_space<vmem>>
    tpu.wait_dma2 semaphore(%arg25 : memref<!tpu.dma_semaphore, #tpu.memory_space<semaphore_mem>>) src(%dma_wait3A_263 : memref<32x128xf32, #tpu.memory_space<vmem>>) dst(%dma_wait3A_260 : memref<32x128xf32, #tpu.memory_space<hbm>>)
    %dma_wait3A_264 = arith.constant 64 : i32
    %dma_wait3A_265 = arith.constant 0 : i32
    %dma_wait3A_266 = tpu.memref_slice %arg8[%dma_wait3A_264, %dma_wait3A_265] : memref<512x128xf32, #tpu.memory_space<vmem>> -> memref<32x128xf32, #tpu.memory_space<vmem>>
    %dma_wait3A_267 = arith.constant 0 : i32
    %dma_wait3A_268 = tpu.memref_slice %arg5[%add3A_202, %dma_wait3A_267] : memref<16384x128xf32, #tpu.memory_space<hbm>> -> memref<32x128xf32, #tpu.memory_space<hbm>>
    %dma_wait3A_269 = arith.constant 0 : i32
    %dma_wait3A_270 = tpu.memref_slice %arg5[%add3A_202, %dma_wait3A_269] : memref<16384x128xf32, #tpu.memory_space<hbm>> -> memref<32x128xf32, #tpu.memory_space<hbm>>
    %dma_wait3A_271 = arith.constant 64 : i32
    %dma_wait3A_272 = arith.constant 0 : i32
    %dma_wait3A_273 = tpu.memref_slice %arg8[%dma_wait3A_271, %dma_wait3A_272] : memref<512x128xf32, #tpu.memory_space<vmem>> -> memref<32x128xf32, #tpu.memory_space<vmem>>
    tpu.wait_dma2 semaphore(%arg25 : memref<!tpu.dma_semaphore, #tpu.memory_space<semaphore_mem>>) src(%dma_wait3A_273 : memref<32x128xf32, #tpu.memory_space<vmem>>) dst(%dma_wait3A_270 : memref<32x128xf32, #tpu.memory_space<hbm>>)
    %dma_wait3A_274 = arith.constant 96 : i32
    %dma_wait3A_275 = arith.constant 0 : i32
    %dma_wait3A_276 = tpu.memref_slice %arg8[%dma_wait3A_274, %dma_wait3A_275] : memref<512x128xf32, #tpu.memory_space<vmem>> -> memref<32x128xf32, #tpu.memory_space<vmem>>
    %dma_wait3A_277 = arith.constant 0 : i32
    %dma_wait3A_278 = tpu.memref_slice %arg5[%add3A_204, %dma_wait3A_277] : memref<16384x128xf32, #tpu.memory_space<hbm>> -> memref<32x128xf32, #tpu.memory_space<hbm>>
    %dma_wait3A_279 = arith.constant 0 : i32
    %dma_wait3A_280 = tpu.memref_slice %arg5[%add3A_204, %dma_wait3A_279] : memref<16384x128xf32, #tpu.memory_space<hbm>> -> memref<32x128xf32, #tpu.memory_space<hbm>>
    %dma_wait3A_281 = arith.constant 96 : i32
    %dma_wait3A_282 = arith.constant 0 : i32
    %dma_wait3A_283 = tpu.memref_slice %arg8[%dma_wait3A_281, %dma_wait3A_282] : memref<512x128xf32, #tpu.memory_space<vmem>> -> memref<32x128xf32, #tpu.memory_space<vmem>>
    tpu.wait_dma2 semaphore(%arg25 : memref<!tpu.dma_semaphore, #tpu.memory_space<semaphore_mem>>) src(%dma_wait3A_283 : memref<32x128xf32, #tpu.memory_space<vmem>>) dst(%dma_wait3A_280 : memref<32x128xf32, #tpu.memory_space<hbm>>)
    %dma_wait3A_284 = arith.constant 128 : i32
    %dma_wait3A_285 = arith.constant 0 : i32
    %dma_wait3A_286 = tpu.memref_slice %arg8[%dma_wait3A_284, %dma_wait3A_285] : memref<512x128xf32, #tpu.memory_space<vmem>> -> memref<32x128xf32, #tpu.memory_space<vmem>>
    %dma_wait3A_287 = arith.constant 0 : i32
    %dma_wait3A_288 = tpu.memref_slice %arg5[%add3A_206, %dma_wait3A_287] : memref<16384x128xf32, #tpu.memory_space<hbm>> -> memref<32x128xf32, #tpu.memory_space<hbm>>
    %dma_wait3A_289 = arith.constant 0 : i32
    %dma_wait3A_290 = tpu.memref_slice %arg5[%add3A_206, %dma_wait3A_289] : memref<16384x128xf32, #tpu.memory_space<hbm>> -> memref<32x128xf32, #tpu.memory_space<hbm>>
    %dma_wait3A_291 = arith.constant 128 : i32
    %dma_wait3A_292 = arith.constant 0 : i32
    %dma_wait3A_293 = tpu.memref_slice %arg8[%dma_wait3A_291, %dma_wait3A_292] : memref<512x128xf32, #tpu.memory_space<vmem>> -> memref<32x128xf32, #tpu.memory_space<vmem>>
    tpu.wait_dma2 semaphore(%arg25 : memref<!tpu.dma_semaphore, #tpu.memory_space<semaphore_mem>>) src(%dma_wait3A_293 : memref<32x128xf32, #tpu.memory_space<vmem>>) dst(%dma_wait3A_290 : memref<32x128xf32, #tpu.memory_space<hbm>>)
    %dma_wait3A_294 = arith.constant 160 : i32
    %dma_wait3A_295 = arith.constant 0 : i32
    %dma_wait3A_296 = tpu.memref_slice %arg8[%dma_wait3A_294, %dma_wait3A_295] : memref<512x128xf32, #tpu.memory_space<vmem>> -> memref<32x128xf32, #tpu.memory_space<vmem>>
    %dma_wait3A_297 = arith.constant 0 : i32
    %dma_wait3A_298 = tpu.memref_slice %arg5[%add3A_208, %dma_wait3A_297] : memref<16384x128xf32, #tpu.memory_space<hbm>> -> memref<32x128xf32, #tpu.memory_space<hbm>>
    %dma_wait3A_299 = arith.constant 0 : i32
    %dma_wait3A_300 = tpu.memref_slice %arg5[%add3A_208, %dma_wait3A_299] : memref<16384x128xf32, #tpu.memory_space<hbm>> -> memref<32x128xf32, #tpu.memory_space<hbm>>
    %dma_wait3A_301 = arith.constant 160 : i32
    %dma_wait3A_302 = arith.constant 0 : i32
    %dma_wait3A_303 = tpu.memref_slice %arg8[%dma_wait3A_301, %dma_wait3A_302] : memref<512x128xf32, #tpu.memory_space<vmem>> -> memref<32x128xf32, #tpu.memory_space<vmem>>
    tpu.wait_dma2 semaphore(%arg25 : memref<!tpu.dma_semaphore, #tpu.memory_space<semaphore_mem>>) src(%dma_wait3A_303 : memref<32x128xf32, #tpu.memory_space<vmem>>) dst(%dma_wait3A_300 : memref<32x128xf32, #tpu.memory_space<hbm>>)
    %dma_wait3A_304 = arith.constant 192 : i32
    %dma_wait3A_305 = arith.constant 0 : i32
    %dma_wait3A_306 = tpu.memref_slice %arg8[%dma_wait3A_304, %dma_wait3A_305] : memref<512x128xf32, #tpu.memory_space<vmem>> -> memref<32x128xf32, #tpu.memory_space<vmem>>
    %dma_wait3A_307 = arith.constant 0 : i32
    %dma_wait3A_308 = tpu.memref_slice %arg5[%add3A_210, %dma_wait3A_307] : memref<16384x128xf32, #tpu.memory_space<hbm>> -> memref<32x128xf32, #tpu.memory_space<hbm>>
    %dma_wait3A_309 = arith.constant 0 : i32
    %dma_wait3A_310 = tpu.memref_slice %arg5[%add3A_210, %dma_wait3A_309] : memref<16384x128xf32, #tpu.memory_space<hbm>> -> memref<32x128xf32, #tpu.memory_space<hbm>>
    %dma_wait3A_311 = arith.constant 192 : i32
    %dma_wait3A_312 = arith.constant 0 : i32
    %dma_wait3A_313 = tpu.memref_slice %arg8[%dma_wait3A_311, %dma_wait3A_312] : memref<512x128xf32, #tpu.memory_space<vmem>> -> memref<32x128xf32, #tpu.memory_space<vmem>>
    tpu.wait_dma2 semaphore(%arg25 : memref<!tpu.dma_semaphore, #tpu.memory_space<semaphore_mem>>) src(%dma_wait3A_313 : memref<32x128xf32, #tpu.memory_space<vmem>>) dst(%dma_wait3A_310 : memref<32x128xf32, #tpu.memory_space<hbm>>)
    %dma_wait3A_314 = arith.constant 224 : i32
    %dma_wait3A_315 = arith.constant 0 : i32
    %dma_wait3A_316 = tpu.memref_slice %arg8[%dma_wait3A_314, %dma_wait3A_315] : memref<512x128xf32, #tpu.memory_space<vmem>> -> memref<32x128xf32, #tpu.memory_space<vmem>>
    %dma_wait3A_317 = arith.constant 0 : i32
    %dma_wait3A_318 = tpu.memref_slice %arg5[%add3A_212, %dma_wait3A_317] : memref<16384x128xf32, #tpu.memory_space<hbm>> -> memref<32x128xf32, #tpu.memory_space<hbm>>
    %dma_wait3A_319 = arith.constant 0 : i32
    %dma_wait3A_320 = tpu.memref_slice %arg5[%add3A_212, %dma_wait3A_319] : memref<16384x128xf32, #tpu.memory_space<hbm>> -> memref<32x128xf32, #tpu.memory_space<hbm>>
    %dma_wait3A_321 = arith.constant 224 : i32
    %dma_wait3A_322 = arith.constant 0 : i32
    %dma_wait3A_323 = tpu.memref_slice %arg8[%dma_wait3A_321, %dma_wait3A_322] : memref<512x128xf32, #tpu.memory_space<vmem>> -> memref<32x128xf32, #tpu.memory_space<vmem>>
    tpu.wait_dma2 semaphore(%arg25 : memref<!tpu.dma_semaphore, #tpu.memory_space<semaphore_mem>>) src(%dma_wait3A_323 : memref<32x128xf32, #tpu.memory_space<vmem>>) dst(%dma_wait3A_320 : memref<32x128xf32, #tpu.memory_space<hbm>>)
    %dma_wait3A_324 = arith.constant 256 : i32
    %dma_wait3A_325 = arith.constant 0 : i32
    %dma_wait3A_326 = tpu.memref_slice %arg8[%dma_wait3A_324, %dma_wait3A_325] : memref<512x128xf32, #tpu.memory_space<vmem>> -> memref<32x128xf32, #tpu.memory_space<vmem>>
    %dma_wait3A_327 = arith.constant 0 : i32
    %dma_wait3A_328 = tpu.memref_slice %arg5[%add3A_214, %dma_wait3A_327] : memref<16384x128xf32, #tpu.memory_space<hbm>> -> memref<32x128xf32, #tpu.memory_space<hbm>>
    %dma_wait3A_329 = arith.constant 0 : i32
    %dma_wait3A_330 = tpu.memref_slice %arg5[%add3A_214, %dma_wait3A_329] : memref<16384x128xf32, #tpu.memory_space<hbm>> -> memref<32x128xf32, #tpu.memory_space<hbm>>
    %dma_wait3A_331 = arith.constant 256 : i32
    %dma_wait3A_332 = arith.constant 0 : i32
    %dma_wait3A_333 = tpu.memref_slice %arg8[%dma_wait3A_331, %dma_wait3A_332] : memref<512x128xf32, #tpu.memory_space<vmem>> -> memref<32x128xf32, #tpu.memory_space<vmem>>
    tpu.wait_dma2 semaphore(%arg25 : memref<!tpu.dma_semaphore, #tpu.memory_space<semaphore_mem>>) src(%dma_wait3A_333 : memref<32x128xf32, #tpu.memory_space<vmem>>) dst(%dma_wait3A_330 : memref<32x128xf32, #tpu.memory_space<hbm>>)
    %dma_wait3A_334 = arith.constant 288 : i32
    %dma_wait3A_335 = arith.constant 0 : i32
    %dma_wait3A_336 = tpu.memref_slice %arg8[%dma_wait3A_334, %dma_wait3A_335] : memref<512x128xf32, #tpu.memory_space<vmem>> -> memref<32x128xf32, #tpu.memory_space<vmem>>
    %dma_wait3A_337 = arith.constant 0 : i32
    %dma_wait3A_338 = tpu.memref_slice %arg5[%add3A_216, %dma_wait3A_337] : memref<16384x128xf32, #tpu.memory_space<hbm>> -> memref<32x128xf32, #tpu.memory_space<hbm>>
    %dma_wait3A_339 = arith.constant 0 : i32
    %dma_wait3A_340 = tpu.memref_slice %arg5[%add3A_216, %dma_wait3A_339] : memref<16384x128xf32, #tpu.memory_space<hbm>> -> memref<32x128xf32, #tpu.memory_space<hbm>>
    %dma_wait3A_341 = arith.constant 288 : i32
    %dma_wait3A_342 = arith.constant 0 : i32
    %dma_wait3A_343 = tpu.memref_slice %arg8[%dma_wait3A_341, %dma_wait3A_342] : memref<512x128xf32, #tpu.memory_space<vmem>> -> memref<32x128xf32, #tpu.memory_space<vmem>>
    tpu.wait_dma2 semaphore(%arg25 : memref<!tpu.dma_semaphore, #tpu.memory_space<semaphore_mem>>) src(%dma_wait3A_343 : memref<32x128xf32, #tpu.memory_space<vmem>>) dst(%dma_wait3A_340 : memref<32x128xf32, #tpu.memory_space<hbm>>)
    %dma_wait3A_344 = arith.constant 320 : i32
    %dma_wait3A_345 = arith.constant 0 : i32
    %dma_wait3A_346 = tpu.memref_slice %arg8[%dma_wait3A_344, %dma_wait3A_345] : memref<512x128xf32, #tpu.memory_space<vmem>> -> memref<32x128xf32, #tpu.memory_space<vmem>>
    %dma_wait3A_347 = arith.constant 0 : i32
    %dma_wait3A_348 = tpu.memref_slice %arg5[%add3A_218, %dma_wait3A_347] : memref<16384x128xf32, #tpu.memory_space<hbm>> -> memref<32x128xf32, #tpu.memory_space<hbm>>
    %dma_wait3A_349 = arith.constant 0 : i32
    %dma_wait3A_350 = tpu.memref_slice %arg5[%add3A_218, %dma_wait3A_349] : memref<16384x128xf32, #tpu.memory_space<hbm>> -> memref<32x128xf32, #tpu.memory_space<hbm>>
    %dma_wait3A_351 = arith.constant 320 : i32
    %dma_wait3A_352 = arith.constant 0 : i32
    %dma_wait3A_353 = tpu.memref_slice %arg8[%dma_wait3A_351, %dma_wait3A_352] : memref<512x128xf32, #tpu.memory_space<vmem>> -> memref<32x128xf32, #tpu.memory_space<vmem>>
    tpu.wait_dma2 semaphore(%arg25 : memref<!tpu.dma_semaphore, #tpu.memory_space<semaphore_mem>>) src(%dma_wait3A_353 : memref<32x128xf32, #tpu.memory_space<vmem>>) dst(%dma_wait3A_350 : memref<32x128xf32, #tpu.memory_space<hbm>>)
    %dma_wait3A_354 = arith.constant 352 : i32
    %dma_wait3A_355 = arith.constant 0 : i32
    %dma_wait3A_356 = tpu.memref_slice %arg8[%dma_wait3A_354, %dma_wait3A_355] : memref<512x128xf32, #tpu.memory_space<vmem>> -> memref<32x128xf32, #tpu.memory_space<vmem>>
    %dma_wait3A_357 = arith.constant 0 : i32
    %dma_wait3A_358 = tpu.memref_slice %arg5[%add3A_220, %dma_wait3A_357] : memref<16384x128xf32, #tpu.memory_space<hbm>> -> memref<32x128xf32, #tpu.memory_space<hbm>>
    %dma_wait3A_359 = arith.constant 0 : i32
    %dma_wait3A_360 = tpu.memref_slice %arg5[%add3A_220, %dma_wait3A_359] : memref<16384x128xf32, #tpu.memory_space<hbm>> -> memref<32x128xf32, #tpu.memory_space<hbm>>
    %dma_wait3A_361 = arith.constant 352 : i32
    %dma_wait3A_362 = arith.constant 0 : i32
    %dma_wait3A_363 = tpu.memref_slice %arg8[%dma_wait3A_361, %dma_wait3A_362] : memref<512x128xf32, #tpu.memory_space<vmem>> -> memref<32x128xf32, #tpu.memory_space<vmem>>
    tpu.wait_dma2 semaphore(%arg25 : memref<!tpu.dma_semaphore, #tpu.memory_space<semaphore_mem>>) src(%dma_wait3A_363 : memref<32x128xf32, #tpu.memory_space<vmem>>) dst(%dma_wait3A_360 : memref<32x128xf32, #tpu.memory_space<hbm>>)
    %dma_wait3A_364 = arith.constant 384 : i32
    %dma_wait3A_365 = arith.constant 0 : i32
    %dma_wait3A_366 = tpu.memref_slice %arg8[%dma_wait3A_364, %dma_wait3A_365] : memref<512x128xf32, #tpu.memory_space<vmem>> -> memref<32x128xf32, #tpu.memory_space<vmem>>
    %dma_wait3A_367 = arith.constant 0 : i32
    %dma_wait3A_368 = tpu.memref_slice %arg5[%add3A_222, %dma_wait3A_367] : memref<16384x128xf32, #tpu.memory_space<hbm>> -> memref<32x128xf32, #tpu.memory_space<hbm>>
    %dma_wait3A_369 = arith.constant 0 : i32
    %dma_wait3A_370 = tpu.memref_slice %arg5[%add3A_222, %dma_wait3A_369] : memref<16384x128xf32, #tpu.memory_space<hbm>> -> memref<32x128xf32, #tpu.memory_space<hbm>>
    %dma_wait3A_371 = arith.constant 384 : i32
    %dma_wait3A_372 = arith.constant 0 : i32
    %dma_wait3A_373 = tpu.memref_slice %arg8[%dma_wait3A_371, %dma_wait3A_372] : memref<512x128xf32, #tpu.memory_space<vmem>> -> memref<32x128xf32, #tpu.memory_space<vmem>>
    tpu.wait_dma2 semaphore(%arg25 : memref<!tpu.dma_semaphore, #tpu.memory_space<semaphore_mem>>) src(%dma_wait3A_373 : memref<32x128xf32, #tpu.memory_space<vmem>>) dst(%dma_wait3A_370 : memref<32x128xf32, #tpu.memory_space<hbm>>)
    %dma_wait3A_374 = arith.constant 416 : i32
    %dma_wait3A_375 = arith.constant 0 : i32
    %dma_wait3A_376 = tpu.memref_slice %arg8[%dma_wait3A_374, %dma_wait3A_375] : memref<512x128xf32, #tpu.memory_space<vmem>> -> memref<32x128xf32, #tpu.memory_space<vmem>>
    %dma_wait3A_377 = arith.constant 0 : i32
    %dma_wait3A_378 = tpu.memref_slice %arg5[%add3A_224, %dma_wait3A_377] : memref<16384x128xf32, #tpu.memory_space<hbm>> -> memref<32x128xf32, #tpu.memory_space<hbm>>
    %dma_wait3A_379 = arith.constant 0 : i32
    %dma_wait3A_380 = tpu.memref_slice %arg5[%add3A_224, %dma_wait3A_379] : memref<16384x128xf32, #tpu.memory_space<hbm>> -> memref<32x128xf32, #tpu.memory_space<hbm>>
    %dma_wait3A_381 = arith.constant 416 : i32
    %dma_wait3A_382 = arith.constant 0 : i32
    %dma_wait3A_383 = tpu.memref_slice %arg8[%dma_wait3A_381, %dma_wait3A_382] : memref<512x128xf32, #tpu.memory_space<vmem>> -> memref<32x128xf32, #tpu.memory_space<vmem>>
    tpu.wait_dma2 semaphore(%arg25 : memref<!tpu.dma_semaphore, #tpu.memory_space<semaphore_mem>>) src(%dma_wait3A_383 : memref<32x128xf32, #tpu.memory_space<vmem>>) dst(%dma_wait3A_380 : memref<32x128xf32, #tpu.memory_space<hbm>>)
    %dma_wait3A_384 = arith.constant 448 : i32
    %dma_wait3A_385 = arith.constant 0 : i32
    %dma_wait3A_386 = tpu.memref_slice %arg8[%dma_wait3A_384, %dma_wait3A_385] : memref<512x128xf32, #tpu.memory_space<vmem>> -> memref<32x128xf32, #tpu.memory_space<vmem>>
    %dma_wait3A_387 = arith.constant 0 : i32
    %dma_wait3A_388 = tpu.memref_slice %arg5[%add3A_226, %dma_wait3A_387] : memref<16384x128xf32, #tpu.memory_space<hbm>> -> memref<32x128xf32, #tpu.memory_space<hbm>>
    %dma_wait3A_389 = arith.constant 0 : i32
    %dma_wait3A_390 = tpu.memref_slice %arg5[%add3A_226, %dma_wait3A_389] : memref<16384x128xf32, #tpu.memory_space<hbm>> -> memref<32x128xf32, #tpu.memory_space<hbm>>
    %dma_wait3A_391 = arith.constant 448 : i32
    %dma_wait3A_392 = arith.constant 0 : i32
    %dma_wait3A_393 = tpu.memref_slice %arg8[%dma_wait3A_391, %dma_wait3A_392] : memref<512x128xf32, #tpu.memory_space<vmem>> -> memref<32x128xf32, #tpu.memory_space<vmem>>
    tpu.wait_dma2 semaphore(%arg25 : memref<!tpu.dma_semaphore, #tpu.memory_space<semaphore_mem>>) src(%dma_wait3A_393 : memref<32x128xf32, #tpu.memory_space<vmem>>) dst(%dma_wait3A_390 : memref<32x128xf32, #tpu.memory_space<hbm>>)
    %dma_wait3A_394 = arith.constant 480 : i32
    %dma_wait3A_395 = arith.constant 0 : i32
    %dma_wait3A_396 = tpu.memref_slice %arg8[%dma_wait3A_394, %dma_wait3A_395] : memref<512x128xf32, #tpu.memory_space<vmem>> -> memref<32x128xf32, #tpu.memory_space<vmem>>
    %dma_wait3A_397 = arith.constant 0 : i32
    %dma_wait3A_398 = tpu.memref_slice %arg5[%add3A_228, %dma_wait3A_397] : memref<16384x128xf32, #tpu.memory_space<hbm>> -> memref<32x128xf32, #tpu.memory_space<hbm>>
    %dma_wait3A_399 = arith.constant 0 : i32
    %dma_wait3A_400 = tpu.memref_slice %arg5[%add3A_228, %dma_wait3A_399] : memref<16384x128xf32, #tpu.memory_space<hbm>> -> memref<32x128xf32, #tpu.memory_space<hbm>>
    %dma_wait3A_401 = arith.constant 480 : i32
    %dma_wait3A_402 = arith.constant 0 : i32
    %dma_wait3A_403 = tpu.memref_slice %arg8[%dma_wait3A_401, %dma_wait3A_402] : memref<512x128xf32, #tpu.memory_space<vmem>> -> memref<32x128xf32, #tpu.memory_space<vmem>>
    tpu.wait_dma2 semaphore(%arg25 : memref<!tpu.dma_semaphore, #tpu.memory_space<semaphore_mem>>) src(%dma_wait3A_403 : memref<32x128xf32, #tpu.memory_space<vmem>>) dst(%dma_wait3A_400 : memref<32x128xf32, #tpu.memory_space<hbm>>)
    return
  }
}

</mosaic_0001>

<sc_bundles>
// kernel: kernel.3.cloned.1.call-start
scs
__scs_entry_jumppad:
0x0: {  	(pc) =	sbr.rel $0x88, $3  }
0x1: {  	(tag) =	ssettag $0x0;
	lr =	simm.s32 $0x1  }
0x2: {  	[smem:$0x3F9E] =	sst lr;
	_ =	strace $0xD0000000  }
0x3: {  	_ = 	snop  }
0x4: {  	_ = 	snop  }
0x5: {  	_ = 	snop  }
0x6: {  	_ = 	snop  }
0x7: {  	_ = 	snop  }
__scs_overlays_trampoline_lowered:
0x8: {  	[smem:$0x3FAD] =	sst s0  }
0x9: {  	[smem:$0x3FAE] =	sst s1  }
0xa: {  	[smem:$0x3FAF] =	sst s2  }
0xb: {  	[smem:$0x3FB0] =	sst s3  }
0xc: {  	[smem:$0x3FB1] =	sst s4  }
0xd: {  	[smem:$0x3FB2] =	sst s5  }
0xe: {  	[smem:$0x3FB3] =	sst s6  }
0xf: {  	[smem:$0x3FB4] =	sst s7  }
0x10: {  	[smem:$0x3FB5] =	sst s8  }
0x11: {  	[smem:$0x3FB6] =	sst s9;
	s0 =	simm.s32 @!p0 $0x0  }
0x12: {  	s1 =	sld [smem:$0x3F9C];
	s0 =	simm.s32 @p0 $0x1  }
0x13: {  	[smem:$0x3FB7] =	sst s0;
	s0 =	simm.s32 @!p1 $0x0  }
0x14: {  	s2 =	sld [smem:$0x3F9B];
	s0 =	simm.s32 @p1 $0x1  }
0x15: {  	[smem:$0x3FB8] =	sst s0;
	s0 =	simm.s32 @!p2 $0x0  }
0x16: {  	s3 =	sld [smem:$0x3FDB];
	s0 =	simm.s32 @p2 $0x1  }
0x17: {  	s4 =	simm.s32 $0x1BF5;
	[smem:$0x3FBA] =	sst s0  }
0x18: {  	s0 =	sld [smem:$0x3F9D];
	_ =	swait.ge [sflag:s4], $0x0  }
0x19: {  	s7 =	sld [smem:$0x3F9E]  }
0x1a: {  	s8 =	sadd.s32 $0xFFFFE003, lr  }
0x1b: {  	s9 =	sadd.s32 $0xFFFFFEF7, lr;
	s5 =	simm.s32 $0xFFFFFFFF;
	p2 =	slt.u32 s8, $0xFFFFF086  }
0x1c: {  	p1 =	slt.u32 s9, $0xF7A;
	s5 =	simm.s32 @!p2 $0x0  }
0x1d: {  	s5 =	simm.s32 @p1 $0x1;
	p0 =	seq.s32 s7, s2  }
0x1e: {  	s7 =	smul.u32 @!p0 $0xF7A, s2;
	p2 =	seq.s32 @!p0 s5, $0x0  }
0x1f: {  	s9 =	smul.u32 $0xF7A, s1;
	s8 =	simm.s32 @!p0 $0x1BF5;
	p2 =	por !p2, p0  }
0x20: {  	[sflag:s8] =	ssyncset.s32 @!p0 $0xFFFFF086;
	s6 =	sadd.s32 @!p0 s3, s7;
	s7 =	simm.s32 @!p0 $0x108  }
0x21: {  	s3 =	sadd.s32 s3, s9;
	s6 =	sadd.s32 @!p0 $0x88, s6;
	s7 =	simm.s32 @p2 $0x1082  }
0x22: {  	[simem:s7], [sflag:s8] =	dma.local @!p0 [hbm:s6], $0xF7A  }
0x23: {  	s9 =	sor.u32 $0xD0000000, s2;
	s6 =	simm.s32 $0x108;
	_ =	swait.ge @!p0 [sflag:s8], $0x0  }
0x24: {  	s3 =	sadd.s32 $0x88, s3;
	s6 =	simm.s32 @!p1 $0x1082;
	[sflag:s4] =	ssyncset.s32 $0xFFFFF086  }
0x25: {  	[simem:s6], [sflag:s4] =	dma.local [hbm:s3], $0xF7A  }
0x26: {  	[smem:$0x3F9E] =	sst s1;
	(tag) =	ssettag s2;
	_ =	strace s9  }
0x27: {  	s1 =	sld [smem:$0x3FAE]  }
0x28: {  	s2 =	sld [smem:$0x3FAF]  }
0x29: {  	s4 =	sld [smem:$0x3FB1]  }
0x2a: {  	p0 =	seq.s32 s5, $0x0;
	s5 =	sld [smem:$0x3FB2]  }
0x2b: {  	s6 =	sld [smem:$0x3FB3]  }
0x2c: {  	s7 =	sld [smem:$0x3FB4]  }
0x2d: {  	s3 =	simm.s32 $0x108;
	s8 =	sld [smem:$0x3FB5]  }
0x2e: {  	s3 =	simm.s32 @!p0 $0x1082;
	s9 =	sld [smem:$0x3FB6]  }
0x2f: {  	lr =	sadd.s32 s0, s3;
	s0 =	sld [smem:$0x3FAD]  }
0x30: {  	s3 =	sld [smem:$0x3FB0]  }
0x31: {  	[smem:$0x3FB9] =	sst s10  }
0x32: {  	s10 =	sld [smem:$0x3FB7];
	_ =	sdelay $0x3  }
0x33: {  	p0 =	seq.s32 s10, $0x1;
	s10 =	sld [smem:$0x3FB9];
	_ =	sdelay $0x3  }
0x34: {  	[smem:$0x3FB9] =	sst s10  }
0x35: {  	s10 =	sld [smem:$0x3FB8];
	_ =	sdelay $0x3  }
0x36: {  	p1 =	seq.s32 s10, $0x1;
	s10 =	sld [smem:$0x3FB9];
	_ =	sdelay $0x3  }
0x37: {  	[smem:$0x3FB9] =	sst s10  }
0x38: {  	s10 =	sld [smem:$0x3FBA]  }
0x39: {  	_ = 	snop;
	(pc) =	sbr.ind lr, $3  }
0x3a: {  	_ = 	snop  }
0x3b: {  	_ = 	snop  }
0x3c: {  	p2 =	seq.s32 s10, $0x1;
	s10 =	sld [smem:$0x3FB9]  }
0x3d: {  	_ =	shalt  }
0x3e: {  	_ =	shalt  }
0x3f: {  	_ =	shalt  }
0x40: {  	_ =	shalt  }
0x41: {  	_ =	shalt  }
0x42: {  	_ =	shalt  }
0x43: {  	_ =	shalt  }
0x44: {  	_ =	shalt  }
0x45: {  	_ =	shalt  }
0x46: {  	_ =	shalt  }
0x47: {  	_ =	shalt  }
0x48: {  	_ =	shalt  }
0x49: {  	_ =	shalt  }
0x4a: {  	_ =	shalt  }
0x4b: {  	_ =	shalt  }
0x4c: {  	_ =	shalt  }
0x4d: {  	_ =	shalt  }
0x4e: {  	_ =	shalt  }
0x4f: {  	_ =	shalt  }
0x50: {  	_ =	shalt  }
0x51: {  	_ =	shalt  }
0x52: {  	_ =	shalt  }
0x53: {  	_ =	shalt  }
0x54: {  	_ =	shalt  }
0x55: {  	_ =	shalt  }
0x56: {  	_ =	shalt  }
0x57: {  	_ =	shalt  }
0x58: {  	_ =	shalt  }
0x59: {  	_ =	shalt  }
0x5a: {  	_ =	shalt  }
0x5b: {  	_ =	shalt  }
0x5c: {  	_ =	shalt  }
0x5d: {  	_ =	shalt  }
0x5e: {  	_ =	shalt  }
0x5f: {  	_ =	shalt  }
0x60: {  	_ =	shalt  }
0x61: {  	_ =	shalt  }
0x62: {  	_ =	shalt  }
0x63: {  	_ =	shalt  }
0x64: {  	_ =	shalt  }
0x65: {  	_ =	shalt  }
0x66: {  	_ =	shalt  }
0x67: {  	_ =	shalt  }
0x68: {  	_ =	shalt  }
0x69: {  	_ =	shalt  }
0x6a: {  	_ =	shalt  }
0x6b: {  	_ =	shalt  }
0x6c: {  	_ =	shalt  }
0x6d: {  	_ =	shalt  }
0x6e: {  	_ =	shalt  }
0x6f: {  	_ =	shalt  }
0x70: {  	_ =	shalt  }
0x71: {  	_ =	shalt  }
0x72: {  	_ =	shalt  }
0x73: {  	_ =	shalt  }
0x74: {  	_ =	shalt  }
0x75: {  	_ =	shalt  }
0x76: {  	_ =	shalt  }
0x77: {  	_ =	shalt  }
0x78: {  	_ =	shalt  }
0x79: {  	_ =	shalt  }
0x7a: {  	_ =	shalt  }
0x7b: {  	_ =	shalt  }
0x7c: {  	_ =	shalt  }
0x7d: {  	_ =	shalt  }
0x7e: {  	_ =	shalt  }
0x7f: {  	_ =	shalt  }
0x80: {  	_ =	shalt  }
0x81: {  	_ =	shalt  }
0x82: {  	_ =	shalt  }
0x83: {  	_ =	shalt  }
0x84: {  	_ =	shalt  }
0x85: {  	_ =	shalt  }
0x86: {  	_ =	shalt  }
0x87: {  	_ =	shalt  }
.Lfunc_end0:
.L_simem_size_0:
called_computation_lowered:
.L_overlay_start_0:
0x88: {  	s2 =	sld [smem:$0x3FD9]  }
0x89: {  	s3 =	sld [smem:$0x3FFE];
	_ =	sdelay $0x1  }
0x8a: {  	s1 =	srdreg.scid  }
0x8b: {  	s0 =	sand.u32 $0x1, s1  }
0x8c: {  	s18 =	sshll.u32 s0, $0xA;
	s2 =	sadd.s32 s3, s2  }
0x8d: {  	s2 =	sadd.s32 s2, s18  }
0x8e: {  	[smem:$0x3FC5] =	sst s2  }
0x8f: {  	_ = 	snop  }
0x90: {  	s2 =	sld [smem:$0x3FC9]  }
0x91: {  	s19 =	sld [smem:$0x3FC8]  }
0x92: {  	s4 =	sld [smem:$0x3FC7]  }
0x93: {  	s5 =	sld [smem:$0x3FD0];
	(tm) =	ssettm $0x1  }
0x94: {  	s6 =	sld [smem:$0x3FFB];
	_ =	sdelay $0x3  }
0x95: {  	_ =	strace s6  }
0x96: {  	s6 =	sld [smem:$0x3FFC];
	_ =	sdelay $0x3  }
0x97: {  	_ =	strace s6  }
0x98: {  	s6 =	sld [smem:$0x3FFD];
	_ =	sdelay $0x3  }
0x99: {  	_ =	strace s6  }
0x9a: {  	_ =	strace $0x8FFFFFFF  }
0x9b: {  	s20 =	sld [smem:$0x3FDB];
	_ =	sdelay $0x1  }
0x9c: {  	s7 =	simm.s32 $_scs_section_size  }
0x9d: {  	s8 =	simm.s32 $_size__tile_overlayer_lowered;
	s9 =	simm.s32 $_tile_overlayer_lowered  }
0x9e: {  	s23 =	simm.s32 $0x1BFF;
	s22 =	sshll.u32 s9, $0x1;
	s6 =	sadd.s32 s7, s20  }
0x9f: {  	s10 =	simm.s32 $0x0;
	s21 =	sshll.u32 s8, $0x1;
	s8 =	sadd.s32 s22, s6  }
0xa0: {  	[timem:s10], [sflag:s23] =	dma.local [hbm:s8], s21  }
0xa1: {  	_ =	swait.ge [sflag:s23], s21  }
0xa2: {  	s7 =	ssub.s32 $0x0, s21;
	[sflag:s23] =	ssyncset.done $0x0  }
0xa3: {  	[sflag:s23] =	ssyncadd.s32 s7;
	_ =	sdelay $0x1  }
0xa4: {  	s24 =	simm.s32 $0x1B8B  }
0xa5: {  	_ =	swait.ge [sflag:s24], $0x1  }
0xa6: {  	[sflag:s24] =	ssyncset.done $0x0  }
0xa7: {  	s25 =	simm.s32 $0x1B8E;
	[sflag:s24] =	ssyncadd.s32 $0xFFFFFFFF  }
0xa8: {  	s26 =	simm.s32 $execute0_lowered;
	[smem:$0x3FD2] =	sst s25  }
0xa9: {  	s7 =	sshll.u32 s26, $0x1;
	_ =	strace $0x80000046;
	[dreg:$0x1] =	wrdreg $0xFFFFFFFF  }
0xaa: {  	s28 =	simm.s32 $_size_execute0_lowered;
	s6 =	sadd.s32 s6, s7;
	[dreg:$0x0] =	wrdreg $0x0  }
0xab: {  	s7 =	sshll.u32 s28, $0x1;
	[dreg:$0x2] =	wrdreg s6  }
0xac: {  	[dreg:$0x3] =	wrdreg s7  }
0xad: {  	[dreg:$0x4] =	wrdreg $0xC0  }
0xae: {  	_ =	task [dreg:s10], $0x5FFFF  }
0xaf: {  	[dreg:$0x1] =	wrdreg $0xFFFFFFFF  }
0xb0: {  	[dreg:$0x0] =	wrdreg $0x60  }
0xb1: {  	[dreg:$0x2] =	wrdreg s2  }
0xb2: {  	[dreg:$0x3] =	wrdreg s19  }
0xb3: {  	[dreg:$0x4] =	wrdreg s4  }
0xb4: {  	[dreg:$0x5] =	wrdreg s5  }
0xb5: {  	[dreg:$0x6] =	wrdreg $0x9  }
0xb6: {  	_ =	task.clear_ibuf [dreg:s10], $0x7FFFF;
	_ =	strace $0x90000046  }
0xb7: {  	s29 =	simm.s32 $0x9;
	_ =	strace $0x80000048  }
0xb8: {  	_ =	swait.ge [sflag:s29], $0x1  }
0xb9: {  	[sflag:s29] =	ssyncadd.s32 $0xFFFFFFFF  }
0xba: {  	_ =	strace $0x90000048  }
0xbb: {  	_ =	sfence  }
0xbc: {  	s30 =	sld [smem:$0x0];
	_ =	sdelay $0x2  }
0xbd: {  	s31 =	sshll.u32 s1, $0xD;
	s1 =	sshrl.u32 s1, $0x2  }
0xbe: {  	s3 =	sand.u32 $0x4000, s31;
	s1 =	sadd.s32 s1, s30  }
0xbf: {  	s0 =	sor.u32 s3, s0;
	s1 =	sshll.u32 s1, $0x11  }
0xc0: {  	s0 =	sor.u32 s1, s0  }
0xc1: {  	s0 =	sadd.s32 $0x8F2B, s0  }
0xc2: {  	[sflag:s0] =	ssyncadd.remote.s32 $0x1  }
0xc3: {  	_ =	sfence.sel $0xFFFF  }
0xc4: {  	[dreg:$0x0] =	wrdreg $0xFFFFFFFF;
	(pc) =	sbr.abs _section_cstart, $3  }
0xc5: {  	[dreg:$0x1] =	wrdreg $0xFFFFFFFF  }
0xc6: {  	_ =	task.clear_ibuf [dreg:s10], $0x2FFFF;
	_ =	strace $0x9FFFFFFF  }
0xc7: {  	(tm) =	ssettm $0x7FFFFFFF  }
tec
execute0_lowered:
.L_overlay_start_1:
0x0: {  	(tag) =	ssettag $0x1  }
0x1: {  	s0 =	rddreg [dreg:$0x0]  }
0x2: {  	s1 =	srdreg.scid;
	s2 =	rddreg [dreg:$0x1]  }
0x3: {  	s5 =	stileid.u32;
	s4 =	rddreg [dreg:$0x3];
	s3 =	sand.u32 $0x1, s1  }
0x4: {  	s5 =	sshll.u32 s5, $0xA;
	s6 =	sshll.u32 s3, $0x9;
	s3 =	ssub.s32 $0x2, s3  }
0x5: {  	s1 =	simm.s32 $0x0;
	s5 =	sor.u32 s6, s5;
	s19 =	sshrl.u32 s3, $0x1  }
0x6: {  	s7 =	sshrl.u32 s5, $0x3;
	s6 =	ssub.s32 s3, s19;
	s3 =	sshll.u32 s5, $0x4  }
0x7: {  	[smem:$0x7FF] =	sst s1;
	s2 =	sadd.s32 s2, s7;
	s20 =	sadd.s32 s0, s3  }
0x8: {  	s5 =	sor.u32 $0x400, s3;
	s7 =	sor.u32 $0x600, s3;
	s9 =	sor.u32 $0xA00, s3  }
0x9: {  	s12 =	sor.u32 $0x1000, s3;
	s19 =	sor.u32 $0x1C00, s3;
	[dreg:$0x5] =	wrdreg s2  }
0xa: {  	[dreg:$0x6] =	wrdreg s20;
	s2 =	sor.u32 $0x200, s3;
	s22 =	sadd.s32 s0, s5  }
0xb: {  	s8 =	sadd.s32 s0, s7;
	s23 =	sadd.s32 s0, s9;
	s24 =	sadd.s32 s0, s12  }
0xc: {  	s20 =	sor.u32 $0x1A00, s3;
	s17 =	sadd.s32 s0, s19;
	s19 =	sadd.s32 s4, s19  }
0xd: {  	s29 =	sadd.s32 s4, s9;
	s30 =	sadd.s32 s4, s7;
	[dreg:$0x8] =	wrdreg s22  }
0xe: {  	s7 =	simm.s32 $0x12;
	s9 =	simm.s32 $0x11;
	[dreg:$0x9] =	wrdreg s8  }
0xf: {  	s21 =	sadd.s32 s0, s2;
	s8 =	sor.u32 $0x800, s3;
	[dreg:$0xb] =	wrdreg s23  }
0x10: {  	[dreg:$0xe] =	wrdreg s24;
	s24 =	sor.u32 $0x1200, s3;
	s23 =	sor.u32 $0x1400, s3  }
0x11: {  	s22 =	sor.u32 $0x1600, s3;
	s16 =	sadd.s32 s0, s20;
	s20 =	sadd.s32 s4, s20  }
0x12: {  	s2 =	sadd.s32 s4, s2;
	[dreg:$0x7] =	wrdreg s21;
	s10 =	sadd.s32 s0, s8  }
0x13: {  	s25 =	sadd.s32 s0, s24;
	s26 =	sadd.s32 s0, s23;
	s14 =	sadd.s32 s0, s22  }
0x14: {  	s21 =	sor.u32 $0x1800, s3;
	s22 =	sadd.s32 s4, s22;
	s23 =	sadd.s32 s4, s23  }
0x15: {  	s24 =	sadd.s32 s4, s24;
	s31 =	sadd.s32 s4, s8;
	[dreg:$0xa] =	wrdreg s10  }
0x16: {  	s8 =	simm.s32 $0x13;
	s10 =	sor.u32 $0xC00, s3;
	[dreg:$0xf] =	wrdreg s25  }
0x17: {  	[dreg:$0x10] =	wrdreg s26;
	s15 =	sadd.s32 s0, s21;
	s21 =	sadd.s32 s4, s21  }
0x18: {  	s25 =	sadd.s32 s4, s12;
	s11 =	sadd.s32 s0, s10;
	s28 =	sadd.s32 s4, s10  }
.Ltmp0:
0x19: {  	[dreg:$0xc] =	wrdreg s11;
	s11 =	sor.u32 $0xE00, s3;
	(pc) =	sbr.rel .LBB2_1-.Ltmp0, $4  }
0x1a: {  	s10 =	simm.s32 $0x0;
	s13 =	sadd.s32 s0, s11;
	s26 =	sadd.s32 s4, s11  }
0x1b: {  	[dreg:$0xd] =	wrdreg s13;
	s13 =	sor.u32 $0x1E00, s3;
	s3 =	sadd.s32 s4, s3  }
0x1c: {  	s18 =	sadd.s32 s0, s13;
	s0 =	sadd.s32 s4, s5;
	s4 =	sadd.s32 s4, s13  }
0x1d: {  	_ =	strace $0x80000047;
	s5 =	smax.u32 s6, $0x1;
	s6 =	simm.s32 $0xF600  }
.LBB2_10:
0x1e: {  	[hbm4b:s4+s1] =	stream.linear.scatter [tilespmem:s6], [sflag:$0x11], $0x1000, $0x38;
	[tilespmem:$0x10600] =	vst v63  }
0x1f: {  	_ =	swait.ge [sflag:s9], $0x1000  }
0x20: {  	[sflag:s9] =	ssyncset.done $0x0  }
0x21: {  	[sflag:s9] =	ssyncadd.s32 $0xFFFFF000  }
0x22: {  	_ =	swait.ge [sflag:s9], $0x1000  }
0x23: {  	[sflag:s9] =	ssyncset.done $0x0  }
0x24: {  	[sflag:s9] =	ssyncadd.s32 $0xFFFFF000  }
0x25: {  	_ =	swait.ge [sflag:s9], $0x1000  }
0x26: {  	[sflag:s9] =	ssyncset.done $0x0  }
0x27: {  	[sflag:s9] =	ssyncadd.s32 $0xFFFFF000  }
0x28: {  	_ =	swait.ge [sflag:s9], $0x1000  }
0x29: {  	[sflag:s9] =	ssyncset.done $0x0  }
0x2a: {  	[sflag:s9] =	ssyncadd.s32 $0xFFFFF000  }
0x2b: {  	_ =	swait.ge [sflag:s9], $0x1000  }
0x2c: {  	[sflag:s9] =	ssyncset.done $0x0  }
0x2d: {  	[sflag:s9] =	ssyncadd.s32 $0xFFFFF000  }
0x2e: {  	_ =	swait.ge [sflag:s9], $0x1000  }
0x2f: {  	[sflag:s9] =	ssyncset.done $0x0  }
0x30: {  	[sflag:s9] =	ssyncadd.s32 $0xFFFFF000  }
0x31: {  	_ =	swait.ge [sflag:s9], $0x1000  }
0x32: {  	[sflag:s9] =	ssyncset.done $0x0  }
0x33: {  	[sflag:s9] =	ssyncadd.s32 $0xFFFFF000  }
0x34: {  	_ =	swait.ge [sflag:s9], $0x1000  }
0x35: {  	[sflag:s9] =	ssyncset.done $0x0  }
0x36: {  	[sflag:s9] =	ssyncadd.s32 $0xFFFFF000  }
0x37: {  	_ =	swait.ge [sflag:s9], $0x1000  }
0x38: {  	[sflag:s9] =	ssyncset.done $0x0  }
0x39: {  	[sflag:s9] =	ssyncadd.s32 $0xFFFFF000  }
0x3a: {  	_ =	swait.ge [sflag:s9], $0x1000  }
0x3b: {  	[sflag:s9] =	ssyncset.done $0x0  }
0x3c: {  	[sflag:s9] =	ssyncadd.s32 $0xFFFFF000  }
0x3d: {  	_ =	swait.ge [sflag:s9], $0x1000  }
0x3e: {  	[sflag:s9] =	ssyncset.done $0x0  }
0x3f: {  	[sflag:s9] =	ssyncadd.s32 $0xFFFFF000  }
0x40: {  	_ =	swait.ge [sflag:s9], $0x1000  }
0x41: {  	[sflag:s9] =	ssyncset.done $0x0  }
0x42: {  	[sflag:s9] =	ssyncadd.s32 $0xFFFFF000  }
0x43: {  	_ =	swait.ge [sflag:s9], $0x1000  }
0x44: {  	[sflag:s9] =	ssyncset.done $0x0  }
0x45: {  	[sflag:s9] =	ssyncadd.s32 $0xFFFFF000  }
0x46: {  	_ =	swait.ge [sflag:s9], $0x1000  }
0x47: {  	[sflag:s9] =	ssyncset.done $0x0  }
0x48: {  	s10 =	sadd.s32 $0x1, s10;
	[sflag:s9] =	ssyncadd.s32 $0xFFFFF000  }
0x49: {  	p0 =	sne.s32 s10, s5;
	_ =	swait.ge [sflag:s9], $0x1000  }
.Ltmp1:
0x4a: {  	[sflag:s9] =	ssyncset.done $0x0;
	(pc) =	sbr.rel @!p0 .LBB2_11-.Ltmp1, $4  }
0x4b: {  	[sflag:s9] =	ssyncadd.s32 $0xFFFFF000  }
0x4c: {  	_ =	swait.ge [sflag:s9], $0x1000  }
0x4d: {  	[sflag:s9] =	ssyncset.done $0x0  }
0x4e: {  	[sflag:s9] =	ssyncadd.s32 $0xFFFFF000  }
.LBB2_1:
0x4f: {  	s11 =	rddreg [dreg:$0x5]  }
0x50: {  	[tilespmem:s1], [sflag:$0x12] =	stream.linear.gather [hbm4b:s11+s1], $0x200, $0x38;
	[tilespmem:$0x10600] =	vst v63  }
0x51: {  	s13 =	rddreg [dreg:$0x2];
	s12 =	simm.s32 $0x200  }
0x52: {  	[tilespmem:s12], [sflag:$0x13] =	stream.linear.gather [hbm4b:s13+s1], $0x400, $0x38;
	[tilespmem:$0x10600] =	vst v63  }
0x53: {  	s12 =	rddreg [dreg:$0x6];
	s13 =	simm.s32 $0x600  }
0x54: {  	[tilespmem:s13], [sflag:$0x1] =	stream.linear.gather [hbm4b:s12+s1], $0x1000, $0x38;
	[tilespmem:$0x10600] =	vst v63  }
0x55: {  	s12 =	rddreg [dreg:$0x7];
	s13 =	simm.s32 $0x1600  }
0x56: {  	[tilespmem:s13], [sflag:$0x2] =	stream.linear.gather [hbm4b:s12+s1], $0x1000, $0x38;
	[tilespmem:$0x10600] =	vst v63  }
0x57: {  	s12 =	rddreg [dreg:$0x8];
	s13 =	simm.s32 $0x2600  }
0x58: {  	[tilespmem:s13], [sflag:$0x3] =	stream.linear.gather [hbm4b:s12+s1], $0x1000, $0x38;
	[tilespmem:$0x10600] =	vst v63  }
0x59: {  	s12 =	rddreg [dreg:$0x9];
	s13 =	simm.s32 $0x3600  }
0x5a: {  	[tilespmem:s13], [sflag:$0x4] =	stream.linear.gather [hbm4b:s12+s1], $0x1000, $0x38;
	[tilespmem:$0x10600] =	vst v63  }
0x5b: {  	s12 =	rddreg [dreg:$0xa];
	s13 =	simm.s32 $0x4600  }
0x5c: {  	[tilespmem:s13], [sflag:$0x5] =	stream.linear.gather [hbm4b:s12+s1], $0x1000, $0x38;
	[tilespmem:$0x10600] =	vst v63  }
0x5d: {  	s12 =	rddreg [dreg:$0xb];
	s13 =	simm.s32 $0x5600  }
0x5e: {  	[tilespmem:s13], [sflag:$0x6] =	stream.linear.gather [hbm4b:s12+s1], $0x1000, $0x38;
	[tilespmem:$0x10600] =	vst v63  }
0x5f: {  	s12 =	rddreg [dreg:$0xc];
	s13 =	simm.s32 $0x6600  }
0x60: {  	[tilespmem:s13], [sflag:$0x7] =	stream.linear.gather [hbm4b:s12+s1], $0x1000, $0x38;
	[tilespmem:$0x10600] =	vst v63  }
0x61: {  	s12 =	rddreg [dreg:$0xd];
	s13 =	simm.s32 $0x7600  }
0x62: {  	[tilespmem:s13], [sflag:$0x8] =	stream.linear.gather [hbm4b:s12+s1], $0x1000, $0x38;
	[tilespmem:$0x10600] =	vst v63  }
0x63: {  	s12 =	rddreg [dreg:$0xe];
	s13 =	simm.s32 $0x8600  }
0x64: {  	[tilespmem:s13], [sflag:$0x9] =	stream.linear.gather [hbm4b:s12+s1], $0x1000, $0x38;
	[tilespmem:$0x10600] =	vst v63  }
0x65: {  	s12 =	rddreg [dreg:$0xf];
	s13 =	simm.s32 $0x9600  }
0x66: {  	[tilespmem:s13], [sflag:$0xA] =	stream.linear.gather [hbm4b:s12+s1], $0x1000, $0x38;
	[tilespmem:$0x10600] =	vst v63  }
0x67: {  	s12 =	rddreg [dreg:$0x10];
	s13 =	simm.s32 $0xA600  }
0x68: {  	[tilespmem:s13], [sflag:$0xB] =	stream.linear.gather [hbm4b:s12+s1], $0x1000, $0x38;
	[tilespmem:$0x10600] =	vst v63  }
0x69: {  	s12 =	simm.s32 $0xB600  }
0x6a: {  	[tilespmem:s12], [sflag:$0xC] =	stream.linear.gather [hbm4b:s14+s1], $0x1000, $0x38;
	[tilespmem:$0x10600] =	vst v63  }
0x6b: {  	s13 =	simm.s32 $0xC600  }
0x6c: {  	[tilespmem:s13], [sflag:$0xD] =	stream.linear.gather [hbm4b:s15+s1], $0x1000, $0x38;
	[tilespmem:$0x10600] =	vst v63  }
0x6d: {  	s12 =	simm.s32 $0xD600  }
0x6e: {  	[tilespmem:s12], [sflag:$0xE] =	stream.linear.gather [hbm4b:s16+s1], $0x1000, $0x38;
	[tilespmem:$0x10600] =	vst v63  }
0x6f: {  	s13 =	simm.s32 $0xE600  }
0x70: {  	[tilespmem:s13], [sflag:$0xF] =	stream.linear.gather [hbm4b:s17+s1], $0x1000, $0x38;
	[tilespmem:$0x10600] =	vst v63  }
0x71: {  	_ = 	snop  }
0x72: {  	[tilespmem:s6], [sflag:$0x10] =	stream.linear.gather [hbm4b:s18+s1], $0x1000, $0x38;
	[tilespmem:$0x10600] =	vst v63  }
0x73: {  	_ =	swait.ge [sflag:s7], $0x200  }
.Ltmp2:
0x74: {  	[sflag:s7] =	ssyncset.done $0x0;
	(pc) =	sbr.rel .LBB2_2-.Ltmp2, $4  }
0x75: {  	[sflag:s7] =	ssyncadd.s32 $0xFFFFFE00  }
0x76: {  	_ =	swait.ge [sflag:s8], $0x400  }
0x77: {  	[sflag:s8] =	ssyncset.done $0x0  }
0x78: {  	s11 =	simm.s32 $0x0;
	[sflag:s8] =	ssyncadd.s32 $0xFFFFFC00  }
.LBB2_8:
0x79: {  	p0 =	sgt.s32 s11, $0x1B  }
0x7a: {  	p1 =	seq.s32 @p0 s11, $0x1C  }
0x7b: {  	p2 =	por !p1, !p0  }
0x7c: {  	s12 =	simm.s32 @!p2 $0xF  }
0x7d: {  	_ =	swait.ge @!p2 [sflag:s12], $0x1000  }
0x7e: {  	[sflag:s12] =	ssyncset.done @!p2 $0x0  }
0x7f: {  	s13 =	simm.s32 @!p2 $0xD600;
	[sflag:s12] =	ssyncadd.s32 @!p2 $0xFFFFF000;
	s12 =	simm.s32 @!p2 $0x0  }
0x80: {  	[hbm4b:s20+s12] =	stream.linear.scatter @!p2 [tilespmem:s13], [sflag:$0x11], $0x1000, $0x38;
	[tilespmem:$0x10600] =	vst v63  }
0x81: {  	p2 =	por p1, !p0  }
0x82: {  	p2 =	seq.s32 @!p2 s11, $0x1E  }
0x83: {  	p1 =	por @p0 !p2, p1  }
0x84: {  	p1 =	por p1, !p0  }
0x85: {  	s12 =	simm.s32 @!p1 $0x10  }
0x86: {  	_ =	swait.ge @!p1 [sflag:s12], $0x1000  }
0x87: {  	[sflag:s12] =	ssyncset.done @!p1 $0x0  }
0x88: {  	s13 =	simm.s32 @!p1 $0xE600;
	[sflag:s12] =	ssyncadd.s32 @!p1 $0xFFFFF000;
	s12 =	simm.s32 @!p1 $0x0  }
0x89: {  	[hbm4b:s19+s12] =	stream.linear.scatter @!p1 [tilespmem:s13], [sflag:$0x11], $0x1000, $0x38;
	[tilespmem:$0x10600] =	vst v63  }
0x8a: {  	p1 =	seq.s32 @!p0 s11, $0x18  }
0x8b: {  	p2 =	por !p1, p0  }
0x8c: {  	s12 =	simm.s32 @!p2 $0xD  }
0x8d: {  	_ =	swait.ge @!p2 [sflag:s12], $0x1000  }
0x8e: {  	[sflag:s12] =	ssyncset.done @!p2 $0x0  }
0x8f: {  	s13 =	simm.s32 @!p2 $0xB600;
	[sflag:s12] =	ssyncadd.s32 @!p2 $0xFFFFF000;
	s12 =	simm.s32 @!p2 $0x0  }
0x90: {  	[hbm4b:s22+s12] =	stream.linear.scatter @!p2 [tilespmem:s13], [sflag:$0x11], $0x1000, $0x38;
	[tilespmem:$0x10600] =	vst v63  }
0x91: {  	p2 =	por p1, p0  }
0x92: {  	p2 =	seq.s32 @!p2 s11, $0x1A  }
0x93: {  	p1 =	por @!p0 !p2, p1  }
0x94: {  	p0 =	por p1, p0  }
0x95: {  	s12 =	simm.s32 @!p0 $0xE  }
0x96: {  	_ =	swait.ge @!p0 [sflag:s12], $0x1000  }
0x97: {  	[sflag:s12] =	ssyncset.done @!p0 $0x0  }
0x98: {  	s13 =	simm.s32 @!p0 $0xC600;
	[sflag:s12] =	ssyncadd.s32 @!p0 $0xFFFFF000;
	s12 =	simm.s32 @!p0 $0x0  }
0x99: {  	[hbm4b:s21+s12] =	stream.linear.scatter @!p0 [tilespmem:s13], [sflag:$0x11], $0x1000, $0x38;
	[tilespmem:$0x10600] =	vst v63  }
.LBB2_9:
0x9a: {  	s12 =	sshll.u32 s11, $0x4  }
0x9b: {  	s13 =	sshll.u32 s11, $0xB;
	s12 =	sand.u32 $0x3FFFFFF0, s12  }
0x9c: {  	v0 =	vld [tilespmem:s12+$0x0];
	s12 =	sand.u32 $0x3FFFF800, s13  }
0x9d: {  	v1 =	vld [tilespmem:s12+$0x600]  }
0x9e: {  	v3 =	vld [tilespmem:s12+$0x610]  }
0x9f: {  	v5 =	vld [tilespmem:s12+$0x620]  }
0xa0: {  	v7 =	vld [tilespmem:s12+$0x630]  }
0xa1: {  	v9 =	vld [tilespmem:s12+$0x640];
	v0 =	vshll.u32 v0, $0x9  }
0xa2: {  	v11 =	vld [tilespmem:s12+$0x650];
	v0 =	vshra.s32 v0, $0x2  }
0xa3: {  	v13 =	vld [tilespmem:s12+$0x660];
	(v2sf) =	vpush v0, $0x0  }
0xa4: {  	v63 =	vld [tilespmem:s12+$0x670]  }
0xa5: {  	v17 =	vld [tilespmem:s12+$0x680]  }
0xa6: {  	v18 =	vld [tilespmem:s12+$0x690]  }
0xa7: {  	v20 =	vld [tilespmem:s12+$0x6A0]  }
0xa8: {  	v22 =	vld [tilespmem:s12+$0x6B0]  }
0xa9: {  	v24 =	vld [tilespmem:s12+$0x6C0]  }
0xaa: {  	v26 =	vld [tilespmem:s12+$0x6D0]  }
0xab: {  	v28 =	vld [tilespmem:s12+$0x6E0]  }
0xac: {  	v31 =	vld [tilespmem:s12+$0x6F0]  }
0xad: {  	v37 =	vld [tilespmem:s12+$0x700]  }
0xae: {  	v38 =	vld [tilespmem:s12+$0x710]  }
0xaf: {  	v40 =	vld [tilespmem:s12+$0x720]  }
0xb0: {  	v42 =	vld [tilespmem:s12+$0x730]  }
0xb1: {  	v44 =	vld [tilespmem:s12+$0x740]  }
0xb2: {  	v46 =	vld [tilespmem:s12+$0x750];
	s13 =	spop (v2sf);
	(v2sf) =	vpush v0, $0x1  }
0xb3: {  	v2 =	vld [tilespmem:s13+$0x200]  }
0xb4: {  	v4 =	vld [tilespmem:s13+$0x210]  }
0xb5: {  	v6 =	vld [tilespmem:s13+$0x220]  }
0xb6: {  	v8 =	vld [tilespmem:s13+$0x230]  }
0xb7: {  	v10 =	vld [tilespmem:s13+$0x240]  }
0xb8: {  	v12 =	vld [tilespmem:s13+$0x250];
	v1 =	vmul.f32 v2, v1  }
0xb9: {  	v61 =	vld [tilespmem:s13+$0x260];
	v3 =	vmul.f32 v4, v3  }
0xba: {  	v62 =	vld [tilespmem:s13+$0x270];
	v5 =	vmul.f32 v6, v5;
	[tilespmem:s12+$0x600] =	vst v1  }
0xbb: {  	v48 =	vld [tilespmem:s12+$0x760];
	v8 =	vmul.f32 v8, v7;
	[tilespmem:s12+$0x610] =	vst v3  }
0xbc: {  	v51 =	vld [tilespmem:s12+$0x770];
	v10 =	vmul.f32 v10, v9;
	[tilespmem:s12+$0x620] =	vst v5  }
0xbd: {  	v57 =	vld [tilespmem:s12+$0x780];
	v14 =	vmul.f32 v12, v11;
	[tilespmem:s12+$0x630] =	vst v8  }
0xbe: {  	v58 =	vld [tilespmem:s12+$0x790];
	v15 =	vmul.f32 v61, v13;
	[tilespmem:s12+$0x640] =	vst v10  }
0xbf: {  	v60 =	vld [tilespmem:s12+$0x7A0];
	v16 =	vmul.f32 v62, v63;
	[tilespmem:s12+$0x650] =	vst v14  }
0xc0: {  	v62 =	vld [tilespmem:s12+$0x7B0];
	[tilespmem:s12+$0x660] =	vst v15  }
0xc1: {  	[tilespmem:s12+$0x670] =	vst v16;
	v16 =	vld [tilespmem:s12+$0x7C0];
	s13 =	spop (v2sf)  }
0xc2: {  	(v2sf) =	vpush v0, $0x2;
	v2 =	vld [tilespmem:s13+$0x200]  }
0xc3: {  	v19 =	vld [tilespmem:s13+$0x210]  }
0xc4: {  	v21 =	vld [tilespmem:s13+$0x220]  }
0xc5: {  	v23 =	vld [tilespmem:s13+$0x230]  }
0xc6: {  	v25 =	vld [tilespmem:s13+$0x240]  }
0xc7: {  	v27 =	vld [tilespmem:s13+$0x250]  }
0xc8: {  	v29 =	vld [tilespmem:s13+$0x260];
	v1 =	vmul.f32 v2, v17  }
0xc9: {  	v30 =	vld [tilespmem:s13+$0x270];
	v3 =	vmul.f32 v19, v18  }
0xca: {  	v5 =	vmul.f32 v21, v20;
	v18 =	vld [tilespmem:s12+$0x7D0];
	[tilespmem:s12+$0x680] =	vst v1  }
0xcb: {  	v32 =	vmul.f32 v23, v22;
	v20 =	vld [tilespmem:s12+$0x7E0];
	[tilespmem:s12+$0x690] =	vst v3  }
0xcc: {  	v33 =	vmul.f32 v25, v24;
	v23 =	vld [tilespmem:s12+$0x7F0];
	[tilespmem:s12+$0x6A0] =	vst v5  }
0xcd: {  	v34 =	vmul.f32 v27, v26;
	v35 =	vmul.f32 v29, v28;
	v29 =	vld [tilespmem:s12+$0x800];
	[tilespmem:s12+$0x6B0] =	vst v32  }
0xce: {  	v36 =	vmul.f32 v30, v31;
	v30 =	vld [tilespmem:s12+$0x810];
	[tilespmem:s12+$0x6C0] =	vst v33  }
0xcf: {  	[tilespmem:s12+$0x6D0] =	vst v34;
	v32 =	vld [tilespmem:s12+$0x820]  }
0xd0: {  	[tilespmem:s12+$0x6E0] =	vst v35;
	v34 =	vld [tilespmem:s12+$0x830]  }
0xd1: {  	[tilespmem:s12+$0x6F0] =	vst v36;
	v36 =	vld [tilespmem:s12+$0x840];
	s13 =	spop (v2sf);
	(v2sf) =	vpush v0, $0x3  }
0xd2: {  	v2 =	vld [tilespmem:s13+$0x200]  }
0xd3: {  	v39 =	vld [tilespmem:s13+$0x210]  }
0xd4: {  	v41 =	vld [tilespmem:s13+$0x220]  }
0xd5: {  	v43 =	vld [tilespmem:s13+$0x230]  }
0xd6: {  	v45 =	vld [tilespmem:s13+$0x240]  }
0xd7: {  	v47 =	vld [tilespmem:s13+$0x250];
	v1 =	vmul.f32 v2, v37  }
0xd8: {  	v49 =	vld [tilespmem:s13+$0x260];
	v3 =	vmul.f32 v39, v38  }
0xd9: {  	v50 =	vld [tilespmem:s13+$0x270];
	v5 =	vmul.f32 v41, v40;
	[tilespmem:s12+$0x700] =	vst v1  }
0xda: {  	v52 =	vmul.f32 v43, v42;
	v38 =	vld [tilespmem:s12+$0x850];
	[tilespmem:s12+$0x710] =	vst v3  }
0xdb: {  	v53 =	vmul.f32 v45, v44;
	v40 =	vld [tilespmem:s12+$0x860];
	[tilespmem:s12+$0x720] =	vst v5  }
0xdc: {  	v54 =	vmul.f32 v47, v46;
	v43 =	vld [tilespmem:s12+$0x870];
	[tilespmem:s12+$0x730] =	vst v52  }
0xdd: {  	v55 =	vmul.f32 v49, v48;
	v49 =	vld [tilespmem:s12+$0x880];
	[tilespmem:s12+$0x740] =	vst v53  }
0xde: {  	v56 =	vmul.f32 v50, v51;
	v50 =	vld [tilespmem:s12+$0x890];
	[tilespmem:s12+$0x750] =	vst v54  }
0xdf: {  	[tilespmem:s12+$0x760] =	vst v55;
	v52 =	vld [tilespmem:s12+$0x8A0]  }
0xe0: {  	[tilespmem:s12+$0x770] =	vst v56;
	v54 =	vld [tilespmem:s12+$0x8B0];
	s13 =	spop (v2sf);
	(v2sf) =	vpush v0, $0x4  }
0xe1: {  	v2 =	vld [tilespmem:s13+$0x200]  }
0xe2: {  	v59 =	vld [tilespmem:s13+$0x210]  }
0xe3: {  	v61 =	vld [tilespmem:s13+$0x220]  }
0xe4: {  	v63 =	vld [tilespmem:s13+$0x230]  }
0xe5: {  	v17 =	vld [tilespmem:s13+$0x240]  }
0xe6: {  	v19 =	vld [tilespmem:s13+$0x250];
	v1 =	vmul.f32 v2, v57  }
0xe7: {  	v21 =	vld [tilespmem:s13+$0x260];
	v3 =	vmul.f32 v59, v58  }
0xe8: {  	v22 =	vld [tilespmem:s13+$0x270];
	v5 =	vmul.f32 v61, v60;
	[tilespmem:s12+$0x780] =	vst v1  }
0xe9: {  	v56 =	vld [tilespmem:s12+$0x8C0];
	v24 =	vmul.f32 v63, v62;
	[tilespmem:s12+$0x790] =	vst v3  }
0xea: {  	v25 =	vmul.f32 v17, v16;
	v58 =	vld [tilespmem:s12+$0x8D0];
	[tilespmem:s12+$0x7A0] =	vst v5  }
0xeb: {  	v26 =	vmul.f32 v19, v18;
	v60 =	vld [tilespmem:s12+$0x8E0];
	[tilespmem:s12+$0x7B0] =	vst v24  }
0xec: {  	v27 =	vmul.f32 v21, v20;
	v63 =	vld [tilespmem:s12+$0x8F0];
	[tilespmem:s12+$0x7C0] =	vst v25  }
0xed: {  	v28 =	vmul.f32 v22, v23;
	v18 =	vld [tilespmem:s12+$0x900];
	[tilespmem:s12+$0x7D0] =	vst v26  }
0xee: {  	v19 =	vld [tilespmem:s12+$0x910];
	[tilespmem:s12+$0x7E0] =	vst v27  }
0xef: {  	v21 =	vld [tilespmem:s12+$0x920];
	[tilespmem:s12+$0x7F0] =	vst v28;
	s13 =	spop (v2sf);
	(v2sf) =	vpush v0, $0x5  }
0xf0: {  	v2 =	vld [tilespmem:s13+$0x200]  }
0xf1: {  	v31 =	vld [tilespmem:s13+$0x210]  }
0xf2: {  	v33 =	vld [tilespmem:s13+$0x220]  }
0xf3: {  	v35 =	vld [tilespmem:s13+$0x230]  }
0xf4: {  	v37 =	vld [tilespmem:s13+$0x240]  }
0xf5: {  	v39 =	vld [tilespmem:s13+$0x250];
	v1 =	vmul.f32 v2, v29  }
0xf6: {  	v41 =	vld [tilespmem:s13+$0x260];
	v3 =	vmul.f32 v31, v30  }
0xf7: {  	v42 =	vld [tilespmem:s13+$0x270];
	v5 =	vmul.f32 v33, v32;
	[tilespmem:s12+$0x800] =	vst v1  }
0xf8: {  	v23 =	vld [tilespmem:s12+$0x930];
	v44 =	vmul.f32 v35, v34;
	[tilespmem:s12+$0x810] =	vst v3  }
0xf9: {  	v25 =	vld [tilespmem:s12+$0x940];
	v45 =	vmul.f32 v37, v36;
	[tilespmem:s12+$0x820] =	vst v5  }
0xfa: {  	v27 =	vld [tilespmem:s12+$0x950];
	v46 =	vmul.f32 v39, v38;
	[tilespmem:s12+$0x830] =	vst v44  }
0xfb: {  	v47 =	vmul.f32 v41, v40;
	v29 =	vld [tilespmem:s12+$0x960];
	[tilespmem:s12+$0x840] =	vst v45  }
0xfc: {  	v48 =	vmul.f32 v42, v43;
	v32 =	vld [tilespmem:s12+$0x970];
	[tilespmem:s12+$0x850] =	vst v46  }
0xfd: {  	v38 =	vld [tilespmem:s12+$0x980];
	[tilespmem:s12+$0x860] =	vst v47  }
0xfe: {  	v39 =	vld [tilespmem:s12+$0x990];
	[tilespmem:s12+$0x870] =	vst v48;
	s13 =	spop (v2sf);
	(v2sf) =	vpush v0, $0x6  }
0xff: {  	v2 =	vld [tilespmem:s13+$0x200]  }
0x100: {  	v51 =	vld [tilespmem:s13+$0x210]  }
0x101: {  	v53 =	vld [tilespmem:s13+$0x220]  }
0x102: {  	v55 =	vld [tilespmem:s13+$0x230]  }
0x103: {  	v57 =	vld [tilespmem:s13+$0x240]  }
0x104: {  	v59 =	vld [tilespmem:s13+$0x250];
	v1 =	vmul.f32 v2, v49  }
0x105: {  	v61 =	vld [tilespmem:s13+$0x260];
	v3 =	vmul.f32 v51, v50  }
0x106: {  	v62 =	vld [tilespmem:s13+$0x270];
	v5 =	vmul.f32 v53, v52;
	[tilespmem:s12+$0x880] =	vst v1  }
0x107: {  	v41 =	vld [tilespmem:s12+$0x9A0];
	v8 =	vmul.f32 v55, v54;
	[tilespmem:s12+$0x890] =	vst v3  }
0x108: {  	v43 =	vld [tilespmem:s12+$0x9B0];
	v14 =	vmul.f32 v57, v56;
	[tilespmem:s12+$0x8A0] =	vst v5  }
0x109: {  	v45 =	vld [tilespmem:s12+$0x9C0];
	v15 =	vmul.f32 v59, v58;
	[tilespmem:s12+$0x8B0] =	vst v8  }
0x10a: {  	v47 =	vld [tilespmem:s12+$0x9D0];
	v16 =	vmul.f32 v61, v60;
	[tilespmem:s12+$0x8C0] =	vst v14  }
0x10b: {  	v17 =	vmul.f32 v62, v63;
	v49 =	vld [tilespmem:s12+$0x9E0];
	[tilespmem:s12+$0x8D0] =	vst v15  }
0x10c: {  	v52 =	vld [tilespmem:s12+$0x9F0];
	[tilespmem:s12+$0x8E0] =	vst v16  }
0x10d: {  	v58 =	vld [tilespmem:s12+$0xA00];
	[tilespmem:s12+$0x8F0] =	vst v17;
	s13 =	spop (v2sf);
	(v2sf) =	vpush v0, $0x7  }
0x10e: {  	v2 =	vld [tilespmem:s13+$0x200]  }
0x10f: {  	v20 =	vld [tilespmem:s13+$0x210]  }
0x110: {  	v22 =	vld [tilespmem:s13+$0x220]  }
0x111: {  	v24 =	vld [tilespmem:s13+$0x230]  }
0x112: {  	v26 =	vld [tilespmem:s13+$0x240]  }
0x113: {  	v28 =	vld [tilespmem:s13+$0x250];
	v1 =	vmul.f32 v2, v18  }
0x114: {  	v30 =	vld [tilespmem:s13+$0x260];
	v3 =	vmul.f32 v20, v19  }
0x115: {  	v31 =	vld [tilespmem:s13+$0x270];
	v5 =	vmul.f32 v22, v21;
	[tilespmem:s12+$0x900] =	vst v1  }
0x116: {  	v59 =	vld [tilespmem:s12+$0xA10];
	v33 =	vmul.f32 v24, v23;
	[tilespmem:s12+$0x910] =	vst v3  }
0x117: {  	v61 =	vld [tilespmem:s12+$0xA20];
	v34 =	vmul.f32 v26, v25;
	[tilespmem:s12+$0x920] =	vst v5  }
0x118: {  	v63 =	vld [tilespmem:s12+$0xA30];
	v35 =	vmul.f32 v28, v27;
	[tilespmem:s12+$0x930] =	vst v33  }
0x119: {  	v17 =	vld [tilespmem:s12+$0xA40];
	v36 =	vmul.f32 v30, v29;
	[tilespmem:s12+$0x940] =	vst v34  }
0x11a: {  	v14 =	vld [tilespmem:s12+$0xB70];
	v37 =	vmul.f32 v31, v32;
	[tilespmem:s12+$0x950] =	vst v35  }
0x11b: {  	v19 =	vld [tilespmem:s12+$0xA50];
	[tilespmem:s12+$0x960] =	vst v36  }
0x11c: {  	v21 =	vld [tilespmem:s12+$0xA60];
	[tilespmem:s12+$0x970] =	vst v37;
	s13 =	spop (v2sf);
	(v2sf) =	vpush v0, $0x8  }
0x11d: {  	v2 =	vld [tilespmem:s13+$0x200]  }
0x11e: {  	v40 =	vld [tilespmem:s13+$0x210]  }
0x11f: {  	v42 =	vld [tilespmem:s13+$0x220]  }
0x120: {  	v44 =	vld [tilespmem:s13+$0x230]  }
0x121: {  	v46 =	vld [tilespmem:s13+$0x240]  }
0x122: {  	v48 =	vld [tilespmem:s13+$0x250];
	v1 =	vmul.f32 v2, v38  }
0x123: {  	v50 =	vld [tilespmem:s13+$0x260];
	v3 =	vmul.f32 v40, v39  }
0x124: {  	v51 =	vld [tilespmem:s13+$0x270];
	v5 =	vmul.f32 v42, v41;
	[tilespmem:s12+$0x980] =	vst v1  }
0x125: {  	v24 =	vld [tilespmem:s12+$0xA70];
	v53 =	vmul.f32 v44, v43;
	[tilespmem:s12+$0x990] =	vst v3  }
0x126: {  	v30 =	vld [tilespmem:s12+$0xA80];
	v54 =	vmul.f32 v46, v45;
	[tilespmem:s12+$0x9A0] =	vst v5  }
0x127: {  	v31 =	vld [tilespmem:s12+$0xA90];
	v55 =	vmul.f32 v48, v47;
	[tilespmem:s12+$0x9B0] =	vst v53  }
0x128: {  	v33 =	vld [tilespmem:s12+$0xAA0];
	v56 =	vmul.f32 v50, v49;
	[tilespmem:s12+$0x9C0] =	vst v54  }
0x129: {  	v35 =	vld [tilespmem:s12+$0xAB0];
	v57 =	vmul.f32 v51, v52;
	[tilespmem:s12+$0x9D0] =	vst v55  }
0x12a: {  	v37 =	vld [tilespmem:s12+$0xAC0];
	[tilespmem:s12+$0x9E0] =	vst v56  }
0x12b: {  	v39 =	vld [tilespmem:s12+$0xAD0];
	[tilespmem:s12+$0x9F0] =	vst v57;
	s13 =	spop (v2sf);
	(v2sf) =	vpush v0, $0x9  }
0x12c: {  	v2 =	vld [tilespmem:s13+$0x200]  }
0x12d: {  	v60 =	vld [tilespmem:s13+$0x210]  }
0x12e: {  	v62 =	vld [tilespmem:s13+$0x220]  }
0x12f: {  	v16 =	vld [tilespmem:s13+$0x230]  }
0x130: {  	v18 =	vld [tilespmem:s13+$0x240]  }
0x131: {  	v20 =	vld [tilespmem:s13+$0x250];
	v1 =	vmul.f32 v2, v58  }
0x132: {  	v22 =	vld [tilespmem:s13+$0x260];
	v3 =	vmul.f32 v60, v59  }
0x133: {  	v23 =	vld [tilespmem:s13+$0x270];
	v5 =	vmul.f32 v62, v61;
	[tilespmem:s12+$0xA00] =	vst v1  }
0x134: {  	v41 =	vld [tilespmem:s12+$0xAE0];
	v25 =	vmul.f32 v16, v63;
	[tilespmem:s12+$0xA10] =	vst v3  }
0x135: {  	v44 =	vld [tilespmem:s12+$0xAF0];
	v26 =	vmul.f32 v18, v17;
	[tilespmem:s12+$0xA20] =	vst v5  }
0x136: {  	v50 =	vld [tilespmem:s12+$0xB00];
	v27 =	vmul.f32 v20, v19;
	[tilespmem:s12+$0xA30] =	vst v25  }
0x137: {  	v51 =	vld [tilespmem:s12+$0xB10];
	v28 =	vmul.f32 v22, v21;
	[tilespmem:s12+$0xA40] =	vst v26  }
0x138: {  	v53 =	vld [tilespmem:s12+$0xB20];
	v29 =	vmul.f32 v23, v24;
	[tilespmem:s12+$0xA50] =	vst v27  }
0x139: {  	v55 =	vld [tilespmem:s12+$0xB30];
	[tilespmem:s12+$0xA60] =	vst v28  }
0x13a: {  	v57 =	vld [tilespmem:s12+$0xB40];
	[tilespmem:s12+$0xA70] =	vst v29;
	s13 =	spop (v2sf);
	(v2sf) =	vpush v0, $0xA  }
0x13b: {  	v2 =	vld [tilespmem:s13+$0x200]  }
0x13c: {  	v32 =	vld [tilespmem:s13+$0x210]  }
0x13d: {  	v34 =	vld [tilespmem:s13+$0x220]  }
0x13e: {  	v36 =	vld [tilespmem:s13+$0x230]  }
0x13f: {  	v38 =	vld [tilespmem:s13+$0x240]  }
0x140: {  	v40 =	vld [tilespmem:s13+$0x250];
	v1 =	vmul.f32 v2, v30  }
0x141: {  	v42 =	vld [tilespmem:s13+$0x260];
	v3 =	vmul.f32 v32, v31  }
0x142: {  	v43 =	vld [tilespmem:s13+$0x270];
	v5 =	vmul.f32 v34, v33;
	[tilespmem:s12+$0xA80] =	vst v1  }
0x143: {  	v59 =	vld [tilespmem:s12+$0xB50];
	v45 =	vmul.f32 v36, v35;
	[tilespmem:s12+$0xA90] =	vst v3  }
0x144: {  	v61 =	vld [tilespmem:s12+$0xB60];
	v46 =	vmul.f32 v38, v37;
	[tilespmem:s12+$0xAA0] =	vst v5  }
0x145: {  	v20 =	vld [tilespmem:s12+$0xB80];
	v47 =	vmul.f32 v40, v39;
	[tilespmem:s12+$0xAB0] =	vst v45  }
0x146: {  	v21 =	vld [tilespmem:s12+$0xB90];
	v48 =	vmul.f32 v42, v41;
	[tilespmem:s12+$0xAC0] =	vst v46  }
0x147: {  	v23 =	vld [tilespmem:s12+$0xBA0];
	v49 =	vmul.f32 v43, v44;
	[tilespmem:s12+$0xAD0] =	vst v47  }
0x148: {  	v25 =	vld [tilespmem:s12+$0xBB0];
	[tilespmem:s12+$0xAE0] =	vst v48  }
0x149: {  	v27 =	vld [tilespmem:s12+$0xBC0];
	[tilespmem:s12+$0xAF0] =	vst v49;
	s13 =	spop (v2sf);
	(v2sf) =	vpush v0, $0xB  }
0x14a: {  	v2 =	vld [tilespmem:s13+$0x200]  }
0x14b: {  	v52 =	vld [tilespmem:s13+$0x210]  }
0x14c: {  	v54 =	vld [tilespmem:s13+$0x220]  }
0x14d: {  	v56 =	vld [tilespmem:s13+$0x230]  }
0x14e: {  	v58 =	vld [tilespmem:s13+$0x240]  }
0x14f: {  	v60 =	vld [tilespmem:s13+$0x250];
	v1 =	vmul.f32 v2, v50  }
0x150: {  	v62 =	vld [tilespmem:s13+$0x260];
	v3 =	vmul.f32 v52, v51  }
0x151: {  	v63 =	vld [tilespmem:s13+$0x270];
	v5 =	vmul.f32 v54, v53;
	[tilespmem:s12+$0xB00] =	vst v1  }
0x152: {  	v29 =	vld [tilespmem:s12+$0xBD0];
	v15 =	vmul.f32 v56, v55;
	[tilespmem:s12+$0xB10] =	vst v3  }
0x153: {  	v31 =	vld [tilespmem:s12+$0xBE0];
	v16 =	vmul.f32 v58, v57;
	[tilespmem:s12+$0xB20] =	vst v5  }
0x154: {  	v34 =	vld [tilespmem:s12+$0xBF0];
	v17 =	vmul.f32 v60, v59;
	[tilespmem:s12+$0xB30] =	vst v15  }
0x155: {  	v40 =	vld [tilespmem:s12+$0xC00];
	v18 =	vmul.f32 v62, v61;
	[tilespmem:s12+$0xB40] =	vst v16  }
0x156: {  	v41 =	vld [tilespmem:s12+$0xC10];
	v19 =	vmul.f32 v63, v14;
	[tilespmem:s12+$0xB50] =	vst v17  }
0x157: {  	v43 =	vld [tilespmem:s12+$0xC20];
	[tilespmem:s12+$0xB60] =	vst v18  }
0x158: {  	v45 =	vld [tilespmem:s12+$0xC30];
	[tilespmem:s12+$0xB70] =	vst v19;
	s13 =	spop (v2sf);
	(v2sf) =	vpush v0, $0xC  }
0x159: {  	v2 =	vld [tilespmem:s13+$0x200]  }
0x15a: {  	v22 =	vld [tilespmem:s13+$0x210]  }
0x15b: {  	v24 =	vld [tilespmem:s13+$0x220]  }
0x15c: {  	v26 =	vld [tilespmem:s13+$0x230]  }
0x15d: {  	v28 =	vld [tilespmem:s13+$0x240]  }
0x15e: {  	v30 =	vld [tilespmem:s13+$0x250];
	v1 =	vmul.f32 v2, v20  }
0x15f: {  	v32 =	vld [tilespmem:s13+$0x260];
	v3 =	vmul.f32 v22, v21  }
0x160: {  	v33 =	vld [tilespmem:s13+$0x270];
	v5 =	vmul.f32 v24, v23;
	[tilespmem:s12+$0xB80] =	vst v1  }
0x161: {  	v47 =	vld [tilespmem:s12+$0xC40];
	v35 =	vmul.f32 v26, v25;
	[tilespmem:s12+$0xB90] =	vst v3  }
0x162: {  	v49 =	vld [tilespmem:s12+$0xC50];
	v36 =	vmul.f32 v28, v27;
	[tilespmem:s12+$0xBA0] =	vst v5  }
0x163: {  	v51 =	vld [tilespmem:s12+$0xC60];
	v37 =	vmul.f32 v30, v29;
	[tilespmem:s12+$0xBB0] =	vst v35  }
0x164: {  	v54 =	vld [tilespmem:s12+$0xC70];
	v38 =	vmul.f32 v32, v31;
	[tilespmem:s12+$0xBC0] =	vst v36  }
0x165: {  	v60 =	vld [tilespmem:s12+$0xC80];
	v39 =	vmul.f32 v33, v34;
	[tilespmem:s12+$0xBD0] =	vst v37  }
0x166: {  	v61 =	vld [tilespmem:s12+$0xC90];
	[tilespmem:s12+$0xBE0] =	vst v38  }
0x167: {  	v63 =	vld [tilespmem:s12+$0xCA0];
	[tilespmem:s12+$0xBF0] =	vst v39;
	s13 =	spop (v2sf);
	(v2sf) =	vpush v0, $0xD  }
0x168: {  	v2 =	vld [tilespmem:s13+$0x200]  }
0x169: {  	v42 =	vld [tilespmem:s13+$0x210]  }
0x16a: {  	v44 =	vld [tilespmem:s13+$0x220]  }
0x16b: {  	v46 =	vld [tilespmem:s13+$0x230]  }
0x16c: {  	v48 =	vld [tilespmem:s13+$0x240]  }
0x16d: {  	v50 =	vld [tilespmem:s13+$0x250];
	v1 =	vmul.f32 v2, v40  }
0x16e: {  	v52 =	vld [tilespmem:s13+$0x260];
	v3 =	vmul.f32 v42, v41  }
0x16f: {  	v53 =	vld [tilespmem:s13+$0x270];
	v5 =	vmul.f32 v44, v43;
	[tilespmem:s12+$0xC00] =	vst v1  }
0x170: {  	v17 =	vld [tilespmem:s12+$0xCB0];
	v55 =	vmul.f32 v46, v45;
	[tilespmem:s12+$0xC10] =	vst v3  }
0x171: {  	v19 =	vld [tilespmem:s12+$0xCC0];
	v56 =	vmul.f32 v48, v47;
	[tilespmem:s12+$0xC20] =	vst v5  }
0x172: {  	v21 =	vld [tilespmem:s12+$0xCD0];
	v57 =	vmul.f32 v50, v49;
	[tilespmem:s12+$0xC30] =	vst v55  }
0x173: {  	v23 =	vld [tilespmem:s12+$0xCE0];
	v58 =	vmul.f32 v52, v51;
	[tilespmem:s12+$0xC40] =	vst v56  }
0x174: {  	v26 =	vld [tilespmem:s12+$0xCF0];
	v59 =	vmul.f32 v53, v54;
	[tilespmem:s12+$0xC50] =	vst v57  }
0x175: {  	v30 =	vld [tilespmem:s12+$0xD00];
	[tilespmem:s12+$0xC60] =	vst v58  }
0x176: {  	v31 =	vld [tilespmem:s12+$0xD10];
	[tilespmem:s12+$0xC70] =	vst v59;
	s13 =	spop (v2sf);
	(v2sf) =	vpush v0, $0xE  }
0x177: {  	v2 =	vld [tilespmem:s13+$0x200]  }
0x178: {  	v62 =	vld [tilespmem:s13+$0x210]  }
0x179: {  	v16 =	vld [tilespmem:s13+$0x220]  }
0x17a: {  	v18 =	vld [tilespmem:s13+$0x230]  }
0x17b: {  	v20 =	vld [tilespmem:s13+$0x240]  }
0x17c: {  	v22 =	vld [tilespmem:s13+$0x250];
	v1 =	vmul.f32 v2, v60  }
0x17d: {  	v24 =	vld [tilespmem:s13+$0x260];
	v3 =	vmul.f32 v62, v61  }
0x17e: {  	v25 =	vld [tilespmem:s13+$0x270];
	v5 =	vmul.f32 v16, v63;
	[tilespmem:s12+$0xC80] =	vst v1  }
0x17f: {  	v33 =	vld [tilespmem:s12+$0xD20];
	v27 =	vmul.f32 v18, v17;
	[tilespmem:s12+$0xC90] =	vst v3  }
0x180: {  	v34 =	vld [tilespmem:s12+$0xD30];
	v28 =	vmul.f32 v20, v19;
	[tilespmem:s12+$0xCA0] =	vst v5  }
0x181: {  	v36 =	vld [tilespmem:s12+$0xD40];
	v29 =	vmul.f32 v22, v21;
	[tilespmem:s12+$0xCB0] =	vst v27  }
0x182: {  	v38 =	vld [tilespmem:s12+$0xD50];
	v2 =	vmul.f32 v24, v23;
	[tilespmem:s12+$0xCC0] =	vst v28  }
0x183: {  	v40 =	vld [tilespmem:s12+$0xD60];
	v1 =	vmul.f32 v25, v26;
	[tilespmem:s12+$0xCD0] =	vst v29  }
0x184: {  	v43 =	vld [tilespmem:s12+$0xD70];
	[tilespmem:s12+$0xCE0] =	vst v2  }
0x185: {  	v48 =	vld [tilespmem:s12+$0xD80];
	[tilespmem:s12+$0xCF0] =	vst v1;
	s13 =	spop (v2sf);
	(v2sf) =	vpush v0, $0xF  }
0x186: {  	v2 =	vld [tilespmem:s13+$0x200]  }
0x187: {  	v32 =	vld [tilespmem:s13+$0x210]  }
0x188: {  	v6 =	vld [tilespmem:s13+$0x220]  }
0x189: {  	v35 =	vld [tilespmem:s13+$0x230]  }
0x18a: {  	v37 =	vld [tilespmem:s13+$0x240]  }
0x18b: {  	v39 =	vld [tilespmem:s13+$0x250];
	v1 =	vmul.f32 v2, v30  }
0x18c: {  	v41 =	vld [tilespmem:s13+$0x260];
	v3 =	vmul.f32 v32, v31  }
0x18d: {  	v42 =	vld [tilespmem:s13+$0x270];
	v5 =	vmul.f32 v6, v33;
	[tilespmem:s12+$0xD00] =	vst v1  }
0x18e: {  	v49 =	vld [tilespmem:s12+$0xD90];
	v44 =	vmul.f32 v35, v34;
	[tilespmem:s12+$0xD10] =	vst v3  }
0x18f: {  	v50 =	vld [tilespmem:s12+$0xDA0];
	v0 =	vmul.f32 v37, v36;
	[tilespmem:s12+$0xD20] =	vst v5  }
0x190: {  	v51 =	vld [tilespmem:s12+$0xDB0];
	v45 =	vmul.f32 v39, v38;
	[tilespmem:s12+$0xD30] =	vst v44  }
0x191: {  	v53 =	vld [tilespmem:s12+$0xDC0];
	v46 =	vmul.f32 v41, v40;
	[tilespmem:s12+$0xD40] =	vst v0  }
0x192: {  	v55 =	vld [tilespmem:s12+$0xDD0];
	v47 =	vmul.f32 v42, v43;
	[tilespmem:s12+$0xD50] =	vst v45  }
0x193: {  	v57 =	vld [tilespmem:s12+$0xDE0];
	[tilespmem:s12+$0xD60] =	vst v46  }
0x194: {  	v60 =	vld [tilespmem:s12+$0xDF0];
	[tilespmem:s12+$0xD70] =	vst v47;
	s13 =	spop (v2sf)  }
0x195: {  	v1 =	vld [tilespmem:s13+$0x200]  }
0x196: {  	v3 =	vld [tilespmem:s13+$0x210]  }
0x197: {  	v5 =	vld [tilespmem:s13+$0x220]  }
0x198: {  	v52 =	vld [tilespmem:s13+$0x230]  }
0x199: {  	v54 =	vld [tilespmem:s13+$0x240]  }
0x19a: {  	v56 =	vld [tilespmem:s13+$0x250];
	v0 =	vmul.f32 v1, v48  }
0x19b: {  	v58 =	vld [tilespmem:s13+$0x260];
	v2 =	vmul.f32 v3, v49  }
0x19c: {  	v59 =	vld [tilespmem:s13+$0x270];
	v4 =	vmul.f32 v5, v50;
	[tilespmem:s12+$0xD80] =	vst v0  }
0x19d: {  	s11 =	sadd.s32 $0x1, s11;
	v61 =	vmul.f32 v52, v51;
	[tilespmem:s12+$0xD90] =	vst v2  }
0x19e: {  	p0 =	sne.s32 s11, $0x20;
	v62 =	vmul.f32 v54, v53;
	[tilespmem:s12+$0xDA0] =	vst v4  }
.Ltmp3:
0x19f: {  	v63 =	vmul.f32 v56, v55;
	[tilespmem:s12+$0xDB0] =	vst v61;
	(pc) =	sbr.rel @!p0 .LBB2_10-.Ltmp3, $4  }
0x1a0: {  	v1 =	vmul.f32 v58, v57;
	[tilespmem:s12+$0xDC0] =	vst v62  }
0x1a1: {  	v0 =	vmul.f32 v59, v60;
	[tilespmem:s12+$0xDD0] =	vst v63  }
0x1a2: {  	[tilespmem:s12+$0xDE0] =	vst v1  }
0x1a3: {  	[tilespmem:s12+$0xDF0] =	vst v0  }
.LBB2_2:
0x1a4: {  	p0 =	sgt.s32 s11, $0xF  }
.Ltmp4:
0x1a5: {  	_ = 	snop;
	(pc) =	sbr.rel @p0 .LBB2_6-.Ltmp4, $1  }
0x1a6: {  	_ =	sdelay $0x3  }
0x1a7: {  	p0 =	sgt.s32 s11, $0x7  }
.Ltmp5:
0x1a8: {  	_ = 	snop;
	(pc) =	sbr.rel @p0 .LBB2_5-.Ltmp5, $1  }
0x1a9: {  	_ =	sdelay $0x3  }
0x1aa: {  	p0 =	sgt.s32 s11, $0x3  }
0x1ab: {  	p1 =	seq.s32 @p0 s11, $0x4  }
0x1ac: {  	p2 =	por !p1, !p0  }
0x1ad: {  	s12 =	simm.s32 @!p2 $0x3  }
0x1ae: {  	_ =	swait.ge @!p2 [sflag:s12], $0x1000  }
0x1af: {  	[sflag:s12] =	ssyncset.done @!p2 $0x0  }
0x1b0: {  	s13 =	simm.s32 @!p2 $0x1600;
	[sflag:s12] =	ssyncadd.s32 @!p2 $0xFFFFF000;
	s12 =	simm.s32 @!p2 $0x0  }
0x1b1: {  	[hbm4b:s2+s12] =	stream.linear.scatter @!p2 [tilespmem:s13], [sflag:$0x11], $0x1000, $0x38;
	[tilespmem:$0x10600] =	vst v63  }
0x1b2: {  	p2 =	por p1, !p0  }
0x1b3: {  	p2 =	seq.s32 @!p2 s11, $0x6  }
0x1b4: {  	p1 =	por @p0 !p2, p1  }
0x1b5: {  	p1 =	por p1, !p0  }
0x1b6: {  	s12 =	simm.s32 @!p1 $0x4  }
0x1b7: {  	_ =	swait.ge @!p1 [sflag:s12], $0x1000  }
0x1b8: {  	[sflag:s12] =	ssyncset.done @!p1 $0x0  }
0x1b9: {  	s13 =	simm.s32 @!p1 $0x2600;
	[sflag:s12] =	ssyncadd.s32 @!p1 $0xFFFFF000;
	s12 =	simm.s32 @!p1 $0x0  }
0x1ba: {  	[hbm4b:s0+s12] =	stream.linear.scatter @!p1 [tilespmem:s13], [sflag:$0x11], $0x1000, $0x38;
	[tilespmem:$0x10600] =	vst v63  }
0x1bb: {  	p1 =	seq.s32 @!p0 s11, $0x0  }
0x1bc: {  	p2 =	por !p1, p0;
	p3 =	por p1, p0  }
0x1bd: {  	s12 =	simm.s32 @!p2 $0x1;
	p3 =	seq.s32 @!p3 s11, $0x2  }
0x1be: {  	p1 =	por @!p0 !p3, p1;
	_ =	swait.ge @!p2 [sflag:s12], $0x1000  }
0x1bf: {  	[sflag:s12] =	ssyncset.done @!p2 $0x0;
	p0 =	por p1, p0  }
.Ltmp6:
0x1c0: {  	[sflag:s12] =	ssyncadd.s32 @!p2 $0xFFFFF000;
	s12 =	simm.s32 @!p0 $0x2;
	(pc) =	sbr.rel .LBB2_9-.Ltmp6, $4  }
0x1c1: {  	_ =	swait.ge @!p0 [sflag:s12], $0x1000  }
0x1c2: {  	[sflag:s12] =	ssyncset.done @!p0 $0x0  }
0x1c3: {  	s13 =	simm.s32 @!p0 $0x600;
	[sflag:s12] =	ssyncadd.s32 @!p0 $0xFFFFF000;
	s12 =	simm.s32 @!p0 $0x0  }
0x1c4: {  	[hbm4b:s3+s12] =	stream.linear.scatter @!p0 [tilespmem:s13], [sflag:$0x11], $0x1000, $0x38;
	[tilespmem:$0x10600] =	vst v63  }
.LBB2_6:
0x1c5: {  	p0 =	sgt.s32 s11, $0x17  }
.Ltmp7:
0x1c6: {  	_ = 	snop;
	(pc) =	sbr.rel @p0 .LBB2_8-.Ltmp7, $1  }
0x1c7: {  	_ =	sdelay $0x3  }
0x1c8: {  	p0 =	sgt.s32 s11, $0x13  }
0x1c9: {  	p1 =	seq.s32 @p0 s11, $0x14  }
0x1ca: {  	p2 =	por !p1, !p0  }
0x1cb: {  	s12 =	simm.s32 @!p2 $0xB  }
0x1cc: {  	_ =	swait.ge @!p2 [sflag:s12], $0x1000  }
0x1cd: {  	[sflag:s12] =	ssyncset.done @!p2 $0x0  }
0x1ce: {  	s13 =	simm.s32 @!p2 $0x9600;
	[sflag:s12] =	ssyncadd.s32 @!p2 $0xFFFFF000;
	s12 =	simm.s32 @!p2 $0x0  }
0x1cf: {  	[hbm4b:s24+s12] =	stream.linear.scatter @!p2 [tilespmem:s13], [sflag:$0x11], $0x1000, $0x38;
	[tilespmem:$0x10600] =	vst v63  }
0x1d0: {  	p2 =	por p1, !p0  }
0x1d1: {  	p2 =	seq.s32 @!p2 s11, $0x16  }
0x1d2: {  	p1 =	por @p0 !p2, p1  }
0x1d3: {  	p1 =	por p1, !p0  }
0x1d4: {  	s12 =	simm.s32 @!p1 $0xC  }
0x1d5: {  	_ =	swait.ge @!p1 [sflag:s12], $0x1000  }
0x1d6: {  	[sflag:s12] =	ssyncset.done @!p1 $0x0  }
0x1d7: {  	s13 =	simm.s32 @!p1 $0xA600;
	[sflag:s12] =	ssyncadd.s32 @!p1 $0xFFFFF000;
	s12 =	simm.s32 @!p1 $0x0  }
0x1d8: {  	[hbm4b:s23+s12] =	stream.linear.scatter @!p1 [tilespmem:s13], [sflag:$0x11], $0x1000, $0x38;
	[tilespmem:$0x10600] =	vst v63  }
0x1d9: {  	p1 =	seq.s32 @!p0 s11, $0x10  }
0x1da: {  	p2 =	por !p1, p0  }
0x1db: {  	s12 =	simm.s32 @!p2 $0x9  }
0x1dc: {  	_ =	swait.ge @!p2 [sflag:s12], $0x1000  }
0x1dd: {  	[sflag:s12] =	ssyncset.done @!p2 $0x0  }
0x1de: {  	s13 =	simm.s32 @!p2 $0x7600;
	[sflag:s12] =	ssyncadd.s32 @!p2 $0xFFFFF000;
	s12 =	simm.s32 @!p2 $0x0  }
0x1df: {  	[hbm4b:s26+s12] =	stream.linear.scatter @!p2 [tilespmem:s13], [sflag:$0x11], $0x1000, $0x38;
	[tilespmem:$0x10600] =	vst v63  }
0x1e0: {  	p2 =	por p1, p0  }
0x1e1: {  	p2 =	seq.s32 @!p2 s11, $0x12  }
0x1e2: {  	p1 =	por @!p0 !p2, p1  }
0x1e3: {  	p0 =	por p1, p0  }
.Ltmp8:
0x1e4: {  	s12 =	simm.s32 @!p0 $0xA;
	(pc) =	sbr.rel .LBB2_9-.Ltmp8, $4  }
0x1e5: {  	_ =	swait.ge @!p0 [sflag:s12], $0x1000  }
0x1e6: {  	[sflag:s12] =	ssyncset.done @!p0 $0x0  }
0x1e7: {  	s13 =	simm.s32 @!p0 $0x8600;
	[sflag:s12] =	ssyncadd.s32 @!p0 $0xFFFFF000;
	s12 =	simm.s32 @!p0 $0x0  }
0x1e8: {  	[hbm4b:s25+s12] =	stream.linear.scatter @!p0 [tilespmem:s13], [sflag:$0x11], $0x1000, $0x38;
	[tilespmem:$0x10600] =	vst v63  }
.LBB2_5:
0x1e9: {  	p0 =	sgt.s32 s11, $0xB  }
0x1ea: {  	p1 =	seq.s32 @p0 s11, $0xC  }
0x1eb: {  	p2 =	por !p1, !p0  }
0x1ec: {  	s12 =	simm.s32 @!p2 $0x7  }
0x1ed: {  	_ =	swait.ge @!p2 [sflag:s12], $0x1000  }
0x1ee: {  	[sflag:s12] =	ssyncset.done @!p2 $0x0  }
0x1ef: {  	s13 =	simm.s32 @!p2 $0x5600;
	[sflag:s12] =	ssyncadd.s32 @!p2 $0xFFFFF000;
	s12 =	simm.s32 @!p2 $0x0  }
0x1f0: {  	[hbm4b:s29+s12] =	stream.linear.scatter @!p2 [tilespmem:s13], [sflag:$0x11], $0x1000, $0x38;
	[tilespmem:$0x10600] =	vst v63  }
0x1f1: {  	p2 =	por p1, !p0  }
0x1f2: {  	p2 =	seq.s32 @!p2 s11, $0xE  }
0x1f3: {  	p1 =	por @p0 !p2, p1  }
0x1f4: {  	p1 =	por p1, !p0  }
0x1f5: {  	s12 =	simm.s32 @!p1 $0x8  }
0x1f6: {  	_ =	swait.ge @!p1 [sflag:s12], $0x1000  }
0x1f7: {  	[sflag:s12] =	ssyncset.done @!p1 $0x0  }
0x1f8: {  	s13 =	simm.s32 @!p1 $0x6600;
	[sflag:s12] =	ssyncadd.s32 @!p1 $0xFFFFF000;
	s12 =	simm.s32 @!p1 $0x0  }
0x1f9: {  	[hbm4b:s28+s12] =	stream.linear.scatter @!p1 [tilespmem:s13], [sflag:$0x11], $0x1000, $0x38;
	[tilespmem:$0x10600] =	vst v63  }
0x1fa: {  	p1 =	seq.s32 @!p0 s11, $0x8  }
0x1fb: {  	p2 =	por !p1, p0  }
0x1fc: {  	s12 =	simm.s32 @!p2 $0x5  }
0x1fd: {  	_ =	swait.ge @!p2 [sflag:s12], $0x1000  }
0x1fe: {  	[sflag:s12] =	ssyncset.done @!p2 $0x0  }
0x1ff: {  	s13 =	simm.s32 @!p2 $0x3600;
	[sflag:s12] =	ssyncadd.s32 @!p2 $0xFFFFF000;
	s12 =	simm.s32 @!p2 $0x0  }
0x200: {  	[hbm4b:s30+s12] =	stream.linear.scatter @!p2 [tilespmem:s13], [sflag:$0x11], $0x1000, $0x38;
	[tilespmem:$0x10600] =	vst v63  }
0x201: {  	p2 =	por p1, p0  }
0x202: {  	p2 =	seq.s32 @!p2 s11, $0xA  }
0x203: {  	p1 =	por @!p0 !p2, p1  }
0x204: {  	p0 =	por p1, p0  }
.Ltmp9:
0x205: {  	s12 =	simm.s32 @!p0 $0x6;
	(pc) =	sbr.rel .LBB2_9-.Ltmp9, $4  }
0x206: {  	_ =	swait.ge @!p0 [sflag:s12], $0x1000  }
0x207: {  	[sflag:s12] =	ssyncset.done @!p0 $0x0  }
0x208: {  	s13 =	simm.s32 @!p0 $0x4600;
	[sflag:s12] =	ssyncadd.s32 @!p0 $0xFFFFF000;
	s12 =	simm.s32 @!p0 $0x0  }
0x209: {  	[hbm4b:s31+s12] =	stream.linear.scatter @!p0 [tilespmem:s13], [sflag:$0x11], $0x1000, $0x38;
	[tilespmem:$0x10600] =	vst v63  }
.LBB2_11:
0x20a: {  	_ =	sfence.sel $0x180000  }
0x20b: {  	[bflag:$0x0] =	sbarrier.arrive $0xFFFF  }
0x20c: {  	_ =	strace $0x90000047  }
0x20d: {  	s0 =	stileid.u32;
	[bflag:$0x2] =	sbarrier.arrive $0xFFFF  }
0x20e: {  	p0 =	sne.s32 s0, $0x0;
	s0 =	rddreg [dreg:$0x4]  }
0x20f: {  	s0 =	sadd.s32 @!p0 $0x100000, s0  }
0x210: {  	[sflag:s0] =	ssyncadd.tile.s32 @!p0 $0x1;
	_ =	shalt  }
.Lfunc_end2:
_tile_overlayer_lowered:
.L_overlay_start_2:
0x211: {  	(tag) =	ssettag $0x2  }
0x212: {  	s0 =	rddreg [dreg:$0x0];
	s2 =	stileid.u32  }
0x213: {  	s1 =	rddreg [dreg:$0x1];
	p0 =	sne.s32 s2, $0x0  }
0x214: {  	s3 =	rddreg [dreg:$0x2];
	[bflag:$0x3] =	sbarrier.arrive $0xFFFF;
	s2 =	simm.s32 @!p0 $0x1C14  }
0x215: {  	[timem:s3], [sflag:s2] =	dma.local @!p0 [hbm:s0], s1  }
0x216: {  	s0 =	simm.s32 @!p0 $0x14  }
0x217: {  	_ =	swait.ge @!p0 [sflag:s0], s1  }
0x218: {  	s1 =	ssub.s32 @!p0 $0x0, s1;
	[sflag:s0] =	ssyncset.done @!p0 $0x0  }
0x219: {  	[sflag:s0] =	ssyncadd.s32 @!p0 s1  }
0x21a: {  	[bflag:$0x3] =	sbarrier.arrive $0xFFFF  }
0x21b: {  	_ =	shalt  }

</sc_bundles>
